<compile_context>
chip_gen: v7x
topology: tpu7x:2x2x1
jax: 0.10.2.dev20260603
libtpu: 0.0.44.dev20260713+nightly
codegen_flags: <defaults>
</compile_context>

<pallas_src>
import functools

import jax
import jax.numpy as jnp
from jax import lax
from jax.experimental import pallas as pl
from jax.experimental.pallas import tpu as pltpu
from jax.experimental.pallas import tpu_sc as plsc

_K = 64
_ROWS = 64
_N = 32768
_L = 16
_NB = _N // _L
_NC = 2
_NS = 16
_NW = _NC * _NS
_RPW = _ROWS // _NW
_U = 4
_CAP = 8192


_mesh = plsc.VectorSubcoreMesh(
    core_axis_name="c", subcore_axis_name="s", num_cores=_NC, num_subcores=_NS)


def _keyify(v):
    s = v >> jnp.uint32(31)
    return v ^ ((jnp.uint32(0) - s) | jnp.uint32(0x80000000))


@functools.partial(
    pl.kernel,
    out_type=jax.ShapeDtypeStruct((_ROWS, _N), jnp.float32),
    mesh=_mesh,
    scratch_types=[
        pltpu.VMEM((_N,), jnp.float32),
        pltpu.VMEM((_N,), jnp.float32),
        pltpu.VMEM((_N + 2 * _L,), jnp.int32),
        pltpu.VMEM((_CAP + 2 * _L,), jnp.int32),
        pltpu.VMEM((264 * _L,), jnp.int32),
        pltpu.SemaphoreType.DMA,
    ],
    compiler_params=pltpu.CompilerParams(needs_layout_passes=False),
)
def _sc_topk(x_ref, o_ref, row_buf, out_buf, ckey, cidx, hist, sem):
    wid = lax.axis_index("s") * _NC + lax.axis_index("c")
    lane = lax.broadcasted_iota(jnp.int32, (_L,), 0)
    ones = jnp.ones((_L,), jnp.int32)
    zeros16 = jnp.zeros((_L,), jnp.int32)

    def zero_hist():
        @plsc.parallel_loop(0, 264, unroll=8)
        def _(i):
            hist[pl.ds(i * _L, _L)] = zeros16

    def find_bucket(r):
        @plsc.parallel_loop(0, 256, unroll=4, carry=zeros16)
        def _sfx(j, acc):
            b = 255 - j
            acc = acc + hist[pl.ds(b * _L, _L)]
            hist[pl.ds(b * _L, _L)] = acc
            return acc
        bkt = jnp.int32(0)
        for step in (128, 64, 32, 16, 8, 4, 2, 1):
            cand = bkt + step
            s = jnp.sum(hist[pl.ds(cand * _L, _L)])
            bkt = jnp.where(s >= r, cand, bkt)
        above = jnp.sum(hist[pl.ds((bkt + 1) * _L, _L)])
        return bkt, r - above

    out_dma = None
    for rr in range(_RPW):
        row = wid * _RPW + rr
        pltpu.sync_copy(x_ref.at[row], row_buf)

        zero_hist()

        @plsc.parallel_loop(0, _NB, unroll=8)
        def _p1(i):
            k = _keyify(plsc.bitcast(row_buf[pl.ds(i * _L, _L)], jnp.uint32))
            b = lax.convert_element_type(k >> jnp.uint32(24), jnp.int32)
            plsc.addupdate_scatter(hist, [(b << 4) + lane], ones)
        b1, r = find_bucket(jnp.int32(_K))
        b1u = lax.convert_element_type(b1, jnp.uint32)

        if out_dma is not None:
            out_dma.wait()

        @plsc.parallel_loop(0, _NB, unroll=4, carry=zeros16)
        def _p2(i, w):
            vf = row_buf[pl.ds(i * _L, _L)]
            k = _keyify(plsc.bitcast(vf, jnp.uint32))
            byte1 = k >> jnp.uint32(24)
            out_buf[pl.ds(i * _L, _L)] = jnp.where(byte1 > b1u, vf,
                                                   jnp.float32(0.0))
            match = byte1 == b1u
            mi = lax.convert_element_type(match, jnp.int32)
            pos = w + plsc.cumsum(mi) - 1
            plsc.store_scatter(ckey, [pos], plsc.bitcast(k, jnp.int32),
                               mask=match)
            plsc.store_scatter(cidx, [pos], i * _L + lane,
                               mask=match & (pos < _CAP))
            return w + plsc.all_reduce_population_count(match)
        m1 = _p2[0]

        nbc = (m1 + (_U * _L - 1)) // (_U * _L)

        def refine(r, pref_and_shift):
            zero_hist()
            *pref, sn = pref_and_shift

            def pp(i, _):
                for u in range(_U):
                    e0 = (i * _U + u) * _L
                    k = plsc.bitcast(ckey[pl.ds(e0, _L)], jnp.uint32)
                    match = (e0 + lane) < m1
                    for sp, bpu in pref:
                        match = match & (
                            ((k >> jnp.uint32(sp)) & jnp.uint32(0xFF)) == bpu)
                    b = lax.convert_element_type(
                        (k >> jnp.uint32(sn)) & jnp.uint32(0xFF), jnp.int32)
                    plsc.addupdate_scatter(hist, [(b << 4) + lane], ones,
                                           mask=match)
                return 0
            lax.fori_loop(0, nbc, pp, 0)
            bn, r2 = find_bucket(r)
            return bn, lax.convert_element_type(bn, jnp.uint32), r2

        b2, b2u, r = refine(r, (16,))
        b3, b3u, r = refine(r, ((16, b2u), 8))
        b4, b4u, r = refine(r, ((16, b2u), (8, b3u), 0))

        t_key = ((b1u << jnp.uint32(24)) | (b2u << jnp.uint32(16))
                 | (b3u << jnp.uint32(8)) | b4u)
        e_take = r

        def fast_fix(_):
            nbf = (m1 + (_L - 1)) // _L

            def fb(i, cnt):
                k = plsc.bitcast(ckey[pl.ds(i * _L, _L)], jnp.uint32)
                valid = (i * _L + lane) < m1
                p = cidx[pl.ds(i * _L, _L)]
                gt = valid & (k > t_key)
                eq = valid & (k == t_key)
                rank = cnt + plsc.cumsum(lax.convert_element_type(eq, jnp.int32))
                win = gt | (eq & (rank <= e_take))
                vf = plsc.load_gather(row_buf, [p], mask=valid)
                plsc.store_scatter(out_buf, [p], vf, mask=win)
                return cnt + plsc.all_reduce_population_count(eq)
            lax.fori_loop(0, nbf, fb, zeros16)
            return 0

        def slow_fix(_):
            @plsc.parallel_loop(0, _NB, unroll=4, carry=zeros16)
            def _po(i, cnt):
                vf = row_buf[pl.ds(i * _L, _L)]
                k = _keyify(plsc.bitcast(vf, jnp.uint32))
                gt = k > t_key
                eq = k == t_key
                rank = cnt + plsc.cumsum(lax.convert_element_type(eq, jnp.int32))
                take = eq & (rank <= e_take)
                out_buf[pl.ds(i * _L, _L)] = jnp.where(gt | take, vf,
                                                       jnp.float32(0.0))
                return cnt + plsc.all_reduce_population_count(eq)
            return 0

        lax.cond(m1 <= _CAP, fast_fix, slow_fix, 0)

        out_dma = pltpu.async_copy(out_buf, o_ref.at[row], sem)
    out_dma.wait()


def kernel(x):
    return _sc_topk(x)

# --- scband reference (transcript-rebuilt; emitter-appended) ---
"""Pipeline reference for scband-top-k-31877247271346 (READ-ONLY COPY).

The authoritative reference and input builder live on the scoring server;
editing this copy changes nothing except your own understanding.
"""

import jax, jax.numpy as jnp
import numpy as np

K = 64

def setup_inputs(seed: int = 0) -> dict:
    key = jax.random.key(seed)
    x = jax.random.normal(key, (64, 32768), dtype=jnp.float32)
    return {"x": x}

def reference(x):
    # torch.topk(x, k, dim=-1) then scatter values into zeros at topk indices
    vals, idx = jax.lax.top_k(x, K)
    n = x.shape[-1]
    def scatter_row(i, v):
        return jnp.zeros((n,), dtype=x.dtype).at[i].set(v)
    result = jax.vmap(scatter_row)(idx, vals)
    return result

if __name__ == "__main__":
    import jax
    _d = setup_inputs()
    print(jax.jit(kernel)(*tuple(_d.values())))

</pallas_src>

<mosaic_0001>
#map = affine_map<(d0, d1) -> (0, 0)>
module attributes {stable_mosaic.version = 14 : i64} {
  func.func @_sc_topk(%arg0: i32, %arg1: i32, %arg2: memref<64x32768xf32, #tpu.memory_space<hbm>>, %arg3: memref<64x32768xf32, #tpu.memory_space<hbm>>, %arg4: memref<32768xf32, #tpu.memory_space<vmem>>, %arg5: memref<32768xf32, #tpu.memory_space<vmem>>, %arg6: memref<32800xi32, #tpu.memory_space<vmem>>, %arg7: memref<8224xi32, #tpu.memory_space<vmem>>, %arg8: memref<4224xi32, #tpu.memory_space<vmem>>, %arg9: memref<!tpu.dma_semaphore, #tpu.memory_space<semaphore_mem>>) attributes {dimension_semantics = [#tpu.dimension_semantics<core_parallel>, #tpu.dimension_semantics<subcore_parallel>], iteration_bounds = array<i64: 2, 16>, scalar_prefetch = 0 : i64, scratch_operands = 6 : i64, tpu.core_type = #tpu.core_type<sc_vector_subcore>, window_params = [{transform_indices = #map}, {transform_indices = #map}]} {
    %mul3A = arith.constant 2 : i32
    %mul3A_0 = arith.muli %arg1, %mul3A : i32
    %add3A = arith.addi %mul3A_0, %arg0 : i32
    %iota3A = tpu.iota {dimensions = array<i32: 0>} : vector<16xi32>
    %broadcast_in_dim3A = arith.constant 1 : i32
    %broadcast_in_dim3A_1 = vector.broadcast %broadcast_in_dim3A : i32 to vector<16xi32>
    %broadcast_in_dim3A_2 = arith.constant 0 : i32
    %broadcast_in_dim3A_3 = vector.broadcast %broadcast_in_dim3A_2 : i32 to vector<16xi32>
    %mul3A_4 = arith.constant 2 : i32
    %mul3A_5 = arith.muli %add3A, %mul3A_4 : i32
    %add3A_6 = arith.constant 0 : i32
    %add3A_7 = arith.addi %mul3A_5, %add3A_6 : i32
    "tpu.region"() ({
      %run_scoped3A = tpu.sem_alloc : memref<!tpu.dma_semaphore, #tpu.memory_space<semaphore_mem>>
      %dma_start3A_1134 = arith.constant 0 : i32
      %dma_start3A_1135 = tpu.memref_slice %arg2[%add3A_7, %dma_start3A_1134] : memref<64x32768xf32, #tpu.memory_space<hbm>> -> memref<1x32768xf32, #tpu.memory_space<hbm>>
      %dma_start3A_1136 = tpu.memref_squeeze %dma_start3A_1135 : memref<1x32768xf32, #tpu.memory_space<hbm>> -> memref<32768xf32, #tpu.memory_space<hbm>>
      %dma_start3A_1137 = arith.constant 0 : i32
      %dma_start3A_1138 = tpu.memref_slice %arg2[%add3A_7, %dma_start3A_1137] : memref<64x32768xf32, #tpu.memory_space<hbm>> -> memref<1x32768xf32, #tpu.memory_space<hbm>>
      %dma_start3A_1139 = tpu.memref_squeeze %dma_start3A_1138 : memref<1x32768xf32, #tpu.memory_space<hbm>> -> memref<32768xf32, #tpu.memory_space<hbm>>
      tpu.enqueue_dma source(%dma_start3A_1139 : memref<32768xf32, #tpu.memory_space<hbm>>) target(%arg4 : memref<32768xf32, #tpu.memory_space<vmem>>) target_semaphore(%run_scoped3A : memref<!tpu.dma_semaphore, #tpu.memory_space<semaphore_mem>>)
      %dma_wait3A_1140 = arith.constant 0 : i32
      %dma_wait3A_1141 = tpu.memref_slice %arg2[%add3A_7, %dma_wait3A_1140] : memref<64x32768xf32, #tpu.memory_space<hbm>> -> memref<1x32768xf32, #tpu.memory_space<hbm>>
      %dma_wait3A_1142 = tpu.memref_squeeze %dma_wait3A_1141 : memref<1x32768xf32, #tpu.memory_space<hbm>> -> memref<32768xf32, #tpu.memory_space<hbm>>
      %dma_wait3A_1143 = arith.constant 0 : i32
      %dma_wait3A_1144 = tpu.memref_slice %arg2[%add3A_7, %dma_wait3A_1143] : memref<64x32768xf32, #tpu.memory_space<hbm>> -> memref<1x32768xf32, #tpu.memory_space<hbm>>
      %dma_wait3A_1145 = tpu.memref_squeeze %dma_wait3A_1144 : memref<1x32768xf32, #tpu.memory_space<hbm>> -> memref<32768xf32, #tpu.memory_space<hbm>>
      tpu.wait_dma2 semaphore(%run_scoped3A : memref<!tpu.dma_semaphore, #tpu.memory_space<semaphore_mem>>) src(%dma_wait3A_1145 : memref<32768xf32, #tpu.memory_space<hbm>>) dst(%arg4 : memref<32768xf32, #tpu.memory_space<vmem>>)
      tpu.yield
    }) : () -> ()
    %parallel_loop3A = arith.constant 0 : i32
    %parallel_loop3A_8 = arith.constant 264 : i32
    %parallel_loop3A_9 = arith.constant 1 : i32
    scf.for %parallel_loop3A_1134 = %parallel_loop3A to %parallel_loop3A_8 step %parallel_loop3A_9  : i32 {
      %parallel_loop3A_1135 = arith.constant 16 : i32
      %parallel_loop3A_1136 = arith.muli %parallel_loop3A_1134, %parallel_loop3A_1135 : i32
      %parallel_loop3A_1137 = arith.index_cast %parallel_loop3A_1136 : i32 to index
      %parallel_loop3A_1138 = tpu.vector_load %arg8[%parallel_loop3A_1137] {strides = array<i32>} : memref<4224xi32, #tpu.memory_space<vmem>>, vector<16xi32>,
      tpu.vector_store %arg8[%parallel_loop3A_1137], %broadcast_in_dim3A_3 {strides = array<i32>} : memref<4224xi32, #tpu.memory_space<vmem>>, vector<16xi32>,
    } {sc.loop_unroll_factor = 8 : i64, sc.parallel_access}
    %parallel_loop3A_10 = arith.constant 0 : i32
    %parallel_loop3A_11 = arith.constant 2048 : i32
    %parallel_loop3A_12 = arith.constant 1 : i32
    scf.for %parallel_loop3A_1134 = %parallel_loop3A_10 to %parallel_loop3A_11 step %parallel_loop3A_12  : i32 {
      %parallel_loop3A_1135 = arith.constant 16 : i32
      %parallel_loop3A_1136 = arith.muli %parallel_loop3A_1134, %parallel_loop3A_1135 : i32
      %parallel_loop3A_1137 = arith.index_cast %parallel_loop3A_1136 : i32 to index
      %parallel_loop3A_1138 = tpu.vector_load %arg4[%parallel_loop3A_1137] {strides = array<i32>} : memref<32768xf32, #tpu.memory_space<vmem>>, vector<16xf32>,
      %parallel_loop3A_1139 = vector.bitcast %parallel_loop3A_1138 : vector<16xf32> to vector<16xi32>
      %parallel_loop3A_1140 = arith.constant 31 : i32
      %parallel_loop3A_1141 = vector.broadcast %parallel_loop3A_1140 : i32 to vector<16xi32>
      %parallel_loop3A_1142 = arith.shrui %parallel_loop3A_1139, %parallel_loop3A_1141 : vector<16xi32>
      %parallel_loop3A_1143 = arith.constant 0 : i32
      %parallel_loop3A_1144 = vector.broadcast %parallel_loop3A_1143 : i32 to vector<16xi32>
      %parallel_loop3A_1145 = arith.subi %parallel_loop3A_1144, %parallel_loop3A_1142 : vector<16xi32>
      %parallel_loop3A_1146 = arith.constant -2147483648 : i32
      %parallel_loop3A_1147 = vector.broadcast %parallel_loop3A_1146 : i32 to vector<16xi32>
      %parallel_loop3A_1148 = arith.ori %parallel_loop3A_1145, %parallel_loop3A_1147 : vector<16xi32>
      %parallel_loop3A_1149 = arith.xori %parallel_loop3A_1139, %parallel_loop3A_1148 : vector<16xi32>
      %parallel_loop3A_1150 = arith.constant 24 : i32
      %parallel_loop3A_1151 = vector.broadcast %parallel_loop3A_1150 : i32 to vector<16xi32>
      %parallel_loop3A_1152 = arith.shrui %parallel_loop3A_1149, %parallel_loop3A_1151 : vector<16xi32>
      %parallel_loop3A_1153 = arith.constant 4 : i32
      %parallel_loop3A_1154 = vector.broadcast %parallel_loop3A_1153 : i32 to vector<16xi32>
      %parallel_loop3A_1155 = arith.shli %parallel_loop3A_1152, %parallel_loop3A_1154 : vector<16xi32>
      %parallel_loop3A_1156 = arith.addi %parallel_loop3A_1155, %iota3A : vector<16xi32>
      tpu.vector_store_idx %arg8[%parallel_loop3A_1156], %broadcast_in_dim3A_1 {add = true} : memref<4224xi32, #tpu.memory_space<vmem>>[vector<16xi32>], vector<16xi32>,
    } {sc.loop_unroll_factor = 8 : i64, sc.parallel_access}
    %parallel_loop3A_13 = arith.constant 0 : i32
    %parallel_loop3A_14 = arith.constant 256 : i32
    %parallel_loop3A_15 = arith.constant 1 : i32
    %parallel_loop3A_16 = scf.for %parallel_loop3A_1134 = %parallel_loop3A_13 to %parallel_loop3A_14 step %parallel_loop3A_15 iter_args(%parallel_loop3A_1135 = %broadcast_in_dim3A_3) -> (vector<16xi32>)  : i32 {
      %parallel_loop3A_1136 = arith.constant 255 : i32
      %parallel_loop3A_1137 = arith.subi %parallel_loop3A_1136, %parallel_loop3A_1134 : i32
      %parallel_loop3A_1138 = arith.constant 16 : i32
      %parallel_loop3A_1139 = arith.muli %parallel_loop3A_1137, %parallel_loop3A_1138 : i32
      %parallel_loop3A_1140 = arith.index_cast %parallel_loop3A_1139 : i32 to index
      %parallel_loop3A_1141 = tpu.vector_load %arg8[%parallel_loop3A_1140] {strides = array<i32>} : memref<4224xi32, #tpu.memory_space<vmem>>, vector<16xi32>,
      %parallel_loop3A_1142 = arith.addi %parallel_loop3A_1135, %parallel_loop3A_1141 : vector<16xi32>
      %parallel_loop3A_1143 = arith.constant 16 : i32
      %parallel_loop3A_1144 = arith.muli %parallel_loop3A_1137, %parallel_loop3A_1143 : i32
      %parallel_loop3A_1145 = arith.index_cast %parallel_loop3A_1144 : i32 to index
      %parallel_loop3A_1146 = tpu.vector_load %arg8[%parallel_loop3A_1145] {strides = array<i32>} : memref<4224xi32, #tpu.memory_space<vmem>>, vector<16xi32>,
      tpu.vector_store %arg8[%parallel_loop3A_1145], %parallel_loop3A_1142 {strides = array<i32>} : memref<4224xi32, #tpu.memory_space<vmem>>, vector<16xi32>,
      scf.yield %parallel_loop3A_1142 : vector<16xi32>
    } {sc.loop_unroll_factor = 4 : i64, sc.parallel_access}
    %add3A_17 = arith.constant 0 : i32
    %add3A_18 = arith.constant 128 : i32
    %add3A_19 = arith.addi %add3A_17, %add3A_18 : i32
    %mul3A_20 = arith.constant 16 : i32
    %mul3A_21 = arith.muli %add3A_19, %mul3A_20 : i32
    %get3A = arith.index_cast %mul3A_21 : i32 to index
    %get3A_22 = tpu.vector_load %arg8[%get3A] {strides = array<i32>} : memref<4224xi32, #tpu.memory_space<vmem>>, vector<16xi32>,
    %reduce_sum3A = arith.constant true
    %reduce_sum3A_23 = vector.broadcast %reduce_sum3A : i1 to vector<16xi1>
    %reduce_sum3A_24 = tpu.scan <sum>, %get3A_22 masked %reduce_sum3A_23 : vector<16xi32>, vector<16xi1> -> vector<16xi32>
    %reduce_sum3A_25 = vector.extract %reduce_sum3A_24[15] : i32 from vector<16xi32>
    %ge3A = arith.constant 64 : i32
    %ge3A_26 = arith.cmpi sge, %reduce_sum3A_25, %ge3A : i32
    %jit3A = arith.constant 0 : i32
    %select_n3A = arith.select %ge3A_26, %add3A_19, %jit3A : i32
    %add3A_27 = arith.constant 64 : i32
    %add3A_28 = arith.addi %select_n3A, %add3A_27 : i32
    %mul3A_29 = arith.constant 16 : i32
    %mul3A_30 = arith.muli %add3A_28, %mul3A_29 : i32
    %get3A_31 = arith.index_cast %mul3A_30 : i32 to index
    %get3A_32 = tpu.vector_load %arg8[%get3A_31] {strides = array<i32>} : memref<4224xi32, #tpu.memory_space<vmem>>, vector<16xi32>,
    %reduce_sum3A_33 = arith.constant true
    %reduce_sum3A_34 = vector.broadcast %reduce_sum3A_33 : i1 to vector<16xi1>
    %reduce_sum3A_35 = tpu.scan <sum>, %get3A_32 masked %reduce_sum3A_34 : vector<16xi32>, vector<16xi1> -> vector<16xi32>
    %reduce_sum3A_36 = vector.extract %reduce_sum3A_35[15] : i32 from vector<16xi32>
    %ge3A_37 = arith.constant 64 : i32
    %ge3A_38 = arith.cmpi sge, %reduce_sum3A_36, %ge3A_37 : i32
    %select_n3A_39 = arith.select %ge3A_38, %add3A_28, %select_n3A : i32
    %add3A_40 = arith.constant 32 : i32
    %add3A_41 = arith.addi %select_n3A_39, %add3A_40 : i32
    %mul3A_42 = arith.constant 16 : i32
    %mul3A_43 = arith.muli %add3A_41, %mul3A_42 : i32
    %get3A_44 = arith.index_cast %mul3A_43 : i32 to index
    %get3A_45 = tpu.vector_load %arg8[%get3A_44] {strides = array<i32>} : memref<4224xi32, #tpu.memory_space<vmem>>, vector<16xi32>,
    %reduce_sum3A_46 = arith.constant true
    %reduce_sum3A_47 = vector.broadcast %reduce_sum3A_46 : i1 to vector<16xi1>
    %reduce_sum3A_48 = tpu.scan <sum>, %get3A_45 masked %reduce_sum3A_47 : vector<16xi32>, vector<16xi1> -> vector<16xi32>
    %reduce_sum3A_49 = vector.extract %reduce_sum3A_48[15] : i32 from vector<16xi32>
    %ge3A_50 = arith.constant 64 : i32
    %ge3A_51 = arith.cmpi sge, %reduce_sum3A_49, %ge3A_50 : i32
    %select_n3A_52 = arith.select %ge3A_51, %add3A_41, %select_n3A_39 : i32
    %add3A_53 = arith.constant 16 : i32
    %add3A_54 = arith.addi %select_n3A_52, %add3A_53 : i32
    %mul3A_55 = arith.constant 16 : i32
    %mul3A_56 = arith.muli %add3A_54, %mul3A_55 : i32
    %get3A_57 = arith.index_cast %mul3A_56 : i32 to index
    %get3A_58 = tpu.vector_load %arg8[%get3A_57] {strides = array<i32>} : memref<4224xi32, #tpu.memory_space<vmem>>, vector<16xi32>,
    %reduce_sum3A_59 = arith.constant true
    %reduce_sum3A_60 = vector.broadcast %reduce_sum3A_59 : i1 to vector<16xi1>
    %reduce_sum3A_61 = tpu.scan <sum>, %get3A_58 masked %reduce_sum3A_60 : vector<16xi32>, vector<16xi1> -> vector<16xi32>
    %reduce_sum3A_62 = vector.extract %reduce_sum3A_61[15] : i32 from vector<16xi32>
    %ge3A_63 = arith.constant 64 : i32
    %ge3A_64 = arith.cmpi sge, %reduce_sum3A_62, %ge3A_63 : i32
    %select_n3A_65 = arith.select %ge3A_64, %add3A_54, %select_n3A_52 : i32
    %add3A_66 = arith.constant 8 : i32
    %add3A_67 = arith.addi %select_n3A_65, %add3A_66 : i32
    %mul3A_68 = arith.constant 16 : i32
    %mul3A_69 = arith.muli %add3A_67, %mul3A_68 : i32
    %get3A_70 = arith.index_cast %mul3A_69 : i32 to index
    %get3A_71 = tpu.vector_load %arg8[%get3A_70] {strides = array<i32>} : memref<4224xi32, #tpu.memory_space<vmem>>, vector<16xi32>,
    %reduce_sum3A_72 = arith.constant true
    %reduce_sum3A_73 = vector.broadcast %reduce_sum3A_72 : i1 to vector<16xi1>
    %reduce_sum3A_74 = tpu.scan <sum>, %get3A_71 masked %reduce_sum3A_73 : vector<16xi32>, vector<16xi1> -> vector<16xi32>
    %reduce_sum3A_75 = vector.extract %reduce_sum3A_74[15] : i32 from vector<16xi32>
    %ge3A_76 = arith.constant 64 : i32
    %ge3A_77 = arith.cmpi sge, %reduce_sum3A_75, %ge3A_76 : i32
    %select_n3A_78 = arith.select %ge3A_77, %add3A_67, %select_n3A_65 : i32
    %add3A_79 = arith.constant 4 : i32
    %add3A_80 = arith.addi %select_n3A_78, %add3A_79 : i32
    %mul3A_81 = arith.constant 16 : i32
    %mul3A_82 = arith.muli %add3A_80, %mul3A_81 : i32
    %get3A_83 = arith.index_cast %mul3A_82 : i32 to index
    %get3A_84 = tpu.vector_load %arg8[%get3A_83] {strides = array<i32>} : memref<4224xi32, #tpu.memory_space<vmem>>, vector<16xi32>,
    %reduce_sum3A_85 = arith.constant true
    %reduce_sum3A_86 = vector.broadcast %reduce_sum3A_85 : i1 to vector<16xi1>
    %reduce_sum3A_87 = tpu.scan <sum>, %get3A_84 masked %reduce_sum3A_86 : vector<16xi32>, vector<16xi1> -> vector<16xi32>
    %reduce_sum3A_88 = vector.extract %reduce_sum3A_87[15] : i32 from vector<16xi32>
    %ge3A_89 = arith.constant 64 : i32
    %ge3A_90 = arith.cmpi sge, %reduce_sum3A_88, %ge3A_89 : i32
    %select_n3A_91 = arith.select %ge3A_90, %add3A_80, %select_n3A_78 : i32
    %add3A_92 = arith.constant 2 : i32
    %add3A_93 = arith.addi %select_n3A_91, %add3A_92 : i32
    %mul3A_94 = arith.constant 16 : i32
    %mul3A_95 = arith.muli %add3A_93, %mul3A_94 : i32
    %get3A_96 = arith.index_cast %mul3A_95 : i32 to index
    %get3A_97 = tpu.vector_load %arg8[%get3A_96] {strides = array<i32>} : memref<4224xi32, #tpu.memory_space<vmem>>, vector<16xi32>,
    %reduce_sum3A_98 = arith.constant true
    %reduce_sum3A_99 = vector.broadcast %reduce_sum3A_98 : i1 to vector<16xi1>
    %reduce_sum3A_100 = tpu.scan <sum>, %get3A_97 masked %reduce_sum3A_99 : vector<16xi32>, vector<16xi1> -> vector<16xi32>
    %reduce_sum3A_101 = vector.extract %reduce_sum3A_100[15] : i32 from vector<16xi32>
    %ge3A_102 = arith.constant 64 : i32
    %ge3A_103 = arith.cmpi sge, %reduce_sum3A_101, %ge3A_102 : i32
    %select_n3A_104 = arith.select %ge3A_103, %add3A_93, %select_n3A_91 : i32
    %add3A_105 = arith.constant 1 : i32
    %add3A_106 = arith.addi %select_n3A_104, %add3A_105 : i32
    %mul3A_107 = arith.constant 16 : i32
    %mul3A_108 = arith.muli %add3A_106, %mul3A_107 : i32
    %get3A_109 = arith.index_cast %mul3A_108 : i32 to index
    %get3A_110 = tpu.vector_load %arg8[%get3A_109] {strides = array<i32>} : memref<4224xi32, #tpu.memory_space<vmem>>, vector<16xi32>,
    %reduce_sum3A_111 = arith.constant true
    %reduce_sum3A_112 = vector.broadcast %reduce_sum3A_111 : i1 to vector<16xi1>
    %reduce_sum3A_113 = tpu.scan <sum>, %get3A_110 masked %reduce_sum3A_112 : vector<16xi32>, vector<16xi1> -> vector<16xi32>
    %reduce_sum3A_114 = vector.extract %reduce_sum3A_113[15] : i32 from vector<16xi32>
    %ge3A_115 = arith.constant 64 : i32
    %ge3A_116 = arith.cmpi sge, %reduce_sum3A_114, %ge3A_115 : i32
    %select_n3A_117 = arith.select %ge3A_116, %add3A_106, %select_n3A_104 : i32
    %add3A_118 = arith.constant 1 : i32
    %add3A_119 = arith.addi %select_n3A_117, %add3A_118 : i32
    %mul3A_120 = arith.constant 16 : i32
    %mul3A_121 = arith.muli %add3A_119, %mul3A_120 : i32
    %get3A_122 = arith.index_cast %mul3A_121 : i32 to index
    %get3A_123 = tpu.vector_load %arg8[%get3A_122] {strides = array<i32>} : memref<4224xi32, #tpu.memory_space<vmem>>, vector<16xi32>,
    %reduce_sum3A_124 = arith.constant true
    %reduce_sum3A_125 = vector.broadcast %reduce_sum3A_124 : i1 to vector<16xi1>
    %reduce_sum3A_126 = tpu.scan <sum>, %get3A_123 masked %reduce_sum3A_125 : vector<16xi32>, vector<16xi1> -> vector<16xi32>
    %reduce_sum3A_127 = vector.extract %reduce_sum3A_126[15] : i32 from vector<16xi32>
    %sub3A = arith.constant 64 : i32
    %sub3A_128 = arith.subi %sub3A, %reduce_sum3A_127 : i32
    %parallel_loop3A_129 = arith.constant 0 : i32
    %parallel_loop3A_130 = arith.constant 2048 : i32
    %parallel_loop3A_131 = arith.constant 1 : i32
    %parallel_loop3A_132 = scf.for %parallel_loop3A_1134 = %parallel_loop3A_129 to %parallel_loop3A_130 step %parallel_loop3A_131 iter_args(%parallel_loop3A_1135 = %broadcast_in_dim3A_3) -> (vector<16xi32>)  : i32 {
      %parallel_loop3A_1136 = arith.constant 16 : i32
      %parallel_loop3A_1137 = arith.muli %parallel_loop3A_1134, %parallel_loop3A_1136 : i32
      %parallel_loop3A_1138 = arith.index_cast %parallel_loop3A_1137 : i32 to index
      %parallel_loop3A_1139 = tpu.vector_load %arg4[%parallel_loop3A_1138] {strides = array<i32>} : memref<32768xf32, #tpu.memory_space<vmem>>, vector<16xf32>,
      %parallel_loop3A_1140 = vector.bitcast %parallel_loop3A_1139 : vector<16xf32> to vector<16xi32>
      %parallel_loop3A_1141 = arith.constant 31 : i32
      %parallel_loop3A_1142 = vector.broadcast %parallel_loop3A_1141 : i32 to vector<16xi32>
      %parallel_loop3A_1143 = arith.shrui %parallel_loop3A_1140, %parallel_loop3A_1142 : vector<16xi32>
      %parallel_loop3A_1144 = arith.constant 0 : i32
      %parallel_loop3A_1145 = vector.broadcast %parallel_loop3A_1144 : i32 to vector<16xi32>
      %parallel_loop3A_1146 = arith.subi %parallel_loop3A_1145, %parallel_loop3A_1143 : vector<16xi32>
      %parallel_loop3A_1147 = arith.constant -2147483648 : i32
      %parallel_loop3A_1148 = vector.broadcast %parallel_loop3A_1147 : i32 to vector<16xi32>
      %parallel_loop3A_1149 = arith.ori %parallel_loop3A_1146, %parallel_loop3A_1148 : vector<16xi32>
      %parallel_loop3A_1150 = arith.xori %parallel_loop3A_1140, %parallel_loop3A_1149 : vector<16xi32>
      %parallel_loop3A_1151 = arith.constant 24 : i32
      %parallel_loop3A_1152 = vector.broadcast %parallel_loop3A_1151 : i32 to vector<16xi32>
      %parallel_loop3A_1153 = arith.shrui %parallel_loop3A_1150, %parallel_loop3A_1152 : vector<16xi32>
      %parallel_loop3A_1154 = vector.broadcast %select_n3A_117 : i32 to vector<16xi32>
      %parallel_loop3A_1155 = arith.cmpi ugt, %parallel_loop3A_1153, %parallel_loop3A_1154 : vector<16xi32>
      %parallel_loop3A_1156 = arith.constant 0.000000e+00 : f32
      %parallel_loop3A_1157 = vector.broadcast %parallel_loop3A_1156 : f32 to vector<16xf32>
      %parallel_loop3A_1158 = arith.select %parallel_loop3A_1155, %parallel_loop3A_1139, %parallel_loop3A_1157 : vector<16xi1>, vector<16xf32>
      %parallel_loop3A_1159 = arith.constant 16 : i32
      %parallel_loop3A_1160 = arith.muli %parallel_loop3A_1134, %parallel_loop3A_1159 : i32
      %parallel_loop3A_1161 = arith.index_cast %parallel_loop3A_1160 : i32 to index
      %parallel_loop3A_1162 = tpu.vector_load %arg5[%parallel_loop3A_1161] {strides = array<i32>} : memref<32768xf32, #tpu.memory_space<vmem>>, vector<16xf32>,
      tpu.vector_store %arg5[%parallel_loop3A_1161], %parallel_loop3A_1158 {strides = array<i32>} : memref<32768xf32, #tpu.memory_space<vmem>>, vector<16xf32>,
      %parallel_loop3A_1163 = vector.broadcast %select_n3A_117 : i32 to vector<16xi32>
      %parallel_loop3A_1164 = arith.cmpi eq, %parallel_loop3A_1153, %parallel_loop3A_1163 : vector<16xi32>
      %parallel_loop3A_1165 = arith.extui %parallel_loop3A_1164 : vector<16xi1> to vector<16xi32>
      %parallel_loop3A_1166 = arith.constant true
      %parallel_loop3A_1167 = vector.broadcast %parallel_loop3A_1166 : i1 to vector<16xi1>
      %parallel_loop3A_1168 = tpu.scan <sum>, %parallel_loop3A_1165 masked %parallel_loop3A_1167 : vector<16xi32>, vector<16xi1> -> vector<16xi32>
      %parallel_loop3A_1169 = arith.addi %parallel_loop3A_1135, %parallel_loop3A_1168 : vector<16xi32>
      %parallel_loop3A_1170 = arith.constant 1 : i32
      %parallel_loop3A_1171 = vector.broadcast %parallel_loop3A_1170 : i32 to vector<16xi32>
      %parallel_loop3A_1172 = arith.subi %parallel_loop3A_1169, %parallel_loop3A_1171 : vector<16xi32>
      %parallel_loop3A_1173 = vector.bitcast %parallel_loop3A_1150 : vector<16xi32> to vector<16xi32>
      tpu.vector_store_idx %arg6[%parallel_loop3A_1172], %parallel_loop3A_1173 masked %parallel_loop3A_1164 : memref<32800xi32, #tpu.memory_space<vmem>>[vector<16xi32>], vector<16xi32>, vector<16xi1>
      %parallel_loop3A_1174 = arith.constant 16 : i32
      %parallel_loop3A_1175 = arith.muli %parallel_loop3A_1134, %parallel_loop3A_1174 : i32
      %parallel_loop3A_1176 = vector.broadcast %parallel_loop3A_1175 : i32 to vector<16xi32>
      %parallel_loop3A_1177 = arith.addi %parallel_loop3A_1176, %iota3A : vector<16xi32>
      %parallel_loop3A_1178 = arith.constant 8192 : i32
      %parallel_loop3A_1179 = vector.broadcast %parallel_loop3A_1178 : i32 to vector<16xi32>
      %parallel_loop3A_1180 = arith.cmpi slt, %parallel_loop3A_1172, %parallel_loop3A_1179 : vector<16xi32>
      %parallel_loop3A_1181 = arith.andi %parallel_loop3A_1164, %parallel_loop3A_1180 : vector<16xi1>
      tpu.vector_store_idx %arg7[%parallel_loop3A_1172], %parallel_loop3A_1177 masked %parallel_loop3A_1181 : memref<8224xi32, #tpu.memory_space<vmem>>[vector<16xi32>], vector<16xi32>, vector<16xi1>
      %parallel_loop3A_1182 = tpu.all_reduce %parallel_loop3A_1164 {dim = 0 : i64, kind = #tpu.reduction_kind<sum>} : vector<16xi1> -> vector<16xi32>
      %parallel_loop3A_1183 = arith.addi %parallel_loop3A_1135, %parallel_loop3A_1182 : vector<16xi32>
      scf.yield %parallel_loop3A_1183 : vector<16xi32>
    } {sc.loop_unroll_factor = 4 : i64, sc.parallel_access}
    %slice3A = vector.extract_strided_slice %parallel_loop3A_132 {offsets = [0], sizes = [1], strides = [1]} : vector<16xi32> to vector<1xi32>
    %squeeze3A = vector.extract %slice3A[0] : i32 from vector<1xi32>
    %add3A_133 = arith.constant 63 : i32
    %add3A_134 = arith.addi %squeeze3A, %add3A_133 : i32
    %jit3A_135 = arith.constant 64 : i32
    %div3A = arith.divsi %add3A_134, %jit3A_135 : i32
    %sign3A = arith.constant 0 : i32
    %sign3A_136 = arith.cmpi sgt, %add3A_134, %sign3A : i32
    %sign3A_137 = arith.extui %sign3A_136 : i1 to i32
    %sign3A_138 = arith.constant 0 : i32
    %sign3A_139 = arith.cmpi slt, %add3A_134, %sign3A_138 : i32
    %sign3A_140 = arith.extui %sign3A_139 : i1 to i32
    %sign3A_141 = arith.subi %sign3A_137, %sign3A_140 : i32
    %sign3A_142 = arith.constant 0 : i32
    %sign3A_143 = arith.cmpi sgt, %jit3A_135, %sign3A_142 : i32
    %sign3A_144 = arith.extui %sign3A_143 : i1 to i32
    %sign3A_145 = arith.constant 0 : i32
    %sign3A_146 = arith.cmpi slt, %jit3A_135, %sign3A_145 : i32
    %sign3A_147 = arith.extui %sign3A_146 : i1 to i32
    %sign3A_148 = arith.subi %sign3A_144, %sign3A_147 : i32
    %ne3A = arith.cmpi ne, %sign3A_141, %sign3A_148 : i32
    %rem3A = arith.remsi %add3A_134, %jit3A_135 : i32
    %ne3A_149 = arith.constant 0 : i32
    %ne3A_150 = arith.cmpi ne, %rem3A, %ne3A_149 : i32
    %and3A = arith.andi %ne3A, %ne3A_150 : i1
    %sub3A_151 = arith.constant 1 : i32
    %sub3A_152 = arith.subi %div3A, %sub3A_151 : i32
    %select_n3A_153 = arith.select %and3A, %sub3A_152, %div3A : i32
    %parallel_loop3A_154 = arith.constant 0 : i32
    %parallel_loop3A_155 = arith.constant 264 : i32
    %parallel_loop3A_156 = arith.constant 1 : i32
    scf.for %parallel_loop3A_1134 = %parallel_loop3A_154 to %parallel_loop3A_155 step %parallel_loop3A_156  : i32 {
      %parallel_loop3A_1135 = arith.constant 16 : i32
      %parallel_loop3A_1136 = arith.muli %parallel_loop3A_1134, %parallel_loop3A_1135 : i32
      %parallel_loop3A_1137 = arith.index_cast %parallel_loop3A_1136 : i32 to index
      %parallel_loop3A_1138 = tpu.vector_load %arg8[%parallel_loop3A_1137] {strides = array<i32>} : memref<4224xi32, #tpu.memory_space<vmem>>, vector<16xi32>,
      tpu.vector_store %arg8[%parallel_loop3A_1137], %broadcast_in_dim3A_3 {strides = array<i32>} : memref<4224xi32, #tpu.memory_space<vmem>>, vector<16xi32>,
    } {sc.loop_unroll_factor = 8 : i64, sc.parallel_access}
    %while3A = arith.constant 0 : i32
    %while3A_157 = arith.constant 0 : i32
    %while3A_158 = arith.subi %select_n3A_153, %while3A : i32
    %while3A_159 = arith.addi %while3A, %while3A_158 : i32
    %while3A_160 = arith.constant 1 : i32
    %while3A_161 = arith.divsi %while3A_158, %while3A_160 : i32
    %while3A_162 = arith.muli %while3A_161, %while3A_160 : i32
    %while3A_163 = arith.addi %while3A, %while3A_162 : i32
    %while3A_164 = arith.constant 1 : i32
    %while3A_165 = scf.for %while3A_1134 = %while3A to %while3A_163 step %while3A_164 iter_args(%while3A_1135 = %while3A_157) -> (i32)  : i32 {
      %mul3A_1136 = arith.constant 4 : i32
      %mul3A_1137 = arith.muli %while3A_1134, %mul3A_1136 : i32
      %add3A_1138 = arith.constant 0 : i32
      %add3A_1139 = arith.addi %mul3A_1137, %add3A_1138 : i32
      %mul3A_1140 = arith.constant 16 : i32
      %mul3A_1141 = arith.muli %add3A_1139, %mul3A_1140 : i32
      %get3A_1142 = arith.index_cast %mul3A_1141 : i32 to index
      %get3A_1143 = tpu.vector_load %arg6[%get3A_1142] {strides = array<i32>} : memref<32800xi32, #tpu.memory_space<vmem>>, vector<16xi32>,
      %bitcast3A = vector.bitcast %get3A_1143 : vector<16xi32> to vector<16xi32>
      %add3A_1144 = vector.broadcast %mul3A_1141 : i32 to vector<16xi32>
      %add3A_1145 = arith.addi %add3A_1144, %iota3A : vector<16xi32>
      %lt3A = vector.broadcast %squeeze3A : i32 to vector<16xi32>
      %lt3A_1146 = arith.cmpi slt, %add3A_1145, %lt3A : vector<16xi32>
      %shift_right_logical3A = arith.constant 16 : i32
      %shift_right_logical3A_1147 = vector.broadcast %shift_right_logical3A : i32 to vector<16xi32>
      %shift_right_logical3A_1148 = arith.shrui %bitcast3A, %shift_right_logical3A_1147 : vector<16xi32>
      %and3A_1149 = arith.constant 255 : i32
      %and3A_1150 = vector.broadcast %and3A_1149 : i32 to vector<16xi32>
      %and3A_1151 = arith.andi %shift_right_logical3A_1148, %and3A_1150 : vector<16xi32>
      %shift_left3A_1152 = arith.constant 4 : i32
      %shift_left3A_1153 = vector.broadcast %shift_left3A_1152 : i32 to vector<16xi32>
      %shift_left3A_1154 = arith.shli %and3A_1151, %shift_left3A_1153 : vector<16xi32>
      %add3A_1155 = arith.addi %shift_left3A_1154, %iota3A : vector<16xi32>
      tpu.vector_store_idx %arg8[%add3A_1155], %broadcast_in_dim3A_1 masked %lt3A_1146 {add = true} : memref<4224xi32, #tpu.memory_space<vmem>>[vector<16xi32>], vector<16xi32>, vector<16xi1>
      %mul3A_1156 = arith.constant 4 : i32
      %mul3A_1157 = arith.muli %while3A_1134, %mul3A_1156 : i32
      %add3A_1158 = arith.constant 1 : i32
      %add3A_1159 = arith.addi %mul3A_1157, %add3A_1158 : i32
      %mul3A_1160 = arith.constant 16 : i32
      %mul3A_1161 = arith.muli %add3A_1159, %mul3A_1160 : i32
      %get3A_1162 = arith.index_cast %mul3A_1161 : i32 to index
      %get3A_1163 = tpu.vector_load %arg6[%get3A_1162] {strides = array<i32>} : memref<32800xi32, #tpu.memory_space<vmem>>, vector<16xi32>,
      %bitcast3A_1164 = vector.bitcast %get3A_1163 : vector<16xi32> to vector<16xi32>
      %add3A_1165 = vector.broadcast %mul3A_1161 : i32 to vector<16xi32>
      %add3A_1166 = arith.addi %add3A_1165, %iota3A : vector<16xi32>
      %lt3A_1167 = vector.broadcast %squeeze3A : i32 to vector<16xi32>
      %lt3A_1168 = arith.cmpi slt, %add3A_1166, %lt3A_1167 : vector<16xi32>
      %shift_right_logical3A_1169 = arith.constant 16 : i32
      %shift_right_logical3A_1170 = vector.broadcast %shift_right_logical3A_1169 : i32 to vector<16xi32>
      %shift_right_logical3A_1171 = arith.shrui %bitcast3A_1164, %shift_right_logical3A_1170 : vector<16xi32>
      %and3A_1172 = arith.constant 255 : i32
      %and3A_1173 = vector.broadcast %and3A_1172 : i32 to vector<16xi32>
      %and3A_1174 = arith.andi %shift_right_logical3A_1171, %and3A_1173 : vector<16xi32>
      %shift_left3A_1175 = arith.constant 4 : i32
      %shift_left3A_1176 = vector.broadcast %shift_left3A_1175 : i32 to vector<16xi32>
      %shift_left3A_1177 = arith.shli %and3A_1174, %shift_left3A_1176 : vector<16xi32>
      %add3A_1178 = arith.addi %shift_left3A_1177, %iota3A : vector<16xi32>
      tpu.vector_store_idx %arg8[%add3A_1178], %broadcast_in_dim3A_1 masked %lt3A_1168 {add = true} : memref<4224xi32, #tpu.memory_space<vmem>>[vector<16xi32>], vector<16xi32>, vector<16xi1>
      %mul3A_1179 = arith.constant 4 : i32
      %mul3A_1180 = arith.muli %while3A_1134, %mul3A_1179 : i32
      %add3A_1181 = arith.constant 2 : i32
      %add3A_1182 = arith.addi %mul3A_1180, %add3A_1181 : i32
      %mul3A_1183 = arith.constant 16 : i32
      %mul3A_1184 = arith.muli %add3A_1182, %mul3A_1183 : i32
      %get3A_1185 = arith.index_cast %mul3A_1184 : i32 to index
      %get3A_1186 = tpu.vector_load %arg6[%get3A_1185] {strides = array<i32>} : memref<32800xi32, #tpu.memory_space<vmem>>, vector<16xi32>,
      %bitcast3A_1187 = vector.bitcast %get3A_1186 : vector<16xi32> to vector<16xi32>
      %add3A_1188 = vector.broadcast %mul3A_1184 : i32 to vector<16xi32>
      %add3A_1189 = arith.addi %add3A_1188, %iota3A : vector<16xi32>
      %lt3A_1190 = vector.broadcast %squeeze3A : i32 to vector<16xi32>
      %lt3A_1191 = arith.cmpi slt, %add3A_1189, %lt3A_1190 : vector<16xi32>
      %shift_right_logical3A_1192 = arith.constant 16 : i32
      %shift_right_logical3A_1193 = vector.broadcast %shift_right_logical3A_1192 : i32 to vector<16xi32>
      %shift_right_logical3A_1194 = arith.shrui %bitcast3A_1187, %shift_right_logical3A_1193 : vector<16xi32>
      %and3A_1195 = arith.constant 255 : i32
      %and3A_1196 = vector.broadcast %and3A_1195 : i32 to vector<16xi32>
      %and3A_1197 = arith.andi %shift_right_logical3A_1194, %and3A_1196 : vector<16xi32>
      %shift_left3A_1198 = arith.constant 4 : i32
      %shift_left3A_1199 = vector.broadcast %shift_left3A_1198 : i32 to vector<16xi32>
      %shift_left3A_1200 = arith.shli %and3A_1197, %shift_left3A_1199 : vector<16xi32>
      %add3A_1201 = arith.addi %shift_left3A_1200, %iota3A : vector<16xi32>
      tpu.vector_store_idx %arg8[%add3A_1201], %broadcast_in_dim3A_1 masked %lt3A_1191 {add = true} : memref<4224xi32, #tpu.memory_space<vmem>>[vector<16xi32>], vector<16xi32>, vector<16xi1>
      %mul3A_1202 = arith.constant 4 : i32
      %mul3A_1203 = arith.muli %while3A_1134, %mul3A_1202 : i32
      %add3A_1204 = arith.constant 3 : i32
      %add3A_1205 = arith.addi %mul3A_1203, %add3A_1204 : i32
      %mul3A_1206 = arith.constant 16 : i32
      %mul3A_1207 = arith.muli %add3A_1205, %mul3A_1206 : i32
      %get3A_1208 = arith.index_cast %mul3A_1207 : i32 to index
      %get3A_1209 = tpu.vector_load %arg6[%get3A_1208] {strides = array<i32>} : memref<32800xi32, #tpu.memory_space<vmem>>, vector<16xi32>,
      %bitcast3A_1210 = vector.bitcast %get3A_1209 : vector<16xi32> to vector<16xi32>
      %add3A_1211 = vector.broadcast %mul3A_1207 : i32 to vector<16xi32>
      %add3A_1212 = arith.addi %add3A_1211, %iota3A : vector<16xi32>
      %lt3A_1213 = vector.broadcast %squeeze3A : i32 to vector<16xi32>
      %lt3A_1214 = arith.cmpi slt, %add3A_1212, %lt3A_1213 : vector<16xi32>
      %shift_right_logical3A_1215 = arith.constant 16 : i32
      %shift_right_logical3A_1216 = vector.broadcast %shift_right_logical3A_1215 : i32 to vector<16xi32>
      %shift_right_logical3A_1217 = arith.shrui %bitcast3A_1210, %shift_right_logical3A_1216 : vector<16xi32>
      %and3A_1218 = arith.constant 255 : i32
      %and3A_1219 = vector.broadcast %and3A_1218 : i32 to vector<16xi32>
      %and3A_1220 = arith.andi %shift_right_logical3A_1217, %and3A_1219 : vector<16xi32>
      %shift_left3A_1221 = arith.constant 4 : i32
      %shift_left3A_1222 = vector.broadcast %shift_left3A_1221 : i32 to vector<16xi32>
      %shift_left3A_1223 = arith.shli %and3A_1220, %shift_left3A_1222 : vector<16xi32>
      %add3A_1224 = arith.addi %shift_left3A_1223, %iota3A : vector<16xi32>
      tpu.vector_store_idx %arg8[%add3A_1224], %broadcast_in_dim3A_1 masked %lt3A_1214 {add = true} : memref<4224xi32, #tpu.memory_space<vmem>>[vector<16xi32>], vector<16xi32>, vector<16xi1>
      %while3A_1225 = arith.constant 0 : i32
      scf.yield %while3A_1225 : i32
    }
    %while3A_166 = arith.constant 1 : i32
    %while3A_167 = scf.for %while3A_1134 = %while3A_163 to %while3A_159 step %while3A_166 iter_args(%while3A_1135 = %while3A_165) -> (i32)  : i32 {
      %mul3A_1136 = arith.constant 4 : i32
      %mul3A_1137 = arith.muli %while3A_1134, %mul3A_1136 : i32
      %add3A_1138 = arith.constant 0 : i32
      %add3A_1139 = arith.addi %mul3A_1137, %add3A_1138 : i32
      %mul3A_1140 = arith.constant 16 : i32
      %mul3A_1141 = arith.muli %add3A_1139, %mul3A_1140 : i32
      %get3A_1142 = arith.index_cast %mul3A_1141 : i32 to index
      %get3A_1143 = tpu.vector_load %arg6[%get3A_1142] {strides = array<i32>} : memref<32800xi32, #tpu.memory_space<vmem>>, vector<16xi32>,
      %bitcast3A = vector.bitcast %get3A_1143 : vector<16xi32> to vector<16xi32>
      %add3A_1144 = vector.broadcast %mul3A_1141 : i32 to vector<16xi32>
      %add3A_1145 = arith.addi %add3A_1144, %iota3A : vector<16xi32>
      %lt3A = vector.broadcast %squeeze3A : i32 to vector<16xi32>
      %lt3A_1146 = arith.cmpi slt, %add3A_1145, %lt3A : vector<16xi32>
      %shift_right_logical3A = arith.constant 16 : i32
      %shift_right_logical3A_1147 = vector.broadcast %shift_right_logical3A : i32 to vector<16xi32>
      %shift_right_logical3A_1148 = arith.shrui %bitcast3A, %shift_right_logical3A_1147 : vector<16xi32>
      %and3A_1149 = arith.constant 255 : i32
      %and3A_1150 = vector.broadcast %and3A_1149 : i32 to vector<16xi32>
      %and3A_1151 = arith.andi %shift_right_logical3A_1148, %and3A_1150 : vector<16xi32>
      %shift_left3A_1152 = arith.constant 4 : i32
      %shift_left3A_1153 = vector.broadcast %shift_left3A_1152 : i32 to vector<16xi32>
      %shift_left3A_1154 = arith.shli %and3A_1151, %shift_left3A_1153 : vector<16xi32>
      %add3A_1155 = arith.addi %shift_left3A_1154, %iota3A : vector<16xi32>
      tpu.vector_store_idx %arg8[%add3A_1155], %broadcast_in_dim3A_1 masked %lt3A_1146 {add = true} : memref<4224xi32, #tpu.memory_space<vmem>>[vector<16xi32>], vector<16xi32>, vector<16xi1>
      %mul3A_1156 = arith.constant 4 : i32
      %mul3A_1157 = arith.muli %while3A_1134, %mul3A_1156 : i32
      %add3A_1158 = arith.constant 1 : i32
      %add3A_1159 = arith.addi %mul3A_1157, %add3A_1158 : i32
      %mul3A_1160 = arith.constant 16 : i32
      %mul3A_1161 = arith.muli %add3A_1159, %mul3A_1160 : i32
      %get3A_1162 = arith.index_cast %mul3A_1161 : i32 to index
      %get3A_1163 = tpu.vector_load %arg6[%get3A_1162] {strides = array<i32>} : memref<32800xi32, #tpu.memory_space<vmem>>, vector<16xi32>,
      %bitcast3A_1164 = vector.bitcast %get3A_1163 : vector<16xi32> to vector<16xi32>
      %add3A_1165 = vector.broadcast %mul3A_1161 : i32 to vector<16xi32>
      %add3A_1166 = arith.addi %add3A_1165, %iota3A : vector<16xi32>
      %lt3A_1167 = vector.broadcast %squeeze3A : i32 to vector<16xi32>
      %lt3A_1168 = arith.cmpi slt, %add3A_1166, %lt3A_1167 : vector<16xi32>
      %shift_right_logical3A_1169 = arith.constant 16 : i32
      %shift_right_logical3A_1170 = vector.broadcast %shift_right_logical3A_1169 : i32 to vector<16xi32>
      %shift_right_logical3A_1171 = arith.shrui %bitcast3A_1164, %shift_right_logical3A_1170 : vector<16xi32>
      %and3A_1172 = arith.constant 255 : i32
      %and3A_1173 = vector.broadcast %and3A_1172 : i32 to vector<16xi32>
      %and3A_1174 = arith.andi %shift_right_logical3A_1171, %and3A_1173 : vector<16xi32>
      %shift_left3A_1175 = arith.constant 4 : i32
      %shift_left3A_1176 = vector.broadcast %shift_left3A_1175 : i32 to vector<16xi32>
      %shift_left3A_1177 = arith.shli %and3A_1174, %shift_left3A_1176 : vector<16xi32>
      %add3A_1178 = arith.addi %shift_left3A_1177, %iota3A : vector<16xi32>
      tpu.vector_store_idx %arg8[%add3A_1178], %broadcast_in_dim3A_1 masked %lt3A_1168 {add = true} : memref<4224xi32, #tpu.memory_space<vmem>>[vector<16xi32>], vector<16xi32>, vector<16xi1>
      %mul3A_1179 = arith.constant 4 : i32
      %mul3A_1180 = arith.muli %while3A_1134, %mul3A_1179 : i32
      %add3A_1181 = arith.constant 2 : i32
      %add3A_1182 = arith.addi %mul3A_1180, %add3A_1181 : i32
      %mul3A_1183 = arith.constant 16 : i32
      %mul3A_1184 = arith.muli %add3A_1182, %mul3A_1183 : i32
      %get3A_1185 = arith.index_cast %mul3A_1184 : i32 to index
      %get3A_1186 = tpu.vector_load %arg6[%get3A_1185] {strides = array<i32>} : memref<32800xi32, #tpu.memory_space<vmem>>, vector<16xi32>,
      %bitcast3A_1187 = vector.bitcast %get3A_1186 : vector<16xi32> to vector<16xi32>
      %add3A_1188 = vector.broadcast %mul3A_1184 : i32 to vector<16xi32>
      %add3A_1189 = arith.addi %add3A_1188, %iota3A : vector<16xi32>
      %lt3A_1190 = vector.broadcast %squeeze3A : i32 to vector<16xi32>
      %lt3A_1191 = arith.cmpi slt, %add3A_1189, %lt3A_1190 : vector<16xi32>
      %shift_right_logical3A_1192 = arith.constant 16 : i32
      %shift_right_logical3A_1193 = vector.broadcast %shift_right_logical3A_1192 : i32 to vector<16xi32>
      %shift_right_logical3A_1194 = arith.shrui %bitcast3A_1187, %shift_right_logical3A_1193 : vector<16xi32>
      %and3A_1195 = arith.constant 255 : i32
      %and3A_1196 = vector.broadcast %and3A_1195 : i32 to vector<16xi32>
      %and3A_1197 = arith.andi %shift_right_logical3A_1194, %and3A_1196 : vector<16xi32>
      %shift_left3A_1198 = arith.constant 4 : i32
      %shift_left3A_1199 = vector.broadcast %shift_left3A_1198 : i32 to vector<16xi32>
      %shift_left3A_1200 = arith.shli %and3A_1197, %shift_left3A_1199 : vector<16xi32>
      %add3A_1201 = arith.addi %shift_left3A_1200, %iota3A : vector<16xi32>
      tpu.vector_store_idx %arg8[%add3A_1201], %broadcast_in_dim3A_1 masked %lt3A_1191 {add = true} : memref<4224xi32, #tpu.memory_space<vmem>>[vector<16xi32>], vector<16xi32>, vector<16xi1>
      %mul3A_1202 = arith.constant 4 : i32
      %mul3A_1203 = arith.muli %while3A_1134, %mul3A_1202 : i32
      %add3A_1204 = arith.constant 3 : i32
      %add3A_1205 = arith.addi %mul3A_1203, %add3A_1204 : i32
      %mul3A_1206 = arith.constant 16 : i32
      %mul3A_1207 = arith.muli %add3A_1205, %mul3A_1206 : i32
      %get3A_1208 = arith.index_cast %mul3A_1207 : i32 to index
      %get3A_1209 = tpu.vector_load %arg6[%get3A_1208] {strides = array<i32>} : memref<32800xi32, #tpu.memory_space<vmem>>, vector<16xi32>,
      %bitcast3A_1210 = vector.bitcast %get3A_1209 : vector<16xi32> to vector<16xi32>
      %add3A_1211 = vector.broadcast %mul3A_1207 : i32 to vector<16xi32>
      %add3A_1212 = arith.addi %add3A_1211, %iota3A : vector<16xi32>
      %lt3A_1213 = vector.broadcast %squeeze3A : i32 to vector<16xi32>
      %lt3A_1214 = arith.cmpi slt, %add3A_1212, %lt3A_1213 : vector<16xi32>
      %shift_right_logical3A_1215 = arith.constant 16 : i32
      %shift_right_logical3A_1216 = vector.broadcast %shift_right_logical3A_1215 : i32 to vector<16xi32>
      %shift_right_logical3A_1217 = arith.shrui %bitcast3A_1210, %shift_right_logical3A_1216 : vector<16xi32>
      %and3A_1218 = arith.constant 255 : i32
      %and3A_1219 = vector.broadcast %and3A_1218 : i32 to vector<16xi32>
      %and3A_1220 = arith.andi %shift_right_logical3A_1217, %and3A_1219 : vector<16xi32>
      %shift_left3A_1221 = arith.constant 4 : i32
      %shift_left3A_1222 = vector.broadcast %shift_left3A_1221 : i32 to vector<16xi32>
      %shift_left3A_1223 = arith.shli %and3A_1220, %shift_left3A_1222 : vector<16xi32>
      %add3A_1224 = arith.addi %shift_left3A_1223, %iota3A : vector<16xi32>
      tpu.vector_store_idx %arg8[%add3A_1224], %broadcast_in_dim3A_1 masked %lt3A_1214 {add = true} : memref<4224xi32, #tpu.memory_space<vmem>>[vector<16xi32>], vector<16xi32>, vector<16xi1>
      %while3A_1225 = arith.constant 0 : i32
      scf.yield %while3A_1225 : i32
    }
    %parallel_loop3A_168 = arith.constant 0 : i32
    %parallel_loop3A_169 = arith.constant 256 : i32
    %parallel_loop3A_170 = arith.constant 1 : i32
    %parallel_loop3A_171 = scf.for %parallel_loop3A_1134 = %parallel_loop3A_168 to %parallel_loop3A_169 step %parallel_loop3A_170 iter_args(%parallel_loop3A_1135 = %broadcast_in_dim3A_3) -> (vector<16xi32>)  : i32 {
      %parallel_loop3A_1136 = arith.constant 255 : i32
      %parallel_loop3A_1137 = arith.subi %parallel_loop3A_1136, %parallel_loop3A_1134 : i32
      %parallel_loop3A_1138 = arith.constant 16 : i32
      %parallel_loop3A_1139 = arith.muli %parallel_loop3A_1137, %parallel_loop3A_1138 : i32
      %parallel_loop3A_1140 = arith.index_cast %parallel_loop3A_1139 : i32 to index
      %parallel_loop3A_1141 = tpu.vector_load %arg8[%parallel_loop3A_1140] {strides = array<i32>} : memref<4224xi32, #tpu.memory_space<vmem>>, vector<16xi32>,
      %parallel_loop3A_1142 = arith.addi %parallel_loop3A_1135, %parallel_loop3A_1141 : vector<16xi32>
      %parallel_loop3A_1143 = arith.constant 16 : i32
      %parallel_loop3A_1144 = arith.muli %parallel_loop3A_1137, %parallel_loop3A_1143 : i32
      %parallel_loop3A_1145 = arith.index_cast %parallel_loop3A_1144 : i32 to index
      %parallel_loop3A_1146 = tpu.vector_load %arg8[%parallel_loop3A_1145] {strides = array<i32>} : memref<4224xi32, #tpu.memory_space<vmem>>, vector<16xi32>,
      tpu.vector_store %arg8[%parallel_loop3A_1145], %parallel_loop3A_1142 {strides = array<i32>} : memref<4224xi32, #tpu.memory_space<vmem>>, vector<16xi32>,
      scf.yield %parallel_loop3A_1142 : vector<16xi32>
    } {sc.loop_unroll_factor = 4 : i64, sc.parallel_access}
    %add3A_172 = arith.constant 0 : i32
    %add3A_173 = arith.constant 128 : i32
    %add3A_174 = arith.addi %add3A_172, %add3A_173 : i32
    %mul3A_175 = arith.constant 16 : i32
    %mul3A_176 = arith.muli %add3A_174, %mul3A_175 : i32
    %get3A_177 = arith.index_cast %mul3A_176 : i32 to index
    %get3A_178 = tpu.vector_load %arg8[%get3A_177] {strides = array<i32>} : memref<4224xi32, #tpu.memory_space<vmem>>, vector<16xi32>,
    %reduce_sum3A_179 = arith.constant true
    %reduce_sum3A_180 = vector.broadcast %reduce_sum3A_179 : i1 to vector<16xi1>
    %reduce_sum3A_181 = tpu.scan <sum>, %get3A_178 masked %reduce_sum3A_180 : vector<16xi32>, vector<16xi1> -> vector<16xi32>
    %reduce_sum3A_182 = vector.extract %reduce_sum3A_181[15] : i32 from vector<16xi32>
    %ge3A_183 = arith.cmpi sge, %reduce_sum3A_182, %sub3A_128 : i32
    %jit3A_184 = arith.constant 0 : i32
    %select_n3A_185 = arith.select %ge3A_183, %add3A_174, %jit3A_184 : i32
    %add3A_186 = arith.constant 64 : i32
    %add3A_187 = arith.addi %select_n3A_185, %add3A_186 : i32
    %mul3A_188 = arith.constant 16 : i32
    %mul3A_189 = arith.muli %add3A_187, %mul3A_188 : i32
    %get3A_190 = arith.index_cast %mul3A_189 : i32 to index
    %get3A_191 = tpu.vector_load %arg8[%get3A_190] {strides = array<i32>} : memref<4224xi32, #tpu.memory_space<vmem>>, vector<16xi32>,
    %reduce_sum3A_192 = arith.constant true
    %reduce_sum3A_193 = vector.broadcast %reduce_sum3A_192 : i1 to vector<16xi1>
    %reduce_sum3A_194 = tpu.scan <sum>, %get3A_191 masked %reduce_sum3A_193 : vector<16xi32>, vector<16xi1> -> vector<16xi32>
    %reduce_sum3A_195 = vector.extract %reduce_sum3A_194[15] : i32 from vector<16xi32>
    %ge3A_196 = arith.cmpi sge, %reduce_sum3A_195, %sub3A_128 : i32
    %select_n3A_197 = arith.select %ge3A_196, %add3A_187, %select_n3A_185 : i32
    %add3A_198 = arith.constant 32 : i32
    %add3A_199 = arith.addi %select_n3A_197, %add3A_198 : i32
    %mul3A_200 = arith.constant 16 : i32
    %mul3A_201 = arith.muli %add3A_199, %mul3A_200 : i32
    %get3A_202 = arith.index_cast %mul3A_201 : i32 to index
    %get3A_203 = tpu.vector_load %arg8[%get3A_202] {strides = array<i32>} : memref<4224xi32, #tpu.memory_space<vmem>>, vector<16xi32>,
    %reduce_sum3A_204 = arith.constant true
    %reduce_sum3A_205 = vector.broadcast %reduce_sum3A_204 : i1 to vector<16xi1>
    %reduce_sum3A_206 = tpu.scan <sum>, %get3A_203 masked %reduce_sum3A_205 : vector<16xi32>, vector<16xi1> -> vector<16xi32>
    %reduce_sum3A_207 = vector.extract %reduce_sum3A_206[15] : i32 from vector<16xi32>
    %ge3A_208 = arith.cmpi sge, %reduce_sum3A_207, %sub3A_128 : i32
    %select_n3A_209 = arith.select %ge3A_208, %add3A_199, %select_n3A_197 : i32
    %add3A_210 = arith.constant 16 : i32
    %add3A_211 = arith.addi %select_n3A_209, %add3A_210 : i32
    %mul3A_212 = arith.constant 16 : i32
    %mul3A_213 = arith.muli %add3A_211, %mul3A_212 : i32
    %get3A_214 = arith.index_cast %mul3A_213 : i32 to index
    %get3A_215 = tpu.vector_load %arg8[%get3A_214] {strides = array<i32>} : memref<4224xi32, #tpu.memory_space<vmem>>, vector<16xi32>,
    %reduce_sum3A_216 = arith.constant true
    %reduce_sum3A_217 = vector.broadcast %reduce_sum3A_216 : i1 to vector<16xi1>
    %reduce_sum3A_218 = tpu.scan <sum>, %get3A_215 masked %reduce_sum3A_217 : vector<16xi32>, vector<16xi1> -> vector<16xi32>
    %reduce_sum3A_219 = vector.extract %reduce_sum3A_218[15] : i32 from vector<16xi32>
    %ge3A_220 = arith.cmpi sge, %reduce_sum3A_219, %sub3A_128 : i32
    %select_n3A_221 = arith.select %ge3A_220, %add3A_211, %select_n3A_209 : i32
    %add3A_222 = arith.constant 8 : i32
    %add3A_223 = arith.addi %select_n3A_221, %add3A_222 : i32
    %mul3A_224 = arith.constant 16 : i32
    %mul3A_225 = arith.muli %add3A_223, %mul3A_224 : i32
    %get3A_226 = arith.index_cast %mul3A_225 : i32 to index
    %get3A_227 = tpu.vector_load %arg8[%get3A_226] {strides = array<i32>} : memref<4224xi32, #tpu.memory_space<vmem>>, vector<16xi32>,
    %reduce_sum3A_228 = arith.constant true
    %reduce_sum3A_229 = vector.broadcast %reduce_sum3A_228 : i1 to vector<16xi1>
    %reduce_sum3A_230 = tpu.scan <sum>, %get3A_227 masked %reduce_sum3A_229 : vector<16xi32>, vector<16xi1> -> vector<16xi32>
    %reduce_sum3A_231 = vector.extract %reduce_sum3A_230[15] : i32 from vector<16xi32>
    %ge3A_232 = arith.cmpi sge, %reduce_sum3A_231, %sub3A_128 : i32
    %select_n3A_233 = arith.select %ge3A_232, %add3A_223, %select_n3A_221 : i32
    %add3A_234 = arith.constant 4 : i32
    %add3A_235 = arith.addi %select_n3A_233, %add3A_234 : i32
    %mul3A_236 = arith.constant 16 : i32
    %mul3A_237 = arith.muli %add3A_235, %mul3A_236 : i32
    %get3A_238 = arith.index_cast %mul3A_237 : i32 to index
    %get3A_239 = tpu.vector_load %arg8[%get3A_238] {strides = array<i32>} : memref<4224xi32, #tpu.memory_space<vmem>>, vector<16xi32>,
    %reduce_sum3A_240 = arith.constant true
    %reduce_sum3A_241 = vector.broadcast %reduce_sum3A_240 : i1 to vector<16xi1>
    %reduce_sum3A_242 = tpu.scan <sum>, %get3A_239 masked %reduce_sum3A_241 : vector<16xi32>, vector<16xi1> -> vector<16xi32>
    %reduce_sum3A_243 = vector.extract %reduce_sum3A_242[15] : i32 from vector<16xi32>
    %ge3A_244 = arith.cmpi sge, %reduce_sum3A_243, %sub3A_128 : i32
    %select_n3A_245 = arith.select %ge3A_244, %add3A_235, %select_n3A_233 : i32
    %add3A_246 = arith.constant 2 : i32
    %add3A_247 = arith.addi %select_n3A_245, %add3A_246 : i32
    %mul3A_248 = arith.constant 16 : i32
    %mul3A_249 = arith.muli %add3A_247, %mul3A_248 : i32
    %get3A_250 = arith.index_cast %mul3A_249 : i32 to index
    %get3A_251 = tpu.vector_load %arg8[%get3A_250] {strides = array<i32>} : memref<4224xi32, #tpu.memory_space<vmem>>, vector<16xi32>,
    %reduce_sum3A_252 = arith.constant true
    %reduce_sum3A_253 = vector.broadcast %reduce_sum3A_252 : i1 to vector<16xi1>
    %reduce_sum3A_254 = tpu.scan <sum>, %get3A_251 masked %reduce_sum3A_253 : vector<16xi32>, vector<16xi1> -> vector<16xi32>
    %reduce_sum3A_255 = vector.extract %reduce_sum3A_254[15] : i32 from vector<16xi32>
    %ge3A_256 = arith.cmpi sge, %reduce_sum3A_255, %sub3A_128 : i32
    %select_n3A_257 = arith.select %ge3A_256, %add3A_247, %select_n3A_245 : i32
    %add3A_258 = arith.constant 1 : i32
    %add3A_259 = arith.addi %select_n3A_257, %add3A_258 : i32
    %mul3A_260 = arith.constant 16 : i32
    %mul3A_261 = arith.muli %add3A_259, %mul3A_260 : i32
    %get3A_262 = arith.index_cast %mul3A_261 : i32 to index
    %get3A_263 = tpu.vector_load %arg8[%get3A_262] {strides = array<i32>} : memref<4224xi32, #tpu.memory_space<vmem>>, vector<16xi32>,
    %reduce_sum3A_264 = arith.constant true
    %reduce_sum3A_265 = vector.broadcast %reduce_sum3A_264 : i1 to vector<16xi1>
    %reduce_sum3A_266 = tpu.scan <sum>, %get3A_263 masked %reduce_sum3A_265 : vector<16xi32>, vector<16xi1> -> vector<16xi32>
    %reduce_sum3A_267 = vector.extract %reduce_sum3A_266[15] : i32 from vector<16xi32>
    %ge3A_268 = arith.cmpi sge, %reduce_sum3A_267, %sub3A_128 : i32
    %select_n3A_269 = arith.select %ge3A_268, %add3A_259, %select_n3A_257 : i32
    %add3A_270 = arith.constant 1 : i32
    %add3A_271 = arith.addi %select_n3A_269, %add3A_270 : i32
    %mul3A_272 = arith.constant 16 : i32
    %mul3A_273 = arith.muli %add3A_271, %mul3A_272 : i32
    %get3A_274 = arith.index_cast %mul3A_273 : i32 to index
    %get3A_275 = tpu.vector_load %arg8[%get3A_274] {strides = array<i32>} : memref<4224xi32, #tpu.memory_space<vmem>>, vector<16xi32>,
    %reduce_sum3A_276 = arith.constant true
    %reduce_sum3A_277 = vector.broadcast %reduce_sum3A_276 : i1 to vector<16xi1>
    %reduce_sum3A_278 = tpu.scan <sum>, %get3A_275 masked %reduce_sum3A_277 : vector<16xi32>, vector<16xi1> -> vector<16xi32>
    %reduce_sum3A_279 = vector.extract %reduce_sum3A_278[15] : i32 from vector<16xi32>
    %sub3A_280 = arith.subi %sub3A_128, %reduce_sum3A_279 : i32
    %parallel_loop3A_281 = arith.constant 0 : i32
    %parallel_loop3A_282 = arith.constant 264 : i32
    %parallel_loop3A_283 = arith.constant 1 : i32
    scf.for %parallel_loop3A_1134 = %parallel_loop3A_281 to %parallel_loop3A_282 step %parallel_loop3A_283  : i32 {
      %parallel_loop3A_1135 = arith.constant 16 : i32
      %parallel_loop3A_1136 = arith.muli %parallel_loop3A_1134, %parallel_loop3A_1135 : i32
      %parallel_loop3A_1137 = arith.index_cast %parallel_loop3A_1136 : i32 to index
      %parallel_loop3A_1138 = tpu.vector_load %arg8[%parallel_loop3A_1137] {strides = array<i32>} : memref<4224xi32, #tpu.memory_space<vmem>>, vector<16xi32>,
      tpu.vector_store %arg8[%parallel_loop3A_1137], %broadcast_in_dim3A_3 {strides = array<i32>} : memref<4224xi32, #tpu.memory_space<vmem>>, vector<16xi32>,
    } {sc.loop_unroll_factor = 8 : i64, sc.parallel_access}
    %while3A_284 = arith.constant 0 : i32
    %while3A_285 = arith.constant 0 : i32
    %while3A_286 = arith.subi %select_n3A_153, %while3A_284 : i32
    %while3A_287 = arith.addi %while3A_284, %while3A_286 : i32
    %while3A_288 = arith.constant 1 : i32
    %while3A_289 = arith.divsi %while3A_286, %while3A_288 : i32
    %while3A_290 = arith.muli %while3A_289, %while3A_288 : i32
    %while3A_291 = arith.addi %while3A_284, %while3A_290 : i32
    %while3A_292 = arith.constant 1 : i32
    %while3A_293 = scf.for %while3A_1134 = %while3A_284 to %while3A_291 step %while3A_292 iter_args(%while3A_1135 = %while3A_285) -> (i32)  : i32 {
      %mul3A_1136 = arith.constant 4 : i32
      %mul3A_1137 = arith.muli %while3A_1134, %mul3A_1136 : i32
      %add3A_1138 = arith.constant 0 : i32
      %add3A_1139 = arith.addi %mul3A_1137, %add3A_1138 : i32
      %mul3A_1140 = arith.constant 16 : i32
      %mul3A_1141 = arith.muli %add3A_1139, %mul3A_1140 : i32
      %get3A_1142 = arith.index_cast %mul3A_1141 : i32 to index
      %get3A_1143 = tpu.vector_load %arg6[%get3A_1142] {strides = array<i32>} : memref<32800xi32, #tpu.memory_space<vmem>>, vector<16xi32>,
      %bitcast3A = vector.bitcast %get3A_1143 : vector<16xi32> to vector<16xi32>
      %add3A_1144 = vector.broadcast %mul3A_1141 : i32 to vector<16xi32>
      %add3A_1145 = arith.addi %add3A_1144, %iota3A : vector<16xi32>
      %lt3A = vector.broadcast %squeeze3A : i32 to vector<16xi32>
      %lt3A_1146 = arith.cmpi slt, %add3A_1145, %lt3A : vector<16xi32>
      %shift_right_logical3A = arith.constant 16 : i32
      %shift_right_logical3A_1147 = vector.broadcast %shift_right_logical3A : i32 to vector<16xi32>
      %shift_right_logical3A_1148 = arith.shrui %bitcast3A, %shift_right_logical3A_1147 : vector<16xi32>
      %and3A_1149 = arith.constant 255 : i32
      %and3A_1150 = vector.broadcast %and3A_1149 : i32 to vector<16xi32>
      %and3A_1151 = arith.andi %shift_right_logical3A_1148, %and3A_1150 : vector<16xi32>
      %eq3A = vector.broadcast %select_n3A_269 : i32 to vector<16xi32>
      %eq3A_1152 = arith.cmpi eq, %and3A_1151, %eq3A : vector<16xi32>
      %and3A_1153 = arith.andi %lt3A_1146, %eq3A_1152 : vector<16xi1>
      %shift_right_logical3A_1154 = arith.constant 8 : i32
      %shift_right_logical3A_1155 = vector.broadcast %shift_right_logical3A_1154 : i32 to vector<16xi32>
      %shift_right_logical3A_1156 = arith.shrui %bitcast3A, %shift_right_logical3A_1155 : vector<16xi32>
      %and3A_1157 = arith.constant 255 : i32
      %and3A_1158 = vector.broadcast %and3A_1157 : i32 to vector<16xi32>
      %and3A_1159 = arith.andi %shift_right_logical3A_1156, %and3A_1158 : vector<16xi32>
      %shift_left3A_1160 = arith.constant 4 : i32
      %shift_left3A_1161 = vector.broadcast %shift_left3A_1160 : i32 to vector<16xi32>
      %shift_left3A_1162 = arith.shli %and3A_1159, %shift_left3A_1161 : vector<16xi32>
      %add3A_1163 = arith.addi %shift_left3A_1162, %iota3A : vector<16xi32>
      tpu.vector_store_idx %arg8[%add3A_1163], %broadcast_in_dim3A_1 masked %and3A_1153 {add = true} : memref<4224xi32, #tpu.memory_space<vmem>>[vector<16xi32>], vector<16xi32>, vector<16xi1>
      %mul3A_1164 = arith.constant 4 : i32
      %mul3A_1165 = arith.muli %while3A_1134, %mul3A_1164 : i32
      %add3A_1166 = arith.constant 1 : i32
      %add3A_1167 = arith.addi %mul3A_1165, %add3A_1166 : i32
      %mul3A_1168 = arith.constant 16 : i32
      %mul3A_1169 = arith.muli %add3A_1167, %mul3A_1168 : i32
      %get3A_1170 = arith.index_cast %mul3A_1169 : i32 to index
      %get3A_1171 = tpu.vector_load %arg6[%get3A_1170] {strides = array<i32>} : memref<32800xi32, #tpu.memory_space<vmem>>, vector<16xi32>,
      %bitcast3A_1172 = vector.bitcast %get3A_1171 : vector<16xi32> to vector<16xi32>
      %add3A_1173 = vector.broadcast %mul3A_1169 : i32 to vector<16xi32>
      %add3A_1174 = arith.addi %add3A_1173, %iota3A : vector<16xi32>
      %lt3A_1175 = vector.broadcast %squeeze3A : i32 to vector<16xi32>
      %lt3A_1176 = arith.cmpi slt, %add3A_1174, %lt3A_1175 : vector<16xi32>
      %shift_right_logical3A_1177 = arith.constant 16 : i32
      %shift_right_logical3A_1178 = vector.broadcast %shift_right_logical3A_1177 : i32 to vector<16xi32>
      %shift_right_logical3A_1179 = arith.shrui %bitcast3A_1172, %shift_right_logical3A_1178 : vector<16xi32>
      %and3A_1180 = arith.constant 255 : i32
      %and3A_1181 = vector.broadcast %and3A_1180 : i32 to vector<16xi32>
      %and3A_1182 = arith.andi %shift_right_logical3A_1179, %and3A_1181 : vector<16xi32>
      %eq3A_1183 = vector.broadcast %select_n3A_269 : i32 to vector<16xi32>
      %eq3A_1184 = arith.cmpi eq, %and3A_1182, %eq3A_1183 : vector<16xi32>
      %and3A_1185 = arith.andi %lt3A_1176, %eq3A_1184 : vector<16xi1>
      %shift_right_logical3A_1186 = arith.constant 8 : i32
      %shift_right_logical3A_1187 = vector.broadcast %shift_right_logical3A_1186 : i32 to vector<16xi32>
      %shift_right_logical3A_1188 = arith.shrui %bitcast3A_1172, %shift_right_logical3A_1187 : vector<16xi32>
      %and3A_1189 = arith.constant 255 : i32
      %and3A_1190 = vector.broadcast %and3A_1189 : i32 to vector<16xi32>
      %and3A_1191 = arith.andi %shift_right_logical3A_1188, %and3A_1190 : vector<16xi32>
      %shift_left3A_1192 = arith.constant 4 : i32
      %shift_left3A_1193 = vector.broadcast %shift_left3A_1192 : i32 to vector<16xi32>
      %shift_left3A_1194 = arith.shli %and3A_1191, %shift_left3A_1193 : vector<16xi32>
      %add3A_1195 = arith.addi %shift_left3A_1194, %iota3A : vector<16xi32>
      tpu.vector_store_idx %arg8[%add3A_1195], %broadcast_in_dim3A_1 masked %and3A_1185 {add = true} : memref<4224xi32, #tpu.memory_space<vmem>>[vector<16xi32>], vector<16xi32>, vector<16xi1>
      %mul3A_1196 = arith.constant 4 : i32
      %mul3A_1197 = arith.muli %while3A_1134, %mul3A_1196 : i32
      %add3A_1198 = arith.constant 2 : i32
      %add3A_1199 = arith.addi %mul3A_1197, %add3A_1198 : i32
      %mul3A_1200 = arith.constant 16 : i32
      %mul3A_1201 = arith.muli %add3A_1199, %mul3A_1200 : i32
      %get3A_1202 = arith.index_cast %mul3A_1201 : i32 to index
      %get3A_1203 = tpu.vector_load %arg6[%get3A_1202] {strides = array<i32>} : memref<32800xi32, #tpu.memory_space<vmem>>, vector<16xi32>,
      %bitcast3A_1204 = vector.bitcast %get3A_1203 : vector<16xi32> to vector<16xi32>
      %add3A_1205 = vector.broadcast %mul3A_1201 : i32 to vector<16xi32>
      %add3A_1206 = arith.addi %add3A_1205, %iota3A : vector<16xi32>
      %lt3A_1207 = vector.broadcast %squeeze3A : i32 to vector<16xi32>
      %lt3A_1208 = arith.cmpi slt, %add3A_1206, %lt3A_1207 : vector<16xi32>
      %shift_right_logical3A_1209 = arith.constant 16 : i32
      %shift_right_logical3A_1210 = vector.broadcast %shift_right_logical3A_1209 : i32 to vector<16xi32>
      %shift_right_logical3A_1211 = arith.shrui %bitcast3A_1204, %shift_right_logical3A_1210 : vector<16xi32>
      %and3A_1212 = arith.constant 255 : i32
      %and3A_1213 = vector.broadcast %and3A_1212 : i32 to vector<16xi32>
      %and3A_1214 = arith.andi %shift_right_logical3A_1211, %and3A_1213 : vector<16xi32>
      %eq3A_1215 = vector.broadcast %select_n3A_269 : i32 to vector<16xi32>
      %eq3A_1216 = arith.cmpi eq, %and3A_1214, %eq3A_1215 : vector<16xi32>
      %and3A_1217 = arith.andi %lt3A_1208, %eq3A_1216 : vector<16xi1>
      %shift_right_logical3A_1218 = arith.constant 8 : i32
      %shift_right_logical3A_1219 = vector.broadcast %shift_right_logical3A_1218 : i32 to vector<16xi32>
      %shift_right_logical3A_1220 = arith.shrui %bitcast3A_1204, %shift_right_logical3A_1219 : vector<16xi32>
      %and3A_1221 = arith.constant 255 : i32
      %and3A_1222 = vector.broadcast %and3A_1221 : i32 to vector<16xi32>
      %and3A_1223 = arith.andi %shift_right_logical3A_1220, %and3A_1222 : vector<16xi32>
      %shift_left3A_1224 = arith.constant 4 : i32
      %shift_left3A_1225 = vector.broadcast %shift_left3A_1224 : i32 to vector<16xi32>
      %shift_left3A_1226 = arith.shli %and3A_1223, %shift_left3A_1225 : vector<16xi32>
      %add3A_1227 = arith.addi %shift_left3A_1226, %iota3A : vector<16xi32>
      tpu.vector_store_idx %arg8[%add3A_1227], %broadcast_in_dim3A_1 masked %and3A_1217 {add = true} : memref<4224xi32, #tpu.memory_space<vmem>>[vector<16xi32>], vector<16xi32>, vector<16xi1>
      %mul3A_1228 = arith.constant 4 : i32
      %mul3A_1229 = arith.muli %while3A_1134, %mul3A_1228 : i32
      %add3A_1230 = arith.constant 3 : i32
      %add3A_1231 = arith.addi %mul3A_1229, %add3A_1230 : i32
      %mul3A_1232 = arith.constant 16 : i32
      %mul3A_1233 = arith.muli %add3A_1231, %mul3A_1232 : i32
      %get3A_1234 = arith.index_cast %mul3A_1233 : i32 to index
      %get3A_1235 = tpu.vector_load %arg6[%get3A_1234] {strides = array<i32>} : memref<32800xi32, #tpu.memory_space<vmem>>, vector<16xi32>,
      %bitcast3A_1236 = vector.bitcast %get3A_1235 : vector<16xi32> to vector<16xi32>
      %add3A_1237 = vector.broadcast %mul3A_1233 : i32 to vector<16xi32>
      %add3A_1238 = arith.addi %add3A_1237, %iota3A : vector<16xi32>
      %lt3A_1239 = vector.broadcast %squeeze3A : i32 to vector<16xi32>
      %lt3A_1240 = arith.cmpi slt, %add3A_1238, %lt3A_1239 : vector<16xi32>
      %shift_right_logical3A_1241 = arith.constant 16 : i32
      %shift_right_logical3A_1242 = vector.broadcast %shift_right_logical3A_1241 : i32 to vector<16xi32>
      %shift_right_logical3A_1243 = arith.shrui %bitcast3A_1236, %shift_right_logical3A_1242 : vector<16xi32>
      %and3A_1244 = arith.constant 255 : i32
      %and3A_1245 = vector.broadcast %and3A_1244 : i32 to vector<16xi32>
      %and3A_1246 = arith.andi %shift_right_logical3A_1243, %and3A_1245 : vector<16xi32>
      %eq3A_1247 = vector.broadcast %select_n3A_269 : i32 to vector<16xi32>
      %eq3A_1248 = arith.cmpi eq, %and3A_1246, %eq3A_1247 : vector<16xi32>
      %and3A_1249 = arith.andi %lt3A_1240, %eq3A_1248 : vector<16xi1>
      %shift_right_logical3A_1250 = arith.constant 8 : i32
      %shift_right_logical3A_1251 = vector.broadcast %shift_right_logical3A_1250 : i32 to vector<16xi32>
      %shift_right_logical3A_1252 = arith.shrui %bitcast3A_1236, %shift_right_logical3A_1251 : vector<16xi32>
      %and3A_1253 = arith.constant 255 : i32
      %and3A_1254 = vector.broadcast %and3A_1253 : i32 to vector<16xi32>
      %and3A_1255 = arith.andi %shift_right_logical3A_1252, %and3A_1254 : vector<16xi32>
      %shift_left3A_1256 = arith.constant 4 : i32
      %shift_left3A_1257 = vector.broadcast %shift_left3A_1256 : i32 to vector<16xi32>
      %shift_left3A_1258 = arith.shli %and3A_1255, %shift_left3A_1257 : vector<16xi32>
      %add3A_1259 = arith.addi %shift_left3A_1258, %iota3A : vector<16xi32>
      tpu.vector_store_idx %arg8[%add3A_1259], %broadcast_in_dim3A_1 masked %and3A_1249 {add = true} : memref<4224xi32, #tpu.memory_space<vmem>>[vector<16xi32>], vector<16xi32>, vector<16xi1>
      %while3A_1260 = arith.constant 0 : i32
      scf.yield %while3A_1260 : i32
    }
    %while3A_294 = arith.constant 1 : i32
    %while3A_295 = scf.for %while3A_1134 = %while3A_291 to %while3A_287 step %while3A_294 iter_args(%while3A_1135 = %while3A_293) -> (i32)  : i32 {
      %mul3A_1136 = arith.constant 4 : i32
      %mul3A_1137 = arith.muli %while3A_1134, %mul3A_1136 : i32
      %add3A_1138 = arith.constant 0 : i32
      %add3A_1139 = arith.addi %mul3A_1137, %add3A_1138 : i32
      %mul3A_1140 = arith.constant 16 : i32
      %mul3A_1141 = arith.muli %add3A_1139, %mul3A_1140 : i32
      %get3A_1142 = arith.index_cast %mul3A_1141 : i32 to index
      %get3A_1143 = tpu.vector_load %arg6[%get3A_1142] {strides = array<i32>} : memref<32800xi32, #tpu.memory_space<vmem>>, vector<16xi32>,
      %bitcast3A = vector.bitcast %get3A_1143 : vector<16xi32> to vector<16xi32>
      %add3A_1144 = vector.broadcast %mul3A_1141 : i32 to vector<16xi32>
      %add3A_1145 = arith.addi %add3A_1144, %iota3A : vector<16xi32>
      %lt3A = vector.broadcast %squeeze3A : i32 to vector<16xi32>
      %lt3A_1146 = arith.cmpi slt, %add3A_1145, %lt3A : vector<16xi32>
      %shift_right_logical3A = arith.constant 16 : i32
      %shift_right_logical3A_1147 = vector.broadcast %shift_right_logical3A : i32 to vector<16xi32>
      %shift_right_logical3A_1148 = arith.shrui %bitcast3A, %shift_right_logical3A_1147 : vector<16xi32>
      %and3A_1149 = arith.constant 255 : i32
      %and3A_1150 = vector.broadcast %and3A_1149 : i32 to vector<16xi32>
      %and3A_1151 = arith.andi %shift_right_logical3A_1148, %and3A_1150 : vector<16xi32>
      %eq3A = vector.broadcast %select_n3A_269 : i32 to vector<16xi32>
      %eq3A_1152 = arith.cmpi eq, %and3A_1151, %eq3A : vector<16xi32>
      %and3A_1153 = arith.andi %lt3A_1146, %eq3A_1152 : vector<16xi1>
      %shift_right_logical3A_1154 = arith.constant 8 : i32
      %shift_right_logical3A_1155 = vector.broadcast %shift_right_logical3A_1154 : i32 to vector<16xi32>
      %shift_right_logical3A_1156 = arith.shrui %bitcast3A, %shift_right_logical3A_1155 : vector<16xi32>
      %and3A_1157 = arith.constant 255 : i32
      %and3A_1158 = vector.broadcast %and3A_1157 : i32 to vector<16xi32>
      %and3A_1159 = arith.andi %shift_right_logical3A_1156, %and3A_1158 : vector<16xi32>
      %shift_left3A_1160 = arith.constant 4 : i32
      %shift_left3A_1161 = vector.broadcast %shift_left3A_1160 : i32 to vector<16xi32>
      %shift_left3A_1162 = arith.shli %and3A_1159, %shift_left3A_1161 : vector<16xi32>
      %add3A_1163 = arith.addi %shift_left3A_1162, %iota3A : vector<16xi32>
      tpu.vector_store_idx %arg8[%add3A_1163], %broadcast_in_dim3A_1 masked %and3A_1153 {add = true} : memref<4224xi32, #tpu.memory_space<vmem>>[vector<16xi32>], vector<16xi32>, vector<16xi1>
      %mul3A_1164 = arith.constant 4 : i32
      %mul3A_1165 = arith.muli %while3A_1134, %mul3A_1164 : i32
      %add3A_1166 = arith.constant 1 : i32
      %add3A_1167 = arith.addi %mul3A_1165, %add3A_1166 : i32
      %mul3A_1168 = arith.constant 16 : i32
      %mul3A_1169 = arith.muli %add3A_1167, %mul3A_1168 : i32
      %get3A_1170 = arith.index_cast %mul3A_1169 : i32 to index
      %get3A_1171 = tpu.vector_load %arg6[%get3A_1170] {strides = array<i32>} : memref<32800xi32, #tpu.memory_space<vmem>>, vector<16xi32>,
      %bitcast3A_1172 = vector.bitcast %get3A_1171 : vector<16xi32> to vector<16xi32>
      %add3A_1173 = vector.broadcast %mul3A_1169 : i32 to vector<16xi32>
      %add3A_1174 = arith.addi %add3A_1173, %iota3A : vector<16xi32>
      %lt3A_1175 = vector.broadcast %squeeze3A : i32 to vector<16xi32>
      %lt3A_1176 = arith.cmpi slt, %add3A_1174, %lt3A_1175 : vector<16xi32>
      %shift_right_logical3A_1177 = arith.constant 16 : i32
      %shift_right_logical3A_1178 = vector.broadcast %shift_right_logical3A_1177 : i32 to vector<16xi32>
      %shift_right_logical3A_1179 = arith.shrui %bitcast3A_1172, %shift_right_logical3A_1178 : vector<16xi32>
      %and3A_1180 = arith.constant 255 : i32
      %and3A_1181 = vector.broadcast %and3A_1180 : i32 to vector<16xi32>
      %and3A_1182 = arith.andi %shift_right_logical3A_1179, %and3A_1181 : vector<16xi32>
      %eq3A_1183 = vector.broadcast %select_n3A_269 : i32 to vector<16xi32>
      %eq3A_1184 = arith.cmpi eq, %and3A_1182, %eq3A_1183 : vector<16xi32>
      %and3A_1185 = arith.andi %lt3A_1176, %eq3A_1184 : vector<16xi1>
      %shift_right_logical3A_1186 = arith.constant 8 : i32
      %shift_right_logical3A_1187 = vector.broadcast %shift_right_logical3A_1186 : i32 to vector<16xi32>
      %shift_right_logical3A_1188 = arith.shrui %bitcast3A_1172, %shift_right_logical3A_1187 : vector<16xi32>
      %and3A_1189 = arith.constant 255 : i32
      %and3A_1190 = vector.broadcast %and3A_1189 : i32 to vector<16xi32>
      %and3A_1191 = arith.andi %shift_right_logical3A_1188, %and3A_1190 : vector<16xi32>
      %shift_left3A_1192 = arith.constant 4 : i32
      %shift_left3A_1193 = vector.broadcast %shift_left3A_1192 : i32 to vector<16xi32>
      %shift_left3A_1194 = arith.shli %and3A_1191, %shift_left3A_1193 : vector<16xi32>
      %add3A_1195 = arith.addi %shift_left3A_1194, %iota3A : vector<16xi32>
      tpu.vector_store_idx %arg8[%add3A_1195], %broadcast_in_dim3A_1 masked %and3A_1185 {add = true} : memref<4224xi32, #tpu.memory_space<vmem>>[vector<16xi32>], vector<16xi32>, vector<16xi1>
      %mul3A_1196 = arith.constant 4 : i32
      %mul3A_1197 = arith.muli %while3A_1134, %mul3A_1196 : i32
      %add3A_1198 = arith.constant 2 : i32
      %add3A_1199 = arith.addi %mul3A_1197, %add3A_1198 : i32
      %mul3A_1200 = arith.constant 16 : i32
      %mul3A_1201 = arith.muli %add3A_1199, %mul3A_1200 : i32
      %get3A_1202 = arith.index_cast %mul3A_1201 : i32 to index
      %get3A_1203 = tpu.vector_load %arg6[%get3A_1202] {strides = array<i32>} : memref<32800xi32, #tpu.memory_space<vmem>>, vector<16xi32>,
      %bitcast3A_1204 = vector.bitcast %get3A_1203 : vector<16xi32> to vector<16xi32>
      %add3A_1205 = vector.broadcast %mul3A_1201 : i32 to vector<16xi32>
      %add3A_1206 = arith.addi %add3A_1205, %iota3A : vector<16xi32>
      %lt3A_1207 = vector.broadcast %squeeze3A : i32 to vector<16xi32>
      %lt3A_1208 = arith.cmpi slt, %add3A_1206, %lt3A_1207 : vector<16xi32>
      %shift_right_logical3A_1209 = arith.constant 16 : i32
      %shift_right_logical3A_1210 = vector.broadcast %shift_right_logical3A_1209 : i32 to vector<16xi32>
      %shift_right_logical3A_1211 = arith.shrui %bitcast3A_1204, %shift_right_logical3A_1210 : vector<16xi32>
      %and3A_1212 = arith.constant 255 : i32
      %and3A_1213 = vector.broadcast %and3A_1212 : i32 to vector<16xi32>
      %and3A_1214 = arith.andi %shift_right_logical3A_1211, %and3A_1213 : vector<16xi32>
      %eq3A_1215 = vector.broadcast %select_n3A_269 : i32 to vector<16xi32>
      %eq3A_1216 = arith.cmpi eq, %and3A_1214, %eq3A_1215 : vector<16xi32>
      %and3A_1217 = arith.andi %lt3A_1208, %eq3A_1216 : vector<16xi1>
      %shift_right_logical3A_1218 = arith.constant 8 : i32
      %shift_right_logical3A_1219 = vector.broadcast %shift_right_logical3A_1218 : i32 to vector<16xi32>
      %shift_right_logical3A_1220 = arith.shrui %bitcast3A_1204, %shift_right_logical3A_1219 : vector<16xi32>
      %and3A_1221 = arith.constant 255 : i32
      %and3A_1222 = vector.broadcast %and3A_1221 : i32 to vector<16xi32>
      %and3A_1223 = arith.andi %shift_right_logical3A_1220, %and3A_1222 : vector<16xi32>
      %shift_left3A_1224 = arith.constant 4 : i32
      %shift_left3A_1225 = vector.broadcast %shift_left3A_1224 : i32 to vector<16xi32>
      %shift_left3A_1226 = arith.shli %and3A_1223, %shift_left3A_1225 : vector<16xi32>
      %add3A_1227 = arith.addi %shift_left3A_1226, %iota3A : vector<16xi32>
      tpu.vector_store_idx %arg8[%add3A_1227], %broadcast_in_dim3A_1 masked %and3A_1217 {add = true} : memref<4224xi32, #tpu.memory_space<vmem>>[vector<16xi32>], vector<16xi32>, vector<16xi1>
      %mul3A_1228 = arith.constant 4 : i32
      %mul3A_1229 = arith.muli %while3A_1134, %mul3A_1228 : i32
      %add3A_1230 = arith.constant 3 : i32
      %add3A_1231 = arith.addi %mul3A_1229, %add3A_1230 : i32
      %mul3A_1232 = arith.constant 16 : i32
      %mul3A_1233 = arith.muli %add3A_1231, %mul3A_1232 : i32
      %get3A_1234 = arith.index_cast %mul3A_1233 : i32 to index
      %get3A_1235 = tpu.vector_load %arg6[%get3A_1234] {strides = array<i32>} : memref<32800xi32, #tpu.memory_space<vmem>>, vector<16xi32>,
      %bitcast3A_1236 = vector.bitcast %get3A_1235 : vector<16xi32> to vector<16xi32>
      %add3A_1237 = vector.broadcast %mul3A_1233 : i32 to vector<16xi32>
      %add3A_1238 = arith.addi %add3A_1237, %iota3A : vector<16xi32>
      %lt3A_1239 = vector.broadcast %squeeze3A : i32 to vector<16xi32>
      %lt3A_1240 = arith.cmpi slt, %add3A_1238, %lt3A_1239 : vector<16xi32>
      %shift_right_logical3A_1241 = arith.constant 16 : i32
      %shift_right_logical3A_1242 = vector.broadcast %shift_right_logical3A_1241 : i32 to vector<16xi32>
      %shift_right_logical3A_1243 = arith.shrui %bitcast3A_1236, %shift_right_logical3A_1242 : vector<16xi32>
      %and3A_1244 = arith.constant 255 : i32
      %and3A_1245 = vector.broadcast %and3A_1244 : i32 to vector<16xi32>
      %and3A_1246 = arith.andi %shift_right_logical3A_1243, %and3A_1245 : vector<16xi32>
      %eq3A_1247 = vector.broadcast %select_n3A_269 : i32 to vector<16xi32>
      %eq3A_1248 = arith.cmpi eq, %and3A_1246, %eq3A_1247 : vector<16xi32>
      %and3A_1249 = arith.andi %lt3A_1240, %eq3A_1248 : vector<16xi1>
      %shift_right_logical3A_1250 = arith.constant 8 : i32
      %shift_right_logical3A_1251 = vector.broadcast %shift_right_logical3A_1250 : i32 to vector<16xi32>
      %shift_right_logical3A_1252 = arith.shrui %bitcast3A_1236, %shift_right_logical3A_1251 : vector<16xi32>
      %and3A_1253 = arith.constant 255 : i32
      %and3A_1254 = vector.broadcast %and3A_1253 : i32 to vector<16xi32>
      %and3A_1255 = arith.andi %shift_right_logical3A_1252, %and3A_1254 : vector<16xi32>
      %shift_left3A_1256 = arith.constant 4 : i32
      %shift_left3A_1257 = vector.broadcast %shift_left3A_1256 : i32 to vector<16xi32>
      %shift_left3A_1258 = arith.shli %and3A_1255, %shift_left3A_1257 : vector<16xi32>
      %add3A_1259 = arith.addi %shift_left3A_1258, %iota3A : vector<16xi32>
      tpu.vector_store_idx %arg8[%add3A_1259], %broadcast_in_dim3A_1 masked %and3A_1249 {add = true} : memref<4224xi32, #tpu.memory_space<vmem>>[vector<16xi32>], vector<16xi32>, vector<16xi1>
      %while3A_1260 = arith.constant 0 : i32
      scf.yield %while3A_1260 : i32
    }
    %parallel_loop3A_296 = arith.constant 0 : i32
    %parallel_loop3A_297 = arith.constant 256 : i32
    %parallel_loop3A_298 = arith.constant 1 : i32
    %parallel_loop3A_299 = scf.for %parallel_loop3A_1134 = %parallel_loop3A_296 to %parallel_loop3A_297 step %parallel_loop3A_298 iter_args(%parallel_loop3A_1135 = %broadcast_in_dim3A_3) -> (vector<16xi32>)  : i32 {
      %parallel_loop3A_1136 = arith.constant 255 : i32
      %parallel_loop3A_1137 = arith.subi %parallel_loop3A_1136, %parallel_loop3A_1134 : i32
      %parallel_loop3A_1138 = arith.constant 16 : i32
      %parallel_loop3A_1139 = arith.muli %parallel_loop3A_1137, %parallel_loop3A_1138 : i32
      %parallel_loop3A_1140 = arith.index_cast %parallel_loop3A_1139 : i32 to index
      %parallel_loop3A_1141 = tpu.vector_load %arg8[%parallel_loop3A_1140] {strides = array<i32>} : memref<4224xi32, #tpu.memory_space<vmem>>, vector<16xi32>,
      %parallel_loop3A_1142 = arith.addi %parallel_loop3A_1135, %parallel_loop3A_1141 : vector<16xi32>
      %parallel_loop3A_1143 = arith.constant 16 : i32
      %parallel_loop3A_1144 = arith.muli %parallel_loop3A_1137, %parallel_loop3A_1143 : i32
      %parallel_loop3A_1145 = arith.index_cast %parallel_loop3A_1144 : i32 to index
      %parallel_loop3A_1146 = tpu.vector_load %arg8[%parallel_loop3A_1145] {strides = array<i32>} : memref<4224xi32, #tpu.memory_space<vmem>>, vector<16xi32>,
      tpu.vector_store %arg8[%parallel_loop3A_1145], %parallel_loop3A_1142 {strides = array<i32>} : memref<4224xi32, #tpu.memory_space<vmem>>, vector<16xi32>,
      scf.yield %parallel_loop3A_1142 : vector<16xi32>
    } {sc.loop_unroll_factor = 4 : i64, sc.parallel_access}
    %add3A_300 = arith.constant 0 : i32
    %add3A_301 = arith.constant 128 : i32
    %add3A_302 = arith.addi %add3A_300, %add3A_301 : i32
    %mul3A_303 = arith.constant 16 : i32
    %mul3A_304 = arith.muli %add3A_302, %mul3A_303 : i32
    %get3A_305 = arith.index_cast %mul3A_304 : i32 to index
    %get3A_306 = tpu.vector_load %arg8[%get3A_305] {strides = array<i32>} : memref<4224xi32, #tpu.memory_space<vmem>>, vector<16xi32>,
    %reduce_sum3A_307 = arith.constant true
    %reduce_sum3A_308 = vector.broadcast %reduce_sum3A_307 : i1 to vector<16xi1>
    %reduce_sum3A_309 = tpu.scan <sum>, %get3A_306 masked %reduce_sum3A_308 : vector<16xi32>, vector<16xi1> -> vector<16xi32>
    %reduce_sum3A_310 = vector.extract %reduce_sum3A_309[15] : i32 from vector<16xi32>
    %ge3A_311 = arith.cmpi sge, %reduce_sum3A_310, %sub3A_280 : i32
    %jit3A_312 = arith.constant 0 : i32
    %select_n3A_313 = arith.select %ge3A_311, %add3A_302, %jit3A_312 : i32
    %add3A_314 = arith.constant 64 : i32
    %add3A_315 = arith.addi %select_n3A_313, %add3A_314 : i32
    %mul3A_316 = arith.constant 16 : i32
    %mul3A_317 = arith.muli %add3A_315, %mul3A_316 : i32
    %get3A_318 = arith.index_cast %mul3A_317 : i32 to index
    %get3A_319 = tpu.vector_load %arg8[%get3A_318] {strides = array<i32>} : memref<4224xi32, #tpu.memory_space<vmem>>, vector<16xi32>,
    %reduce_sum3A_320 = arith.constant true
    %reduce_sum3A_321 = vector.broadcast %reduce_sum3A_320 : i1 to vector<16xi1>
    %reduce_sum3A_322 = tpu.scan <sum>, %get3A_319 masked %reduce_sum3A_321 : vector<16xi32>, vector<16xi1> -> vector<16xi32>
    %reduce_sum3A_323 = vector.extract %reduce_sum3A_322[15] : i32 from vector<16xi32>
    %ge3A_324 = arith.cmpi sge, %reduce_sum3A_323, %sub3A_280 : i32
    %select_n3A_325 = arith.select %ge3A_324, %add3A_315, %select_n3A_313 : i32
    %add3A_326 = arith.constant 32 : i32
    %add3A_327 = arith.addi %select_n3A_325, %add3A_326 : i32
    %mul3A_328 = arith.constant 16 : i32
    %mul3A_329 = arith.muli %add3A_327, %mul3A_328 : i32
    %get3A_330 = arith.index_cast %mul3A_329 : i32 to index
    %get3A_331 = tpu.vector_load %arg8[%get3A_330] {strides = array<i32>} : memref<4224xi32, #tpu.memory_space<vmem>>, vector<16xi32>,
    %reduce_sum3A_332 = arith.constant true
    %reduce_sum3A_333 = vector.broadcast %reduce_sum3A_332 : i1 to vector<16xi1>
    %reduce_sum3A_334 = tpu.scan <sum>, %get3A_331 masked %reduce_sum3A_333 : vector<16xi32>, vector<16xi1> -> vector<16xi32>
    %reduce_sum3A_335 = vector.extract %reduce_sum3A_334[15] : i32 from vector<16xi32>
    %ge3A_336 = arith.cmpi sge, %reduce_sum3A_335, %sub3A_280 : i32
    %select_n3A_337 = arith.select %ge3A_336, %add3A_327, %select_n3A_325 : i32
    %add3A_338 = arith.constant 16 : i32
    %add3A_339 = arith.addi %select_n3A_337, %add3A_338 : i32
    %mul3A_340 = arith.constant 16 : i32
    %mul3A_341 = arith.muli %add3A_339, %mul3A_340 : i32
    %get3A_342 = arith.index_cast %mul3A_341 : i32 to index
    %get3A_343 = tpu.vector_load %arg8[%get3A_342] {strides = array<i32>} : memref<4224xi32, #tpu.memory_space<vmem>>, vector<16xi32>,
    %reduce_sum3A_344 = arith.constant true
    %reduce_sum3A_345 = vector.broadcast %reduce_sum3A_344 : i1 to vector<16xi1>
    %reduce_sum3A_346 = tpu.scan <sum>, %get3A_343 masked %reduce_sum3A_345 : vector<16xi32>, vector<16xi1> -> vector<16xi32>
    %reduce_sum3A_347 = vector.extract %reduce_sum3A_346[15] : i32 from vector<16xi32>
    %ge3A_348 = arith.cmpi sge, %reduce_sum3A_347, %sub3A_280 : i32
    %select_n3A_349 = arith.select %ge3A_348, %add3A_339, %select_n3A_337 : i32
    %add3A_350 = arith.constant 8 : i32
    %add3A_351 = arith.addi %select_n3A_349, %add3A_350 : i32
    %mul3A_352 = arith.constant 16 : i32
    %mul3A_353 = arith.muli %add3A_351, %mul3A_352 : i32
    %get3A_354 = arith.index_cast %mul3A_353 : i32 to index
    %get3A_355 = tpu.vector_load %arg8[%get3A_354] {strides = array<i32>} : memref<4224xi32, #tpu.memory_space<vmem>>, vector<16xi32>,
    %reduce_sum3A_356 = arith.constant true
    %reduce_sum3A_357 = vector.broadcast %reduce_sum3A_356 : i1 to vector<16xi1>
    %reduce_sum3A_358 = tpu.scan <sum>, %get3A_355 masked %reduce_sum3A_357 : vector<16xi32>, vector<16xi1> -> vector<16xi32>
    %reduce_sum3A_359 = vector.extract %reduce_sum3A_358[15] : i32 from vector<16xi32>
    %ge3A_360 = arith.cmpi sge, %reduce_sum3A_359, %sub3A_280 : i32
    %select_n3A_361 = arith.select %ge3A_360, %add3A_351, %select_n3A_349 : i32
    %add3A_362 = arith.constant 4 : i32
    %add3A_363 = arith.addi %select_n3A_361, %add3A_362 : i32
    %mul3A_364 = arith.constant 16 : i32
    %mul3A_365 = arith.muli %add3A_363, %mul3A_364 : i32
    %get3A_366 = arith.index_cast %mul3A_365 : i32 to index
    %get3A_367 = tpu.vector_load %arg8[%get3A_366] {strides = array<i32>} : memref<4224xi32, #tpu.memory_space<vmem>>, vector<16xi32>,
    %reduce_sum3A_368 = arith.constant true
    %reduce_sum3A_369 = vector.broadcast %reduce_sum3A_368 : i1 to vector<16xi1>
    %reduce_sum3A_370 = tpu.scan <sum>, %get3A_367 masked %reduce_sum3A_369 : vector<16xi32>, vector<16xi1> -> vector<16xi32>
    %reduce_sum3A_371 = vector.extract %reduce_sum3A_370[15] : i32 from vector<16xi32>
    %ge3A_372 = arith.cmpi sge, %reduce_sum3A_371, %sub3A_280 : i32
    %select_n3A_373 = arith.select %ge3A_372, %add3A_363, %select_n3A_361 : i32
    %add3A_374 = arith.constant 2 : i32
    %add3A_375 = arith.addi %select_n3A_373, %add3A_374 : i32
    %mul3A_376 = arith.constant 16 : i32
    %mul3A_377 = arith.muli %add3A_375, %mul3A_376 : i32
    %get3A_378 = arith.index_cast %mul3A_377 : i32 to index
    %get3A_379 = tpu.vector_load %arg8[%get3A_378] {strides = array<i32>} : memref<4224xi32, #tpu.memory_space<vmem>>, vector<16xi32>,
    %reduce_sum3A_380 = arith.constant true
    %reduce_sum3A_381 = vector.broadcast %reduce_sum3A_380 : i1 to vector<16xi1>
    %reduce_sum3A_382 = tpu.scan <sum>, %get3A_379 masked %reduce_sum3A_381 : vector<16xi32>, vector<16xi1> -> vector<16xi32>
    %reduce_sum3A_383 = vector.extract %reduce_sum3A_382[15] : i32 from vector<16xi32>
    %ge3A_384 = arith.cmpi sge, %reduce_sum3A_383, %sub3A_280 : i32
    %select_n3A_385 = arith.select %ge3A_384, %add3A_375, %select_n3A_373 : i32
    %add3A_386 = arith.constant 1 : i32
    %add3A_387 = arith.addi %select_n3A_385, %add3A_386 : i32
    %mul3A_388 = arith.constant 16 : i32
    %mul3A_389 = arith.muli %add3A_387, %mul3A_388 : i32
    %get3A_390 = arith.index_cast %mul3A_389 : i32 to index
    %get3A_391 = tpu.vector_load %arg8[%get3A_390] {strides = array<i32>} : memref<4224xi32, #tpu.memory_space<vmem>>, vector<16xi32>,
    %reduce_sum3A_392 = arith.constant true
    %reduce_sum3A_393 = vector.broadcast %reduce_sum3A_392 : i1 to vector<16xi1>
    %reduce_sum3A_394 = tpu.scan <sum>, %get3A_391 masked %reduce_sum3A_393 : vector<16xi32>, vector<16xi1> -> vector<16xi32>
    %reduce_sum3A_395 = vector.extract %reduce_sum3A_394[15] : i32 from vector<16xi32>
    %ge3A_396 = arith.cmpi sge, %reduce_sum3A_395, %sub3A_280 : i32
    %select_n3A_397 = arith.select %ge3A_396, %add3A_387, %select_n3A_385 : i32
    %add3A_398 = arith.constant 1 : i32
    %add3A_399 = arith.addi %select_n3A_397, %add3A_398 : i32
    %mul3A_400 = arith.constant 16 : i32
    %mul3A_401 = arith.muli %add3A_399, %mul3A_400 : i32
    %get3A_402 = arith.index_cast %mul3A_401 : i32 to index
    %get3A_403 = tpu.vector_load %arg8[%get3A_402] {strides = array<i32>} : memref<4224xi32, #tpu.memory_space<vmem>>, vector<16xi32>,
    %reduce_sum3A_404 = arith.constant true
    %reduce_sum3A_405 = vector.broadcast %reduce_sum3A_404 : i1 to vector<16xi1>
    %reduce_sum3A_406 = tpu.scan <sum>, %get3A_403 masked %reduce_sum3A_405 : vector<16xi32>, vector<16xi1> -> vector<16xi32>
    %reduce_sum3A_407 = vector.extract %reduce_sum3A_406[15] : i32 from vector<16xi32>
    %sub3A_408 = arith.subi %sub3A_280, %reduce_sum3A_407 : i32
    %parallel_loop3A_409 = arith.constant 0 : i32
    %parallel_loop3A_410 = arith.constant 264 : i32
    %parallel_loop3A_411 = arith.constant 1 : i32
    scf.for %parallel_loop3A_1134 = %parallel_loop3A_409 to %parallel_loop3A_410 step %parallel_loop3A_411  : i32 {
      %parallel_loop3A_1135 = arith.constant 16 : i32
      %parallel_loop3A_1136 = arith.muli %parallel_loop3A_1134, %parallel_loop3A_1135 : i32
      %parallel_loop3A_1137 = arith.index_cast %parallel_loop3A_1136 : i32 to index
      %parallel_loop3A_1138 = tpu.vector_load %arg8[%parallel_loop3A_1137] {strides = array<i32>} : memref<4224xi32, #tpu.memory_space<vmem>>, vector<16xi32>,
      tpu.vector_store %arg8[%parallel_loop3A_1137], %broadcast_in_dim3A_3 {strides = array<i32>} : memref<4224xi32, #tpu.memory_space<vmem>>, vector<16xi32>,
    } {sc.loop_unroll_factor = 8 : i64, sc.parallel_access}
    %while3A_412 = arith.constant 0 : i32
    %while3A_413 = arith.constant 0 : i32
    %while3A_414 = arith.subi %select_n3A_153, %while3A_412 : i32
    %while3A_415 = arith.addi %while3A_412, %while3A_414 : i32
    %while3A_416 = arith.constant 1 : i32
    %while3A_417 = arith.divsi %while3A_414, %while3A_416 : i32
    %while3A_418 = arith.muli %while3A_417, %while3A_416 : i32
    %while3A_419 = arith.addi %while3A_412, %while3A_418 : i32
    %while3A_420 = arith.constant 1 : i32
    %while3A_421 = scf.for %while3A_1134 = %while3A_412 to %while3A_419 step %while3A_420 iter_args(%while3A_1135 = %while3A_413) -> (i32)  : i32 {
      %mul3A_1136 = arith.constant 4 : i32
      %mul3A_1137 = arith.muli %while3A_1134, %mul3A_1136 : i32
      %add3A_1138 = arith.constant 0 : i32
      %add3A_1139 = arith.addi %mul3A_1137, %add3A_1138 : i32
      %mul3A_1140 = arith.constant 16 : i32
      %mul3A_1141 = arith.muli %add3A_1139, %mul3A_1140 : i32
      %get3A_1142 = arith.index_cast %mul3A_1141 : i32 to index
      %get3A_1143 = tpu.vector_load %arg6[%get3A_1142] {strides = array<i32>} : memref<32800xi32, #tpu.memory_space<vmem>>, vector<16xi32>,
      %bitcast3A = vector.bitcast %get3A_1143 : vector<16xi32> to vector<16xi32>
      %add3A_1144 = vector.broadcast %mul3A_1141 : i32 to vector<16xi32>
      %add3A_1145 = arith.addi %add3A_1144, %iota3A : vector<16xi32>
      %lt3A = vector.broadcast %squeeze3A : i32 to vector<16xi32>
      %lt3A_1146 = arith.cmpi slt, %add3A_1145, %lt3A : vector<16xi32>
      %shift_right_logical3A = arith.constant 16 : i32
      %shift_right_logical3A_1147 = vector.broadcast %shift_right_logical3A : i32 to vector<16xi32>
      %shift_right_logical3A_1148 = arith.shrui %bitcast3A, %shift_right_logical3A_1147 : vector<16xi32>
      %and3A_1149 = arith.constant 255 : i32
      %and3A_1150 = vector.broadcast %and3A_1149 : i32 to vector<16xi32>
      %and3A_1151 = arith.andi %shift_right_logical3A_1148, %and3A_1150 : vector<16xi32>
      %eq3A = vector.broadcast %select_n3A_269 : i32 to vector<16xi32>
      %eq3A_1152 = arith.cmpi eq, %and3A_1151, %eq3A : vector<16xi32>
      %and3A_1153 = arith.andi %lt3A_1146, %eq3A_1152 : vector<16xi1>
      %shift_right_logical3A_1154 = arith.constant 8 : i32
      %shift_right_logical3A_1155 = vector.broadcast %shift_right_logical3A_1154 : i32 to vector<16xi32>
      %shift_right_logical3A_1156 = arith.shrui %bitcast3A, %shift_right_logical3A_1155 : vector<16xi32>
      %and3A_1157 = arith.constant 255 : i32
      %and3A_1158 = vector.broadcast %and3A_1157 : i32 to vector<16xi32>
      %and3A_1159 = arith.andi %shift_right_logical3A_1156, %and3A_1158 : vector<16xi32>
      %eq3A_1160 = vector.broadcast %select_n3A_397 : i32 to vector<16xi32>
      %eq3A_1161 = arith.cmpi eq, %and3A_1159, %eq3A_1160 : vector<16xi32>
      %and3A_1162 = arith.andi %and3A_1153, %eq3A_1161 : vector<16xi1>
      %shift_right_logical3A_1163 = arith.constant 0 : i32
      %shift_right_logical3A_1164 = vector.broadcast %shift_right_logical3A_1163 : i32 to vector<16xi32>
      %shift_right_logical3A_1165 = arith.shrui %bitcast3A, %shift_right_logical3A_1164 : vector<16xi32>
      %and3A_1166 = arith.constant 255 : i32
      %and3A_1167 = vector.broadcast %and3A_1166 : i32 to vector<16xi32>
      %and3A_1168 = arith.andi %shift_right_logical3A_1165, %and3A_1167 : vector<16xi32>
      %shift_left3A_1169 = arith.constant 4 : i32
      %shift_left3A_1170 = vector.broadcast %shift_left3A_1169 : i32 to vector<16xi32>
      %shift_left3A_1171 = arith.shli %and3A_1168, %shift_left3A_1170 : vector<16xi32>
      %add3A_1172 = arith.addi %shift_left3A_1171, %iota3A : vector<16xi32>
      tpu.vector_store_idx %arg8[%add3A_1172], %broadcast_in_dim3A_1 masked %and3A_1162 {add = true} : memref<4224xi32, #tpu.memory_space<vmem>>[vector<16xi32>], vector<16xi32>, vector<16xi1>
      %mul3A_1173 = arith.constant 4 : i32
      %mul3A_1174 = arith.muli %while3A_1134, %mul3A_1173 : i32
      %add3A_1175 = arith.constant 1 : i32
      %add3A_1176 = arith.addi %mul3A_1174, %add3A_1175 : i32
      %mul3A_1177 = arith.constant 16 : i32
      %mul3A_1178 = arith.muli %add3A_1176, %mul3A_1177 : i32
      %get3A_1179 = arith.index_cast %mul3A_1178 : i32 to index
      %get3A_1180 = tpu.vector_load %arg6[%get3A_1179] {strides = array<i32>} : memref<32800xi32, #tpu.memory_space<vmem>>, vector<16xi32>,
      %bitcast3A_1181 = vector.bitcast %get3A_1180 : vector<16xi32> to vector<16xi32>
      %add3A_1182 = vector.broadcast %mul3A_1178 : i32 to vector<16xi32>
      %add3A_1183 = arith.addi %add3A_1182, %iota3A : vector<16xi32>
      %lt3A_1184 = vector.broadcast %squeeze3A : i32 to vector<16xi32>
      %lt3A_1185 = arith.cmpi slt, %add3A_1183, %lt3A_1184 : vector<16xi32>
      %shift_right_logical3A_1186 = arith.constant 16 : i32
      %shift_right_logical3A_1187 = vector.broadcast %shift_right_logical3A_1186 : i32 to vector<16xi32>
      %shift_right_logical3A_1188 = arith.shrui %bitcast3A_1181, %shift_right_logical3A_1187 : vector<16xi32>
      %and3A_1189 = arith.constant 255 : i32
      %and3A_1190 = vector.broadcast %and3A_1189 : i32 to vector<16xi32>
      %and3A_1191 = arith.andi %shift_right_logical3A_1188, %and3A_1190 : vector<16xi32>
      %eq3A_1192 = vector.broadcast %select_n3A_269 : i32 to vector<16xi32>
      %eq3A_1193 = arith.cmpi eq, %and3A_1191, %eq3A_1192 : vector<16xi32>
      %and3A_1194 = arith.andi %lt3A_1185, %eq3A_1193 : vector<16xi1>
      %shift_right_logical3A_1195 = arith.constant 8 : i32
      %shift_right_logical3A_1196 = vector.broadcast %shift_right_logical3A_1195 : i32 to vector<16xi32>
      %shift_right_logical3A_1197 = arith.shrui %bitcast3A_1181, %shift_right_logical3A_1196 : vector<16xi32>
      %and3A_1198 = arith.constant 255 : i32
      %and3A_1199 = vector.broadcast %and3A_1198 : i32 to vector<16xi32>
      %and3A_1200 = arith.andi %shift_right_logical3A_1197, %and3A_1199 : vector<16xi32>
      %eq3A_1201 = vector.broadcast %select_n3A_397 : i32 to vector<16xi32>
      %eq3A_1202 = arith.cmpi eq, %and3A_1200, %eq3A_1201 : vector<16xi32>
      %and3A_1203 = arith.andi %and3A_1194, %eq3A_1202 : vector<16xi1>
      %shift_right_logical3A_1204 = arith.constant 0 : i32
      %shift_right_logical3A_1205 = vector.broadcast %shift_right_logical3A_1204 : i32 to vector<16xi32>
      %shift_right_logical3A_1206 = arith.shrui %bitcast3A_1181, %shift_right_logical3A_1205 : vector<16xi32>
      %and3A_1207 = arith.constant 255 : i32
      %and3A_1208 = vector.broadcast %and3A_1207 : i32 to vector<16xi32>
      %and3A_1209 = arith.andi %shift_right_logical3A_1206, %and3A_1208 : vector<16xi32>
      %shift_left3A_1210 = arith.constant 4 : i32
      %shift_left3A_1211 = vector.broadcast %shift_left3A_1210 : i32 to vector<16xi32>
      %shift_left3A_1212 = arith.shli %and3A_1209, %shift_left3A_1211 : vector<16xi32>
      %add3A_1213 = arith.addi %shift_left3A_1212, %iota3A : vector<16xi32>
      tpu.vector_store_idx %arg8[%add3A_1213], %broadcast_in_dim3A_1 masked %and3A_1203 {add = true} : memref<4224xi32, #tpu.memory_space<vmem>>[vector<16xi32>], vector<16xi32>, vector<16xi1>
      %mul3A_1214 = arith.constant 4 : i32
      %mul3A_1215 = arith.muli %while3A_1134, %mul3A_1214 : i32
      %add3A_1216 = arith.constant 2 : i32
      %add3A_1217 = arith.addi %mul3A_1215, %add3A_1216 : i32
      %mul3A_1218 = arith.constant 16 : i32
      %mul3A_1219 = arith.muli %add3A_1217, %mul3A_1218 : i32
      %get3A_1220 = arith.index_cast %mul3A_1219 : i32 to index
      %get3A_1221 = tpu.vector_load %arg6[%get3A_1220] {strides = array<i32>} : memref<32800xi32, #tpu.memory_space<vmem>>, vector<16xi32>,
      %bitcast3A_1222 = vector.bitcast %get3A_1221 : vector<16xi32> to vector<16xi32>
      %add3A_1223 = vector.broadcast %mul3A_1219 : i32 to vector<16xi32>
      %add3A_1224 = arith.addi %add3A_1223, %iota3A : vector<16xi32>
      %lt3A_1225 = vector.broadcast %squeeze3A : i32 to vector<16xi32>
      %lt3A_1226 = arith.cmpi slt, %add3A_1224, %lt3A_1225 : vector<16xi32>
      %shift_right_logical3A_1227 = arith.constant 16 : i32
      %shift_right_logical3A_1228 = vector.broadcast %shift_right_logical3A_1227 : i32 to vector<16xi32>
      %shift_right_logical3A_1229 = arith.shrui %bitcast3A_1222, %shift_right_logical3A_1228 : vector<16xi32>
      %and3A_1230 = arith.constant 255 : i32
      %and3A_1231 = vector.broadcast %and3A_1230 : i32 to vector<16xi32>
      %and3A_1232 = arith.andi %shift_right_logical3A_1229, %and3A_1231 : vector<16xi32>
      %eq3A_1233 = vector.broadcast %select_n3A_269 : i32 to vector<16xi32>
      %eq3A_1234 = arith.cmpi eq, %and3A_1232, %eq3A_1233 : vector<16xi32>
      %and3A_1235 = arith.andi %lt3A_1226, %eq3A_1234 : vector<16xi1>
      %shift_right_logical3A_1236 = arith.constant 8 : i32
      %shift_right_logical3A_1237 = vector.broadcast %shift_right_logical3A_1236 : i32 to vector<16xi32>
      %shift_right_logical3A_1238 = arith.shrui %bitcast3A_1222, %shift_right_logical3A_1237 : vector<16xi32>
      %and3A_1239 = arith.constant 255 : i32
      %and3A_1240 = vector.broadcast %and3A_1239 : i32 to vector<16xi32>
      %and3A_1241 = arith.andi %shift_right_logical3A_1238, %and3A_1240 : vector<16xi32>
      %eq3A_1242 = vector.broadcast %select_n3A_397 : i32 to vector<16xi32>
      %eq3A_1243 = arith.cmpi eq, %and3A_1241, %eq3A_1242 : vector<16xi32>
      %and3A_1244 = arith.andi %and3A_1235, %eq3A_1243 : vector<16xi1>
      %shift_right_logical3A_1245 = arith.constant 0 : i32
      %shift_right_logical3A_1246 = vector.broadcast %shift_right_logical3A_1245 : i32 to vector<16xi32>
      %shift_right_logical3A_1247 = arith.shrui %bitcast3A_1222, %shift_right_logical3A_1246 : vector<16xi32>
      %and3A_1248 = arith.constant 255 : i32
      %and3A_1249 = vector.broadcast %and3A_1248 : i32 to vector<16xi32>
      %and3A_1250 = arith.andi %shift_right_logical3A_1247, %and3A_1249 : vector<16xi32>
      %shift_left3A_1251 = arith.constant 4 : i32
      %shift_left3A_1252 = vector.broadcast %shift_left3A_1251 : i32 to vector<16xi32>
      %shift_left3A_1253 = arith.shli %and3A_1250, %shift_left3A_1252 : vector<16xi32>
      %add3A_1254 = arith.addi %shift_left3A_1253, %iota3A : vector<16xi32>
      tpu.vector_store_idx %arg8[%add3A_1254], %broadcast_in_dim3A_1 masked %and3A_1244 {add = true} : memref<4224xi32, #tpu.memory_space<vmem>>[vector<16xi32>], vector<16xi32>, vector<16xi1>
      %mul3A_1255 = arith.constant 4 : i32
      %mul3A_1256 = arith.muli %while3A_1134, %mul3A_1255 : i32
      %add3A_1257 = arith.constant 3 : i32
      %add3A_1258 = arith.addi %mul3A_1256, %add3A_1257 : i32
      %mul3A_1259 = arith.constant 16 : i32
      %mul3A_1260 = arith.muli %add3A_1258, %mul3A_1259 : i32
      %get3A_1261 = arith.index_cast %mul3A_1260 : i32 to index
      %get3A_1262 = tpu.vector_load %arg6[%get3A_1261] {strides = array<i32>} : memref<32800xi32, #tpu.memory_space<vmem>>, vector<16xi32>,
      %bitcast3A_1263 = vector.bitcast %get3A_1262 : vector<16xi32> to vector<16xi32>
      %add3A_1264 = vector.broadcast %mul3A_1260 : i32 to vector<16xi32>
      %add3A_1265 = arith.addi %add3A_1264, %iota3A : vector<16xi32>
      %lt3A_1266 = vector.broadcast %squeeze3A : i32 to vector<16xi32>
      %lt3A_1267 = arith.cmpi slt, %add3A_1265, %lt3A_1266 : vector<16xi32>
      %shift_right_logical3A_1268 = arith.constant 16 : i32
      %shift_right_logical3A_1269 = vector.broadcast %shift_right_logical3A_1268 : i32 to vector<16xi32>
      %shift_right_logical3A_1270 = arith.shrui %bitcast3A_1263, %shift_right_logical3A_1269 : vector<16xi32>
      %and3A_1271 = arith.constant 255 : i32
      %and3A_1272 = vector.broadcast %and3A_1271 : i32 to vector<16xi32>
      %and3A_1273 = arith.andi %shift_right_logical3A_1270, %and3A_1272 : vector<16xi32>
      %eq3A_1274 = vector.broadcast %select_n3A_269 : i32 to vector<16xi32>
      %eq3A_1275 = arith.cmpi eq, %and3A_1273, %eq3A_1274 : vector<16xi32>
      %and3A_1276 = arith.andi %lt3A_1267, %eq3A_1275 : vector<16xi1>
      %shift_right_logical3A_1277 = arith.constant 8 : i32
      %shift_right_logical3A_1278 = vector.broadcast %shift_right_logical3A_1277 : i32 to vector<16xi32>
      %shift_right_logical3A_1279 = arith.shrui %bitcast3A_1263, %shift_right_logical3A_1278 : vector<16xi32>
      %and3A_1280 = arith.constant 255 : i32
      %and3A_1281 = vector.broadcast %and3A_1280 : i32 to vector<16xi32>
      %and3A_1282 = arith.andi %shift_right_logical3A_1279, %and3A_1281 : vector<16xi32>
      %eq3A_1283 = vector.broadcast %select_n3A_397 : i32 to vector<16xi32>
      %eq3A_1284 = arith.cmpi eq, %and3A_1282, %eq3A_1283 : vector<16xi32>
      %and3A_1285 = arith.andi %and3A_1276, %eq3A_1284 : vector<16xi1>
      %shift_right_logical3A_1286 = arith.constant 0 : i32
      %shift_right_logical3A_1287 = vector.broadcast %shift_right_logical3A_1286 : i32 to vector<16xi32>
      %shift_right_logical3A_1288 = arith.shrui %bitcast3A_1263, %shift_right_logical3A_1287 : vector<16xi32>
      %and3A_1289 = arith.constant 255 : i32
      %and3A_1290 = vector.broadcast %and3A_1289 : i32 to vector<16xi32>
      %and3A_1291 = arith.andi %shift_right_logical3A_1288, %and3A_1290 : vector<16xi32>
      %shift_left3A_1292 = arith.constant 4 : i32
      %shift_left3A_1293 = vector.broadcast %shift_left3A_1292 : i32 to vector<16xi32>
      %shift_left3A_1294 = arith.shli %and3A_1291, %shift_left3A_1293 : vector<16xi32>
      %add3A_1295 = arith.addi %shift_left3A_1294, %iota3A : vector<16xi32>
      tpu.vector_store_idx %arg8[%add3A_1295], %broadcast_in_dim3A_1 masked %and3A_1285 {add = true} : memref<4224xi32, #tpu.memory_space<vmem>>[vector<16xi32>], vector<16xi32>, vector<16xi1>
      %while3A_1296 = arith.constant 0 : i32
      scf.yield %while3A_1296 : i32
    }
    %while3A_422 = arith.constant 1 : i32
    %while3A_423 = scf.for %while3A_1134 = %while3A_419 to %while3A_415 step %while3A_422 iter_args(%while3A_1135 = %while3A_421) -> (i32)  : i32 {
      %mul3A_1136 = arith.constant 4 : i32
      %mul3A_1137 = arith.muli %while3A_1134, %mul3A_1136 : i32
      %add3A_1138 = arith.constant 0 : i32
      %add3A_1139 = arith.addi %mul3A_1137, %add3A_1138 : i32
      %mul3A_1140 = arith.constant 16 : i32
      %mul3A_1141 = arith.muli %add3A_1139, %mul3A_1140 : i32
      %get3A_1142 = arith.index_cast %mul3A_1141 : i32 to index
      %get3A_1143 = tpu.vector_load %arg6[%get3A_1142] {strides = array<i32>} : memref<32800xi32, #tpu.memory_space<vmem>>, vector<16xi32>,
      %bitcast3A = vector.bitcast %get3A_1143 : vector<16xi32> to vector<16xi32>
      %add3A_1144 = vector.broadcast %mul3A_1141 : i32 to vector<16xi32>
      %add3A_1145 = arith.addi %add3A_1144, %iota3A : vector<16xi32>
      %lt3A = vector.broadcast %squeeze3A : i32 to vector<16xi32>
      %lt3A_1146 = arith.cmpi slt, %add3A_1145, %lt3A : vector<16xi32>
      %shift_right_logical3A = arith.constant 16 : i32
      %shift_right_logical3A_1147 = vector.broadcast %shift_right_logical3A : i32 to vector<16xi32>
      %shift_right_logical3A_1148 = arith.shrui %bitcast3A, %shift_right_logical3A_1147 : vector<16xi32>
      %and3A_1149 = arith.constant 255 : i32
      %and3A_1150 = vector.broadcast %and3A_1149 : i32 to vector<16xi32>
      %and3A_1151 = arith.andi %shift_right_logical3A_1148, %and3A_1150 : vector<16xi32>
      %eq3A = vector.broadcast %select_n3A_269 : i32 to vector<16xi32>
      %eq3A_1152 = arith.cmpi eq, %and3A_1151, %eq3A : vector<16xi32>
      %and3A_1153 = arith.andi %lt3A_1146, %eq3A_1152 : vector<16xi1>
      %shift_right_logical3A_1154 = arith.constant 8 : i32
      %shift_right_logical3A_1155 = vector.broadcast %shift_right_logical3A_1154 : i32 to vector<16xi32>
      %shift_right_logical3A_1156 = arith.shrui %bitcast3A, %shift_right_logical3A_1155 : vector<16xi32>
      %and3A_1157 = arith.constant 255 : i32
      %and3A_1158 = vector.broadcast %and3A_1157 : i32 to vector<16xi32>
      %and3A_1159 = arith.andi %shift_right_logical3A_1156, %and3A_1158 : vector<16xi32>
      %eq3A_1160 = vector.broadcast %select_n3A_397 : i32 to vector<16xi32>
      %eq3A_1161 = arith.cmpi eq, %and3A_1159, %eq3A_1160 : vector<16xi32>
      %and3A_1162 = arith.andi %and3A_1153, %eq3A_1161 : vector<16xi1>
      %shift_right_logical3A_1163 = arith.constant 0 : i32
      %shift_right_logical3A_1164 = vector.broadcast %shift_right_logical3A_1163 : i32 to vector<16xi32>
      %shift_right_logical3A_1165 = arith.shrui %bitcast3A, %shift_right_logical3A_1164 : vector<16xi32>
      %and3A_1166 = arith.constant 255 : i32
      %and3A_1167 = vector.broadcast %and3A_1166 : i32 to vector<16xi32>
      %and3A_1168 = arith.andi %shift_right_logical3A_1165, %and3A_1167 : vector<16xi32>
      %shift_left3A_1169 = arith.constant 4 : i32
      %shift_left3A_1170 = vector.broadcast %shift_left3A_1169 : i32 to vector<16xi32>
      %shift_left3A_1171 = arith.shli %and3A_1168, %shift_left3A_1170 : vector<16xi32>
      %add3A_1172 = arith.addi %shift_left3A_1171, %iota3A : vector<16xi32>
      tpu.vector_store_idx %arg8[%add3A_1172], %broadcast_in_dim3A_1 masked %and3A_1162 {add = true} : memref<4224xi32, #tpu.memory_space<vmem>>[vector<16xi32>], vector<16xi32>, vector<16xi1>
      %mul3A_1173 = arith.constant 4 : i32
      %mul3A_1174 = arith.muli %while3A_1134, %mul3A_1173 : i32
      %add3A_1175 = arith.constant 1 : i32
      %add3A_1176 = arith.addi %mul3A_1174, %add3A_1175 : i32
      %mul3A_1177 = arith.constant 16 : i32
      %mul3A_1178 = arith.muli %add3A_1176, %mul3A_1177 : i32
      %get3A_1179 = arith.index_cast %mul3A_1178 : i32 to index
      %get3A_1180 = tpu.vector_load %arg6[%get3A_1179] {strides = array<i32>} : memref<32800xi32, #tpu.memory_space<vmem>>, vector<16xi32>,
      %bitcast3A_1181 = vector.bitcast %get3A_1180 : vector<16xi32> to vector<16xi32>
      %add3A_1182 = vector.broadcast %mul3A_1178 : i32 to vector<16xi32>
      %add3A_1183 = arith.addi %add3A_1182, %iota3A : vector<16xi32>
      %lt3A_1184 = vector.broadcast %squeeze3A : i32 to vector<16xi32>
      %lt3A_1185 = arith.cmpi slt, %add3A_1183, %lt3A_1184 : vector<16xi32>
      %shift_right_logical3A_1186 = arith.constant 16 : i32
      %shift_right_logical3A_1187 = vector.broadcast %shift_right_logical3A_1186 : i32 to vector<16xi32>
      %shift_right_logical3A_1188 = arith.shrui %bitcast3A_1181, %shift_right_logical3A_1187 : vector<16xi32>
      %and3A_1189 = arith.constant 255 : i32
      %and3A_1190 = vector.broadcast %and3A_1189 : i32 to vector<16xi32>
      %and3A_1191 = arith.andi %shift_right_logical3A_1188, %and3A_1190 : vector<16xi32>
      %eq3A_1192 = vector.broadcast %select_n3A_269 : i32 to vector<16xi32>
      %eq3A_1193 = arith.cmpi eq, %and3A_1191, %eq3A_1192 : vector<16xi32>
      %and3A_1194 = arith.andi %lt3A_1185, %eq3A_1193 : vector<16xi1>
      %shift_right_logical3A_1195 = arith.constant 8 : i32
      %shift_right_logical3A_1196 = vector.broadcast %shift_right_logical3A_1195 : i32 to vector<16xi32>
      %shift_right_logical3A_1197 = arith.shrui %bitcast3A_1181, %shift_right_logical3A_1196 : vector<16xi32>
      %and3A_1198 = arith.constant 255 : i32
      %and3A_1199 = vector.broadcast %and3A_1198 : i32 to vector<16xi32>
      %and3A_1200 = arith.andi %shift_right_logical3A_1197, %and3A_1199 : vector<16xi32>
      %eq3A_1201 = vector.broadcast %select_n3A_397 : i32 to vector<16xi32>
      %eq3A_1202 = arith.cmpi eq, %and3A_1200, %eq3A_1201 : vector<16xi32>
      %and3A_1203 = arith.andi %and3A_1194, %eq3A_1202 : vector<16xi1>
      %shift_right_logical3A_1204 = arith.constant 0 : i32
      %shift_right_logical3A_1205 = vector.broadcast %shift_right_logical3A_1204 : i32 to vector<16xi32>
      %shift_right_logical3A_1206 = arith.shrui %bitcast3A_1181, %shift_right_logical3A_1205 : vector<16xi32>
      %and3A_1207 = arith.constant 255 : i32
      %and3A_1208 = vector.broadcast %and3A_1207 : i32 to vector<16xi32>
      %and3A_1209 = arith.andi %shift_right_logical3A_1206, %and3A_1208 : vector<16xi32>
      %shift_left3A_1210 = arith.constant 4 : i32
      %shift_left3A_1211 = vector.broadcast %shift_left3A_1210 : i32 to vector<16xi32>
      %shift_left3A_1212 = arith.shli %and3A_1209, %shift_left3A_1211 : vector<16xi32>
      %add3A_1213 = arith.addi %shift_left3A_1212, %iota3A : vector<16xi32>
      tpu.vector_store_idx %arg8[%add3A_1213], %broadcast_in_dim3A_1 masked %and3A_1203 {add = true} : memref<4224xi32, #tpu.memory_space<vmem>>[vector<16xi32>], vector<16xi32>, vector<16xi1>
      %mul3A_1214 = arith.constant 4 : i32
      %mul3A_1215 = arith.muli %while3A_1134, %mul3A_1214 : i32
      %add3A_1216 = arith.constant 2 : i32
      %add3A_1217 = arith.addi %mul3A_1215, %add3A_1216 : i32
      %mul3A_1218 = arith.constant 16 : i32
      %mul3A_1219 = arith.muli %add3A_1217, %mul3A_1218 : i32
      %get3A_1220 = arith.index_cast %mul3A_1219 : i32 to index
      %get3A_1221 = tpu.vector_load %arg6[%get3A_1220] {strides = array<i32>} : memref<32800xi32, #tpu.memory_space<vmem>>, vector<16xi32>,
      %bitcast3A_1222 = vector.bitcast %get3A_1221 : vector<16xi32> to vector<16xi32>
      %add3A_1223 = vector.broadcast %mul3A_1219 : i32 to vector<16xi32>
      %add3A_1224 = arith.addi %add3A_1223, %iota3A : vector<16xi32>
      %lt3A_1225 = vector.broadcast %squeeze3A : i32 to vector<16xi32>
      %lt3A_1226 = arith.cmpi slt, %add3A_1224, %lt3A_1225 : vector<16xi32>
      %shift_right_logical3A_1227 = arith.constant 16 : i32
      %shift_right_logical3A_1228 = vector.broadcast %shift_right_logical3A_1227 : i32 to vector<16xi32>
      %shift_right_logical3A_1229 = arith.shrui %bitcast3A_1222, %shift_right_logical3A_1228 : vector<16xi32>
      %and3A_1230 = arith.constant 255 : i32
      %and3A_1231 = vector.broadcast %and3A_1230 : i32 to vector<16xi32>
      %and3A_1232 = arith.andi %shift_right_logical3A_1229, %and3A_1231 : vector<16xi32>
      %eq3A_1233 = vector.broadcast %select_n3A_269 : i32 to vector<16xi32>
      %eq3A_1234 = arith.cmpi eq, %and3A_1232, %eq3A_1233 : vector<16xi32>
      %and3A_1235 = arith.andi %lt3A_1226, %eq3A_1234 : vector<16xi1>
      %shift_right_logical3A_1236 = arith.constant 8 : i32
      %shift_right_logical3A_1237 = vector.broadcast %shift_right_logical3A_1236 : i32 to vector<16xi32>
      %shift_right_logical3A_1238 = arith.shrui %bitcast3A_1222, %shift_right_logical3A_1237 : vector<16xi32>
      %and3A_1239 = arith.constant 255 : i32
      %and3A_1240 = vector.broadcast %and3A_1239 : i32 to vector<16xi32>
      %and3A_1241 = arith.andi %shift_right_logical3A_1238, %and3A_1240 : vector<16xi32>
      %eq3A_1242 = vector.broadcast %select_n3A_397 : i32 to vector<16xi32>
      %eq3A_1243 = arith.cmpi eq, %and3A_1241, %eq3A_1242 : vector<16xi32>
      %and3A_1244 = arith.andi %and3A_1235, %eq3A_1243 : vector<16xi1>
      %shift_right_logical3A_1245 = arith.constant 0 : i32
      %shift_right_logical3A_1246 = vector.broadcast %shift_right_logical3A_1245 : i32 to vector<16xi32>
      %shift_right_logical3A_1247 = arith.shrui %bitcast3A_1222, %shift_right_logical3A_1246 : vector<16xi32>
      %and3A_1248 = arith.constant 255 : i32
      %and3A_1249 = vector.broadcast %and3A_1248 : i32 to vector<16xi32>
      %and3A_1250 = arith.andi %shift_right_logical3A_1247, %and3A_1249 : vector<16xi32>
      %shift_left3A_1251 = arith.constant 4 : i32
      %shift_left3A_1252 = vector.broadcast %shift_left3A_1251 : i32 to vector<16xi32>
      %shift_left3A_1253 = arith.shli %and3A_1250, %shift_left3A_1252 : vector<16xi32>
      %add3A_1254 = arith.addi %shift_left3A_1253, %iota3A : vector<16xi32>
      tpu.vector_store_idx %arg8[%add3A_1254], %broadcast_in_dim3A_1 masked %and3A_1244 {add = true} : memref<4224xi32, #tpu.memory_space<vmem>>[vector<16xi32>], vector<16xi32>, vector<16xi1>
      %mul3A_1255 = arith.constant 4 : i32
      %mul3A_1256 = arith.muli %while3A_1134, %mul3A_1255 : i32
      %add3A_1257 = arith.constant 3 : i32
      %add3A_1258 = arith.addi %mul3A_1256, %add3A_1257 : i32
      %mul3A_1259 = arith.constant 16 : i32
      %mul3A_1260 = arith.muli %add3A_1258, %mul3A_1259 : i32
      %get3A_1261 = arith.index_cast %mul3A_1260 : i32 to index
      %get3A_1262 = tpu.vector_load %arg6[%get3A_1261] {strides = array<i32>} : memref<32800xi32, #tpu.memory_space<vmem>>, vector<16xi32>,
      %bitcast3A_1263 = vector.bitcast %get3A_1262 : vector<16xi32> to vector<16xi32>
      %add3A_1264 = vector.broadcast %mul3A_1260 : i32 to vector<16xi32>
      %add3A_1265 = arith.addi %add3A_1264, %iota3A : vector<16xi32>
      %lt3A_1266 = vector.broadcast %squeeze3A : i32 to vector<16xi32>
      %lt3A_1267 = arith.cmpi slt, %add3A_1265, %lt3A_1266 : vector<16xi32>
      %shift_right_logical3A_1268 = arith.constant 16 : i32
      %shift_right_logical3A_1269 = vector.broadcast %shift_right_logical3A_1268 : i32 to vector<16xi32>
      %shift_right_logical3A_1270 = arith.shrui %bitcast3A_1263, %shift_right_logical3A_1269 : vector<16xi32>
      %and3A_1271 = arith.constant 255 : i32
      %and3A_1272 = vector.broadcast %and3A_1271 : i32 to vector<16xi32>
      %and3A_1273 = arith.andi %shift_right_logical3A_1270, %and3A_1272 : vector<16xi32>
      %eq3A_1274 = vector.broadcast %select_n3A_269 : i32 to vector<16xi32>
      %eq3A_1275 = arith.cmpi eq, %and3A_1273, %eq3A_1274 : vector<16xi32>
      %and3A_1276 = arith.andi %lt3A_1267, %eq3A_1275 : vector<16xi1>
      %shift_right_logical3A_1277 = arith.constant 8 : i32
      %shift_right_logical3A_1278 = vector.broadcast %shift_right_logical3A_1277 : i32 to vector<16xi32>
      %shift_right_logical3A_1279 = arith.shrui %bitcast3A_1263, %shift_right_logical3A_1278 : vector<16xi32>
      %and3A_1280 = arith.constant 255 : i32
      %and3A_1281 = vector.broadcast %and3A_1280 : i32 to vector<16xi32>
      %and3A_1282 = arith.andi %shift_right_logical3A_1279, %and3A_1281 : vector<16xi32>
      %eq3A_1283 = vector.broadcast %select_n3A_397 : i32 to vector<16xi32>
      %eq3A_1284 = arith.cmpi eq, %and3A_1282, %eq3A_1283 : vector<16xi32>
      %and3A_1285 = arith.andi %and3A_1276, %eq3A_1284 : vector<16xi1>
      %shift_right_logical3A_1286 = arith.constant 0 : i32
      %shift_right_logical3A_1287 = vector.broadcast %shift_right_logical3A_1286 : i32 to vector<16xi32>
      %shift_right_logical3A_1288 = arith.shrui %bitcast3A_1263, %shift_right_logical3A_1287 : vector<16xi32>
      %and3A_1289 = arith.constant 255 : i32
      %and3A_1290 = vector.broadcast %and3A_1289 : i32 to vector<16xi32>
      %and3A_1291 = arith.andi %shift_right_logical3A_1288, %and3A_1290 : vector<16xi32>
      %shift_left3A_1292 = arith.constant 4 : i32
      %shift_left3A_1293 = vector.broadcast %shift_left3A_1292 : i32 to vector<16xi32>
      %shift_left3A_1294 = arith.shli %and3A_1291, %shift_left3A_1293 : vector<16xi32>
      %add3A_1295 = arith.addi %shift_left3A_1294, %iota3A : vector<16xi32>
      tpu.vector_store_idx %arg8[%add3A_1295], %broadcast_in_dim3A_1 masked %and3A_1285 {add = true} : memref<4224xi32, #tpu.memory_space<vmem>>[vector<16xi32>], vector<16xi32>, vector<16xi1>
      %while3A_1296 = arith.constant 0 : i32
      scf.yield %while3A_1296 : i32
    }
    %parallel_loop3A_424 = arith.constant 0 : i32
    %parallel_loop3A_425 = arith.constant 256 : i32
    %parallel_loop3A_426 = arith.constant 1 : i32
    %parallel_loop3A_427 = scf.for %parallel_loop3A_1134 = %parallel_loop3A_424 to %parallel_loop3A_425 step %parallel_loop3A_426 iter_args(%parallel_loop3A_1135 = %broadcast_in_dim3A_3) -> (vector<16xi32>)  : i32 {
      %parallel_loop3A_1136 = arith.constant 255 : i32
      %parallel_loop3A_1137 = arith.subi %parallel_loop3A_1136, %parallel_loop3A_1134 : i32
      %parallel_loop3A_1138 = arith.constant 16 : i32
      %parallel_loop3A_1139 = arith.muli %parallel_loop3A_1137, %parallel_loop3A_1138 : i32
      %parallel_loop3A_1140 = arith.index_cast %parallel_loop3A_1139 : i32 to index
      %parallel_loop3A_1141 = tpu.vector_load %arg8[%parallel_loop3A_1140] {strides = array<i32>} : memref<4224xi32, #tpu.memory_space<vmem>>, vector<16xi32>,
      %parallel_loop3A_1142 = arith.addi %parallel_loop3A_1135, %parallel_loop3A_1141 : vector<16xi32>
      %parallel_loop3A_1143 = arith.constant 16 : i32
      %parallel_loop3A_1144 = arith.muli %parallel_loop3A_1137, %parallel_loop3A_1143 : i32
      %parallel_loop3A_1145 = arith.index_cast %parallel_loop3A_1144 : i32 to index
      %parallel_loop3A_1146 = tpu.vector_load %arg8[%parallel_loop3A_1145] {strides = array<i32>} : memref<4224xi32, #tpu.memory_space<vmem>>, vector<16xi32>,
      tpu.vector_store %arg8[%parallel_loop3A_1145], %parallel_loop3A_1142 {strides = array<i32>} : memref<4224xi32, #tpu.memory_space<vmem>>, vector<16xi32>,
      scf.yield %parallel_loop3A_1142 : vector<16xi32>
    } {sc.loop_unroll_factor = 4 : i64, sc.parallel_access}
    %add3A_428 = arith.constant 0 : i32
    %add3A_429 = arith.constant 128 : i32
    %add3A_430 = arith.addi %add3A_428, %add3A_429 : i32
    %mul3A_431 = arith.constant 16 : i32
    %mul3A_432 = arith.muli %add3A_430, %mul3A_431 : i32
    %get3A_433 = arith.index_cast %mul3A_432 : i32 to index
    %get3A_434 = tpu.vector_load %arg8[%get3A_433] {strides = array<i32>} : memref<4224xi32, #tpu.memory_space<vmem>>, vector<16xi32>,
    %reduce_sum3A_435 = arith.constant true
    %reduce_sum3A_436 = vector.broadcast %reduce_sum3A_435 : i1 to vector<16xi1>
    %reduce_sum3A_437 = tpu.scan <sum>, %get3A_434 masked %reduce_sum3A_436 : vector<16xi32>, vector<16xi1> -> vector<16xi32>
    %reduce_sum3A_438 = vector.extract %reduce_sum3A_437[15] : i32 from vector<16xi32>
    %ge3A_439 = arith.cmpi sge, %reduce_sum3A_438, %sub3A_408 : i32
    %jit3A_440 = arith.constant 0 : i32
    %select_n3A_441 = arith.select %ge3A_439, %add3A_430, %jit3A_440 : i32
    %add3A_442 = arith.constant 64 : i32
    %add3A_443 = arith.addi %select_n3A_441, %add3A_442 : i32
    %mul3A_444 = arith.constant 16 : i32
    %mul3A_445 = arith.muli %add3A_443, %mul3A_444 : i32
    %get3A_446 = arith.index_cast %mul3A_445 : i32 to index
    %get3A_447 = tpu.vector_load %arg8[%get3A_446] {strides = array<i32>} : memref<4224xi32, #tpu.memory_space<vmem>>, vector<16xi32>,
    %reduce_sum3A_448 = arith.constant true
    %reduce_sum3A_449 = vector.broadcast %reduce_sum3A_448 : i1 to vector<16xi1>
    %reduce_sum3A_450 = tpu.scan <sum>, %get3A_447 masked %reduce_sum3A_449 : vector<16xi32>, vector<16xi1> -> vector<16xi32>
    %reduce_sum3A_451 = vector.extract %reduce_sum3A_450[15] : i32 from vector<16xi32>
    %ge3A_452 = arith.cmpi sge, %reduce_sum3A_451, %sub3A_408 : i32
    %select_n3A_453 = arith.select %ge3A_452, %add3A_443, %select_n3A_441 : i32
    %add3A_454 = arith.constant 32 : i32
    %add3A_455 = arith.addi %select_n3A_453, %add3A_454 : i32
    %mul3A_456 = arith.constant 16 : i32
    %mul3A_457 = arith.muli %add3A_455, %mul3A_456 : i32
    %get3A_458 = arith.index_cast %mul3A_457 : i32 to index
    %get3A_459 = tpu.vector_load %arg8[%get3A_458] {strides = array<i32>} : memref<4224xi32, #tpu.memory_space<vmem>>, vector<16xi32>,
    %reduce_sum3A_460 = arith.constant true
    %reduce_sum3A_461 = vector.broadcast %reduce_sum3A_460 : i1 to vector<16xi1>
    %reduce_sum3A_462 = tpu.scan <sum>, %get3A_459 masked %reduce_sum3A_461 : vector<16xi32>, vector<16xi1> -> vector<16xi32>
    %reduce_sum3A_463 = vector.extract %reduce_sum3A_462[15] : i32 from vector<16xi32>
    %ge3A_464 = arith.cmpi sge, %reduce_sum3A_463, %sub3A_408 : i32
    %select_n3A_465 = arith.select %ge3A_464, %add3A_455, %select_n3A_453 : i32
    %add3A_466 = arith.constant 16 : i32
    %add3A_467 = arith.addi %select_n3A_465, %add3A_466 : i32
    %mul3A_468 = arith.constant 16 : i32
    %mul3A_469 = arith.muli %add3A_467, %mul3A_468 : i32
    %get3A_470 = arith.index_cast %mul3A_469 : i32 to index
    %get3A_471 = tpu.vector_load %arg8[%get3A_470] {strides = array<i32>} : memref<4224xi32, #tpu.memory_space<vmem>>, vector<16xi32>,
    %reduce_sum3A_472 = arith.constant true
    %reduce_sum3A_473 = vector.broadcast %reduce_sum3A_472 : i1 to vector<16xi1>
    %reduce_sum3A_474 = tpu.scan <sum>, %get3A_471 masked %reduce_sum3A_473 : vector<16xi32>, vector<16xi1> -> vector<16xi32>
    %reduce_sum3A_475 = vector.extract %reduce_sum3A_474[15] : i32 from vector<16xi32>
    %ge3A_476 = arith.cmpi sge, %reduce_sum3A_475, %sub3A_408 : i32
    %select_n3A_477 = arith.select %ge3A_476, %add3A_467, %select_n3A_465 : i32
    %add3A_478 = arith.constant 8 : i32
    %add3A_479 = arith.addi %select_n3A_477, %add3A_478 : i32
    %mul3A_480 = arith.constant 16 : i32
    %mul3A_481 = arith.muli %add3A_479, %mul3A_480 : i32
    %get3A_482 = arith.index_cast %mul3A_481 : i32 to index
    %get3A_483 = tpu.vector_load %arg8[%get3A_482] {strides = array<i32>} : memref<4224xi32, #tpu.memory_space<vmem>>, vector<16xi32>,
    %reduce_sum3A_484 = arith.constant true
    %reduce_sum3A_485 = vector.broadcast %reduce_sum3A_484 : i1 to vector<16xi1>
    %reduce_sum3A_486 = tpu.scan <sum>, %get3A_483 masked %reduce_sum3A_485 : vector<16xi32>, vector<16xi1> -> vector<16xi32>
    %reduce_sum3A_487 = vector.extract %reduce_sum3A_486[15] : i32 from vector<16xi32>
    %ge3A_488 = arith.cmpi sge, %reduce_sum3A_487, %sub3A_408 : i32
    %select_n3A_489 = arith.select %ge3A_488, %add3A_479, %select_n3A_477 : i32
    %add3A_490 = arith.constant 4 : i32
    %add3A_491 = arith.addi %select_n3A_489, %add3A_490 : i32
    %mul3A_492 = arith.constant 16 : i32
    %mul3A_493 = arith.muli %add3A_491, %mul3A_492 : i32
    %get3A_494 = arith.index_cast %mul3A_493 : i32 to index
    %get3A_495 = tpu.vector_load %arg8[%get3A_494] {strides = array<i32>} : memref<4224xi32, #tpu.memory_space<vmem>>, vector<16xi32>,
    %reduce_sum3A_496 = arith.constant true
    %reduce_sum3A_497 = vector.broadcast %reduce_sum3A_496 : i1 to vector<16xi1>
    %reduce_sum3A_498 = tpu.scan <sum>, %get3A_495 masked %reduce_sum3A_497 : vector<16xi32>, vector<16xi1> -> vector<16xi32>
    %reduce_sum3A_499 = vector.extract %reduce_sum3A_498[15] : i32 from vector<16xi32>
    %ge3A_500 = arith.cmpi sge, %reduce_sum3A_499, %sub3A_408 : i32
    %select_n3A_501 = arith.select %ge3A_500, %add3A_491, %select_n3A_489 : i32
    %add3A_502 = arith.constant 2 : i32
    %add3A_503 = arith.addi %select_n3A_501, %add3A_502 : i32
    %mul3A_504 = arith.constant 16 : i32
    %mul3A_505 = arith.muli %add3A_503, %mul3A_504 : i32
    %get3A_506 = arith.index_cast %mul3A_505 : i32 to index
    %get3A_507 = tpu.vector_load %arg8[%get3A_506] {strides = array<i32>} : memref<4224xi32, #tpu.memory_space<vmem>>, vector<16xi32>,
    %reduce_sum3A_508 = arith.constant true
    %reduce_sum3A_509 = vector.broadcast %reduce_sum3A_508 : i1 to vector<16xi1>
    %reduce_sum3A_510 = tpu.scan <sum>, %get3A_507 masked %reduce_sum3A_509 : vector<16xi32>, vector<16xi1> -> vector<16xi32>
    %reduce_sum3A_511 = vector.extract %reduce_sum3A_510[15] : i32 from vector<16xi32>
    %ge3A_512 = arith.cmpi sge, %reduce_sum3A_511, %sub3A_408 : i32
    %select_n3A_513 = arith.select %ge3A_512, %add3A_503, %select_n3A_501 : i32
    %add3A_514 = arith.constant 1 : i32
    %add3A_515 = arith.addi %select_n3A_513, %add3A_514 : i32
    %mul3A_516 = arith.constant 16 : i32
    %mul3A_517 = arith.muli %add3A_515, %mul3A_516 : i32
    %get3A_518 = arith.index_cast %mul3A_517 : i32 to index
    %get3A_519 = tpu.vector_load %arg8[%get3A_518] {strides = array<i32>} : memref<4224xi32, #tpu.memory_space<vmem>>, vector<16xi32>,
    %reduce_sum3A_520 = arith.constant true
    %reduce_sum3A_521 = vector.broadcast %reduce_sum3A_520 : i1 to vector<16xi1>
    %reduce_sum3A_522 = tpu.scan <sum>, %get3A_519 masked %reduce_sum3A_521 : vector<16xi32>, vector<16xi1> -> vector<16xi32>
    %reduce_sum3A_523 = vector.extract %reduce_sum3A_522[15] : i32 from vector<16xi32>
    %ge3A_524 = arith.cmpi sge, %reduce_sum3A_523, %sub3A_408 : i32
    %select_n3A_525 = arith.select %ge3A_524, %add3A_515, %select_n3A_513 : i32
    %add3A_526 = arith.constant 1 : i32
    %add3A_527 = arith.addi %select_n3A_525, %add3A_526 : i32
    %mul3A_528 = arith.constant 16 : i32
    %mul3A_529 = arith.muli %add3A_527, %mul3A_528 : i32
    %get3A_530 = arith.index_cast %mul3A_529 : i32 to index
    %get3A_531 = tpu.vector_load %arg8[%get3A_530] {strides = array<i32>} : memref<4224xi32, #tpu.memory_space<vmem>>, vector<16xi32>,
    %reduce_sum3A_532 = arith.constant true
    %reduce_sum3A_533 = vector.broadcast %reduce_sum3A_532 : i1 to vector<16xi1>
    %reduce_sum3A_534 = tpu.scan <sum>, %get3A_531 masked %reduce_sum3A_533 : vector<16xi32>, vector<16xi1> -> vector<16xi32>
    %reduce_sum3A_535 = vector.extract %reduce_sum3A_534[15] : i32 from vector<16xi32>
    %sub3A_536 = arith.subi %sub3A_408, %reduce_sum3A_535 : i32
    %shift_left3A = arith.constant 24 : i32
    %shift_left3A_537 = arith.shli %select_n3A_117, %shift_left3A : i32
    %shift_left3A_538 = arith.constant 16 : i32
    %shift_left3A_539 = arith.shli %select_n3A_269, %shift_left3A_538 : i32
    %or3A = arith.ori %shift_left3A_537, %shift_left3A_539 : i32
    %shift_left3A_540 = arith.constant 8 : i32
    %shift_left3A_541 = arith.shli %select_n3A_397, %shift_left3A_540 : i32
    %or3A_542 = arith.ori %or3A, %shift_left3A_541 : i32
    %or3A_543 = arith.ori %or3A_542, %select_n3A_525 : i32
    %le3A = arith.constant 8192 : i32
    %le3A_544 = arith.cmpi sle, %squeeze3A, %le3A : i32
    %convert_element_type3A = arith.extui %le3A_544 : i1 to i32
    %cond3A = arith.constant 0 : i32
    %cond3A_545 = arith.constant 0 : i32
    %cond3A_546 = arith.cmpi ne, %convert_element_type3A, %cond3A_545 : i32
    %cond3A_547 = scf.if %cond3A_546 -> (i32) {
      %add3A_1134 = arith.constant 15 : i32
      %add3A_1135 = arith.addi %squeeze3A, %add3A_1134 : i32
      %jit3A_1136 = arith.constant 16 : i32
      %div3A_1137 = arith.divsi %add3A_1135, %jit3A_1136 : i32
      %sign3A_1138 = arith.constant 0 : i32
      %sign3A_1139 = arith.cmpi sgt, %add3A_1135, %sign3A_1138 : i32
      %sign3A_1140 = arith.extui %sign3A_1139 : i1 to i32
      %sign3A_1141 = arith.constant 0 : i32
      %sign3A_1142 = arith.cmpi slt, %add3A_1135, %sign3A_1141 : i32
      %sign3A_1143 = arith.extui %sign3A_1142 : i1 to i32
      %sign3A_1144 = arith.subi %sign3A_1140, %sign3A_1143 : i32
      %sign3A_1145 = arith.constant 0 : i32
      %sign3A_1146 = arith.cmpi sgt, %jit3A_1136, %sign3A_1145 : i32
      %sign3A_1147 = arith.extui %sign3A_1146 : i1 to i32
      %sign3A_1148 = arith.constant 0 : i32
      %sign3A_1149 = arith.cmpi slt, %jit3A_1136, %sign3A_1148 : i32
      %sign3A_1150 = arith.extui %sign3A_1149 : i1 to i32
      %sign3A_1151 = arith.subi %sign3A_1147, %sign3A_1150 : i32
      %ne3A_1152 = arith.cmpi ne, %sign3A_1144, %sign3A_1151 : i32
      %rem3A_1153 = arith.remsi %add3A_1135, %jit3A_1136 : i32
      %ne3A_1154 = arith.constant 0 : i32
      %ne3A_1155 = arith.cmpi ne, %rem3A_1153, %ne3A_1154 : i32
      %and3A_1156 = arith.andi %ne3A_1152, %ne3A_1155 : i1
      %sub3A_1157 = arith.constant 1 : i32
      %sub3A_1158 = arith.subi %div3A_1137, %sub3A_1157 : i32
      %select_n3A_1159 = arith.select %and3A_1156, %sub3A_1158, %div3A_1137 : i32
      %while3A_1160 = arith.constant 0 : i32
      %while3A_1161 = arith.subi %select_n3A_1159, %while3A_1160 : i32
      %while3A_1162 = arith.addi %while3A_1160, %while3A_1161 : i32
      %while3A_1163 = arith.constant 1 : i32
      %while3A_1164 = arith.divsi %while3A_1161, %while3A_1163 : i32
      %while3A_1165 = arith.muli %while3A_1164, %while3A_1163 : i32
      %while3A_1166 = arith.addi %while3A_1160, %while3A_1165 : i32
      %while3A_1167 = arith.constant 1 : i32
      %while3A_1168 = scf.for %while3A_1172 = %while3A_1160 to %while3A_1166 step %while3A_1167 iter_args(%while3A_1173 = %broadcast_in_dim3A_3) -> (vector<16xi32>)  : i32 {
        %mul3A_1174 = arith.constant 16 : i32
        %mul3A_1175 = arith.muli %while3A_1172, %mul3A_1174 : i32
        %get3A_1176 = arith.index_cast %mul3A_1175 : i32 to index
        %get3A_1177 = tpu.vector_load %arg6[%get3A_1176] {strides = array<i32>} : memref<32800xi32, #tpu.memory_space<vmem>>, vector<16xi32>,
        %bitcast3A = vector.bitcast %get3A_1177 : vector<16xi32> to vector<16xi32>
        %mul3A_1178 = arith.constant 16 : i32
        %mul3A_1179 = arith.muli %while3A_1172, %mul3A_1178 : i32
        %add3A_1180 = vector.broadcast %mul3A_1179 : i32 to vector<16xi32>
        %add3A_1181 = arith.addi %add3A_1180, %iota3A : vector<16xi32>
        %lt3A = vector.broadcast %squeeze3A : i32 to vector<16xi32>
        %lt3A_1182 = arith.cmpi slt, %add3A_1181, %lt3A : vector<16xi32>
        %mul3A_1183 = arith.constant 16 : i32
        %mul3A_1184 = arith.muli %while3A_1172, %mul3A_1183 : i32
        %get3A_1185 = arith.index_cast %mul3A_1184 : i32 to index
        %get3A_1186 = tpu.vector_load %arg7[%get3A_1185] {strides = array<i32>} : memref<8224xi32, #tpu.memory_space<vmem>>, vector<16xi32>,
        %gt3A = vector.broadcast %or3A_543 : i32 to vector<16xi32>
        %gt3A_1187 = arith.cmpi ugt, %bitcast3A, %gt3A : vector<16xi32>
        %and3A_1188 = arith.andi %lt3A_1182, %gt3A_1187 : vector<16xi1>
        %eq3A = vector.broadcast %or3A_543 : i32 to vector<16xi32>
        %eq3A_1189 = arith.cmpi eq, %bitcast3A, %eq3A : vector<16xi32>
        %and3A_1190 = arith.andi %lt3A_1182, %eq3A_1189 : vector<16xi1>
        %convert_element_type3A_1191 = arith.extui %and3A_1190 : vector<16xi1> to vector<16xi32>
        %broadcast_in_dim3A_1192 = arith.constant true
        %broadcast_in_dim3A_1193 = vector.broadcast %broadcast_in_dim3A_1192 : i1 to vector<16xi1>
        %masked_cumsum3A = tpu.scan <sum>, %convert_element_type3A_1191 masked %broadcast_in_dim3A_1193 : vector<16xi32>, vector<16xi1> -> vector<16xi32>
        %add3A_1194 = arith.addi %while3A_1173, %masked_cumsum3A : vector<16xi32>
        %le3A_1195 = vector.broadcast %sub3A_536 : i32 to vector<16xi32>
        %le3A_1196 = arith.cmpi sle, %add3A_1194, %le3A_1195 : vector<16xi32>
        %and3A_1197 = arith.andi %and3A_1190, %le3A_1196 : vector<16xi1>
        %or3A_1198 = arith.ori %and3A_1188, %and3A_1197 : vector<16xi1>
        %gather3A = tpu.vector_load_idx %arg4[%get3A_1186] masked %lt3A_1182 : memref<32768xf32, #tpu.memory_space<vmem>>[vector<16xi32>], vector<16xf32>, vector<16xi1>
        tpu.vector_store_idx %arg5[%get3A_1186], %gather3A masked %or3A_1198 : memref<32768xf32, #tpu.memory_space<vmem>>[vector<16xi32>], vector<16xf32>, vector<16xi1>
        %all_reduce_population_count3A = tpu.all_reduce %and3A_1190 {dim = 0 : i64, kind = #tpu.reduction_kind<sum>} : vector<16xi1> -> vector<16xi32>
        %add3A_1199 = arith.addi %while3A_1173, %all_reduce_population_count3A : vector<16xi32>
        scf.yield %add3A_1199 : vector<16xi32>
      }
      %while3A_1169 = arith.constant 1 : i32
      %while3A_1170 = scf.for %while3A_1172 = %while3A_1166 to %while3A_1162 step %while3A_1169 iter_args(%while3A_1173 = %while3A_1168) -> (vector<16xi32>)  : i32 {
        %mul3A_1174 = arith.constant 16 : i32
        %mul3A_1175 = arith.muli %while3A_1172, %mul3A_1174 : i32
        %get3A_1176 = arith.index_cast %mul3A_1175 : i32 to index
        %get3A_1177 = tpu.vector_load %arg6[%get3A_1176] {strides = array<i32>} : memref<32800xi32, #tpu.memory_space<vmem>>, vector<16xi32>,
        %bitcast3A = vector.bitcast %get3A_1177 : vector<16xi32> to vector<16xi32>
        %mul3A_1178 = arith.constant 16 : i32
        %mul3A_1179 = arith.muli %while3A_1172, %mul3A_1178 : i32
        %add3A_1180 = vector.broadcast %mul3A_1179 : i32 to vector<16xi32>
        %add3A_1181 = arith.addi %add3A_1180, %iota3A : vector<16xi32>
        %lt3A = vector.broadcast %squeeze3A : i32 to vector<16xi32>
        %lt3A_1182 = arith.cmpi slt, %add3A_1181, %lt3A : vector<16xi32>
        %mul3A_1183 = arith.constant 16 : i32
        %mul3A_1184 = arith.muli %while3A_1172, %mul3A_1183 : i32
        %get3A_1185 = arith.index_cast %mul3A_1184 : i32 to index
        %get3A_1186 = tpu.vector_load %arg7[%get3A_1185] {strides = array<i32>} : memref<8224xi32, #tpu.memory_space<vmem>>, vector<16xi32>,
        %gt3A = vector.broadcast %or3A_543 : i32 to vector<16xi32>
        %gt3A_1187 = arith.cmpi ugt, %bitcast3A, %gt3A : vector<16xi32>
        %and3A_1188 = arith.andi %lt3A_1182, %gt3A_1187 : vector<16xi1>
        %eq3A = vector.broadcast %or3A_543 : i32 to vector<16xi32>
        %eq3A_1189 = arith.cmpi eq, %bitcast3A, %eq3A : vector<16xi32>
        %and3A_1190 = arith.andi %lt3A_1182, %eq3A_1189 : vector<16xi1>
        %convert_element_type3A_1191 = arith.extui %and3A_1190 : vector<16xi1> to vector<16xi32>
        %broadcast_in_dim3A_1192 = arith.constant true
        %broadcast_in_dim3A_1193 = vector.broadcast %broadcast_in_dim3A_1192 : i1 to vector<16xi1>
        %masked_cumsum3A = tpu.scan <sum>, %convert_element_type3A_1191 masked %broadcast_in_dim3A_1193 : vector<16xi32>, vector<16xi1> -> vector<16xi32>
        %add3A_1194 = arith.addi %while3A_1173, %masked_cumsum3A : vector<16xi32>
        %le3A_1195 = vector.broadcast %sub3A_536 : i32 to vector<16xi32>
        %le3A_1196 = arith.cmpi sle, %add3A_1194, %le3A_1195 : vector<16xi32>
        %and3A_1197 = arith.andi %and3A_1190, %le3A_1196 : vector<16xi1>
        %or3A_1198 = arith.ori %and3A_1188, %and3A_1197 : vector<16xi1>
        %gather3A = tpu.vector_load_idx %arg4[%get3A_1186] masked %lt3A_1182 : memref<32768xf32, #tpu.memory_space<vmem>>[vector<16xi32>], vector<16xf32>, vector<16xi1>
        tpu.vector_store_idx %arg5[%get3A_1186], %gather3A masked %or3A_1198 : memref<32768xf32, #tpu.memory_space<vmem>>[vector<16xi32>], vector<16xf32>, vector<16xi1>
        %all_reduce_population_count3A = tpu.all_reduce %and3A_1190 {dim = 0 : i64, kind = #tpu.reduction_kind<sum>} : vector<16xi1> -> vector<16xi32>
        %add3A_1199 = arith.addi %while3A_1173, %all_reduce_population_count3A : vector<16xi32>
        scf.yield %add3A_1199 : vector<16xi32>
      }
      %cond3A_1171 = arith.constant 0 : i32
      scf.yield %cond3A_1171 : i32
    } else {
      %parallel_loop3A_1134 = arith.constant 0 : i32
      %parallel_loop3A_1135 = arith.constant 2048 : i32
      %parallel_loop3A_1136 = arith.constant 1 : i32
      %parallel_loop3A_1137 = scf.for %parallel_loop3A_1139 = %parallel_loop3A_1134 to %parallel_loop3A_1135 step %parallel_loop3A_1136 iter_args(%parallel_loop3A_1140 = %broadcast_in_dim3A_3) -> (vector<16xi32>)  : i32 {
        %parallel_loop3A_1141 = arith.constant 16 : i32
        %parallel_loop3A_1142 = arith.muli %parallel_loop3A_1139, %parallel_loop3A_1141 : i32
        %parallel_loop3A_1143 = arith.index_cast %parallel_loop3A_1142 : i32 to index
        %parallel_loop3A_1144 = tpu.vector_load %arg4[%parallel_loop3A_1143] {strides = array<i32>} : memref<32768xf32, #tpu.memory_space<vmem>>, vector<16xf32>,
        %parallel_loop3A_1145 = vector.bitcast %parallel_loop3A_1144 : vector<16xf32> to vector<16xi32>
        %parallel_loop3A_1146 = arith.constant 31 : i32
        %parallel_loop3A_1147 = vector.broadcast %parallel_loop3A_1146 : i32 to vector<16xi32>
        %parallel_loop3A_1148 = arith.shrui %parallel_loop3A_1145, %parallel_loop3A_1147 : vector<16xi32>
        %parallel_loop3A_1149 = arith.constant 0 : i32
        %parallel_loop3A_1150 = vector.broadcast %parallel_loop3A_1149 : i32 to vector<16xi32>
        %parallel_loop3A_1151 = arith.subi %parallel_loop3A_1150, %parallel_loop3A_1148 : vector<16xi32>
        %parallel_loop3A_1152 = arith.constant -2147483648 : i32
        %parallel_loop3A_1153 = vector.broadcast %parallel_loop3A_1152 : i32 to vector<16xi32>
        %parallel_loop3A_1154 = arith.ori %parallel_loop3A_1151, %parallel_loop3A_1153 : vector<16xi32>
        %parallel_loop3A_1155 = arith.xori %parallel_loop3A_1145, %parallel_loop3A_1154 : vector<16xi32>
        %parallel_loop3A_1156 = vector.broadcast %or3A_543 : i32 to vector<16xi32>
        %parallel_loop3A_1157 = arith.cmpi ugt, %parallel_loop3A_1155, %parallel_loop3A_1156 : vector<16xi32>
        %parallel_loop3A_1158 = vector.broadcast %or3A_543 : i32 to vector<16xi32>
        %parallel_loop3A_1159 = arith.cmpi eq, %parallel_loop3A_1155, %parallel_loop3A_1158 : vector<16xi32>
        %parallel_loop3A_1160 = arith.extui %parallel_loop3A_1159 : vector<16xi1> to vector<16xi32>
        %parallel_loop3A_1161 = arith.constant true
        %parallel_loop3A_1162 = vector.broadcast %parallel_loop3A_1161 : i1 to vector<16xi1>
        %parallel_loop3A_1163 = tpu.scan <sum>, %parallel_loop3A_1160 masked %parallel_loop3A_1162 : vector<16xi32>, vector<16xi1> -> vector<16xi32>
        %parallel_loop3A_1164 = arith.addi %parallel_loop3A_1140, %parallel_loop3A_1163 : vector<16xi32>
        %parallel_loop3A_1165 = vector.broadcast %sub3A_536 : i32 to vector<16xi32>
        %parallel_loop3A_1166 = arith.cmpi sle, %parallel_loop3A_1164, %parallel_loop3A_1165 : vector<16xi32>
        %parallel_loop3A_1167 = arith.andi %parallel_loop3A_1159, %parallel_loop3A_1166 : vector<16xi1>
        %parallel_loop3A_1168 = arith.ori %parallel_loop3A_1157, %parallel_loop3A_1167 : vector<16xi1>
        %parallel_loop3A_1169 = arith.constant 0.000000e+00 : f32
        %parallel_loop3A_1170 = vector.broadcast %parallel_loop3A_1169 : f32 to vector<16xf32>
        %parallel_loop3A_1171 = arith.select %parallel_loop3A_1168, %parallel_loop3A_1144, %parallel_loop3A_1170 : vector<16xi1>, vector<16xf32>
        %parallel_loop3A_1172 = arith.constant 16 : i32
        %parallel_loop3A_1173 = arith.muli %parallel_loop3A_1139, %parallel_loop3A_1172 : i32
        %parallel_loop3A_1174 = arith.index_cast %parallel_loop3A_1173 : i32 to index
        %parallel_loop3A_1175 = tpu.vector_load %arg5[%parallel_loop3A_1174] {strides = array<i32>} : memref<32768xf32, #tpu.memory_space<vmem>>, vector<16xf32>,
        tpu.vector_store %arg5[%parallel_loop3A_1174], %parallel_loop3A_1171 {strides = array<i32>} : memref<32768xf32, #tpu.memory_space<vmem>>, vector<16xf32>,
        %parallel_loop3A_1176 = tpu.all_reduce %parallel_loop3A_1159 {dim = 0 : i64, kind = #tpu.reduction_kind<sum>} : vector<16xi1> -> vector<16xi32>
        %parallel_loop3A_1177 = arith.addi %parallel_loop3A_1140, %parallel_loop3A_1176 : vector<16xi32>
        scf.yield %parallel_loop3A_1177 : vector<16xi32>
      } {sc.loop_unroll_factor = 4 : i64, sc.parallel_access}
      %cond3A_1138 = arith.constant 0 : i32
      scf.yield %cond3A_1138 : i32
    }
    %dma_start3A = arith.constant 0 : i32
    %dma_start3A_548 = tpu.memref_slice %arg3[%add3A_7, %dma_start3A] : memref<64x32768xf32, #tpu.memory_space<hbm>> -> memref<1x32768xf32, #tpu.memory_space<hbm>>
    %dma_start3A_549 = tpu.memref_squeeze %dma_start3A_548 : memref<1x32768xf32, #tpu.memory_space<hbm>> -> memref<32768xf32, #tpu.memory_space<hbm>>
    %dma_start3A_550 = arith.constant 0 : i32
    %dma_start3A_551 = tpu.memref_slice %arg3[%add3A_7, %dma_start3A_550] : memref<64x32768xf32, #tpu.memory_space<hbm>> -> memref<1x32768xf32, #tpu.memory_space<hbm>>
    %dma_start3A_552 = tpu.memref_squeeze %dma_start3A_551 : memref<1x32768xf32, #tpu.memory_space<hbm>> -> memref<32768xf32, #tpu.memory_space<hbm>>
    tpu.enqueue_dma source(%arg5 : memref<32768xf32, #tpu.memory_space<vmem>>) target(%dma_start3A_552 : memref<32768xf32, #tpu.memory_space<hbm>>) target_semaphore(%arg9 : memref<!tpu.dma_semaphore, #tpu.memory_space<semaphore_mem>>)
    %mul3A_553 = arith.constant 2 : i32
    %mul3A_554 = arith.muli %add3A, %mul3A_553 : i32
    %add3A_555 = arith.constant 1 : i32
    %add3A_556 = arith.addi %mul3A_554, %add3A_555 : i32
    "tpu.region"() ({
      %run_scoped3A = tpu.sem_alloc : memref<!tpu.dma_semaphore, #tpu.memory_space<semaphore_mem>>
      %dma_start3A_1134 = arith.constant 0 : i32
      %dma_start3A_1135 = tpu.memref_slice %arg2[%add3A_556, %dma_start3A_1134] : memref<64x32768xf32, #tpu.memory_space<hbm>> -> memref<1x32768xf32, #tpu.memory_space<hbm>>
      %dma_start3A_1136 = tpu.memref_squeeze %dma_start3A_1135 : memref<1x32768xf32, #tpu.memory_space<hbm>> -> memref<32768xf32, #tpu.memory_space<hbm>>
      %dma_start3A_1137 = arith.constant 0 : i32
      %dma_start3A_1138 = tpu.memref_slice %arg2[%add3A_556, %dma_start3A_1137] : memref<64x32768xf32, #tpu.memory_space<hbm>> -> memref<1x32768xf32, #tpu.memory_space<hbm>>
      %dma_start3A_1139 = tpu.memref_squeeze %dma_start3A_1138 : memref<1x32768xf32, #tpu.memory_space<hbm>> -> memref<32768xf32, #tpu.memory_space<hbm>>
      tpu.enqueue_dma source(%dma_start3A_1139 : memref<32768xf32, #tpu.memory_space<hbm>>) target(%arg4 : memref<32768xf32, #tpu.memory_space<vmem>>) target_semaphore(%run_scoped3A : memref<!tpu.dma_semaphore, #tpu.memory_space<semaphore_mem>>)
      %dma_wait3A_1140 = arith.constant 0 : i32
      %dma_wait3A_1141 = tpu.memref_slice %arg2[%add3A_556, %dma_wait3A_1140] : memref<64x32768xf32, #tpu.memory_space<hbm>> -> memref<1x32768xf32, #tpu.memory_space<hbm>>
      %dma_wait3A_1142 = tpu.memref_squeeze %dma_wait3A_1141 : memref<1x32768xf32, #tpu.memory_space<hbm>> -> memref<32768xf32, #tpu.memory_space<hbm>>
      %dma_wait3A_1143 = arith.constant 0 : i32
      %dma_wait3A_1144 = tpu.memref_slice %arg2[%add3A_556, %dma_wait3A_1143] : memref<64x32768xf32, #tpu.memory_space<hbm>> -> memref<1x32768xf32, #tpu.memory_space<hbm>>
      %dma_wait3A_1145 = tpu.memref_squeeze %dma_wait3A_1144 : memref<1x32768xf32, #tpu.memory_space<hbm>> -> memref<32768xf32, #tpu.memory_space<hbm>>
      tpu.wait_dma2 semaphore(%run_scoped3A : memref<!tpu.dma_semaphore, #tpu.memory_space<semaphore_mem>>) src(%dma_wait3A_1145 : memref<32768xf32, #tpu.memory_space<hbm>>) dst(%arg4 : memref<32768xf32, #tpu.memory_space<vmem>>)
      tpu.yield
    }) : () -> ()
    %parallel_loop3A_557 = arith.constant 0 : i32
    %parallel_loop3A_558 = arith.constant 264 : i32
    %parallel_loop3A_559 = arith.constant 1 : i32
    scf.for %parallel_loop3A_1134 = %parallel_loop3A_557 to %parallel_loop3A_558 step %parallel_loop3A_559  : i32 {
      %parallel_loop3A_1135 = arith.constant 16 : i32
      %parallel_loop3A_1136 = arith.muli %parallel_loop3A_1134, %parallel_loop3A_1135 : i32
      %parallel_loop3A_1137 = arith.index_cast %parallel_loop3A_1136 : i32 to index
      %parallel_loop3A_1138 = tpu.vector_load %arg8[%parallel_loop3A_1137] {strides = array<i32>} : memref<4224xi32, #tpu.memory_space<vmem>>, vector<16xi32>,
      tpu.vector_store %arg8[%parallel_loop3A_1137], %broadcast_in_dim3A_3 {strides = array<i32>} : memref<4224xi32, #tpu.memory_space<vmem>>, vector<16xi32>,
    } {sc.loop_unroll_factor = 8 : i64, sc.parallel_access}
    %parallel_loop3A_560 = arith.constant 0 : i32
    %parallel_loop3A_561 = arith.constant 2048 : i32
    %parallel_loop3A_562 = arith.constant 1 : i32
    scf.for %parallel_loop3A_1134 = %parallel_loop3A_560 to %parallel_loop3A_561 step %parallel_loop3A_562  : i32 {
      %parallel_loop3A_1135 = arith.constant 16 : i32
      %parallel_loop3A_1136 = arith.muli %parallel_loop3A_1134, %parallel_loop3A_1135 : i32
      %parallel_loop3A_1137 = arith.index_cast %parallel_loop3A_1136 : i32 to index
      %parallel_loop3A_1138 = tpu.vector_load %arg4[%parallel_loop3A_1137] {strides = array<i32>} : memref<32768xf32, #tpu.memory_space<vmem>>, vector<16xf32>,
      %parallel_loop3A_1139 = vector.bitcast %parallel_loop3A_1138 : vector<16xf32> to vector<16xi32>
      %parallel_loop3A_1140 = arith.constant 31 : i32
      %parallel_loop3A_1141 = vector.broadcast %parallel_loop3A_1140 : i32 to vector<16xi32>
      %parallel_loop3A_1142 = arith.shrui %parallel_loop3A_1139, %parallel_loop3A_1141 : vector<16xi32>
      %parallel_loop3A_1143 = arith.constant 0 : i32
      %parallel_loop3A_1144 = vector.broadcast %parallel_loop3A_1143 : i32 to vector<16xi32>
      %parallel_loop3A_1145 = arith.subi %parallel_loop3A_1144, %parallel_loop3A_1142 : vector<16xi32>
      %parallel_loop3A_1146 = arith.constant -2147483648 : i32
      %parallel_loop3A_1147 = vector.broadcast %parallel_loop3A_1146 : i32 to vector<16xi32>
      %parallel_loop3A_1148 = arith.ori %parallel_loop3A_1145, %parallel_loop3A_1147 : vector<16xi32>
      %parallel_loop3A_1149 = arith.xori %parallel_loop3A_1139, %parallel_loop3A_1148 : vector<16xi32>
      %parallel_loop3A_1150 = arith.constant 24 : i32
      %parallel_loop3A_1151 = vector.broadcast %parallel_loop3A_1150 : i32 to vector<16xi32>
      %parallel_loop3A_1152 = arith.shrui %parallel_loop3A_1149, %parallel_loop3A_1151 : vector<16xi32>
      %parallel_loop3A_1153 = arith.constant 4 : i32
      %parallel_loop3A_1154 = vector.broadcast %parallel_loop3A_1153 : i32 to vector<16xi32>
      %parallel_loop3A_1155 = arith.shli %parallel_loop3A_1152, %parallel_loop3A_1154 : vector<16xi32>
      %parallel_loop3A_1156 = arith.addi %parallel_loop3A_1155, %iota3A : vector<16xi32>
      tpu.vector_store_idx %arg8[%parallel_loop3A_1156], %broadcast_in_dim3A_1 {add = true} : memref<4224xi32, #tpu.memory_space<vmem>>[vector<16xi32>], vector<16xi32>,
    } {sc.loop_unroll_factor = 8 : i64, sc.parallel_access}
    %parallel_loop3A_563 = arith.constant 0 : i32
    %parallel_loop3A_564 = arith.constant 256 : i32
    %parallel_loop3A_565 = arith.constant 1 : i32
    %parallel_loop3A_566 = scf.for %parallel_loop3A_1134 = %parallel_loop3A_563 to %parallel_loop3A_564 step %parallel_loop3A_565 iter_args(%parallel_loop3A_1135 = %broadcast_in_dim3A_3) -> (vector<16xi32>)  : i32 {
      %parallel_loop3A_1136 = arith.constant 255 : i32
      %parallel_loop3A_1137 = arith.subi %parallel_loop3A_1136, %parallel_loop3A_1134 : i32
      %parallel_loop3A_1138 = arith.constant 16 : i32
      %parallel_loop3A_1139 = arith.muli %parallel_loop3A_1137, %parallel_loop3A_1138 : i32
      %parallel_loop3A_1140 = arith.index_cast %parallel_loop3A_1139 : i32 to index
      %parallel_loop3A_1141 = tpu.vector_load %arg8[%parallel_loop3A_1140] {strides = array<i32>} : memref<4224xi32, #tpu.memory_space<vmem>>, vector<16xi32>,
      %parallel_loop3A_1142 = arith.addi %parallel_loop3A_1135, %parallel_loop3A_1141 : vector<16xi32>
      %parallel_loop3A_1143 = arith.constant 16 : i32
      %parallel_loop3A_1144 = arith.muli %parallel_loop3A_1137, %parallel_loop3A_1143 : i32
      %parallel_loop3A_1145 = arith.index_cast %parallel_loop3A_1144 : i32 to index
      %parallel_loop3A_1146 = tpu.vector_load %arg8[%parallel_loop3A_1145] {strides = array<i32>} : memref<4224xi32, #tpu.memory_space<vmem>>, vector<16xi32>,
      tpu.vector_store %arg8[%parallel_loop3A_1145], %parallel_loop3A_1142 {strides = array<i32>} : memref<4224xi32, #tpu.memory_space<vmem>>, vector<16xi32>,
      scf.yield %parallel_loop3A_1142 : vector<16xi32>
    } {sc.loop_unroll_factor = 4 : i64, sc.parallel_access}
    %add3A_567 = arith.constant 0 : i32
    %add3A_568 = arith.constant 128 : i32
    %add3A_569 = arith.addi %add3A_567, %add3A_568 : i32
    %mul3A_570 = arith.constant 16 : i32
    %mul3A_571 = arith.muli %add3A_569, %mul3A_570 : i32
    %get3A_572 = arith.index_cast %mul3A_571 : i32 to index
    %get3A_573 = tpu.vector_load %arg8[%get3A_572] {strides = array<i32>} : memref<4224xi32, #tpu.memory_space<vmem>>, vector<16xi32>,
    %reduce_sum3A_574 = arith.constant true
    %reduce_sum3A_575 = vector.broadcast %reduce_sum3A_574 : i1 to vector<16xi1>
    %reduce_sum3A_576 = tpu.scan <sum>, %get3A_573 masked %reduce_sum3A_575 : vector<16xi32>, vector<16xi1> -> vector<16xi32>
    %reduce_sum3A_577 = vector.extract %reduce_sum3A_576[15] : i32 from vector<16xi32>
    %ge3A_578 = arith.constant 64 : i32
    %ge3A_579 = arith.cmpi sge, %reduce_sum3A_577, %ge3A_578 : i32
    %jit3A_580 = arith.constant 0 : i32
    %select_n3A_581 = arith.select %ge3A_579, %add3A_569, %jit3A_580 : i32
    %add3A_582 = arith.constant 64 : i32
    %add3A_583 = arith.addi %select_n3A_581, %add3A_582 : i32
    %mul3A_584 = arith.constant 16 : i32
    %mul3A_585 = arith.muli %add3A_583, %mul3A_584 : i32
    %get3A_586 = arith.index_cast %mul3A_585 : i32 to index
    %get3A_587 = tpu.vector_load %arg8[%get3A_586] {strides = array<i32>} : memref<4224xi32, #tpu.memory_space<vmem>>, vector<16xi32>,
    %reduce_sum3A_588 = arith.constant true
    %reduce_sum3A_589 = vector.broadcast %reduce_sum3A_588 : i1 to vector<16xi1>
    %reduce_sum3A_590 = tpu.scan <sum>, %get3A_587 masked %reduce_sum3A_589 : vector<16xi32>, vector<16xi1> -> vector<16xi32>
    %reduce_sum3A_591 = vector.extract %reduce_sum3A_590[15] : i32 from vector<16xi32>
    %ge3A_592 = arith.constant 64 : i32
    %ge3A_593 = arith.cmpi sge, %reduce_sum3A_591, %ge3A_592 : i32
    %select_n3A_594 = arith.select %ge3A_593, %add3A_583, %select_n3A_581 : i32
    %add3A_595 = arith.constant 32 : i32
    %add3A_596 = arith.addi %select_n3A_594, %add3A_595 : i32
    %mul3A_597 = arith.constant 16 : i32
    %mul3A_598 = arith.muli %add3A_596, %mul3A_597 : i32
    %get3A_599 = arith.index_cast %mul3A_598 : i32 to index
    %get3A_600 = tpu.vector_load %arg8[%get3A_599] {strides = array<i32>} : memref<4224xi32, #tpu.memory_space<vmem>>, vector<16xi32>,
    %reduce_sum3A_601 = arith.constant true
    %reduce_sum3A_602 = vector.broadcast %reduce_sum3A_601 : i1 to vector<16xi1>
    %reduce_sum3A_603 = tpu.scan <sum>, %get3A_600 masked %reduce_sum3A_602 : vector<16xi32>, vector<16xi1> -> vector<16xi32>
    %reduce_sum3A_604 = vector.extract %reduce_sum3A_603[15] : i32 from vector<16xi32>
    %ge3A_605 = arith.constant 64 : i32
    %ge3A_606 = arith.cmpi sge, %reduce_sum3A_604, %ge3A_605 : i32
    %select_n3A_607 = arith.select %ge3A_606, %add3A_596, %select_n3A_594 : i32
    %add3A_608 = arith.constant 16 : i32
    %add3A_609 = arith.addi %select_n3A_607, %add3A_608 : i32
    %mul3A_610 = arith.constant 16 : i32
    %mul3A_611 = arith.muli %add3A_609, %mul3A_610 : i32
    %get3A_612 = arith.index_cast %mul3A_611 : i32 to index
    %get3A_613 = tpu.vector_load %arg8[%get3A_612] {strides = array<i32>} : memref<4224xi32, #tpu.memory_space<vmem>>, vector<16xi32>,
    %reduce_sum3A_614 = arith.constant true
    %reduce_sum3A_615 = vector.broadcast %reduce_sum3A_614 : i1 to vector<16xi1>
    %reduce_sum3A_616 = tpu.scan <sum>, %get3A_613 masked %reduce_sum3A_615 : vector<16xi32>, vector<16xi1> -> vector<16xi32>
    %reduce_sum3A_617 = vector.extract %reduce_sum3A_616[15] : i32 from vector<16xi32>
    %ge3A_618 = arith.constant 64 : i32
    %ge3A_619 = arith.cmpi sge, %reduce_sum3A_617, %ge3A_618 : i32
    %select_n3A_620 = arith.select %ge3A_619, %add3A_609, %select_n3A_607 : i32
    %add3A_621 = arith.constant 8 : i32
    %add3A_622 = arith.addi %select_n3A_620, %add3A_621 : i32
    %mul3A_623 = arith.constant 16 : i32
    %mul3A_624 = arith.muli %add3A_622, %mul3A_623 : i32
    %get3A_625 = arith.index_cast %mul3A_624 : i32 to index
    %get3A_626 = tpu.vector_load %arg8[%get3A_625] {strides = array<i32>} : memref<4224xi32, #tpu.memory_space<vmem>>, vector<16xi32>,
    %reduce_sum3A_627 = arith.constant true
    %reduce_sum3A_628 = vector.broadcast %reduce_sum3A_627 : i1 to vector<16xi1>
    %reduce_sum3A_629 = tpu.scan <sum>, %get3A_626 masked %reduce_sum3A_628 : vector<16xi32>, vector<16xi1> -> vector<16xi32>
    %reduce_sum3A_630 = vector.extract %reduce_sum3A_629[15] : i32 from vector<16xi32>
    %ge3A_631 = arith.constant 64 : i32
    %ge3A_632 = arith.cmpi sge, %reduce_sum3A_630, %ge3A_631 : i32
    %select_n3A_633 = arith.select %ge3A_632, %add3A_622, %select_n3A_620 : i32
    %add3A_634 = arith.constant 4 : i32
    %add3A_635 = arith.addi %select_n3A_633, %add3A_634 : i32
    %mul3A_636 = arith.constant 16 : i32
    %mul3A_637 = arith.muli %add3A_635, %mul3A_636 : i32
    %get3A_638 = arith.index_cast %mul3A_637 : i32 to index
    %get3A_639 = tpu.vector_load %arg8[%get3A_638] {strides = array<i32>} : memref<4224xi32, #tpu.memory_space<vmem>>, vector<16xi32>,
    %reduce_sum3A_640 = arith.constant true
    %reduce_sum3A_641 = vector.broadcast %reduce_sum3A_640 : i1 to vector<16xi1>
    %reduce_sum3A_642 = tpu.scan <sum>, %get3A_639 masked %reduce_sum3A_641 : vector<16xi32>, vector<16xi1> -> vector<16xi32>
    %reduce_sum3A_643 = vector.extract %reduce_sum3A_642[15] : i32 from vector<16xi32>
    %ge3A_644 = arith.constant 64 : i32
    %ge3A_645 = arith.cmpi sge, %reduce_sum3A_643, %ge3A_644 : i32
    %select_n3A_646 = arith.select %ge3A_645, %add3A_635, %select_n3A_633 : i32
    %add3A_647 = arith.constant 2 : i32
    %add3A_648 = arith.addi %select_n3A_646, %add3A_647 : i32
    %mul3A_649 = arith.constant 16 : i32
    %mul3A_650 = arith.muli %add3A_648, %mul3A_649 : i32
    %get3A_651 = arith.index_cast %mul3A_650 : i32 to index
    %get3A_652 = tpu.vector_load %arg8[%get3A_651] {strides = array<i32>} : memref<4224xi32, #tpu.memory_space<vmem>>, vector<16xi32>,
    %reduce_sum3A_653 = arith.constant true
    %reduce_sum3A_654 = vector.broadcast %reduce_sum3A_653 : i1 to vector<16xi1>
    %reduce_sum3A_655 = tpu.scan <sum>, %get3A_652 masked %reduce_sum3A_654 : vector<16xi32>, vector<16xi1> -> vector<16xi32>
    %reduce_sum3A_656 = vector.extract %reduce_sum3A_655[15] : i32 from vector<16xi32>
    %ge3A_657 = arith.constant 64 : i32
    %ge3A_658 = arith.cmpi sge, %reduce_sum3A_656, %ge3A_657 : i32
    %select_n3A_659 = arith.select %ge3A_658, %add3A_648, %select_n3A_646 : i32
    %add3A_660 = arith.constant 1 : i32
    %add3A_661 = arith.addi %select_n3A_659, %add3A_660 : i32
    %mul3A_662 = arith.constant 16 : i32
    %mul3A_663 = arith.muli %add3A_661, %mul3A_662 : i32
    %get3A_664 = arith.index_cast %mul3A_663 : i32 to index
    %get3A_665 = tpu.vector_load %arg8[%get3A_664] {strides = array<i32>} : memref<4224xi32, #tpu.memory_space<vmem>>, vector<16xi32>,
    %reduce_sum3A_666 = arith.constant true
    %reduce_sum3A_667 = vector.broadcast %reduce_sum3A_666 : i1 to vector<16xi1>
    %reduce_sum3A_668 = tpu.scan <sum>, %get3A_665 masked %reduce_sum3A_667 : vector<16xi32>, vector<16xi1> -> vector<16xi32>
    %reduce_sum3A_669 = vector.extract %reduce_sum3A_668[15] : i32 from vector<16xi32>
    %ge3A_670 = arith.constant 64 : i32
    %ge3A_671 = arith.cmpi sge, %reduce_sum3A_669, %ge3A_670 : i32
    %select_n3A_672 = arith.select %ge3A_671, %add3A_661, %select_n3A_659 : i32
    %add3A_673 = arith.constant 1 : i32
    %add3A_674 = arith.addi %select_n3A_672, %add3A_673 : i32
    %mul3A_675 = arith.constant 16 : i32
    %mul3A_676 = arith.muli %add3A_674, %mul3A_675 : i32
    %get3A_677 = arith.index_cast %mul3A_676 : i32 to index
    %get3A_678 = tpu.vector_load %arg8[%get3A_677] {strides = array<i32>} : memref<4224xi32, #tpu.memory_space<vmem>>, vector<16xi32>,
    %reduce_sum3A_679 = arith.constant true
    %reduce_sum3A_680 = vector.broadcast %reduce_sum3A_679 : i1 to vector<16xi1>
    %reduce_sum3A_681 = tpu.scan <sum>, %get3A_678 masked %reduce_sum3A_680 : vector<16xi32>, vector<16xi1> -> vector<16xi32>
    %reduce_sum3A_682 = vector.extract %reduce_sum3A_681[15] : i32 from vector<16xi32>
    %sub3A_683 = arith.constant 64 : i32
    %sub3A_684 = arith.subi %sub3A_683, %reduce_sum3A_682 : i32
    %dma_wait3A = arith.constant 0 : i32
    %dma_wait3A_685 = tpu.memref_slice %arg3[%add3A_7, %dma_wait3A] : memref<64x32768xf32, #tpu.memory_space<hbm>> -> memref<1x32768xf32, #tpu.memory_space<hbm>>
    %dma_wait3A_686 = tpu.memref_squeeze %dma_wait3A_685 : memref<1x32768xf32, #tpu.memory_space<hbm>> -> memref<32768xf32, #tpu.memory_space<hbm>>
    %dma_wait3A_687 = arith.constant 0 : i32
    %dma_wait3A_688 = tpu.memref_slice %arg3[%add3A_7, %dma_wait3A_687] : memref<64x32768xf32, #tpu.memory_space<hbm>> -> memref<1x32768xf32, #tpu.memory_space<hbm>>
    %dma_wait3A_689 = tpu.memref_squeeze %dma_wait3A_688 : memref<1x32768xf32, #tpu.memory_space<hbm>> -> memref<32768xf32, #tpu.memory_space<hbm>>
    tpu.wait_dma2 semaphore(%arg9 : memref<!tpu.dma_semaphore, #tpu.memory_space<semaphore_mem>>) src(%arg5 : memref<32768xf32, #tpu.memory_space<vmem>>) dst(%dma_wait3A_689 : memref<32768xf32, #tpu.memory_space<hbm>>)
    %parallel_loop3A_690 = arith.constant 0 : i32
    %parallel_loop3A_691 = arith.constant 2048 : i32
    %parallel_loop3A_692 = arith.constant 1 : i32
    %parallel_loop3A_693 = scf.for %parallel_loop3A_1134 = %parallel_loop3A_690 to %parallel_loop3A_691 step %parallel_loop3A_692 iter_args(%parallel_loop3A_1135 = %broadcast_in_dim3A_3) -> (vector<16xi32>)  : i32 {
      %parallel_loop3A_1136 = arith.constant 16 : i32
      %parallel_loop3A_1137 = arith.muli %parallel_loop3A_1134, %parallel_loop3A_1136 : i32
      %parallel_loop3A_1138 = arith.index_cast %parallel_loop3A_1137 : i32 to index
      %parallel_loop3A_1139 = tpu.vector_load %arg4[%parallel_loop3A_1138] {strides = array<i32>} : memref<32768xf32, #tpu.memory_space<vmem>>, vector<16xf32>,
      %parallel_loop3A_1140 = vector.bitcast %parallel_loop3A_1139 : vector<16xf32> to vector<16xi32>
      %parallel_loop3A_1141 = arith.constant 31 : i32
      %parallel_loop3A_1142 = vector.broadcast %parallel_loop3A_1141 : i32 to vector<16xi32>
      %parallel_loop3A_1143 = arith.shrui %parallel_loop3A_1140, %parallel_loop3A_1142 : vector<16xi32>
      %parallel_loop3A_1144 = arith.constant 0 : i32
      %parallel_loop3A_1145 = vector.broadcast %parallel_loop3A_1144 : i32 to vector<16xi32>
      %parallel_loop3A_1146 = arith.subi %parallel_loop3A_1145, %parallel_loop3A_1143 : vector<16xi32>
      %parallel_loop3A_1147 = arith.constant -2147483648 : i32
      %parallel_loop3A_1148 = vector.broadcast %parallel_loop3A_1147 : i32 to vector<16xi32>
      %parallel_loop3A_1149 = arith.ori %parallel_loop3A_1146, %parallel_loop3A_1148 : vector<16xi32>
      %parallel_loop3A_1150 = arith.xori %parallel_loop3A_1140, %parallel_loop3A_1149 : vector<16xi32>
      %parallel_loop3A_1151 = arith.constant 24 : i32
      %parallel_loop3A_1152 = vector.broadcast %parallel_loop3A_1151 : i32 to vector<16xi32>
      %parallel_loop3A_1153 = arith.shrui %parallel_loop3A_1150, %parallel_loop3A_1152 : vector<16xi32>
      %parallel_loop3A_1154 = vector.broadcast %select_n3A_672 : i32 to vector<16xi32>
      %parallel_loop3A_1155 = arith.cmpi ugt, %parallel_loop3A_1153, %parallel_loop3A_1154 : vector<16xi32>
      %parallel_loop3A_1156 = arith.constant 0.000000e+00 : f32
      %parallel_loop3A_1157 = vector.broadcast %parallel_loop3A_1156 : f32 to vector<16xf32>
      %parallel_loop3A_1158 = arith.select %parallel_loop3A_1155, %parallel_loop3A_1139, %parallel_loop3A_1157 : vector<16xi1>, vector<16xf32>
      %parallel_loop3A_1159 = arith.constant 16 : i32
      %parallel_loop3A_1160 = arith.muli %parallel_loop3A_1134, %parallel_loop3A_1159 : i32
      %parallel_loop3A_1161 = arith.index_cast %parallel_loop3A_1160 : i32 to index
      %parallel_loop3A_1162 = tpu.vector_load %arg5[%parallel_loop3A_1161] {strides = array<i32>} : memref<32768xf32, #tpu.memory_space<vmem>>, vector<16xf32>,
      tpu.vector_store %arg5[%parallel_loop3A_1161], %parallel_loop3A_1158 {strides = array<i32>} : memref<32768xf32, #tpu.memory_space<vmem>>, vector<16xf32>,
      %parallel_loop3A_1163 = vector.broadcast %select_n3A_672 : i32 to vector<16xi32>
      %parallel_loop3A_1164 = arith.cmpi eq, %parallel_loop3A_1153, %parallel_loop3A_1163 : vector<16xi32>
      %parallel_loop3A_1165 = arith.extui %parallel_loop3A_1164 : vector<16xi1> to vector<16xi32>
      %parallel_loop3A_1166 = arith.constant true
      %parallel_loop3A_1167 = vector.broadcast %parallel_loop3A_1166 : i1 to vector<16xi1>
      %parallel_loop3A_1168 = tpu.scan <sum>, %parallel_loop3A_1165 masked %parallel_loop3A_1167 : vector<16xi32>, vector<16xi1> -> vector<16xi32>
      %parallel_loop3A_1169 = arith.addi %parallel_loop3A_1135, %parallel_loop3A_1168 : vector<16xi32>
      %parallel_loop3A_1170 = arith.constant 1 : i32
      %parallel_loop3A_1171 = vector.broadcast %parallel_loop3A_1170 : i32 to vector<16xi32>
      %parallel_loop3A_1172 = arith.subi %parallel_loop3A_1169, %parallel_loop3A_1171 : vector<16xi32>
      %parallel_loop3A_1173 = vector.bitcast %parallel_loop3A_1150 : vector<16xi32> to vector<16xi32>
      tpu.vector_store_idx %arg6[%parallel_loop3A_1172], %parallel_loop3A_1173 masked %parallel_loop3A_1164 : memref<32800xi32, #tpu.memory_space<vmem>>[vector<16xi32>], vector<16xi32>, vector<16xi1>
      %parallel_loop3A_1174 = arith.constant 16 : i32
      %parallel_loop3A_1175 = arith.muli %parallel_loop3A_1134, %parallel_loop3A_1174 : i32
      %parallel_loop3A_1176 = vector.broadcast %parallel_loop3A_1175 : i32 to vector<16xi32>
      %parallel_loop3A_1177 = arith.addi %parallel_loop3A_1176, %iota3A : vector<16xi32>
      %parallel_loop3A_1178 = arith.constant 8192 : i32
      %parallel_loop3A_1179 = vector.broadcast %parallel_loop3A_1178 : i32 to vector<16xi32>
      %parallel_loop3A_1180 = arith.cmpi slt, %parallel_loop3A_1172, %parallel_loop3A_1179 : vector<16xi32>
      %parallel_loop3A_1181 = arith.andi %parallel_loop3A_1164, %parallel_loop3A_1180 : vector<16xi1>
      tpu.vector_store_idx %arg7[%parallel_loop3A_1172], %parallel_loop3A_1177 masked %parallel_loop3A_1181 : memref<8224xi32, #tpu.memory_space<vmem>>[vector<16xi32>], vector<16xi32>, vector<16xi1>
      %parallel_loop3A_1182 = tpu.all_reduce %parallel_loop3A_1164 {dim = 0 : i64, kind = #tpu.reduction_kind<sum>} : vector<16xi1> -> vector<16xi32>
      %parallel_loop3A_1183 = arith.addi %parallel_loop3A_1135, %parallel_loop3A_1182 : vector<16xi32>
      scf.yield %parallel_loop3A_1183 : vector<16xi32>
    } {sc.loop_unroll_factor = 4 : i64, sc.parallel_access}
    %slice3A_694 = vector.extract_strided_slice %parallel_loop3A_693 {offsets = [0], sizes = [1], strides = [1]} : vector<16xi32> to vector<1xi32>
    %squeeze3A_695 = vector.extract %slice3A_694[0] : i32 from vector<1xi32>
    %add3A_696 = arith.constant 63 : i32
    %add3A_697 = arith.addi %squeeze3A_695, %add3A_696 : i32
    %jit3A_698 = arith.constant 64 : i32
    %div3A_699 = arith.divsi %add3A_697, %jit3A_698 : i32
    %sign3A_700 = arith.constant 0 : i32
    %sign3A_701 = arith.cmpi sgt, %add3A_697, %sign3A_700 : i32
    %sign3A_702 = arith.extui %sign3A_701 : i1 to i32
    %sign3A_703 = arith.constant 0 : i32
    %sign3A_704 = arith.cmpi slt, %add3A_697, %sign3A_703 : i32
    %sign3A_705 = arith.extui %sign3A_704 : i1 to i32
    %sign3A_706 = arith.subi %sign3A_702, %sign3A_705 : i32
    %sign3A_707 = arith.constant 0 : i32
    %sign3A_708 = arith.cmpi sgt, %jit3A_698, %sign3A_707 : i32
    %sign3A_709 = arith.extui %sign3A_708 : i1 to i32
    %sign3A_710 = arith.constant 0 : i32
    %sign3A_711 = arith.cmpi slt, %jit3A_698, %sign3A_710 : i32
    %sign3A_712 = arith.extui %sign3A_711 : i1 to i32
    %sign3A_713 = arith.subi %sign3A_709, %sign3A_712 : i32
    %ne3A_714 = arith.cmpi ne, %sign3A_706, %sign3A_713 : i32
    %rem3A_715 = arith.remsi %add3A_697, %jit3A_698 : i32
    %ne3A_716 = arith.constant 0 : i32
    %ne3A_717 = arith.cmpi ne, %rem3A_715, %ne3A_716 : i32
    %and3A_718 = arith.andi %ne3A_714, %ne3A_717 : i1
    %sub3A_719 = arith.constant 1 : i32
    %sub3A_720 = arith.subi %div3A_699, %sub3A_719 : i32
    %select_n3A_721 = arith.select %and3A_718, %sub3A_720, %div3A_699 : i32
    %parallel_loop3A_722 = arith.constant 0 : i32
    %parallel_loop3A_723 = arith.constant 264 : i32
    %parallel_loop3A_724 = arith.constant 1 : i32
    scf.for %parallel_loop3A_1134 = %parallel_loop3A_722 to %parallel_loop3A_723 step %parallel_loop3A_724  : i32 {
      %parallel_loop3A_1135 = arith.constant 16 : i32
      %parallel_loop3A_1136 = arith.muli %parallel_loop3A_1134, %parallel_loop3A_1135 : i32
      %parallel_loop3A_1137 = arith.index_cast %parallel_loop3A_1136 : i32 to index
      %parallel_loop3A_1138 = tpu.vector_load %arg8[%parallel_loop3A_1137] {strides = array<i32>} : memref<4224xi32, #tpu.memory_space<vmem>>, vector<16xi32>,
      tpu.vector_store %arg8[%parallel_loop3A_1137], %broadcast_in_dim3A_3 {strides = array<i32>} : memref<4224xi32, #tpu.memory_space<vmem>>, vector<16xi32>,
    } {sc.loop_unroll_factor = 8 : i64, sc.parallel_access}
    %while3A_725 = arith.constant 0 : i32
    %while3A_726 = arith.constant 0 : i32
    %while3A_727 = arith.subi %select_n3A_721, %while3A_725 : i32
    %while3A_728 = arith.addi %while3A_725, %while3A_727 : i32
    %while3A_729 = arith.constant 1 : i32
    %while3A_730 = arith.divsi %while3A_727, %while3A_729 : i32
    %while3A_731 = arith.muli %while3A_730, %while3A_729 : i32
    %while3A_732 = arith.addi %while3A_725, %while3A_731 : i32
    %while3A_733 = arith.constant 1 : i32
    %while3A_734 = scf.for %while3A_1134 = %while3A_725 to %while3A_732 step %while3A_733 iter_args(%while3A_1135 = %while3A_726) -> (i32)  : i32 {
      %mul3A_1136 = arith.constant 4 : i32
      %mul3A_1137 = arith.muli %while3A_1134, %mul3A_1136 : i32
      %add3A_1138 = arith.constant 0 : i32
      %add3A_1139 = arith.addi %mul3A_1137, %add3A_1138 : i32
      %mul3A_1140 = arith.constant 16 : i32
      %mul3A_1141 = arith.muli %add3A_1139, %mul3A_1140 : i32
      %get3A_1142 = arith.index_cast %mul3A_1141 : i32 to index
      %get3A_1143 = tpu.vector_load %arg6[%get3A_1142] {strides = array<i32>} : memref<32800xi32, #tpu.memory_space<vmem>>, vector<16xi32>,
      %bitcast3A = vector.bitcast %get3A_1143 : vector<16xi32> to vector<16xi32>
      %add3A_1144 = vector.broadcast %mul3A_1141 : i32 to vector<16xi32>
      %add3A_1145 = arith.addi %add3A_1144, %iota3A : vector<16xi32>
      %lt3A = vector.broadcast %squeeze3A_695 : i32 to vector<16xi32>
      %lt3A_1146 = arith.cmpi slt, %add3A_1145, %lt3A : vector<16xi32>
      %shift_right_logical3A = arith.constant 16 : i32
      %shift_right_logical3A_1147 = vector.broadcast %shift_right_logical3A : i32 to vector<16xi32>
      %shift_right_logical3A_1148 = arith.shrui %bitcast3A, %shift_right_logical3A_1147 : vector<16xi32>
      %and3A_1149 = arith.constant 255 : i32
      %and3A_1150 = vector.broadcast %and3A_1149 : i32 to vector<16xi32>
      %and3A_1151 = arith.andi %shift_right_logical3A_1148, %and3A_1150 : vector<16xi32>
      %shift_left3A_1152 = arith.constant 4 : i32
      %shift_left3A_1153 = vector.broadcast %shift_left3A_1152 : i32 to vector<16xi32>
      %shift_left3A_1154 = arith.shli %and3A_1151, %shift_left3A_1153 : vector<16xi32>
      %add3A_1155 = arith.addi %shift_left3A_1154, %iota3A : vector<16xi32>
      tpu.vector_store_idx %arg8[%add3A_1155], %broadcast_in_dim3A_1 masked %lt3A_1146 {add = true} : memref<4224xi32, #tpu.memory_space<vmem>>[vector<16xi32>], vector<16xi32>, vector<16xi1>
      %mul3A_1156 = arith.constant 4 : i32
      %mul3A_1157 = arith.muli %while3A_1134, %mul3A_1156 : i32
      %add3A_1158 = arith.constant 1 : i32
      %add3A_1159 = arith.addi %mul3A_1157, %add3A_1158 : i32
      %mul3A_1160 = arith.constant 16 : i32
      %mul3A_1161 = arith.muli %add3A_1159, %mul3A_1160 : i32
      %get3A_1162 = arith.index_cast %mul3A_1161 : i32 to index
      %get3A_1163 = tpu.vector_load %arg6[%get3A_1162] {strides = array<i32>} : memref<32800xi32, #tpu.memory_space<vmem>>, vector<16xi32>,
      %bitcast3A_1164 = vector.bitcast %get3A_1163 : vector<16xi32> to vector<16xi32>
      %add3A_1165 = vector.broadcast %mul3A_1161 : i32 to vector<16xi32>
      %add3A_1166 = arith.addi %add3A_1165, %iota3A : vector<16xi32>
      %lt3A_1167 = vector.broadcast %squeeze3A_695 : i32 to vector<16xi32>
      %lt3A_1168 = arith.cmpi slt, %add3A_1166, %lt3A_1167 : vector<16xi32>
      %shift_right_logical3A_1169 = arith.constant 16 : i32
      %shift_right_logical3A_1170 = vector.broadcast %shift_right_logical3A_1169 : i32 to vector<16xi32>
      %shift_right_logical3A_1171 = arith.shrui %bitcast3A_1164, %shift_right_logical3A_1170 : vector<16xi32>
      %and3A_1172 = arith.constant 255 : i32
      %and3A_1173 = vector.broadcast %and3A_1172 : i32 to vector<16xi32>
      %and3A_1174 = arith.andi %shift_right_logical3A_1171, %and3A_1173 : vector<16xi32>
      %shift_left3A_1175 = arith.constant 4 : i32
      %shift_left3A_1176 = vector.broadcast %shift_left3A_1175 : i32 to vector<16xi32>
      %shift_left3A_1177 = arith.shli %and3A_1174, %shift_left3A_1176 : vector<16xi32>
      %add3A_1178 = arith.addi %shift_left3A_1177, %iota3A : vector<16xi32>
      tpu.vector_store_idx %arg8[%add3A_1178], %broadcast_in_dim3A_1 masked %lt3A_1168 {add = true} : memref<4224xi32, #tpu.memory_space<vmem>>[vector<16xi32>], vector<16xi32>, vector<16xi1>
      %mul3A_1179 = arith.constant 4 : i32
      %mul3A_1180 = arith.muli %while3A_1134, %mul3A_1179 : i32
      %add3A_1181 = arith.constant 2 : i32
      %add3A_1182 = arith.addi %mul3A_1180, %add3A_1181 : i32
      %mul3A_1183 = arith.constant 16 : i32
      %mul3A_1184 = arith.muli %add3A_1182, %mul3A_1183 : i32
      %get3A_1185 = arith.index_cast %mul3A_1184 : i32 to index
      %get3A_1186 = tpu.vector_load %arg6[%get3A_1185] {strides = array<i32>} : memref<32800xi32, #tpu.memory_space<vmem>>, vector<16xi32>,
      %bitcast3A_1187 = vector.bitcast %get3A_1186 : vector<16xi32> to vector<16xi32>
      %add3A_1188 = vector.broadcast %mul3A_1184 : i32 to vector<16xi32>
      %add3A_1189 = arith.addi %add3A_1188, %iota3A : vector<16xi32>
      %lt3A_1190 = vector.broadcast %squeeze3A_695 : i32 to vector<16xi32>
      %lt3A_1191 = arith.cmpi slt, %add3A_1189, %lt3A_1190 : vector<16xi32>
      %shift_right_logical3A_1192 = arith.constant 16 : i32
      %shift_right_logical3A_1193 = vector.broadcast %shift_right_logical3A_1192 : i32 to vector<16xi32>
      %shift_right_logical3A_1194 = arith.shrui %bitcast3A_1187, %shift_right_logical3A_1193 : vector<16xi32>
      %and3A_1195 = arith.constant 255 : i32
      %and3A_1196 = vector.broadcast %and3A_1195 : i32 to vector<16xi32>
      %and3A_1197 = arith.andi %shift_right_logical3A_1194, %and3A_1196 : vector<16xi32>
      %shift_left3A_1198 = arith.constant 4 : i32
      %shift_left3A_1199 = vector.broadcast %shift_left3A_1198 : i32 to vector<16xi32>
      %shift_left3A_1200 = arith.shli %and3A_1197, %shift_left3A_1199 : vector<16xi32>
      %add3A_1201 = arith.addi %shift_left3A_1200, %iota3A : vector<16xi32>
      tpu.vector_store_idx %arg8[%add3A_1201], %broadcast_in_dim3A_1 masked %lt3A_1191 {add = true} : memref<4224xi32, #tpu.memory_space<vmem>>[vector<16xi32>], vector<16xi32>, vector<16xi1>
      %mul3A_1202 = arith.constant 4 : i32
      %mul3A_1203 = arith.muli %while3A_1134, %mul3A_1202 : i32
      %add3A_1204 = arith.constant 3 : i32
      %add3A_1205 = arith.addi %mul3A_1203, %add3A_1204 : i32
      %mul3A_1206 = arith.constant 16 : i32
      %mul3A_1207 = arith.muli %add3A_1205, %mul3A_1206 : i32
      %get3A_1208 = arith.index_cast %mul3A_1207 : i32 to index
      %get3A_1209 = tpu.vector_load %arg6[%get3A_1208] {strides = array<i32>} : memref<32800xi32, #tpu.memory_space<vmem>>, vector<16xi32>,
      %bitcast3A_1210 = vector.bitcast %get3A_1209 : vector<16xi32> to vector<16xi32>
      %add3A_1211 = vector.broadcast %mul3A_1207 : i32 to vector<16xi32>
      %add3A_1212 = arith.addi %add3A_1211, %iota3A : vector<16xi32>
      %lt3A_1213 = vector.broadcast %squeeze3A_695 : i32 to vector<16xi32>
      %lt3A_1214 = arith.cmpi slt, %add3A_1212, %lt3A_1213 : vector<16xi32>
      %shift_right_logical3A_1215 = arith.constant 16 : i32
      %shift_right_logical3A_1216 = vector.broadcast %shift_right_logical3A_1215 : i32 to vector<16xi32>
      %shift_right_logical3A_1217 = arith.shrui %bitcast3A_1210, %shift_right_logical3A_1216 : vector<16xi32>
      %and3A_1218 = arith.constant 255 : i32
      %and3A_1219 = vector.broadcast %and3A_1218 : i32 to vector<16xi32>
      %and3A_1220 = arith.andi %shift_right_logical3A_1217, %and3A_1219 : vector<16xi32>
      %shift_left3A_1221 = arith.constant 4 : i32
      %shift_left3A_1222 = vector.broadcast %shift_left3A_1221 : i32 to vector<16xi32>
      %shift_left3A_1223 = arith.shli %and3A_1220, %shift_left3A_1222 : vector<16xi32>
      %add3A_1224 = arith.addi %shift_left3A_1223, %iota3A : vector<16xi32>
      tpu.vector_store_idx %arg8[%add3A_1224], %broadcast_in_dim3A_1 masked %lt3A_1214 {add = true} : memref<4224xi32, #tpu.memory_space<vmem>>[vector<16xi32>], vector<16xi32>, vector<16xi1>
      %while3A_1225 = arith.constant 0 : i32
      scf.yield %while3A_1225 : i32
    }
    %while3A_735 = arith.constant 1 : i32
    %while3A_736 = scf.for %while3A_1134 = %while3A_732 to %while3A_728 step %while3A_735 iter_args(%while3A_1135 = %while3A_734) -> (i32)  : i32 {
      %mul3A_1136 = arith.constant 4 : i32
      %mul3A_1137 = arith.muli %while3A_1134, %mul3A_1136 : i32
      %add3A_1138 = arith.constant 0 : i32
      %add3A_1139 = arith.addi %mul3A_1137, %add3A_1138 : i32
      %mul3A_1140 = arith.constant 16 : i32
      %mul3A_1141 = arith.muli %add3A_1139, %mul3A_1140 : i32
      %get3A_1142 = arith.index_cast %mul3A_1141 : i32 to index
      %get3A_1143 = tpu.vector_load %arg6[%get3A_1142] {strides = array<i32>} : memref<32800xi32, #tpu.memory_space<vmem>>, vector<16xi32>,
      %bitcast3A = vector.bitcast %get3A_1143 : vector<16xi32> to vector<16xi32>
      %add3A_1144 = vector.broadcast %mul3A_1141 : i32 to vector<16xi32>
      %add3A_1145 = arith.addi %add3A_1144, %iota3A : vector<16xi32>
      %lt3A = vector.broadcast %squeeze3A_695 : i32 to vector<16xi32>
      %lt3A_1146 = arith.cmpi slt, %add3A_1145, %lt3A : vector<16xi32>
      %shift_right_logical3A = arith.constant 16 : i32
      %shift_right_logical3A_1147 = vector.broadcast %shift_right_logical3A : i32 to vector<16xi32>
      %shift_right_logical3A_1148 = arith.shrui %bitcast3A, %shift_right_logical3A_1147 : vector<16xi32>
      %and3A_1149 = arith.constant 255 : i32
      %and3A_1150 = vector.broadcast %and3A_1149 : i32 to vector<16xi32>
      %and3A_1151 = arith.andi %shift_right_logical3A_1148, %and3A_1150 : vector<16xi32>
      %shift_left3A_1152 = arith.constant 4 : i32
      %shift_left3A_1153 = vector.broadcast %shift_left3A_1152 : i32 to vector<16xi32>
      %shift_left3A_1154 = arith.shli %and3A_1151, %shift_left3A_1153 : vector<16xi32>
      %add3A_1155 = arith.addi %shift_left3A_1154, %iota3A : vector<16xi32>
      tpu.vector_store_idx %arg8[%add3A_1155], %broadcast_in_dim3A_1 masked %lt3A_1146 {add = true} : memref<4224xi32, #tpu.memory_space<vmem>>[vector<16xi32>], vector<16xi32>, vector<16xi1>
      %mul3A_1156 = arith.constant 4 : i32
      %mul3A_1157 = arith.muli %while3A_1134, %mul3A_1156 : i32
      %add3A_1158 = arith.constant 1 : i32
      %add3A_1159 = arith.addi %mul3A_1157, %add3A_1158 : i32
      %mul3A_1160 = arith.constant 16 : i32
      %mul3A_1161 = arith.muli %add3A_1159, %mul3A_1160 : i32
      %get3A_1162 = arith.index_cast %mul3A_1161 : i32 to index
      %get3A_1163 = tpu.vector_load %arg6[%get3A_1162] {strides = array<i32>} : memref<32800xi32, #tpu.memory_space<vmem>>, vector<16xi32>,
      %bitcast3A_1164 = vector.bitcast %get3A_1163 : vector<16xi32> to vector<16xi32>
      %add3A_1165 = vector.broadcast %mul3A_1161 : i32 to vector<16xi32>
      %add3A_1166 = arith.addi %add3A_1165, %iota3A : vector<16xi32>
      %lt3A_1167 = vector.broadcast %squeeze3A_695 : i32 to vector<16xi32>
      %lt3A_1168 = arith.cmpi slt, %add3A_1166, %lt3A_1167 : vector<16xi32>
      %shift_right_logical3A_1169 = arith.constant 16 : i32
      %shift_right_logical3A_1170 = vector.broadcast %shift_right_logical3A_1169 : i32 to vector<16xi32>
      %shift_right_logical3A_1171 = arith.shrui %bitcast3A_1164, %shift_right_logical3A_1170 : vector<16xi32>
      %and3A_1172 = arith.constant 255 : i32
      %and3A_1173 = vector.broadcast %and3A_1172 : i32 to vector<16xi32>
      %and3A_1174 = arith.andi %shift_right_logical3A_1171, %and3A_1173 : vector<16xi32>
      %shift_left3A_1175 = arith.constant 4 : i32
      %shift_left3A_1176 = vector.broadcast %shift_left3A_1175 : i32 to vector<16xi32>
      %shift_left3A_1177 = arith.shli %and3A_1174, %shift_left3A_1176 : vector<16xi32>
      %add3A_1178 = arith.addi %shift_left3A_1177, %iota3A : vector<16xi32>
      tpu.vector_store_idx %arg8[%add3A_1178], %broadcast_in_dim3A_1 masked %lt3A_1168 {add = true} : memref<4224xi32, #tpu.memory_space<vmem>>[vector<16xi32>], vector<16xi32>, vector<16xi1>
      %mul3A_1179 = arith.constant 4 : i32
      %mul3A_1180 = arith.muli %while3A_1134, %mul3A_1179 : i32
      %add3A_1181 = arith.constant 2 : i32
      %add3A_1182 = arith.addi %mul3A_1180, %add3A_1181 : i32
      %mul3A_1183 = arith.constant 16 : i32
      %mul3A_1184 = arith.muli %add3A_1182, %mul3A_1183 : i32
      %get3A_1185 = arith.index_cast %mul3A_1184 : i32 to index
      %get3A_1186 = tpu.vector_load %arg6[%get3A_1185] {strides = array<i32>} : memref<32800xi32, #tpu.memory_space<vmem>>, vector<16xi32>,
      %bitcast3A_1187 = vector.bitcast %get3A_1186 : vector<16xi32> to vector<16xi32>
      %add3A_1188 = vector.broadcast %mul3A_1184 : i32 to vector<16xi32>
      %add3A_1189 = arith.addi %add3A_1188, %iota3A : vector<16xi32>
      %lt3A_1190 = vector.broadcast %squeeze3A_695 : i32 to vector<16xi32>
      %lt3A_1191 = arith.cmpi slt, %add3A_1189, %lt3A_1190 : vector<16xi32>
      %shift_right_logical3A_1192 = arith.constant 16 : i32
      %shift_right_logical3A_1193 = vector.broadcast %shift_right_logical3A_1192 : i32 to vector<16xi32>
      %shift_right_logical3A_1194 = arith.shrui %bitcast3A_1187, %shift_right_logical3A_1193 : vector<16xi32>
      %and3A_1195 = arith.constant 255 : i32
      %and3A_1196 = vector.broadcast %and3A_1195 : i32 to vector<16xi32>
      %and3A_1197 = arith.andi %shift_right_logical3A_1194, %and3A_1196 : vector<16xi32>
      %shift_left3A_1198 = arith.constant 4 : i32
      %shift_left3A_1199 = vector.broadcast %shift_left3A_1198 : i32 to vector<16xi32>
      %shift_left3A_1200 = arith.shli %and3A_1197, %shift_left3A_1199 : vector<16xi32>
      %add3A_1201 = arith.addi %shift_left3A_1200, %iota3A : vector<16xi32>
      tpu.vector_store_idx %arg8[%add3A_1201], %broadcast_in_dim3A_1 masked %lt3A_1191 {add = true} : memref<4224xi32, #tpu.memory_space<vmem>>[vector<16xi32>], vector<16xi32>, vector<16xi1>
      %mul3A_1202 = arith.constant 4 : i32
      %mul3A_1203 = arith.muli %while3A_1134, %mul3A_1202 : i32
      %add3A_1204 = arith.constant 3 : i32
      %add3A_1205 = arith.addi %mul3A_1203, %add3A_1204 : i32
      %mul3A_1206 = arith.constant 16 : i32
      %mul3A_1207 = arith.muli %add3A_1205, %mul3A_1206 : i32
      %get3A_1208 = arith.index_cast %mul3A_1207 : i32 to index
      %get3A_1209 = tpu.vector_load %arg6[%get3A_1208] {strides = array<i32>} : memref<32800xi32, #tpu.memory_space<vmem>>, vector<16xi32>,
      %bitcast3A_1210 = vector.bitcast %get3A_1209 : vector<16xi32> to vector<16xi32>
      %add3A_1211 = vector.broadcast %mul3A_1207 : i32 to vector<16xi32>
      %add3A_1212 = arith.addi %add3A_1211, %iota3A : vector<16xi32>
      %lt3A_1213 = vector.broadcast %squeeze3A_695 : i32 to vector<16xi32>
      %lt3A_1214 = arith.cmpi slt, %add3A_1212, %lt3A_1213 : vector<16xi32>
      %shift_right_logical3A_1215 = arith.constant 16 : i32
      %shift_right_logical3A_1216 = vector.broadcast %shift_right_logical3A_1215 : i32 to vector<16xi32>
      %shift_right_logical3A_1217 = arith.shrui %bitcast3A_1210, %shift_right_logical3A_1216 : vector<16xi32>
      %and3A_1218 = arith.constant 255 : i32
      %and3A_1219 = vector.broadcast %and3A_1218 : i32 to vector<16xi32>
      %and3A_1220 = arith.andi %shift_right_logical3A_1217, %and3A_1219 : vector<16xi32>
      %shift_left3A_1221 = arith.constant 4 : i32
      %shift_left3A_1222 = vector.broadcast %shift_left3A_1221 : i32 to vector<16xi32>
      %shift_left3A_1223 = arith.shli %and3A_1220, %shift_left3A_1222 : vector<16xi32>
      %add3A_1224 = arith.addi %shift_left3A_1223, %iota3A : vector<16xi32>
      tpu.vector_store_idx %arg8[%add3A_1224], %broadcast_in_dim3A_1 masked %lt3A_1214 {add = true} : memref<4224xi32, #tpu.memory_space<vmem>>[vector<16xi32>], vector<16xi32>, vector<16xi1>
      %while3A_1225 = arith.constant 0 : i32
      scf.yield %while3A_1225 : i32
    }
    %parallel_loop3A_737 = arith.constant 0 : i32
    %parallel_loop3A_738 = arith.constant 256 : i32
    %parallel_loop3A_739 = arith.constant 1 : i32
    %parallel_loop3A_740 = scf.for %parallel_loop3A_1134 = %parallel_loop3A_737 to %parallel_loop3A_738 step %parallel_loop3A_739 iter_args(%parallel_loop3A_1135 = %broadcast_in_dim3A_3) -> (vector<16xi32>)  : i32 {
      %parallel_loop3A_1136 = arith.constant 255 : i32
      %parallel_loop3A_1137 = arith.subi %parallel_loop3A_1136, %parallel_loop3A_1134 : i32
      %parallel_loop3A_1138 = arith.constant 16 : i32
      %parallel_loop3A_1139 = arith.muli %parallel_loop3A_1137, %parallel_loop3A_1138 : i32
      %parallel_loop3A_1140 = arith.index_cast %parallel_loop3A_1139 : i32 to index
      %parallel_loop3A_1141 = tpu.vector_load %arg8[%parallel_loop3A_1140] {strides = array<i32>} : memref<4224xi32, #tpu.memory_space<vmem>>, vector<16xi32>,
      %parallel_loop3A_1142 = arith.addi %parallel_loop3A_1135, %parallel_loop3A_1141 : vector<16xi32>
      %parallel_loop3A_1143 = arith.constant 16 : i32
      %parallel_loop3A_1144 = arith.muli %parallel_loop3A_1137, %parallel_loop3A_1143 : i32
      %parallel_loop3A_1145 = arith.index_cast %parallel_loop3A_1144 : i32 to index
      %parallel_loop3A_1146 = tpu.vector_load %arg8[%parallel_loop3A_1145] {strides = array<i32>} : memref<4224xi32, #tpu.memory_space<vmem>>, vector<16xi32>,
      tpu.vector_store %arg8[%parallel_loop3A_1145], %parallel_loop3A_1142 {strides = array<i32>} : memref<4224xi32, #tpu.memory_space<vmem>>, vector<16xi32>,
      scf.yield %parallel_loop3A_1142 : vector<16xi32>
    } {sc.loop_unroll_factor = 4 : i64, sc.parallel_access}
    %add3A_741 = arith.constant 0 : i32
    %add3A_742 = arith.constant 128 : i32
    %add3A_743 = arith.addi %add3A_741, %add3A_742 : i32
    %mul3A_744 = arith.constant 16 : i32
    %mul3A_745 = arith.muli %add3A_743, %mul3A_744 : i32
    %get3A_746 = arith.index_cast %mul3A_745 : i32 to index
    %get3A_747 = tpu.vector_load %arg8[%get3A_746] {strides = array<i32>} : memref<4224xi32, #tpu.memory_space<vmem>>, vector<16xi32>,
    %reduce_sum3A_748 = arith.constant true
    %reduce_sum3A_749 = vector.broadcast %reduce_sum3A_748 : i1 to vector<16xi1>
    %reduce_sum3A_750 = tpu.scan <sum>, %get3A_747 masked %reduce_sum3A_749 : vector<16xi32>, vector<16xi1> -> vector<16xi32>
    %reduce_sum3A_751 = vector.extract %reduce_sum3A_750[15] : i32 from vector<16xi32>
    %ge3A_752 = arith.cmpi sge, %reduce_sum3A_751, %sub3A_684 : i32
    %jit3A_753 = arith.constant 0 : i32
    %select_n3A_754 = arith.select %ge3A_752, %add3A_743, %jit3A_753 : i32
    %add3A_755 = arith.constant 64 : i32
    %add3A_756 = arith.addi %select_n3A_754, %add3A_755 : i32
    %mul3A_757 = arith.constant 16 : i32
    %mul3A_758 = arith.muli %add3A_756, %mul3A_757 : i32
    %get3A_759 = arith.index_cast %mul3A_758 : i32 to index
    %get3A_760 = tpu.vector_load %arg8[%get3A_759] {strides = array<i32>} : memref<4224xi32, #tpu.memory_space<vmem>>, vector<16xi32>,
    %reduce_sum3A_761 = arith.constant true
    %reduce_sum3A_762 = vector.broadcast %reduce_sum3A_761 : i1 to vector<16xi1>
    %reduce_sum3A_763 = tpu.scan <sum>, %get3A_760 masked %reduce_sum3A_762 : vector<16xi32>, vector<16xi1> -> vector<16xi32>
    %reduce_sum3A_764 = vector.extract %reduce_sum3A_763[15] : i32 from vector<16xi32>
    %ge3A_765 = arith.cmpi sge, %reduce_sum3A_764, %sub3A_684 : i32
    %select_n3A_766 = arith.select %ge3A_765, %add3A_756, %select_n3A_754 : i32
    %add3A_767 = arith.constant 32 : i32
    %add3A_768 = arith.addi %select_n3A_766, %add3A_767 : i32
    %mul3A_769 = arith.constant 16 : i32
    %mul3A_770 = arith.muli %add3A_768, %mul3A_769 : i32
    %get3A_771 = arith.index_cast %mul3A_770 : i32 to index
    %get3A_772 = tpu.vector_load %arg8[%get3A_771] {strides = array<i32>} : memref<4224xi32, #tpu.memory_space<vmem>>, vector<16xi32>,
    %reduce_sum3A_773 = arith.constant true
    %reduce_sum3A_774 = vector.broadcast %reduce_sum3A_773 : i1 to vector<16xi1>
    %reduce_sum3A_775 = tpu.scan <sum>, %get3A_772 masked %reduce_sum3A_774 : vector<16xi32>, vector<16xi1> -> vector<16xi32>
    %reduce_sum3A_776 = vector.extract %reduce_sum3A_775[15] : i32 from vector<16xi32>
    %ge3A_777 = arith.cmpi sge, %reduce_sum3A_776, %sub3A_684 : i32
    %select_n3A_778 = arith.select %ge3A_777, %add3A_768, %select_n3A_766 : i32
    %add3A_779 = arith.constant 16 : i32
    %add3A_780 = arith.addi %select_n3A_778, %add3A_779 : i32
    %mul3A_781 = arith.constant 16 : i32
    %mul3A_782 = arith.muli %add3A_780, %mul3A_781 : i32
    %get3A_783 = arith.index_cast %mul3A_782 : i32 to index
    %get3A_784 = tpu.vector_load %arg8[%get3A_783] {strides = array<i32>} : memref<4224xi32, #tpu.memory_space<vmem>>, vector<16xi32>,
    %reduce_sum3A_785 = arith.constant true
    %reduce_sum3A_786 = vector.broadcast %reduce_sum3A_785 : i1 to vector<16xi1>
    %reduce_sum3A_787 = tpu.scan <sum>, %get3A_784 masked %reduce_sum3A_786 : vector<16xi32>, vector<16xi1> -> vector<16xi32>
    %reduce_sum3A_788 = vector.extract %reduce_sum3A_787[15] : i32 from vector<16xi32>
    %ge3A_789 = arith.cmpi sge, %reduce_sum3A_788, %sub3A_684 : i32
    %select_n3A_790 = arith.select %ge3A_789, %add3A_780, %select_n3A_778 : i32
    %add3A_791 = arith.constant 8 : i32
    %add3A_792 = arith.addi %select_n3A_790, %add3A_791 : i32
    %mul3A_793 = arith.constant 16 : i32
    %mul3A_794 = arith.muli %add3A_792, %mul3A_793 : i32
    %get3A_795 = arith.index_cast %mul3A_794 : i32 to index
    %get3A_796 = tpu.vector_load %arg8[%get3A_795] {strides = array<i32>} : memref<4224xi32, #tpu.memory_space<vmem>>, vector<16xi32>,
    %reduce_sum3A_797 = arith.constant true
    %reduce_sum3A_798 = vector.broadcast %reduce_sum3A_797 : i1 to vector<16xi1>
    %reduce_sum3A_799 = tpu.scan <sum>, %get3A_796 masked %reduce_sum3A_798 : vector<16xi32>, vector<16xi1> -> vector<16xi32>
    %reduce_sum3A_800 = vector.extract %reduce_sum3A_799[15] : i32 from vector<16xi32>
    %ge3A_801 = arith.cmpi sge, %reduce_sum3A_800, %sub3A_684 : i32
    %select_n3A_802 = arith.select %ge3A_801, %add3A_792, %select_n3A_790 : i32
    %add3A_803 = arith.constant 4 : i32
    %add3A_804 = arith.addi %select_n3A_802, %add3A_803 : i32
    %mul3A_805 = arith.constant 16 : i32
    %mul3A_806 = arith.muli %add3A_804, %mul3A_805 : i32
    %get3A_807 = arith.index_cast %mul3A_806 : i32 to index
    %get3A_808 = tpu.vector_load %arg8[%get3A_807] {strides = array<i32>} : memref<4224xi32, #tpu.memory_space<vmem>>, vector<16xi32>,
    %reduce_sum3A_809 = arith.constant true
    %reduce_sum3A_810 = vector.broadcast %reduce_sum3A_809 : i1 to vector<16xi1>
    %reduce_sum3A_811 = tpu.scan <sum>, %get3A_808 masked %reduce_sum3A_810 : vector<16xi32>, vector<16xi1> -> vector<16xi32>
    %reduce_sum3A_812 = vector.extract %reduce_sum3A_811[15] : i32 from vector<16xi32>
    %ge3A_813 = arith.cmpi sge, %reduce_sum3A_812, %sub3A_684 : i32
    %select_n3A_814 = arith.select %ge3A_813, %add3A_804, %select_n3A_802 : i32
    %add3A_815 = arith.constant 2 : i32
    %add3A_816 = arith.addi %select_n3A_814, %add3A_815 : i32
    %mul3A_817 = arith.constant 16 : i32
    %mul3A_818 = arith.muli %add3A_816, %mul3A_817 : i32
    %get3A_819 = arith.index_cast %mul3A_818 : i32 to index
    %get3A_820 = tpu.vector_load %arg8[%get3A_819] {strides = array<i32>} : memref<4224xi32, #tpu.memory_space<vmem>>, vector<16xi32>,
    %reduce_sum3A_821 = arith.constant true
    %reduce_sum3A_822 = vector.broadcast %reduce_sum3A_821 : i1 to vector<16xi1>
    %reduce_sum3A_823 = tpu.scan <sum>, %get3A_820 masked %reduce_sum3A_822 : vector<16xi32>, vector<16xi1> -> vector<16xi32>
    %reduce_sum3A_824 = vector.extract %reduce_sum3A_823[15] : i32 from vector<16xi32>
    %ge3A_825 = arith.cmpi sge, %reduce_sum3A_824, %sub3A_684 : i32
    %select_n3A_826 = arith.select %ge3A_825, %add3A_816, %select_n3A_814 : i32
    %add3A_827 = arith.constant 1 : i32
    %add3A_828 = arith.addi %select_n3A_826, %add3A_827 : i32
    %mul3A_829 = arith.constant 16 : i32
    %mul3A_830 = arith.muli %add3A_828, %mul3A_829 : i32
    %get3A_831 = arith.index_cast %mul3A_830 : i32 to index
    %get3A_832 = tpu.vector_load %arg8[%get3A_831] {strides = array<i32>} : memref<4224xi32, #tpu.memory_space<vmem>>, vector<16xi32>,
    %reduce_sum3A_833 = arith.constant true
    %reduce_sum3A_834 = vector.broadcast %reduce_sum3A_833 : i1 to vector<16xi1>
    %reduce_sum3A_835 = tpu.scan <sum>, %get3A_832 masked %reduce_sum3A_834 : vector<16xi32>, vector<16xi1> -> vector<16xi32>
    %reduce_sum3A_836 = vector.extract %reduce_sum3A_835[15] : i32 from vector<16xi32>
    %ge3A_837 = arith.cmpi sge, %reduce_sum3A_836, %sub3A_684 : i32
    %select_n3A_838 = arith.select %ge3A_837, %add3A_828, %select_n3A_826 : i32
    %add3A_839 = arith.constant 1 : i32
    %add3A_840 = arith.addi %select_n3A_838, %add3A_839 : i32
    %mul3A_841 = arith.constant 16 : i32
    %mul3A_842 = arith.muli %add3A_840, %mul3A_841 : i32
    %get3A_843 = arith.index_cast %mul3A_842 : i32 to index
    %get3A_844 = tpu.vector_load %arg8[%get3A_843] {strides = array<i32>} : memref<4224xi32, #tpu.memory_space<vmem>>, vector<16xi32>,
    %reduce_sum3A_845 = arith.constant true
    %reduce_sum3A_846 = vector.broadcast %reduce_sum3A_845 : i1 to vector<16xi1>
    %reduce_sum3A_847 = tpu.scan <sum>, %get3A_844 masked %reduce_sum3A_846 : vector<16xi32>, vector<16xi1> -> vector<16xi32>
    %reduce_sum3A_848 = vector.extract %reduce_sum3A_847[15] : i32 from vector<16xi32>
    %sub3A_849 = arith.subi %sub3A_684, %reduce_sum3A_848 : i32
    %parallel_loop3A_850 = arith.constant 0 : i32
    %parallel_loop3A_851 = arith.constant 264 : i32
    %parallel_loop3A_852 = arith.constant 1 : i32
    scf.for %parallel_loop3A_1134 = %parallel_loop3A_850 to %parallel_loop3A_851 step %parallel_loop3A_852  : i32 {
      %parallel_loop3A_1135 = arith.constant 16 : i32
      %parallel_loop3A_1136 = arith.muli %parallel_loop3A_1134, %parallel_loop3A_1135 : i32
      %parallel_loop3A_1137 = arith.index_cast %parallel_loop3A_1136 : i32 to index
      %parallel_loop3A_1138 = tpu.vector_load %arg8[%parallel_loop3A_1137] {strides = array<i32>} : memref<4224xi32, #tpu.memory_space<vmem>>, vector<16xi32>,
      tpu.vector_store %arg8[%parallel_loop3A_1137], %broadcast_in_dim3A_3 {strides = array<i32>} : memref<4224xi32, #tpu.memory_space<vmem>>, vector<16xi32>,
    } {sc.loop_unroll_factor = 8 : i64, sc.parallel_access}
    %while3A_853 = arith.constant 0 : i32
    %while3A_854 = arith.constant 0 : i32
    %while3A_855 = arith.subi %select_n3A_721, %while3A_853 : i32
    %while3A_856 = arith.addi %while3A_853, %while3A_855 : i32
    %while3A_857 = arith.constant 1 : i32
    %while3A_858 = arith.divsi %while3A_855, %while3A_857 : i32
    %while3A_859 = arith.muli %while3A_858, %while3A_857 : i32
    %while3A_860 = arith.addi %while3A_853, %while3A_859 : i32
    %while3A_861 = arith.constant 1 : i32
    %while3A_862 = scf.for %while3A_1134 = %while3A_853 to %while3A_860 step %while3A_861 iter_args(%while3A_1135 = %while3A_854) -> (i32)  : i32 {
      %mul3A_1136 = arith.constant 4 : i32
      %mul3A_1137 = arith.muli %while3A_1134, %mul3A_1136 : i32
      %add3A_1138 = arith.constant 0 : i32
      %add3A_1139 = arith.addi %mul3A_1137, %add3A_1138 : i32
      %mul3A_1140 = arith.constant 16 : i32
      %mul3A_1141 = arith.muli %add3A_1139, %mul3A_1140 : i32
      %get3A_1142 = arith.index_cast %mul3A_1141 : i32 to index
      %get3A_1143 = tpu.vector_load %arg6[%get3A_1142] {strides = array<i32>} : memref<32800xi32, #tpu.memory_space<vmem>>, vector<16xi32>,
      %bitcast3A = vector.bitcast %get3A_1143 : vector<16xi32> to vector<16xi32>
      %add3A_1144 = vector.broadcast %mul3A_1141 : i32 to vector<16xi32>
      %add3A_1145 = arith.addi %add3A_1144, %iota3A : vector<16xi32>
      %lt3A = vector.broadcast %squeeze3A_695 : i32 to vector<16xi32>
      %lt3A_1146 = arith.cmpi slt, %add3A_1145, %lt3A : vector<16xi32>
      %shift_right_logical3A = arith.constant 16 : i32
      %shift_right_logical3A_1147 = vector.broadcast %shift_right_logical3A : i32 to vector<16xi32>
      %shift_right_logical3A_1148 = arith.shrui %bitcast3A, %shift_right_logical3A_1147 : vector<16xi32>
      %and3A_1149 = arith.constant 255 : i32
      %and3A_1150 = vector.broadcast %and3A_1149 : i32 to vector<16xi32>
      %and3A_1151 = arith.andi %shift_right_logical3A_1148, %and3A_1150 : vector<16xi32>
      %eq3A = vector.broadcast %select_n3A_838 : i32 to vector<16xi32>
      %eq3A_1152 = arith.cmpi eq, %and3A_1151, %eq3A : vector<16xi32>
      %and3A_1153 = arith.andi %lt3A_1146, %eq3A_1152 : vector<16xi1>
      %shift_right_logical3A_1154 = arith.constant 8 : i32
      %shift_right_logical3A_1155 = vector.broadcast %shift_right_logical3A_1154 : i32 to vector<16xi32>
      %shift_right_logical3A_1156 = arith.shrui %bitcast3A, %shift_right_logical3A_1155 : vector<16xi32>
      %and3A_1157 = arith.constant 255 : i32
      %and3A_1158 = vector.broadcast %and3A_1157 : i32 to vector<16xi32>
      %and3A_1159 = arith.andi %shift_right_logical3A_1156, %and3A_1158 : vector<16xi32>
      %shift_left3A_1160 = arith.constant 4 : i32
      %shift_left3A_1161 = vector.broadcast %shift_left3A_1160 : i32 to vector<16xi32>
      %shift_left3A_1162 = arith.shli %and3A_1159, %shift_left3A_1161 : vector<16xi32>
      %add3A_1163 = arith.addi %shift_left3A_1162, %iota3A : vector<16xi32>
      tpu.vector_store_idx %arg8[%add3A_1163], %broadcast_in_dim3A_1 masked %and3A_1153 {add = true} : memref<4224xi32, #tpu.memory_space<vmem>>[vector<16xi32>], vector<16xi32>, vector<16xi1>
      %mul3A_1164 = arith.constant 4 : i32
      %mul3A_1165 = arith.muli %while3A_1134, %mul3A_1164 : i32
      %add3A_1166 = arith.constant 1 : i32
      %add3A_1167 = arith.addi %mul3A_1165, %add3A_1166 : i32
      %mul3A_1168 = arith.constant 16 : i32
      %mul3A_1169 = arith.muli %add3A_1167, %mul3A_1168 : i32
      %get3A_1170 = arith.index_cast %mul3A_1169 : i32 to index
      %get3A_1171 = tpu.vector_load %arg6[%get3A_1170] {strides = array<i32>} : memref<32800xi32, #tpu.memory_space<vmem>>, vector<16xi32>,
      %bitcast3A_1172 = vector.bitcast %get3A_1171 : vector<16xi32> to vector<16xi32>
      %add3A_1173 = vector.broadcast %mul3A_1169 : i32 to vector<16xi32>
      %add3A_1174 = arith.addi %add3A_1173, %iota3A : vector<16xi32>
      %lt3A_1175 = vector.broadcast %squeeze3A_695 : i32 to vector<16xi32>
      %lt3A_1176 = arith.cmpi slt, %add3A_1174, %lt3A_1175 : vector<16xi32>
      %shift_right_logical3A_1177 = arith.constant 16 : i32
      %shift_right_logical3A_1178 = vector.broadcast %shift_right_logical3A_1177 : i32 to vector<16xi32>
      %shift_right_logical3A_1179 = arith.shrui %bitcast3A_1172, %shift_right_logical3A_1178 : vector<16xi32>
      %and3A_1180 = arith.constant 255 : i32
      %and3A_1181 = vector.broadcast %and3A_1180 : i32 to vector<16xi32>
      %and3A_1182 = arith.andi %shift_right_logical3A_1179, %and3A_1181 : vector<16xi32>
      %eq3A_1183 = vector.broadcast %select_n3A_838 : i32 to vector<16xi32>
      %eq3A_1184 = arith.cmpi eq, %and3A_1182, %eq3A_1183 : vector<16xi32>
      %and3A_1185 = arith.andi %lt3A_1176, %eq3A_1184 : vector<16xi1>
      %shift_right_logical3A_1186 = arith.constant 8 : i32
      %shift_right_logical3A_1187 = vector.broadcast %shift_right_logical3A_1186 : i32 to vector<16xi32>
      %shift_right_logical3A_1188 = arith.shrui %bitcast3A_1172, %shift_right_logical3A_1187 : vector<16xi32>
      %and3A_1189 = arith.constant 255 : i32
      %and3A_1190 = vector.broadcast %and3A_1189 : i32 to vector<16xi32>
      %and3A_1191 = arith.andi %shift_right_logical3A_1188, %and3A_1190 : vector<16xi32>
      %shift_left3A_1192 = arith.constant 4 : i32
      %shift_left3A_1193 = vector.broadcast %shift_left3A_1192 : i32 to vector<16xi32>
      %shift_left3A_1194 = arith.shli %and3A_1191, %shift_left3A_1193 : vector<16xi32>
      %add3A_1195 = arith.addi %shift_left3A_1194, %iota3A : vector<16xi32>
      tpu.vector_store_idx %arg8[%add3A_1195], %broadcast_in_dim3A_1 masked %and3A_1185 {add = true} : memref<4224xi32, #tpu.memory_space<vmem>>[vector<16xi32>], vector<16xi32>, vector<16xi1>
      %mul3A_1196 = arith.constant 4 : i32
      %mul3A_1197 = arith.muli %while3A_1134, %mul3A_1196 : i32
      %add3A_1198 = arith.constant 2 : i32
      %add3A_1199 = arith.addi %mul3A_1197, %add3A_1198 : i32
      %mul3A_1200 = arith.constant 16 : i32
      %mul3A_1201 = arith.muli %add3A_1199, %mul3A_1200 : i32
      %get3A_1202 = arith.index_cast %mul3A_1201 : i32 to index
      %get3A_1203 = tpu.vector_load %arg6[%get3A_1202] {strides = array<i32>} : memref<32800xi32, #tpu.memory_space<vmem>>, vector<16xi32>,
      %bitcast3A_1204 = vector.bitcast %get3A_1203 : vector<16xi32> to vector<16xi32>
      %add3A_1205 = vector.broadcast %mul3A_1201 : i32 to vector<16xi32>
      %add3A_1206 = arith.addi %add3A_1205, %iota3A : vector<16xi32>
      %lt3A_1207 = vector.broadcast %squeeze3A_695 : i32 to vector<16xi32>
      %lt3A_1208 = arith.cmpi slt, %add3A_1206, %lt3A_1207 : vector<16xi32>
      %shift_right_logical3A_1209 = arith.constant 16 : i32
      %shift_right_logical3A_1210 = vector.broadcast %shift_right_logical3A_1209 : i32 to vector<16xi32>
      %shift_right_logical3A_1211 = arith.shrui %bitcast3A_1204, %shift_right_logical3A_1210 : vector<16xi32>
      %and3A_1212 = arith.constant 255 : i32
      %and3A_1213 = vector.broadcast %and3A_1212 : i32 to vector<16xi32>
      %and3A_1214 = arith.andi %shift_right_logical3A_1211, %and3A_1213 : vector<16xi32>
      %eq3A_1215 = vector.broadcast %select_n3A_838 : i32 to vector<16xi32>
      %eq3A_1216 = arith.cmpi eq, %and3A_1214, %eq3A_1215 : vector<16xi32>
      %and3A_1217 = arith.andi %lt3A_1208, %eq3A_1216 : vector<16xi1>
      %shift_right_logical3A_1218 = arith.constant 8 : i32
      %shift_right_logical3A_1219 = vector.broadcast %shift_right_logical3A_1218 : i32 to vector<16xi32>
      %shift_right_logical3A_1220 = arith.shrui %bitcast3A_1204, %shift_right_logical3A_1219 : vector<16xi32>
      %and3A_1221 = arith.constant 255 : i32
      %and3A_1222 = vector.broadcast %and3A_1221 : i32 to vector<16xi32>
      %and3A_1223 = arith.andi %shift_right_logical3A_1220, %and3A_1222 : vector<16xi32>
      %shift_left3A_1224 = arith.constant 4 : i32
      %shift_left3A_1225 = vector.broadcast %shift_left3A_1224 : i32 to vector<16xi32>
      %shift_left3A_1226 = arith.shli %and3A_1223, %shift_left3A_1225 : vector<16xi32>
      %add3A_1227 = arith.addi %shift_left3A_1226, %iota3A : vector<16xi32>
      tpu.vector_store_idx %arg8[%add3A_1227], %broadcast_in_dim3A_1 masked %and3A_1217 {add = true} : memref<4224xi32, #tpu.memory_space<vmem>>[vector<16xi32>], vector<16xi32>, vector<16xi1>
      %mul3A_1228 = arith.constant 4 : i32
      %mul3A_1229 = arith.muli %while3A_1134, %mul3A_1228 : i32
      %add3A_1230 = arith.constant 3 : i32
      %add3A_1231 = arith.addi %mul3A_1229, %add3A_1230 : i32
      %mul3A_1232 = arith.constant 16 : i32
      %mul3A_1233 = arith.muli %add3A_1231, %mul3A_1232 : i32
      %get3A_1234 = arith.index_cast %mul3A_1233 : i32 to index
      %get3A_1235 = tpu.vector_load %arg6[%get3A_1234] {strides = array<i32>} : memref<32800xi32, #tpu.memory_space<vmem>>, vector<16xi32>,
      %bitcast3A_1236 = vector.bitcast %get3A_1235 : vector<16xi32> to vector<16xi32>
      %add3A_1237 = vector.broadcast %mul3A_1233 : i32 to vector<16xi32>
      %add3A_1238 = arith.addi %add3A_1237, %iota3A : vector<16xi32>
      %lt3A_1239 = vector.broadcast %squeeze3A_695 : i32 to vector<16xi32>
      %lt3A_1240 = arith.cmpi slt, %add3A_1238, %lt3A_1239 : vector<16xi32>
      %shift_right_logical3A_1241 = arith.constant 16 : i32
      %shift_right_logical3A_1242 = vector.broadcast %shift_right_logical3A_1241 : i32 to vector<16xi32>
      %shift_right_logical3A_1243 = arith.shrui %bitcast3A_1236, %shift_right_logical3A_1242 : vector<16xi32>
      %and3A_1244 = arith.constant 255 : i32
      %and3A_1245 = vector.broadcast %and3A_1244 : i32 to vector<16xi32>
      %and3A_1246 = arith.andi %shift_right_logical3A_1243, %and3A_1245 : vector<16xi32>
      %eq3A_1247 = vector.broadcast %select_n3A_838 : i32 to vector<16xi32>
      %eq3A_1248 = arith.cmpi eq, %and3A_1246, %eq3A_1247 : vector<16xi32>
      %and3A_1249 = arith.andi %lt3A_1240, %eq3A_1248 : vector<16xi1>
      %shift_right_logical3A_1250 = arith.constant 8 : i32
      %shift_right_logical3A_1251 = vector.broadcast %shift_right_logical3A_1250 : i32 to vector<16xi32>
      %shift_right_logical3A_1252 = arith.shrui %bitcast3A_1236, %shift_right_logical3A_1251 : vector<16xi32>
      %and3A_1253 = arith.constant 255 : i32
      %and3A_1254 = vector.broadcast %and3A_1253 : i32 to vector<16xi32>
      %and3A_1255 = arith.andi %shift_right_logical3A_1252, %and3A_1254 : vector<16xi32>
      %shift_left3A_1256 = arith.constant 4 : i32
      %shift_left3A_1257 = vector.broadcast %shift_left3A_1256 : i32 to vector<16xi32>
      %shift_left3A_1258 = arith.shli %and3A_1255, %shift_left3A_1257 : vector<16xi32>
      %add3A_1259 = arith.addi %shift_left3A_1258, %iota3A : vector<16xi32>
      tpu.vector_store_idx %arg8[%add3A_1259], %broadcast_in_dim3A_1 masked %and3A_1249 {add = true} : memref<4224xi32, #tpu.memory_space<vmem>>[vector<16xi32>], vector<16xi32>, vector<16xi1>
      %while3A_1260 = arith.constant 0 : i32
      scf.yield %while3A_1260 : i32
    }
    %while3A_863 = arith.constant 1 : i32
    %while3A_864 = scf.for %while3A_1134 = %while3A_860 to %while3A_856 step %while3A_863 iter_args(%while3A_1135 = %while3A_862) -> (i32)  : i32 {
      %mul3A_1136 = arith.constant 4 : i32
      %mul3A_1137 = arith.muli %while3A_1134, %mul3A_1136 : i32
      %add3A_1138 = arith.constant 0 : i32
      %add3A_1139 = arith.addi %mul3A_1137, %add3A_1138 : i32
      %mul3A_1140 = arith.constant 16 : i32
      %mul3A_1141 = arith.muli %add3A_1139, %mul3A_1140 : i32
      %get3A_1142 = arith.index_cast %mul3A_1141 : i32 to index
      %get3A_1143 = tpu.vector_load %arg6[%get3A_1142] {strides = array<i32>} : memref<32800xi32, #tpu.memory_space<vmem>>, vector<16xi32>,
      %bitcast3A = vector.bitcast %get3A_1143 : vector<16xi32> to vector<16xi32>
      %add3A_1144 = vector.broadcast %mul3A_1141 : i32 to vector<16xi32>
      %add3A_1145 = arith.addi %add3A_1144, %iota3A : vector<16xi32>
      %lt3A = vector.broadcast %squeeze3A_695 : i32 to vector<16xi32>
      %lt3A_1146 = arith.cmpi slt, %add3A_1145, %lt3A : vector<16xi32>
      %shift_right_logical3A = arith.constant 16 : i32
      %shift_right_logical3A_1147 = vector.broadcast %shift_right_logical3A : i32 to vector<16xi32>
      %shift_right_logical3A_1148 = arith.shrui %bitcast3A, %shift_right_logical3A_1147 : vector<16xi32>
      %and3A_1149 = arith.constant 255 : i32
      %and3A_1150 = vector.broadcast %and3A_1149 : i32 to vector<16xi32>
      %and3A_1151 = arith.andi %shift_right_logical3A_1148, %and3A_1150 : vector<16xi32>
      %eq3A = vector.broadcast %select_n3A_838 : i32 to vector<16xi32>
      %eq3A_1152 = arith.cmpi eq, %and3A_1151, %eq3A : vector<16xi32>
      %and3A_1153 = arith.andi %lt3A_1146, %eq3A_1152 : vector<16xi1>
      %shift_right_logical3A_1154 = arith.constant 8 : i32
      %shift_right_logical3A_1155 = vector.broadcast %shift_right_logical3A_1154 : i32 to vector<16xi32>
      %shift_right_logical3A_1156 = arith.shrui %bitcast3A, %shift_right_logical3A_1155 : vector<16xi32>
      %and3A_1157 = arith.constant 255 : i32
      %and3A_1158 = vector.broadcast %and3A_1157 : i32 to vector<16xi32>
      %and3A_1159 = arith.andi %shift_right_logical3A_1156, %and3A_1158 : vector<16xi32>
      %shift_left3A_1160 = arith.constant 4 : i32
      %shift_left3A_1161 = vector.broadcast %shift_left3A_1160 : i32 to vector<16xi32>
      %shift_left3A_1162 = arith.shli %and3A_1159, %shift_left3A_1161 : vector<16xi32>
      %add3A_1163 = arith.addi %shift_left3A_1162, %iota3A : vector<16xi32>
      tpu.vector_store_idx %arg8[%add3A_1163], %broadcast_in_dim3A_1 masked %and3A_1153 {add = true} : memref<4224xi32, #tpu.memory_space<vmem>>[vector<16xi32>], vector<16xi32>, vector<16xi1>
      %mul3A_1164 = arith.constant 4 : i32
      %mul3A_1165 = arith.muli %while3A_1134, %mul3A_1164 : i32
      %add3A_1166 = arith.constant 1 : i32
      %add3A_1167 = arith.addi %mul3A_1165, %add3A_1166 : i32
      %mul3A_1168 = arith.constant 16 : i32
      %mul3A_1169 = arith.muli %add3A_1167, %mul3A_1168 : i32
      %get3A_1170 = arith.index_cast %mul3A_1169 : i32 to index
      %get3A_1171 = tpu.vector_load %arg6[%get3A_1170] {strides = array<i32>} : memref<32800xi32, #tpu.memory_space<vmem>>, vector<16xi32>,
      %bitcast3A_1172 = vector.bitcast %get3A_1171 : vector<16xi32> to vector<16xi32>
      %add3A_1173 = vector.broadcast %mul3A_1169 : i32 to vector<16xi32>
      %add3A_1174 = arith.addi %add3A_1173, %iota3A : vector<16xi32>
      %lt3A_1175 = vector.broadcast %squeeze3A_695 : i32 to vector<16xi32>
      %lt3A_1176 = arith.cmpi slt, %add3A_1174, %lt3A_1175 : vector<16xi32>
      %shift_right_logical3A_1177 = arith.constant 16 : i32
      %shift_right_logical3A_1178 = vector.broadcast %shift_right_logical3A_1177 : i32 to vector<16xi32>
      %shift_right_logical3A_1179 = arith.shrui %bitcast3A_1172, %shift_right_logical3A_1178 : vector<16xi32>
      %and3A_1180 = arith.constant 255 : i32
      %and3A_1181 = vector.broadcast %and3A_1180 : i32 to vector<16xi32>
      %and3A_1182 = arith.andi %shift_right_logical3A_1179, %and3A_1181 : vector<16xi32>
      %eq3A_1183 = vector.broadcast %select_n3A_838 : i32 to vector<16xi32>
      %eq3A_1184 = arith.cmpi eq, %and3A_1182, %eq3A_1183 : vector<16xi32>
      %and3A_1185 = arith.andi %lt3A_1176, %eq3A_1184 : vector<16xi1>
      %shift_right_logical3A_1186 = arith.constant 8 : i32
      %shift_right_logical3A_1187 = vector.broadcast %shift_right_logical3A_1186 : i32 to vector<16xi32>
      %shift_right_logical3A_1188 = arith.shrui %bitcast3A_1172, %shift_right_logical3A_1187 : vector<16xi32>
      %and3A_1189 = arith.constant 255 : i32
      %and3A_1190 = vector.broadcast %and3A_1189 : i32 to vector<16xi32>
      %and3A_1191 = arith.andi %shift_right_logical3A_1188, %and3A_1190 : vector<16xi32>
      %shift_left3A_1192 = arith.constant 4 : i32
      %shift_left3A_1193 = vector.broadcast %shift_left3A_1192 : i32 to vector<16xi32>
      %shift_left3A_1194 = arith.shli %and3A_1191, %shift_left3A_1193 : vector<16xi32>
      %add3A_1195 = arith.addi %shift_left3A_1194, %iota3A : vector<16xi32>
      tpu.vector_store_idx %arg8[%add3A_1195], %broadcast_in_dim3A_1 masked %and3A_1185 {add = true} : memref<4224xi32, #tpu.memory_space<vmem>>[vector<16xi32>], vector<16xi32>, vector<16xi1>
      %mul3A_1196 = arith.constant 4 : i32
      %mul3A_1197 = arith.muli %while3A_1134, %mul3A_1196 : i32
      %add3A_1198 = arith.constant 2 : i32
      %add3A_1199 = arith.addi %mul3A_1197, %add3A_1198 : i32
      %mul3A_1200 = arith.constant 16 : i32
      %mul3A_1201 = arith.muli %add3A_1199, %mul3A_1200 : i32
      %get3A_1202 = arith.index_cast %mul3A_1201 : i32 to index
      %get3A_1203 = tpu.vector_load %arg6[%get3A_1202] {strides = array<i32>} : memref<32800xi32, #tpu.memory_space<vmem>>, vector<16xi32>,
      %bitcast3A_1204 = vector.bitcast %get3A_1203 : vector<16xi32> to vector<16xi32>
      %add3A_1205 = vector.broadcast %mul3A_1201 : i32 to vector<16xi32>
      %add3A_1206 = arith.addi %add3A_1205, %iota3A : vector<16xi32>
      %lt3A_1207 = vector.broadcast %squeeze3A_695 : i32 to vector<16xi32>
      %lt3A_1208 = arith.cmpi slt, %add3A_1206, %lt3A_1207 : vector<16xi32>
      %shift_right_logical3A_1209 = arith.constant 16 : i32
      %shift_right_logical3A_1210 = vector.broadcast %shift_right_logical3A_1209 : i32 to vector<16xi32>
      %shift_right_logical3A_1211 = arith.shrui %bitcast3A_1204, %shift_right_logical3A_1210 : vector<16xi32>
      %and3A_1212 = arith.constant 255 : i32
      %and3A_1213 = vector.broadcast %and3A_1212 : i32 to vector<16xi32>
      %and3A_1214 = arith.andi %shift_right_logical3A_1211, %and3A_1213 : vector<16xi32>
      %eq3A_1215 = vector.broadcast %select_n3A_838 : i32 to vector<16xi32>
      %eq3A_1216 = arith.cmpi eq, %and3A_1214, %eq3A_1215 : vector<16xi32>
      %and3A_1217 = arith.andi %lt3A_1208, %eq3A_1216 : vector<16xi1>
      %shift_right_logical3A_1218 = arith.constant 8 : i32
      %shift_right_logical3A_1219 = vector.broadcast %shift_right_logical3A_1218 : i32 to vector<16xi32>
      %shift_right_logical3A_1220 = arith.shrui %bitcast3A_1204, %shift_right_logical3A_1219 : vector<16xi32>
      %and3A_1221 = arith.constant 255 : i32
      %and3A_1222 = vector.broadcast %and3A_1221 : i32 to vector<16xi32>
      %and3A_1223 = arith.andi %shift_right_logical3A_1220, %and3A_1222 : vector<16xi32>
      %shift_left3A_1224 = arith.constant 4 : i32
      %shift_left3A_1225 = vector.broadcast %shift_left3A_1224 : i32 to vector<16xi32>
      %shift_left3A_1226 = arith.shli %and3A_1223, %shift_left3A_1225 : vector<16xi32>
      %add3A_1227 = arith.addi %shift_left3A_1226, %iota3A : vector<16xi32>
      tpu.vector_store_idx %arg8[%add3A_1227], %broadcast_in_dim3A_1 masked %and3A_1217 {add = true} : memref<4224xi32, #tpu.memory_space<vmem>>[vector<16xi32>], vector<16xi32>, vector<16xi1>
      %mul3A_1228 = arith.constant 4 : i32
      %mul3A_1229 = arith.muli %while3A_1134, %mul3A_1228 : i32
      %add3A_1230 = arith.constant 3 : i32
      %add3A_1231 = arith.addi %mul3A_1229, %add3A_1230 : i32
      %mul3A_1232 = arith.constant 16 : i32
      %mul3A_1233 = arith.muli %add3A_1231, %mul3A_1232 : i32
      %get3A_1234 = arith.index_cast %mul3A_1233 : i32 to index
      %get3A_1235 = tpu.vector_load %arg6[%get3A_1234] {strides = array<i32>} : memref<32800xi32, #tpu.memory_space<vmem>>, vector<16xi32>,
      %bitcast3A_1236 = vector.bitcast %get3A_1235 : vector<16xi32> to vector<16xi32>
      %add3A_1237 = vector.broadcast %mul3A_1233 : i32 to vector<16xi32>
      %add3A_1238 = arith.addi %add3A_1237, %iota3A : vector<16xi32>
      %lt3A_1239 = vector.broadcast %squeeze3A_695 : i32 to vector<16xi32>
      %lt3A_1240 = arith.cmpi slt, %add3A_1238, %lt3A_1239 : vector<16xi32>
      %shift_right_logical3A_1241 = arith.constant 16 : i32
      %shift_right_logical3A_1242 = vector.broadcast %shift_right_logical3A_1241 : i32 to vector<16xi32>
      %shift_right_logical3A_1243 = arith.shrui %bitcast3A_1236, %shift_right_logical3A_1242 : vector<16xi32>
      %and3A_1244 = arith.constant 255 : i32
      %and3A_1245 = vector.broadcast %and3A_1244 : i32 to vector<16xi32>
      %and3A_1246 = arith.andi %shift_right_logical3A_1243, %and3A_1245 : vector<16xi32>
      %eq3A_1247 = vector.broadcast %select_n3A_838 : i32 to vector<16xi32>
      %eq3A_1248 = arith.cmpi eq, %and3A_1246, %eq3A_1247 : vector<16xi32>
      %and3A_1249 = arith.andi %lt3A_1240, %eq3A_1248 : vector<16xi1>
      %shift_right_logical3A_1250 = arith.constant 8 : i32
      %shift_right_logical3A_1251 = vector.broadcast %shift_right_logical3A_1250 : i32 to vector<16xi32>
      %shift_right_logical3A_1252 = arith.shrui %bitcast3A_1236, %shift_right_logical3A_1251 : vector<16xi32>
      %and3A_1253 = arith.constant 255 : i32
      %and3A_1254 = vector.broadcast %and3A_1253 : i32 to vector<16xi32>
      %and3A_1255 = arith.andi %shift_right_logical3A_1252, %and3A_1254 : vector<16xi32>
      %shift_left3A_1256 = arith.constant 4 : i32
      %shift_left3A_1257 = vector.broadcast %shift_left3A_1256 : i32 to vector<16xi32>
      %shift_left3A_1258 = arith.shli %and3A_1255, %shift_left3A_1257 : vector<16xi32>
      %add3A_1259 = arith.addi %shift_left3A_1258, %iota3A : vector<16xi32>
      tpu.vector_store_idx %arg8[%add3A_1259], %broadcast_in_dim3A_1 masked %and3A_1249 {add = true} : memref<4224xi32, #tpu.memory_space<vmem>>[vector<16xi32>], vector<16xi32>, vector<16xi1>
      %while3A_1260 = arith.constant 0 : i32
      scf.yield %while3A_1260 : i32
    }
    %parallel_loop3A_865 = arith.constant 0 : i32
    %parallel_loop3A_866 = arith.constant 256 : i32
    %parallel_loop3A_867 = arith.constant 1 : i32
    %parallel_loop3A_868 = scf.for %parallel_loop3A_1134 = %parallel_loop3A_865 to %parallel_loop3A_866 step %parallel_loop3A_867 iter_args(%parallel_loop3A_1135 = %broadcast_in_dim3A_3) -> (vector<16xi32>)  : i32 {
      %parallel_loop3A_1136 = arith.constant 255 : i32
      %parallel_loop3A_1137 = arith.subi %parallel_loop3A_1136, %parallel_loop3A_1134 : i32
      %parallel_loop3A_1138 = arith.constant 16 : i32
      %parallel_loop3A_1139 = arith.muli %parallel_loop3A_1137, %parallel_loop3A_1138 : i32
      %parallel_loop3A_1140 = arith.index_cast %parallel_loop3A_1139 : i32 to index
      %parallel_loop3A_1141 = tpu.vector_load %arg8[%parallel_loop3A_1140] {strides = array<i32>} : memref<4224xi32, #tpu.memory_space<vmem>>, vector<16xi32>,
      %parallel_loop3A_1142 = arith.addi %parallel_loop3A_1135, %parallel_loop3A_1141 : vector<16xi32>
      %parallel_loop3A_1143 = arith.constant 16 : i32
      %parallel_loop3A_1144 = arith.muli %parallel_loop3A_1137, %parallel_loop3A_1143 : i32
      %parallel_loop3A_1145 = arith.index_cast %parallel_loop3A_1144 : i32 to index
      %parallel_loop3A_1146 = tpu.vector_load %arg8[%parallel_loop3A_1145] {strides = array<i32>} : memref<4224xi32, #tpu.memory_space<vmem>>, vector<16xi32>,
      tpu.vector_store %arg8[%parallel_loop3A_1145], %parallel_loop3A_1142 {strides = array<i32>} : memref<4224xi32, #tpu.memory_space<vmem>>, vector<16xi32>,
      scf.yield %parallel_loop3A_1142 : vector<16xi32>
    } {sc.loop_unroll_factor = 4 : i64, sc.parallel_access}
    %add3A_869 = arith.constant 0 : i32
    %add3A_870 = arith.constant 128 : i32
    %add3A_871 = arith.addi %add3A_869, %add3A_870 : i32
    %mul3A_872 = arith.constant 16 : i32
    %mul3A_873 = arith.muli %add3A_871, %mul3A_872 : i32
    %get3A_874 = arith.index_cast %mul3A_873 : i32 to index
    %get3A_875 = tpu.vector_load %arg8[%get3A_874] {strides = array<i32>} : memref<4224xi32, #tpu.memory_space<vmem>>, vector<16xi32>,
    %reduce_sum3A_876 = arith.constant true
    %reduce_sum3A_877 = vector.broadcast %reduce_sum3A_876 : i1 to vector<16xi1>
    %reduce_sum3A_878 = tpu.scan <sum>, %get3A_875 masked %reduce_sum3A_877 : vector<16xi32>, vector<16xi1> -> vector<16xi32>
    %reduce_sum3A_879 = vector.extract %reduce_sum3A_878[15] : i32 from vector<16xi32>
    %ge3A_880 = arith.cmpi sge, %reduce_sum3A_879, %sub3A_849 : i32
    %jit3A_881 = arith.constant 0 : i32
    %select_n3A_882 = arith.select %ge3A_880, %add3A_871, %jit3A_881 : i32
    %add3A_883 = arith.constant 64 : i32
    %add3A_884 = arith.addi %select_n3A_882, %add3A_883 : i32
    %mul3A_885 = arith.constant 16 : i32
    %mul3A_886 = arith.muli %add3A_884, %mul3A_885 : i32
    %get3A_887 = arith.index_cast %mul3A_886 : i32 to index
    %get3A_888 = tpu.vector_load %arg8[%get3A_887] {strides = array<i32>} : memref<4224xi32, #tpu.memory_space<vmem>>, vector<16xi32>,
    %reduce_sum3A_889 = arith.constant true
    %reduce_sum3A_890 = vector.broadcast %reduce_sum3A_889 : i1 to vector<16xi1>
    %reduce_sum3A_891 = tpu.scan <sum>, %get3A_888 masked %reduce_sum3A_890 : vector<16xi32>, vector<16xi1> -> vector<16xi32>
    %reduce_sum3A_892 = vector.extract %reduce_sum3A_891[15] : i32 from vector<16xi32>
    %ge3A_893 = arith.cmpi sge, %reduce_sum3A_892, %sub3A_849 : i32
    %select_n3A_894 = arith.select %ge3A_893, %add3A_884, %select_n3A_882 : i32
    %add3A_895 = arith.constant 32 : i32
    %add3A_896 = arith.addi %select_n3A_894, %add3A_895 : i32
    %mul3A_897 = arith.constant 16 : i32
    %mul3A_898 = arith.muli %add3A_896, %mul3A_897 : i32
    %get3A_899 = arith.index_cast %mul3A_898 : i32 to index
    %get3A_900 = tpu.vector_load %arg8[%get3A_899] {strides = array<i32>} : memref<4224xi32, #tpu.memory_space<vmem>>, vector<16xi32>,
    %reduce_sum3A_901 = arith.constant true
    %reduce_sum3A_902 = vector.broadcast %reduce_sum3A_901 : i1 to vector<16xi1>
    %reduce_sum3A_903 = tpu.scan <sum>, %get3A_900 masked %reduce_sum3A_902 : vector<16xi32>, vector<16xi1> -> vector<16xi32>
    %reduce_sum3A_904 = vector.extract %reduce_sum3A_903[15] : i32 from vector<16xi32>
    %ge3A_905 = arith.cmpi sge, %reduce_sum3A_904, %sub3A_849 : i32
    %select_n3A_906 = arith.select %ge3A_905, %add3A_896, %select_n3A_894 : i32
    %add3A_907 = arith.constant 16 : i32
    %add3A_908 = arith.addi %select_n3A_906, %add3A_907 : i32
    %mul3A_909 = arith.constant 16 : i32
    %mul3A_910 = arith.muli %add3A_908, %mul3A_909 : i32
    %get3A_911 = arith.index_cast %mul3A_910 : i32 to index
    %get3A_912 = tpu.vector_load %arg8[%get3A_911] {strides = array<i32>} : memref<4224xi32, #tpu.memory_space<vmem>>, vector<16xi32>,
    %reduce_sum3A_913 = arith.constant true
    %reduce_sum3A_914 = vector.broadcast %reduce_sum3A_913 : i1 to vector<16xi1>
    %reduce_sum3A_915 = tpu.scan <sum>, %get3A_912 masked %reduce_sum3A_914 : vector<16xi32>, vector<16xi1> -> vector<16xi32>
    %reduce_sum3A_916 = vector.extract %reduce_sum3A_915[15] : i32 from vector<16xi32>
    %ge3A_917 = arith.cmpi sge, %reduce_sum3A_916, %sub3A_849 : i32
    %select_n3A_918 = arith.select %ge3A_917, %add3A_908, %select_n3A_906 : i32
    %add3A_919 = arith.constant 8 : i32
    %add3A_920 = arith.addi %select_n3A_918, %add3A_919 : i32
    %mul3A_921 = arith.constant 16 : i32
    %mul3A_922 = arith.muli %add3A_920, %mul3A_921 : i32
    %get3A_923 = arith.index_cast %mul3A_922 : i32 to index
    %get3A_924 = tpu.vector_load %arg8[%get3A_923] {strides = array<i32>} : memref<4224xi32, #tpu.memory_space<vmem>>, vector<16xi32>,
    %reduce_sum3A_925 = arith.constant true
    %reduce_sum3A_926 = vector.broadcast %reduce_sum3A_925 : i1 to vector<16xi1>
    %reduce_sum3A_927 = tpu.scan <sum>, %get3A_924 masked %reduce_sum3A_926 : vector<16xi32>, vector<16xi1> -> vector<16xi32>
    %reduce_sum3A_928 = vector.extract %reduce_sum3A_927[15] : i32 from vector<16xi32>
    %ge3A_929 = arith.cmpi sge, %reduce_sum3A_928, %sub3A_849 : i32
    %select_n3A_930 = arith.select %ge3A_929, %add3A_920, %select_n3A_918 : i32
    %add3A_931 = arith.constant 4 : i32
    %add3A_932 = arith.addi %select_n3A_930, %add3A_931 : i32
    %mul3A_933 = arith.constant 16 : i32
    %mul3A_934 = arith.muli %add3A_932, %mul3A_933 : i32
    %get3A_935 = arith.index_cast %mul3A_934 : i32 to index
    %get3A_936 = tpu.vector_load %arg8[%get3A_935] {strides = array<i32>} : memref<4224xi32, #tpu.memory_space<vmem>>, vector<16xi32>,
    %reduce_sum3A_937 = arith.constant true
    %reduce_sum3A_938 = vector.broadcast %reduce_sum3A_937 : i1 to vector<16xi1>
    %reduce_sum3A_939 = tpu.scan <sum>, %get3A_936 masked %reduce_sum3A_938 : vector<16xi32>, vector<16xi1> -> vector<16xi32>
    %reduce_sum3A_940 = vector.extract %reduce_sum3A_939[15] : i32 from vector<16xi32>
    %ge3A_941 = arith.cmpi sge, %reduce_sum3A_940, %sub3A_849 : i32
    %select_n3A_942 = arith.select %ge3A_941, %add3A_932, %select_n3A_930 : i32
    %add3A_943 = arith.constant 2 : i32
    %add3A_944 = arith.addi %select_n3A_942, %add3A_943 : i32
    %mul3A_945 = arith.constant 16 : i32
    %mul3A_946 = arith.muli %add3A_944, %mul3A_945 : i32
    %get3A_947 = arith.index_cast %mul3A_946 : i32 to index
    %get3A_948 = tpu.vector_load %arg8[%get3A_947] {strides = array<i32>} : memref<4224xi32, #tpu.memory_space<vmem>>, vector<16xi32>,
    %reduce_sum3A_949 = arith.constant true
    %reduce_sum3A_950 = vector.broadcast %reduce_sum3A_949 : i1 to vector<16xi1>
    %reduce_sum3A_951 = tpu.scan <sum>, %get3A_948 masked %reduce_sum3A_950 : vector<16xi32>, vector<16xi1> -> vector<16xi32>
    %reduce_sum3A_952 = vector.extract %reduce_sum3A_951[15] : i32 from vector<16xi32>
    %ge3A_953 = arith.cmpi sge, %reduce_sum3A_952, %sub3A_849 : i32
    %select_n3A_954 = arith.select %ge3A_953, %add3A_944, %select_n3A_942 : i32
    %add3A_955 = arith.constant 1 : i32
    %add3A_956 = arith.addi %select_n3A_954, %add3A_955 : i32
    %mul3A_957 = arith.constant 16 : i32
    %mul3A_958 = arith.muli %add3A_956, %mul3A_957 : i32
    %get3A_959 = arith.index_cast %mul3A_958 : i32 to index
    %get3A_960 = tpu.vector_load %arg8[%get3A_959] {strides = array<i32>} : memref<4224xi32, #tpu.memory_space<vmem>>, vector<16xi32>,
    %reduce_sum3A_961 = arith.constant true
    %reduce_sum3A_962 = vector.broadcast %reduce_sum3A_961 : i1 to vector<16xi1>
    %reduce_sum3A_963 = tpu.scan <sum>, %get3A_960 masked %reduce_sum3A_962 : vector<16xi32>, vector<16xi1> -> vector<16xi32>
    %reduce_sum3A_964 = vector.extract %reduce_sum3A_963[15] : i32 from vector<16xi32>
    %ge3A_965 = arith.cmpi sge, %reduce_sum3A_964, %sub3A_849 : i32
    %select_n3A_966 = arith.select %ge3A_965, %add3A_956, %select_n3A_954 : i32
    %add3A_967 = arith.constant 1 : i32
    %add3A_968 = arith.addi %select_n3A_966, %add3A_967 : i32
    %mul3A_969 = arith.constant 16 : i32
    %mul3A_970 = arith.muli %add3A_968, %mul3A_969 : i32
    %get3A_971 = arith.index_cast %mul3A_970 : i32 to index
    %get3A_972 = tpu.vector_load %arg8[%get3A_971] {strides = array<i32>} : memref<4224xi32, #tpu.memory_space<vmem>>, vector<16xi32>,
    %reduce_sum3A_973 = arith.constant true
    %reduce_sum3A_974 = vector.broadcast %reduce_sum3A_973 : i1 to vector<16xi1>
    %reduce_sum3A_975 = tpu.scan <sum>, %get3A_972 masked %reduce_sum3A_974 : vector<16xi32>, vector<16xi1> -> vector<16xi32>
    %reduce_sum3A_976 = vector.extract %reduce_sum3A_975[15] : i32 from vector<16xi32>
    %sub3A_977 = arith.subi %sub3A_849, %reduce_sum3A_976 : i32
    %parallel_loop3A_978 = arith.constant 0 : i32
    %parallel_loop3A_979 = arith.constant 264 : i32
    %parallel_loop3A_980 = arith.constant 1 : i32
    scf.for %parallel_loop3A_1134 = %parallel_loop3A_978 to %parallel_loop3A_979 step %parallel_loop3A_980  : i32 {
      %parallel_loop3A_1135 = arith.constant 16 : i32
      %parallel_loop3A_1136 = arith.muli %parallel_loop3A_1134, %parallel_loop3A_1135 : i32
      %parallel_loop3A_1137 = arith.index_cast %parallel_loop3A_1136 : i32 to index
      %parallel_loop3A_1138 = tpu.vector_load %arg8[%parallel_loop3A_1137] {strides = array<i32>} : memref<4224xi32, #tpu.memory_space<vmem>>, vector<16xi32>,
      tpu.vector_store %arg8[%parallel_loop3A_1137], %broadcast_in_dim3A_3 {strides = array<i32>} : memref<4224xi32, #tpu.memory_space<vmem>>, vector<16xi32>,
    } {sc.loop_unroll_factor = 8 : i64, sc.parallel_access}
    %while3A_981 = arith.constant 0 : i32
    %while3A_982 = arith.constant 0 : i32
    %while3A_983 = arith.subi %select_n3A_721, %while3A_981 : i32
    %while3A_984 = arith.addi %while3A_981, %while3A_983 : i32
    %while3A_985 = arith.constant 1 : i32
    %while3A_986 = arith.divsi %while3A_983, %while3A_985 : i32
    %while3A_987 = arith.muli %while3A_986, %while3A_985 : i32
    %while3A_988 = arith.addi %while3A_981, %while3A_987 : i32
    %while3A_989 = arith.constant 1 : i32
    %while3A_990 = scf.for %while3A_1134 = %while3A_981 to %while3A_988 step %while3A_989 iter_args(%while3A_1135 = %while3A_982) -> (i32)  : i32 {
      %mul3A_1136 = arith.constant 4 : i32
      %mul3A_1137 = arith.muli %while3A_1134, %mul3A_1136 : i32
      %add3A_1138 = arith.constant 0 : i32
      %add3A_1139 = arith.addi %mul3A_1137, %add3A_1138 : i32
      %mul3A_1140 = arith.constant 16 : i32
      %mul3A_1141 = arith.muli %add3A_1139, %mul3A_1140 : i32
      %get3A_1142 = arith.index_cast %mul3A_1141 : i32 to index
      %get3A_1143 = tpu.vector_load %arg6[%get3A_1142] {strides = array<i32>} : memref<32800xi32, #tpu.memory_space<vmem>>, vector<16xi32>,
      %bitcast3A = vector.bitcast %get3A_1143 : vector<16xi32> to vector<16xi32>
      %add3A_1144 = vector.broadcast %mul3A_1141 : i32 to vector<16xi32>
      %add3A_1145 = arith.addi %add3A_1144, %iota3A : vector<16xi32>
      %lt3A = vector.broadcast %squeeze3A_695 : i32 to vector<16xi32>
      %lt3A_1146 = arith.cmpi slt, %add3A_1145, %lt3A : vector<16xi32>
      %shift_right_logical3A = arith.constant 16 : i32
      %shift_right_logical3A_1147 = vector.broadcast %shift_right_logical3A : i32 to vector<16xi32>
      %shift_right_logical3A_1148 = arith.shrui %bitcast3A, %shift_right_logical3A_1147 : vector<16xi32>
      %and3A_1149 = arith.constant 255 : i32
      %and3A_1150 = vector.broadcast %and3A_1149 : i32 to vector<16xi32>
      %and3A_1151 = arith.andi %shift_right_logical3A_1148, %and3A_1150 : vector<16xi32>
      %eq3A = vector.broadcast %select_n3A_838 : i32 to vector<16xi32>
      %eq3A_1152 = arith.cmpi eq, %and3A_1151, %eq3A : vector<16xi32>
      %and3A_1153 = arith.andi %lt3A_1146, %eq3A_1152 : vector<16xi1>
      %shift_right_logical3A_1154 = arith.constant 8 : i32
      %shift_right_logical3A_1155 = vector.broadcast %shift_right_logical3A_1154 : i32 to vector<16xi32>
      %shift_right_logical3A_1156 = arith.shrui %bitcast3A, %shift_right_logical3A_1155 : vector<16xi32>
      %and3A_1157 = arith.constant 255 : i32
      %and3A_1158 = vector.broadcast %and3A_1157 : i32 to vector<16xi32>
      %and3A_1159 = arith.andi %shift_right_logical3A_1156, %and3A_1158 : vector<16xi32>
      %eq3A_1160 = vector.broadcast %select_n3A_966 : i32 to vector<16xi32>
      %eq3A_1161 = arith.cmpi eq, %and3A_1159, %eq3A_1160 : vector<16xi32>
      %and3A_1162 = arith.andi %and3A_1153, %eq3A_1161 : vector<16xi1>
      %shift_right_logical3A_1163 = arith.constant 0 : i32
      %shift_right_logical3A_1164 = vector.broadcast %shift_right_logical3A_1163 : i32 to vector<16xi32>
      %shift_right_logical3A_1165 = arith.shrui %bitcast3A, %shift_right_logical3A_1164 : vector<16xi32>
      %and3A_1166 = arith.constant 255 : i32
      %and3A_1167 = vector.broadcast %and3A_1166 : i32 to vector<16xi32>
      %and3A_1168 = arith.andi %shift_right_logical3A_1165, %and3A_1167 : vector<16xi32>
      %shift_left3A_1169 = arith.constant 4 : i32
      %shift_left3A_1170 = vector.broadcast %shift_left3A_1169 : i32 to vector<16xi32>
      %shift_left3A_1171 = arith.shli %and3A_1168, %shift_left3A_1170 : vector<16xi32>
      %add3A_1172 = arith.addi %shift_left3A_1171, %iota3A : vector<16xi32>
      tpu.vector_store_idx %arg8[%add3A_1172], %broadcast_in_dim3A_1 masked %and3A_1162 {add = true} : memref<4224xi32, #tpu.memory_space<vmem>>[vector<16xi32>], vector<16xi32>, vector<16xi1>
      %mul3A_1173 = arith.constant 4 : i32
      %mul3A_1174 = arith.muli %while3A_1134, %mul3A_1173 : i32
      %add3A_1175 = arith.constant 1 : i32
      %add3A_1176 = arith.addi %mul3A_1174, %add3A_1175 : i32
      %mul3A_1177 = arith.constant 16 : i32
      %mul3A_1178 = arith.muli %add3A_1176, %mul3A_1177 : i32
      %get3A_1179 = arith.index_cast %mul3A_1178 : i32 to index
      %get3A_1180 = tpu.vector_load %arg6[%get3A_1179] {strides = array<i32>} : memref<32800xi32, #tpu.memory_space<vmem>>, vector<16xi32>,
      %bitcast3A_1181 = vector.bitcast %get3A_1180 : vector<16xi32> to vector<16xi32>
      %add3A_1182 = vector.broadcast %mul3A_1178 : i32 to vector<16xi32>
      %add3A_1183 = arith.addi %add3A_1182, %iota3A : vector<16xi32>
      %lt3A_1184 = vector.broadcast %squeeze3A_695 : i32 to vector<16xi32>
      %lt3A_1185 = arith.cmpi slt, %add3A_1183, %lt3A_1184 : vector<16xi32>
      %shift_right_logical3A_1186 = arith.constant 16 : i32
      %shift_right_logical3A_1187 = vector.broadcast %shift_right_logical3A_1186 : i32 to vector<16xi32>
      %shift_right_logical3A_1188 = arith.shrui %bitcast3A_1181, %shift_right_logical3A_1187 : vector<16xi32>
      %and3A_1189 = arith.constant 255 : i32
      %and3A_1190 = vector.broadcast %and3A_1189 : i32 to vector<16xi32>
      %and3A_1191 = arith.andi %shift_right_logical3A_1188, %and3A_1190 : vector<16xi32>
      %eq3A_1192 = vector.broadcast %select_n3A_838 : i32 to vector<16xi32>
      %eq3A_1193 = arith.cmpi eq, %and3A_1191, %eq3A_1192 : vector<16xi32>
      %and3A_1194 = arith.andi %lt3A_1185, %eq3A_1193 : vector<16xi1>
      %shift_right_logical3A_1195 = arith.constant 8 : i32
      %shift_right_logical3A_1196 = vector.broadcast %shift_right_logical3A_1195 : i32 to vector<16xi32>
      %shift_right_logical3A_1197 = arith.shrui %bitcast3A_1181, %shift_right_logical3A_1196 : vector<16xi32>
      %and3A_1198 = arith.constant 255 : i32
      %and3A_1199 = vector.broadcast %and3A_1198 : i32 to vector<16xi32>
      %and3A_1200 = arith.andi %shift_right_logical3A_1197, %and3A_1199 : vector<16xi32>
      %eq3A_1201 = vector.broadcast %select_n3A_966 : i32 to vector<16xi32>
      %eq3A_1202 = arith.cmpi eq, %and3A_1200, %eq3A_1201 : vector<16xi32>
      %and3A_1203 = arith.andi %and3A_1194, %eq3A_1202 : vector<16xi1>
      %shift_right_logical3A_1204 = arith.constant 0 : i32
      %shift_right_logical3A_1205 = vector.broadcast %shift_right_logical3A_1204 : i32 to vector<16xi32>
      %shift_right_logical3A_1206 = arith.shrui %bitcast3A_1181, %shift_right_logical3A_1205 : vector<16xi32>
      %and3A_1207 = arith.constant 255 : i32
      %and3A_1208 = vector.broadcast %and3A_1207 : i32 to vector<16xi32>
      %and3A_1209 = arith.andi %shift_right_logical3A_1206, %and3A_1208 : vector<16xi32>
      %shift_left3A_1210 = arith.constant 4 : i32
      %shift_left3A_1211 = vector.broadcast %shift_left3A_1210 : i32 to vector<16xi32>
      %shift_left3A_1212 = arith.shli %and3A_1209, %shift_left3A_1211 : vector<16xi32>
      %add3A_1213 = arith.addi %shift_left3A_1212, %iota3A : vector<16xi32>
      tpu.vector_store_idx %arg8[%add3A_1213], %broadcast_in_dim3A_1 masked %and3A_1203 {add = true} : memref<4224xi32, #tpu.memory_space<vmem>>[vector<16xi32>], vector<16xi32>, vector<16xi1>
      %mul3A_1214 = arith.constant 4 : i32
      %mul3A_1215 = arith.muli %while3A_1134, %mul3A_1214 : i32
      %add3A_1216 = arith.constant 2 : i32
      %add3A_1217 = arith.addi %mul3A_1215, %add3A_1216 : i32
      %mul3A_1218 = arith.constant 16 : i32
      %mul3A_1219 = arith.muli %add3A_1217, %mul3A_1218 : i32
      %get3A_1220 = arith.index_cast %mul3A_1219 : i32 to index
      %get3A_1221 = tpu.vector_load %arg6[%get3A_1220] {strides = array<i32>} : memref<32800xi32, #tpu.memory_space<vmem>>, vector<16xi32>,
      %bitcast3A_1222 = vector.bitcast %get3A_1221 : vector<16xi32> to vector<16xi32>
      %add3A_1223 = vector.broadcast %mul3A_1219 : i32 to vector<16xi32>
      %add3A_1224 = arith.addi %add3A_1223, %iota3A : vector<16xi32>
      %lt3A_1225 = vector.broadcast %squeeze3A_695 : i32 to vector<16xi32>
      %lt3A_1226 = arith.cmpi slt, %add3A_1224, %lt3A_1225 : vector<16xi32>
      %shift_right_logical3A_1227 = arith.constant 16 : i32
      %shift_right_logical3A_1228 = vector.broadcast %shift_right_logical3A_1227 : i32 to vector<16xi32>
      %shift_right_logical3A_1229 = arith.shrui %bitcast3A_1222, %shift_right_logical3A_1228 : vector<16xi32>
      %and3A_1230 = arith.constant 255 : i32
      %and3A_1231 = vector.broadcast %and3A_1230 : i32 to vector<16xi32>
      %and3A_1232 = arith.andi %shift_right_logical3A_1229, %and3A_1231 : vector<16xi32>
      %eq3A_1233 = vector.broadcast %select_n3A_838 : i32 to vector<16xi32>
      %eq3A_1234 = arith.cmpi eq, %and3A_1232, %eq3A_1233 : vector<16xi32>
      %and3A_1235 = arith.andi %lt3A_1226, %eq3A_1234 : vector<16xi1>
      %shift_right_logical3A_1236 = arith.constant 8 : i32
      %shift_right_logical3A_1237 = vector.broadcast %shift_right_logical3A_1236 : i32 to vector<16xi32>
      %shift_right_logical3A_1238 = arith.shrui %bitcast3A_1222, %shift_right_logical3A_1237 : vector<16xi32>
      %and3A_1239 = arith.constant 255 : i32
      %and3A_1240 = vector.broadcast %and3A_1239 : i32 to vector<16xi32>
      %and3A_1241 = arith.andi %shift_right_logical3A_1238, %and3A_1240 : vector<16xi32>
      %eq3A_1242 = vector.broadcast %select_n3A_966 : i32 to vector<16xi32>
      %eq3A_1243 = arith.cmpi eq, %and3A_1241, %eq3A_1242 : vector<16xi32>
      %and3A_1244 = arith.andi %and3A_1235, %eq3A_1243 : vector<16xi1>
      %shift_right_logical3A_1245 = arith.constant 0 : i32
      %shift_right_logical3A_1246 = vector.broadcast %shift_right_logical3A_1245 : i32 to vector<16xi32>
      %shift_right_logical3A_1247 = arith.shrui %bitcast3A_1222, %shift_right_logical3A_1246 : vector<16xi32>
      %and3A_1248 = arith.constant 255 : i32
      %and3A_1249 = vector.broadcast %and3A_1248 : i32 to vector<16xi32>
      %and3A_1250 = arith.andi %shift_right_logical3A_1247, %and3A_1249 : vector<16xi32>
      %shift_left3A_1251 = arith.constant 4 : i32
      %shift_left3A_1252 = vector.broadcast %shift_left3A_1251 : i32 to vector<16xi32>
      %shift_left3A_1253 = arith.shli %and3A_1250, %shift_left3A_1252 : vector<16xi32>
      %add3A_1254 = arith.addi %shift_left3A_1253, %iota3A : vector<16xi32>
      tpu.vector_store_idx %arg8[%add3A_1254], %broadcast_in_dim3A_1 masked %and3A_1244 {add = true} : memref<4224xi32, #tpu.memory_space<vmem>>[vector<16xi32>], vector<16xi32>, vector<16xi1>
      %mul3A_1255 = arith.constant 4 : i32
      %mul3A_1256 = arith.muli %while3A_1134, %mul3A_1255 : i32
      %add3A_1257 = arith.constant 3 : i32
      %add3A_1258 = arith.addi %mul3A_1256, %add3A_1257 : i32
      %mul3A_1259 = arith.constant 16 : i32
      %mul3A_1260 = arith.muli %add3A_1258, %mul3A_1259 : i32
      %get3A_1261 = arith.index_cast %mul3A_1260 : i32 to index
      %get3A_1262 = tpu.vector_load %arg6[%get3A_1261] {strides = array<i32>} : memref<32800xi32, #tpu.memory_space<vmem>>, vector<16xi32>,
      %bitcast3A_1263 = vector.bitcast %get3A_1262 : vector<16xi32> to vector<16xi32>
      %add3A_1264 = vector.broadcast %mul3A_1260 : i32 to vector<16xi32>
      %add3A_1265 = arith.addi %add3A_1264, %iota3A : vector<16xi32>
      %lt3A_1266 = vector.broadcast %squeeze3A_695 : i32 to vector<16xi32>
      %lt3A_1267 = arith.cmpi slt, %add3A_1265, %lt3A_1266 : vector<16xi32>
      %shift_right_logical3A_1268 = arith.constant 16 : i32
      %shift_right_logical3A_1269 = vector.broadcast %shift_right_logical3A_1268 : i32 to vector<16xi32>
      %shift_right_logical3A_1270 = arith.shrui %bitcast3A_1263, %shift_right_logical3A_1269 : vector<16xi32>
      %and3A_1271 = arith.constant 255 : i32
      %and3A_1272 = vector.broadcast %and3A_1271 : i32 to vector<16xi32>
      %and3A_1273 = arith.andi %shift_right_logical3A_1270, %and3A_1272 : vector<16xi32>
      %eq3A_1274 = vector.broadcast %select_n3A_838 : i32 to vector<16xi32>
      %eq3A_1275 = arith.cmpi eq, %and3A_1273, %eq3A_1274 : vector<16xi32>
      %and3A_1276 = arith.andi %lt3A_1267, %eq3A_1275 : vector<16xi1>
      %shift_right_logical3A_1277 = arith.constant 8 : i32
      %shift_right_logical3A_1278 = vector.broadcast %shift_right_logical3A_1277 : i32 to vector<16xi32>
      %shift_right_logical3A_1279 = arith.shrui %bitcast3A_1263, %shift_right_logical3A_1278 : vector<16xi32>
      %and3A_1280 = arith.constant 255 : i32
      %and3A_1281 = vector.broadcast %and3A_1280 : i32 to vector<16xi32>
      %and3A_1282 = arith.andi %shift_right_logical3A_1279, %and3A_1281 : vector<16xi32>
      %eq3A_1283 = vector.broadcast %select_n3A_966 : i32 to vector<16xi32>
      %eq3A_1284 = arith.cmpi eq, %and3A_1282, %eq3A_1283 : vector<16xi32>
      %and3A_1285 = arith.andi %and3A_1276, %eq3A_1284 : vector<16xi1>
      %shift_right_logical3A_1286 = arith.constant 0 : i32
      %shift_right_logical3A_1287 = vector.broadcast %shift_right_logical3A_1286 : i32 to vector<16xi32>
      %shift_right_logical3A_1288 = arith.shrui %bitcast3A_1263, %shift_right_logical3A_1287 : vector<16xi32>
      %and3A_1289 = arith.constant 255 : i32
      %and3A_1290 = vector.broadcast %and3A_1289 : i32 to vector<16xi32>
      %and3A_1291 = arith.andi %shift_right_logical3A_1288, %and3A_1290 : vector<16xi32>
      %shift_left3A_1292 = arith.constant 4 : i32
      %shift_left3A_1293 = vector.broadcast %shift_left3A_1292 : i32 to vector<16xi32>
      %shift_left3A_1294 = arith.shli %and3A_1291, %shift_left3A_1293 : vector<16xi32>
      %add3A_1295 = arith.addi %shift_left3A_1294, %iota3A : vector<16xi32>
      tpu.vector_store_idx %arg8[%add3A_1295], %broadcast_in_dim3A_1 masked %and3A_1285 {add = true} : memref<4224xi32, #tpu.memory_space<vmem>>[vector<16xi32>], vector<16xi32>, vector<16xi1>
      %while3A_1296 = arith.constant 0 : i32
      scf.yield %while3A_1296 : i32
    }
    %while3A_991 = arith.constant 1 : i32
    %while3A_992 = scf.for %while3A_1134 = %while3A_988 to %while3A_984 step %while3A_991 iter_args(%while3A_1135 = %while3A_990) -> (i32)  : i32 {
      %mul3A_1136 = arith.constant 4 : i32
      %mul3A_1137 = arith.muli %while3A_1134, %mul3A_1136 : i32
      %add3A_1138 = arith.constant 0 : i32
      %add3A_1139 = arith.addi %mul3A_1137, %add3A_1138 : i32
      %mul3A_1140 = arith.constant 16 : i32
      %mul3A_1141 = arith.muli %add3A_1139, %mul3A_1140 : i32
      %get3A_1142 = arith.index_cast %mul3A_1141 : i32 to index
      %get3A_1143 = tpu.vector_load %arg6[%get3A_1142] {strides = array<i32>} : memref<32800xi32, #tpu.memory_space<vmem>>, vector<16xi32>,
      %bitcast3A = vector.bitcast %get3A_1143 : vector<16xi32> to vector<16xi32>
      %add3A_1144 = vector.broadcast %mul3A_1141 : i32 to vector<16xi32>
      %add3A_1145 = arith.addi %add3A_1144, %iota3A : vector<16xi32>
      %lt3A = vector.broadcast %squeeze3A_695 : i32 to vector<16xi32>
      %lt3A_1146 = arith.cmpi slt, %add3A_1145, %lt3A : vector<16xi32>
      %shift_right_logical3A = arith.constant 16 : i32
      %shift_right_logical3A_1147 = vector.broadcast %shift_right_logical3A : i32 to vector<16xi32>
      %shift_right_logical3A_1148 = arith.shrui %bitcast3A, %shift_right_logical3A_1147 : vector<16xi32>
      %and3A_1149 = arith.constant 255 : i32
      %and3A_1150 = vector.broadcast %and3A_1149 : i32 to vector<16xi32>
      %and3A_1151 = arith.andi %shift_right_logical3A_1148, %and3A_1150 : vector<16xi32>
      %eq3A = vector.broadcast %select_n3A_838 : i32 to vector<16xi32>
      %eq3A_1152 = arith.cmpi eq, %and3A_1151, %eq3A : vector<16xi32>
      %and3A_1153 = arith.andi %lt3A_1146, %eq3A_1152 : vector<16xi1>
      %shift_right_logical3A_1154 = arith.constant 8 : i32
      %shift_right_logical3A_1155 = vector.broadcast %shift_right_logical3A_1154 : i32 to vector<16xi32>
      %shift_right_logical3A_1156 = arith.shrui %bitcast3A, %shift_right_logical3A_1155 : vector<16xi32>
      %and3A_1157 = arith.constant 255 : i32
      %and3A_1158 = vector.broadcast %and3A_1157 : i32 to vector<16xi32>
      %and3A_1159 = arith.andi %shift_right_logical3A_1156, %and3A_1158 : vector<16xi32>
      %eq3A_1160 = vector.broadcast %select_n3A_966 : i32 to vector<16xi32>
      %eq3A_1161 = arith.cmpi eq, %and3A_1159, %eq3A_1160 : vector<16xi32>
      %and3A_1162 = arith.andi %and3A_1153, %eq3A_1161 : vector<16xi1>
      %shift_right_logical3A_1163 = arith.constant 0 : i32
      %shift_right_logical3A_1164 = vector.broadcast %shift_right_logical3A_1163 : i32 to vector<16xi32>
      %shift_right_logical3A_1165 = arith.shrui %bitcast3A, %shift_right_logical3A_1164 : vector<16xi32>
      %and3A_1166 = arith.constant 255 : i32
      %and3A_1167 = vector.broadcast %and3A_1166 : i32 to vector<16xi32>
      %and3A_1168 = arith.andi %shift_right_logical3A_1165, %and3A_1167 : vector<16xi32>
      %shift_left3A_1169 = arith.constant 4 : i32
      %shift_left3A_1170 = vector.broadcast %shift_left3A_1169 : i32 to vector<16xi32>
      %shift_left3A_1171 = arith.shli %and3A_1168, %shift_left3A_1170 : vector<16xi32>
      %add3A_1172 = arith.addi %shift_left3A_1171, %iota3A : vector<16xi32>
      tpu.vector_store_idx %arg8[%add3A_1172], %broadcast_in_dim3A_1 masked %and3A_1162 {add = true} : memref<4224xi32, #tpu.memory_space<vmem>>[vector<16xi32>], vector<16xi32>, vector<16xi1>
      %mul3A_1173 = arith.constant 4 : i32
      %mul3A_1174 = arith.muli %while3A_1134, %mul3A_1173 : i32
      %add3A_1175 = arith.constant 1 : i32
      %add3A_1176 = arith.addi %mul3A_1174, %add3A_1175 : i32
      %mul3A_1177 = arith.constant 16 : i32
      %mul3A_1178 = arith.muli %add3A_1176, %mul3A_1177 : i32
      %get3A_1179 = arith.index_cast %mul3A_1178 : i32 to index
      %get3A_1180 = tpu.vector_load %arg6[%get3A_1179] {strides = array<i32>} : memref<32800xi32, #tpu.memory_space<vmem>>, vector<16xi32>,
      %bitcast3A_1181 = vector.bitcast %get3A_1180 : vector<16xi32> to vector<16xi32>
      %add3A_1182 = vector.broadcast %mul3A_1178 : i32 to vector<16xi32>
      %add3A_1183 = arith.addi %add3A_1182, %iota3A : vector<16xi32>
      %lt3A_1184 = vector.broadcast %squeeze3A_695 : i32 to vector<16xi32>
      %lt3A_1185 = arith.cmpi slt, %add3A_1183, %lt3A_1184 : vector<16xi32>
      %shift_right_logical3A_1186 = arith.constant 16 : i32
      %shift_right_logical3A_1187 = vector.broadcast %shift_right_logical3A_1186 : i32 to vector<16xi32>
      %shift_right_logical3A_1188 = arith.shrui %bitcast3A_1181, %shift_right_logical3A_1187 : vector<16xi32>
      %and3A_1189 = arith.constant 255 : i32
      %and3A_1190 = vector.broadcast %and3A_1189 : i32 to vector<16xi32>
      %and3A_1191 = arith.andi %shift_right_logical3A_1188, %and3A_1190 : vector<16xi32>
      %eq3A_1192 = vector.broadcast %select_n3A_838 : i32 to vector<16xi32>
      %eq3A_1193 = arith.cmpi eq, %and3A_1191, %eq3A_1192 : vector<16xi32>
      %and3A_1194 = arith.andi %lt3A_1185, %eq3A_1193 : vector<16xi1>
      %shift_right_logical3A_1195 = arith.constant 8 : i32
      %shift_right_logical3A_1196 = vector.broadcast %shift_right_logical3A_1195 : i32 to vector<16xi32>
      %shift_right_logical3A_1197 = arith.shrui %bitcast3A_1181, %shift_right_logical3A_1196 : vector<16xi32>
      %and3A_1198 = arith.constant 255 : i32
      %and3A_1199 = vector.broadcast %and3A_1198 : i32 to vector<16xi32>
      %and3A_1200 = arith.andi %shift_right_logical3A_1197, %and3A_1199 : vector<16xi32>
      %eq3A_1201 = vector.broadcast %select_n3A_966 : i32 to vector<16xi32>
      %eq3A_1202 = arith.cmpi eq, %and3A_1200, %eq3A_1201 : vector<16xi32>
      %and3A_1203 = arith.andi %and3A_1194, %eq3A_1202 : vector<16xi1>
      %shift_right_logical3A_1204 = arith.constant 0 : i32
      %shift_right_logical3A_1205 = vector.broadcast %shift_right_logical3A_1204 : i32 to vector<16xi32>
      %shift_right_logical3A_1206 = arith.shrui %bitcast3A_1181, %shift_right_logical3A_1205 : vector<16xi32>
      %and3A_1207 = arith.constant 255 : i32
      %and3A_1208 = vector.broadcast %and3A_1207 : i32 to vector<16xi32>
      %and3A_1209 = arith.andi %shift_right_logical3A_1206, %and3A_1208 : vector<16xi32>
      %shift_left3A_1210 = arith.constant 4 : i32
      %shift_left3A_1211 = vector.broadcast %shift_left3A_1210 : i32 to vector<16xi32>
      %shift_left3A_1212 = arith.shli %and3A_1209, %shift_left3A_1211 : vector<16xi32>
      %add3A_1213 = arith.addi %shift_left3A_1212, %iota3A : vector<16xi32>
      tpu.vector_store_idx %arg8[%add3A_1213], %broadcast_in_dim3A_1 masked %and3A_1203 {add = true} : memref<4224xi32, #tpu.memory_space<vmem>>[vector<16xi32>], vector<16xi32>, vector<16xi1>
      %mul3A_1214 = arith.constant 4 : i32
      %mul3A_1215 = arith.muli %while3A_1134, %mul3A_1214 : i32
      %add3A_1216 = arith.constant 2 : i32
      %add3A_1217 = arith.addi %mul3A_1215, %add3A_1216 : i32
      %mul3A_1218 = arith.constant 16 : i32
      %mul3A_1219 = arith.muli %add3A_1217, %mul3A_1218 : i32
      %get3A_1220 = arith.index_cast %mul3A_1219 : i32 to index
      %get3A_1221 = tpu.vector_load %arg6[%get3A_1220] {strides = array<i32>} : memref<32800xi32, #tpu.memory_space<vmem>>, vector<16xi32>,
      %bitcast3A_1222 = vector.bitcast %get3A_1221 : vector<16xi32> to vector<16xi32>
      %add3A_1223 = vector.broadcast %mul3A_1219 : i32 to vector<16xi32>
      %add3A_1224 = arith.addi %add3A_1223, %iota3A : vector<16xi32>
      %lt3A_1225 = vector.broadcast %squeeze3A_695 : i32 to vector<16xi32>
      %lt3A_1226 = arith.cmpi slt, %add3A_1224, %lt3A_1225 : vector<16xi32>
      %shift_right_logical3A_1227 = arith.constant 16 : i32
      %shift_right_logical3A_1228 = vector.broadcast %shift_right_logical3A_1227 : i32 to vector<16xi32>
      %shift_right_logical3A_1229 = arith.shrui %bitcast3A_1222, %shift_right_logical3A_1228 : vector<16xi32>
      %and3A_1230 = arith.constant 255 : i32
      %and3A_1231 = vector.broadcast %and3A_1230 : i32 to vector<16xi32>
      %and3A_1232 = arith.andi %shift_right_logical3A_1229, %and3A_1231 : vector<16xi32>
      %eq3A_1233 = vector.broadcast %select_n3A_838 : i32 to vector<16xi32>
      %eq3A_1234 = arith.cmpi eq, %and3A_1232, %eq3A_1233 : vector<16xi32>
      %and3A_1235 = arith.andi %lt3A_1226, %eq3A_1234 : vector<16xi1>
      %shift_right_logical3A_1236 = arith.constant 8 : i32
      %shift_right_logical3A_1237 = vector.broadcast %shift_right_logical3A_1236 : i32 to vector<16xi32>
      %shift_right_logical3A_1238 = arith.shrui %bitcast3A_1222, %shift_right_logical3A_1237 : vector<16xi32>
      %and3A_1239 = arith.constant 255 : i32
      %and3A_1240 = vector.broadcast %and3A_1239 : i32 to vector<16xi32>
      %and3A_1241 = arith.andi %shift_right_logical3A_1238, %and3A_1240 : vector<16xi32>
      %eq3A_1242 = vector.broadcast %select_n3A_966 : i32 to vector<16xi32>
      %eq3A_1243 = arith.cmpi eq, %and3A_1241, %eq3A_1242 : vector<16xi32>
      %and3A_1244 = arith.andi %and3A_1235, %eq3A_1243 : vector<16xi1>
      %shift_right_logical3A_1245 = arith.constant 0 : i32
      %shift_right_logical3A_1246 = vector.broadcast %shift_right_logical3A_1245 : i32 to vector<16xi32>
      %shift_right_logical3A_1247 = arith.shrui %bitcast3A_1222, %shift_right_logical3A_1246 : vector<16xi32>
      %and3A_1248 = arith.constant 255 : i32
      %and3A_1249 = vector.broadcast %and3A_1248 : i32 to vector<16xi32>
      %and3A_1250 = arith.andi %shift_right_logical3A_1247, %and3A_1249 : vector<16xi32>
      %shift_left3A_1251 = arith.constant 4 : i32
      %shift_left3A_1252 = vector.broadcast %shift_left3A_1251 : i32 to vector<16xi32>
      %shift_left3A_1253 = arith.shli %and3A_1250, %shift_left3A_1252 : vector<16xi32>
      %add3A_1254 = arith.addi %shift_left3A_1253, %iota3A : vector<16xi32>
      tpu.vector_store_idx %arg8[%add3A_1254], %broadcast_in_dim3A_1 masked %and3A_1244 {add = true} : memref<4224xi32, #tpu.memory_space<vmem>>[vector<16xi32>], vector<16xi32>, vector<16xi1>
      %mul3A_1255 = arith.constant 4 : i32
      %mul3A_1256 = arith.muli %while3A_1134, %mul3A_1255 : i32
      %add3A_1257 = arith.constant 3 : i32
      %add3A_1258 = arith.addi %mul3A_1256, %add3A_1257 : i32
      %mul3A_1259 = arith.constant 16 : i32
      %mul3A_1260 = arith.muli %add3A_1258, %mul3A_1259 : i32
      %get3A_1261 = arith.index_cast %mul3A_1260 : i32 to index
      %get3A_1262 = tpu.vector_load %arg6[%get3A_1261] {strides = array<i32>} : memref<32800xi32, #tpu.memory_space<vmem>>, vector<16xi32>,
      %bitcast3A_1263 = vector.bitcast %get3A_1262 : vector<16xi32> to vector<16xi32>
      %add3A_1264 = vector.broadcast %mul3A_1260 : i32 to vector<16xi32>
      %add3A_1265 = arith.addi %add3A_1264, %iota3A : vector<16xi32>
      %lt3A_1266 = vector.broadcast %squeeze3A_695 : i32 to vector<16xi32>
      %lt3A_1267 = arith.cmpi slt, %add3A_1265, %lt3A_1266 : vector<16xi32>
      %shift_right_logical3A_1268 = arith.constant 16 : i32
      %shift_right_logical3A_1269 = vector.broadcast %shift_right_logical3A_1268 : i32 to vector<16xi32>
      %shift_right_logical3A_1270 = arith.shrui %bitcast3A_1263, %shift_right_logical3A_1269 : vector<16xi32>
      %and3A_1271 = arith.constant 255 : i32
      %and3A_1272 = vector.broadcast %and3A_1271 : i32 to vector<16xi32>
      %and3A_1273 = arith.andi %shift_right_logical3A_1270, %and3A_1272 : vector<16xi32>
      %eq3A_1274 = vector.broadcast %select_n3A_838 : i32 to vector<16xi32>
      %eq3A_1275 = arith.cmpi eq, %and3A_1273, %eq3A_1274 : vector<16xi32>
      %and3A_1276 = arith.andi %lt3A_1267, %eq3A_1275 : vector<16xi1>
      %shift_right_logical3A_1277 = arith.constant 8 : i32
      %shift_right_logical3A_1278 = vector.broadcast %shift_right_logical3A_1277 : i32 to vector<16xi32>
      %shift_right_logical3A_1279 = arith.shrui %bitcast3A_1263, %shift_right_logical3A_1278 : vector<16xi32>
      %and3A_1280 = arith.constant 255 : i32
      %and3A_1281 = vector.broadcast %and3A_1280 : i32 to vector<16xi32>
      %and3A_1282 = arith.andi %shift_right_logical3A_1279, %and3A_1281 : vector<16xi32>
      %eq3A_1283 = vector.broadcast %select_n3A_966 : i32 to vector<16xi32>
      %eq3A_1284 = arith.cmpi eq, %and3A_1282, %eq3A_1283 : vector<16xi32>
      %and3A_1285 = arith.andi %and3A_1276, %eq3A_1284 : vector<16xi1>
      %shift_right_logical3A_1286 = arith.constant 0 : i32
      %shift_right_logical3A_1287 = vector.broadcast %shift_right_logical3A_1286 : i32 to vector<16xi32>
      %shift_right_logical3A_1288 = arith.shrui %bitcast3A_1263, %shift_right_logical3A_1287 : vector<16xi32>
      %and3A_1289 = arith.constant 255 : i32
      %and3A_1290 = vector.broadcast %and3A_1289 : i32 to vector<16xi32>
      %and3A_1291 = arith.andi %shift_right_logical3A_1288, %and3A_1290 : vector<16xi32>
      %shift_left3A_1292 = arith.constant 4 : i32
      %shift_left3A_1293 = vector.broadcast %shift_left3A_1292 : i32 to vector<16xi32>
      %shift_left3A_1294 = arith.shli %and3A_1291, %shift_left3A_1293 : vector<16xi32>
      %add3A_1295 = arith.addi %shift_left3A_1294, %iota3A : vector<16xi32>
      tpu.vector_store_idx %arg8[%add3A_1295], %broadcast_in_dim3A_1 masked %and3A_1285 {add = true} : memref<4224xi32, #tpu.memory_space<vmem>>[vector<16xi32>], vector<16xi32>, vector<16xi1>
      %while3A_1296 = arith.constant 0 : i32
      scf.yield %while3A_1296 : i32
    }
    %parallel_loop3A_993 = arith.constant 0 : i32
    %parallel_loop3A_994 = arith.constant 256 : i32
    %parallel_loop3A_995 = arith.constant 1 : i32
    %parallel_loop3A_996 = scf.for %parallel_loop3A_1134 = %parallel_loop3A_993 to %parallel_loop3A_994 step %parallel_loop3A_995 iter_args(%parallel_loop3A_1135 = %broadcast_in_dim3A_3) -> (vector<16xi32>)  : i32 {
      %parallel_loop3A_1136 = arith.constant 255 : i32
      %parallel_loop3A_1137 = arith.subi %parallel_loop3A_1136, %parallel_loop3A_1134 : i32
      %parallel_loop3A_1138 = arith.constant 16 : i32
      %parallel_loop3A_1139 = arith.muli %parallel_loop3A_1137, %parallel_loop3A_1138 : i32
      %parallel_loop3A_1140 = arith.index_cast %parallel_loop3A_1139 : i32 to index
      %parallel_loop3A_1141 = tpu.vector_load %arg8[%parallel_loop3A_1140] {strides = array<i32>} : memref<4224xi32, #tpu.memory_space<vmem>>, vector<16xi32>,
      %parallel_loop3A_1142 = arith.addi %parallel_loop3A_1135, %parallel_loop3A_1141 : vector<16xi32>
      %parallel_loop3A_1143 = arith.constant 16 : i32
      %parallel_loop3A_1144 = arith.muli %parallel_loop3A_1137, %parallel_loop3A_1143 : i32
      %parallel_loop3A_1145 = arith.index_cast %parallel_loop3A_1144 : i32 to index
      %parallel_loop3A_1146 = tpu.vector_load %arg8[%parallel_loop3A_1145] {strides = array<i32>} : memref<4224xi32, #tpu.memory_space<vmem>>, vector<16xi32>,
      tpu.vector_store %arg8[%parallel_loop3A_1145], %parallel_loop3A_1142 {strides = array<i32>} : memref<4224xi32, #tpu.memory_space<vmem>>, vector<16xi32>,
      scf.yield %parallel_loop3A_1142 : vector<16xi32>
    } {sc.loop_unroll_factor = 4 : i64, sc.parallel_access}
    %add3A_997 = arith.constant 0 : i32
    %add3A_998 = arith.constant 128 : i32
    %add3A_999 = arith.addi %add3A_997, %add3A_998 : i32
    %mul3A_1000 = arith.constant 16 : i32
    %mul3A_1001 = arith.muli %add3A_999, %mul3A_1000 : i32
    %get3A_1002 = arith.index_cast %mul3A_1001 : i32 to index
    %get3A_1003 = tpu.vector_load %arg8[%get3A_1002] {strides = array<i32>} : memref<4224xi32, #tpu.memory_space<vmem>>, vector<16xi32>,
    %reduce_sum3A_1004 = arith.constant true
    %reduce_sum3A_1005 = vector.broadcast %reduce_sum3A_1004 : i1 to vector<16xi1>
    %reduce_sum3A_1006 = tpu.scan <sum>, %get3A_1003 masked %reduce_sum3A_1005 : vector<16xi32>, vector<16xi1> -> vector<16xi32>
    %reduce_sum3A_1007 = vector.extract %reduce_sum3A_1006[15] : i32 from vector<16xi32>
    %ge3A_1008 = arith.cmpi sge, %reduce_sum3A_1007, %sub3A_977 : i32
    %jit3A_1009 = arith.constant 0 : i32
    %select_n3A_1010 = arith.select %ge3A_1008, %add3A_999, %jit3A_1009 : i32
    %add3A_1011 = arith.constant 64 : i32
    %add3A_1012 = arith.addi %select_n3A_1010, %add3A_1011 : i32
    %mul3A_1013 = arith.constant 16 : i32
    %mul3A_1014 = arith.muli %add3A_1012, %mul3A_1013 : i32
    %get3A_1015 = arith.index_cast %mul3A_1014 : i32 to index
    %get3A_1016 = tpu.vector_load %arg8[%get3A_1015] {strides = array<i32>} : memref<4224xi32, #tpu.memory_space<vmem>>, vector<16xi32>,
    %reduce_sum3A_1017 = arith.constant true
    %reduce_sum3A_1018 = vector.broadcast %reduce_sum3A_1017 : i1 to vector<16xi1>
    %reduce_sum3A_1019 = tpu.scan <sum>, %get3A_1016 masked %reduce_sum3A_1018 : vector<16xi32>, vector<16xi1> -> vector<16xi32>
    %reduce_sum3A_1020 = vector.extract %reduce_sum3A_1019[15] : i32 from vector<16xi32>
    %ge3A_1021 = arith.cmpi sge, %reduce_sum3A_1020, %sub3A_977 : i32
    %select_n3A_1022 = arith.select %ge3A_1021, %add3A_1012, %select_n3A_1010 : i32
    %add3A_1023 = arith.constant 32 : i32
    %add3A_1024 = arith.addi %select_n3A_1022, %add3A_1023 : i32
    %mul3A_1025 = arith.constant 16 : i32
    %mul3A_1026 = arith.muli %add3A_1024, %mul3A_1025 : i32
    %get3A_1027 = arith.index_cast %mul3A_1026 : i32 to index
    %get3A_1028 = tpu.vector_load %arg8[%get3A_1027] {strides = array<i32>} : memref<4224xi32, #tpu.memory_space<vmem>>, vector<16xi32>,
    %reduce_sum3A_1029 = arith.constant true
    %reduce_sum3A_1030 = vector.broadcast %reduce_sum3A_1029 : i1 to vector<16xi1>
    %reduce_sum3A_1031 = tpu.scan <sum>, %get3A_1028 masked %reduce_sum3A_1030 : vector<16xi32>, vector<16xi1> -> vector<16xi32>
    %reduce_sum3A_1032 = vector.extract %reduce_sum3A_1031[15] : i32 from vector<16xi32>
    %ge3A_1033 = arith.cmpi sge, %reduce_sum3A_1032, %sub3A_977 : i32
    %select_n3A_1034 = arith.select %ge3A_1033, %add3A_1024, %select_n3A_1022 : i32
    %add3A_1035 = arith.constant 16 : i32
    %add3A_1036 = arith.addi %select_n3A_1034, %add3A_1035 : i32
    %mul3A_1037 = arith.constant 16 : i32
    %mul3A_1038 = arith.muli %add3A_1036, %mul3A_1037 : i32
    %get3A_1039 = arith.index_cast %mul3A_1038 : i32 to index
    %get3A_1040 = tpu.vector_load %arg8[%get3A_1039] {strides = array<i32>} : memref<4224xi32, #tpu.memory_space<vmem>>, vector<16xi32>,
    %reduce_sum3A_1041 = arith.constant true
    %reduce_sum3A_1042 = vector.broadcast %reduce_sum3A_1041 : i1 to vector<16xi1>
    %reduce_sum3A_1043 = tpu.scan <sum>, %get3A_1040 masked %reduce_sum3A_1042 : vector<16xi32>, vector<16xi1> -> vector<16xi32>
    %reduce_sum3A_1044 = vector.extract %reduce_sum3A_1043[15] : i32 from vector<16xi32>
    %ge3A_1045 = arith.cmpi sge, %reduce_sum3A_1044, %sub3A_977 : i32
    %select_n3A_1046 = arith.select %ge3A_1045, %add3A_1036, %select_n3A_1034 : i32
    %add3A_1047 = arith.constant 8 : i32
    %add3A_1048 = arith.addi %select_n3A_1046, %add3A_1047 : i32
    %mul3A_1049 = arith.constant 16 : i32
    %mul3A_1050 = arith.muli %add3A_1048, %mul3A_1049 : i32
    %get3A_1051 = arith.index_cast %mul3A_1050 : i32 to index
    %get3A_1052 = tpu.vector_load %arg8[%get3A_1051] {strides = array<i32>} : memref<4224xi32, #tpu.memory_space<vmem>>, vector<16xi32>,
    %reduce_sum3A_1053 = arith.constant true
    %reduce_sum3A_1054 = vector.broadcast %reduce_sum3A_1053 : i1 to vector<16xi1>
    %reduce_sum3A_1055 = tpu.scan <sum>, %get3A_1052 masked %reduce_sum3A_1054 : vector<16xi32>, vector<16xi1> -> vector<16xi32>
    %reduce_sum3A_1056 = vector.extract %reduce_sum3A_1055[15] : i32 from vector<16xi32>
    %ge3A_1057 = arith.cmpi sge, %reduce_sum3A_1056, %sub3A_977 : i32
    %select_n3A_1058 = arith.select %ge3A_1057, %add3A_1048, %select_n3A_1046 : i32
    %add3A_1059 = arith.constant 4 : i32
    %add3A_1060 = arith.addi %select_n3A_1058, %add3A_1059 : i32
    %mul3A_1061 = arith.constant 16 : i32
    %mul3A_1062 = arith.muli %add3A_1060, %mul3A_1061 : i32
    %get3A_1063 = arith.index_cast %mul3A_1062 : i32 to index
    %get3A_1064 = tpu.vector_load %arg8[%get3A_1063] {strides = array<i32>} : memref<4224xi32, #tpu.memory_space<vmem>>, vector<16xi32>,
    %reduce_sum3A_1065 = arith.constant true
    %reduce_sum3A_1066 = vector.broadcast %reduce_sum3A_1065 : i1 to vector<16xi1>
    %reduce_sum3A_1067 = tpu.scan <sum>, %get3A_1064 masked %reduce_sum3A_1066 : vector<16xi32>, vector<16xi1> -> vector<16xi32>
    %reduce_sum3A_1068 = vector.extract %reduce_sum3A_1067[15] : i32 from vector<16xi32>
    %ge3A_1069 = arith.cmpi sge, %reduce_sum3A_1068, %sub3A_977 : i32
    %select_n3A_1070 = arith.select %ge3A_1069, %add3A_1060, %select_n3A_1058 : i32
    %add3A_1071 = arith.constant 2 : i32
    %add3A_1072 = arith.addi %select_n3A_1070, %add3A_1071 : i32
    %mul3A_1073 = arith.constant 16 : i32
    %mul3A_1074 = arith.muli %add3A_1072, %mul3A_1073 : i32
    %get3A_1075 = arith.index_cast %mul3A_1074 : i32 to index
    %get3A_1076 = tpu.vector_load %arg8[%get3A_1075] {strides = array<i32>} : memref<4224xi32, #tpu.memory_space<vmem>>, vector<16xi32>,
    %reduce_sum3A_1077 = arith.constant true
    %reduce_sum3A_1078 = vector.broadcast %reduce_sum3A_1077 : i1 to vector<16xi1>
    %reduce_sum3A_1079 = tpu.scan <sum>, %get3A_1076 masked %reduce_sum3A_1078 : vector<16xi32>, vector<16xi1> -> vector<16xi32>
    %reduce_sum3A_1080 = vector.extract %reduce_sum3A_1079[15] : i32 from vector<16xi32>
    %ge3A_1081 = arith.cmpi sge, %reduce_sum3A_1080, %sub3A_977 : i32
    %select_n3A_1082 = arith.select %ge3A_1081, %add3A_1072, %select_n3A_1070 : i32
    %add3A_1083 = arith.constant 1 : i32
    %add3A_1084 = arith.addi %select_n3A_1082, %add3A_1083 : i32
    %mul3A_1085 = arith.constant 16 : i32
    %mul3A_1086 = arith.muli %add3A_1084, %mul3A_1085 : i32
    %get3A_1087 = arith.index_cast %mul3A_1086 : i32 to index
    %get3A_1088 = tpu.vector_load %arg8[%get3A_1087] {strides = array<i32>} : memref<4224xi32, #tpu.memory_space<vmem>>, vector<16xi32>,
    %reduce_sum3A_1089 = arith.constant true
    %reduce_sum3A_1090 = vector.broadcast %reduce_sum3A_1089 : i1 to vector<16xi1>
    %reduce_sum3A_1091 = tpu.scan <sum>, %get3A_1088 masked %reduce_sum3A_1090 : vector<16xi32>, vector<16xi1> -> vector<16xi32>
    %reduce_sum3A_1092 = vector.extract %reduce_sum3A_1091[15] : i32 from vector<16xi32>
    %ge3A_1093 = arith.cmpi sge, %reduce_sum3A_1092, %sub3A_977 : i32
    %select_n3A_1094 = arith.select %ge3A_1093, %add3A_1084, %select_n3A_1082 : i32
    %add3A_1095 = arith.constant 1 : i32
    %add3A_1096 = arith.addi %select_n3A_1094, %add3A_1095 : i32
    %mul3A_1097 = arith.constant 16 : i32
    %mul3A_1098 = arith.muli %add3A_1096, %mul3A_1097 : i32
    %get3A_1099 = arith.index_cast %mul3A_1098 : i32 to index
    %get3A_1100 = tpu.vector_load %arg8[%get3A_1099] {strides = array<i32>} : memref<4224xi32, #tpu.memory_space<vmem>>, vector<16xi32>,
    %reduce_sum3A_1101 = arith.constant true
    %reduce_sum3A_1102 = vector.broadcast %reduce_sum3A_1101 : i1 to vector<16xi1>
    %reduce_sum3A_1103 = tpu.scan <sum>, %get3A_1100 masked %reduce_sum3A_1102 : vector<16xi32>, vector<16xi1> -> vector<16xi32>
    %reduce_sum3A_1104 = vector.extract %reduce_sum3A_1103[15] : i32 from vector<16xi32>
    %sub3A_1105 = arith.subi %sub3A_977, %reduce_sum3A_1104 : i32
    %shift_left3A_1106 = arith.constant 24 : i32
    %shift_left3A_1107 = arith.shli %select_n3A_672, %shift_left3A_1106 : i32
    %shift_left3A_1108 = arith.constant 16 : i32
    %shift_left3A_1109 = arith.shli %select_n3A_838, %shift_left3A_1108 : i32
    %or3A_1110 = arith.ori %shift_left3A_1107, %shift_left3A_1109 : i32
    %shift_left3A_1111 = arith.constant 8 : i32
    %shift_left3A_1112 = arith.shli %select_n3A_966, %shift_left3A_1111 : i32
    %or3A_1113 = arith.ori %or3A_1110, %shift_left3A_1112 : i32
    %or3A_1114 = arith.ori %or3A_1113, %select_n3A_1094 : i32
    %le3A_1115 = arith.constant 8192 : i32
    %le3A_1116 = arith.cmpi sle, %squeeze3A_695, %le3A_1115 : i32
    %convert_element_type3A_1117 = arith.extui %le3A_1116 : i1 to i32
    %cond3A_1118 = arith.constant 0 : i32
    %cond3A_1119 = arith.constant 0 : i32
    %cond3A_1120 = arith.cmpi ne, %convert_element_type3A_1117, %cond3A_1119 : i32
    %cond3A_1121 = scf.if %cond3A_1120 -> (i32) {
      %add3A_1134 = arith.constant 15 : i32
      %add3A_1135 = arith.addi %squeeze3A_695, %add3A_1134 : i32
      %jit3A_1136 = arith.constant 16 : i32
      %div3A_1137 = arith.divsi %add3A_1135, %jit3A_1136 : i32
      %sign3A_1138 = arith.constant 0 : i32
      %sign3A_1139 = arith.cmpi sgt, %add3A_1135, %sign3A_1138 : i32
      %sign3A_1140 = arith.extui %sign3A_1139 : i1 to i32
      %sign3A_1141 = arith.constant 0 : i32
      %sign3A_1142 = arith.cmpi slt, %add3A_1135, %sign3A_1141 : i32
      %sign3A_1143 = arith.extui %sign3A_1142 : i1 to i32
      %sign3A_1144 = arith.subi %sign3A_1140, %sign3A_1143 : i32
      %sign3A_1145 = arith.constant 0 : i32
      %sign3A_1146 = arith.cmpi sgt, %jit3A_1136, %sign3A_1145 : i32
      %sign3A_1147 = arith.extui %sign3A_1146 : i1 to i32
      %sign3A_1148 = arith.constant 0 : i32
      %sign3A_1149 = arith.cmpi slt, %jit3A_1136, %sign3A_1148 : i32
      %sign3A_1150 = arith.extui %sign3A_1149 : i1 to i32
      %sign3A_1151 = arith.subi %sign3A_1147, %sign3A_1150 : i32
      %ne3A_1152 = arith.cmpi ne, %sign3A_1144, %sign3A_1151 : i32
      %rem3A_1153 = arith.remsi %add3A_1135, %jit3A_1136 : i32
      %ne3A_1154 = arith.constant 0 : i32
      %ne3A_1155 = arith.cmpi ne, %rem3A_1153, %ne3A_1154 : i32
      %and3A_1156 = arith.andi %ne3A_1152, %ne3A_1155 : i1
      %sub3A_1157 = arith.constant 1 : i32
      %sub3A_1158 = arith.subi %div3A_1137, %sub3A_1157 : i32
      %select_n3A_1159 = arith.select %and3A_1156, %sub3A_1158, %div3A_1137 : i32
      %while3A_1160 = arith.constant 0 : i32
      %while3A_1161 = arith.subi %select_n3A_1159, %while3A_1160 : i32
      %while3A_1162 = arith.addi %while3A_1160, %while3A_1161 : i32
      %while3A_1163 = arith.constant 1 : i32
      %while3A_1164 = arith.divsi %while3A_1161, %while3A_1163 : i32
      %while3A_1165 = arith.muli %while3A_1164, %while3A_1163 : i32
      %while3A_1166 = arith.addi %while3A_1160, %while3A_1165 : i32
      %while3A_1167 = arith.constant 1 : i32
      %while3A_1168 = scf.for %while3A_1172 = %while3A_1160 to %while3A_1166 step %while3A_1167 iter_args(%while3A_1173 = %broadcast_in_dim3A_3) -> (vector<16xi32>)  : i32 {
        %mul3A_1174 = arith.constant 16 : i32
        %mul3A_1175 = arith.muli %while3A_1172, %mul3A_1174 : i32
        %get3A_1176 = arith.index_cast %mul3A_1175 : i32 to index
        %get3A_1177 = tpu.vector_load %arg6[%get3A_1176] {strides = array<i32>} : memref<32800xi32, #tpu.memory_space<vmem>>, vector<16xi32>,
        %bitcast3A = vector.bitcast %get3A_1177 : vector<16xi32> to vector<16xi32>
        %mul3A_1178 = arith.constant 16 : i32
        %mul3A_1179 = arith.muli %while3A_1172, %mul3A_1178 : i32
        %add3A_1180 = vector.broadcast %mul3A_1179 : i32 to vector<16xi32>
        %add3A_1181 = arith.addi %add3A_1180, %iota3A : vector<16xi32>
        %lt3A = vector.broadcast %squeeze3A_695 : i32 to vector<16xi32>
        %lt3A_1182 = arith.cmpi slt, %add3A_1181, %lt3A : vector<16xi32>
        %mul3A_1183 = arith.constant 16 : i32
        %mul3A_1184 = arith.muli %while3A_1172, %mul3A_1183 : i32
        %get3A_1185 = arith.index_cast %mul3A_1184 : i32 to index
        %get3A_1186 = tpu.vector_load %arg7[%get3A_1185] {strides = array<i32>} : memref<8224xi32, #tpu.memory_space<vmem>>, vector<16xi32>,
        %gt3A = vector.broadcast %or3A_1114 : i32 to vector<16xi32>
        %gt3A_1187 = arith.cmpi ugt, %bitcast3A, %gt3A : vector<16xi32>
        %and3A_1188 = arith.andi %lt3A_1182, %gt3A_1187 : vector<16xi1>
        %eq3A = vector.broadcast %or3A_1114 : i32 to vector<16xi32>
        %eq3A_1189 = arith.cmpi eq, %bitcast3A, %eq3A : vector<16xi32>
        %and3A_1190 = arith.andi %lt3A_1182, %eq3A_1189 : vector<16xi1>
        %convert_element_type3A_1191 = arith.extui %and3A_1190 : vector<16xi1> to vector<16xi32>
        %broadcast_in_dim3A_1192 = arith.constant true
        %broadcast_in_dim3A_1193 = vector.broadcast %broadcast_in_dim3A_1192 : i1 to vector<16xi1>
        %masked_cumsum3A = tpu.scan <sum>, %convert_element_type3A_1191 masked %broadcast_in_dim3A_1193 : vector<16xi32>, vector<16xi1> -> vector<16xi32>
        %add3A_1194 = arith.addi %while3A_1173, %masked_cumsum3A : vector<16xi32>
        %le3A_1195 = vector.broadcast %sub3A_1105 : i32 to vector<16xi32>
        %le3A_1196 = arith.cmpi sle, %add3A_1194, %le3A_1195 : vector<16xi32>
        %and3A_1197 = arith.andi %and3A_1190, %le3A_1196 : vector<16xi1>
        %or3A_1198 = arith.ori %and3A_1188, %and3A_1197 : vector<16xi1>
        %gather3A = tpu.vector_load_idx %arg4[%get3A_1186] masked %lt3A_1182 : memref<32768xf32, #tpu.memory_space<vmem>>[vector<16xi32>], vector<16xf32>, vector<16xi1>
        tpu.vector_store_idx %arg5[%get3A_1186], %gather3A masked %or3A_1198 : memref<32768xf32, #tpu.memory_space<vmem>>[vector<16xi32>], vector<16xf32>, vector<16xi1>
        %all_reduce_population_count3A = tpu.all_reduce %and3A_1190 {dim = 0 : i64, kind = #tpu.reduction_kind<sum>} : vector<16xi1> -> vector<16xi32>
        %add3A_1199 = arith.addi %while3A_1173, %all_reduce_population_count3A : vector<16xi32>
        scf.yield %add3A_1199 : vector<16xi32>
      }
      %while3A_1169 = arith.constant 1 : i32
      %while3A_1170 = scf.for %while3A_1172 = %while3A_1166 to %while3A_1162 step %while3A_1169 iter_args(%while3A_1173 = %while3A_1168) -> (vector<16xi32>)  : i32 {
        %mul3A_1174 = arith.constant 16 : i32
        %mul3A_1175 = arith.muli %while3A_1172, %mul3A_1174 : i32
        %get3A_1176 = arith.index_cast %mul3A_1175 : i32 to index
        %get3A_1177 = tpu.vector_load %arg6[%get3A_1176] {strides = array<i32>} : memref<32800xi32, #tpu.memory_space<vmem>>, vector<16xi32>,
        %bitcast3A = vector.bitcast %get3A_1177 : vector<16xi32> to vector<16xi32>
        %mul3A_1178 = arith.constant 16 : i32
        %mul3A_1179 = arith.muli %while3A_1172, %mul3A_1178 : i32
        %add3A_1180 = vector.broadcast %mul3A_1179 : i32 to vector<16xi32>
        %add3A_1181 = arith.addi %add3A_1180, %iota3A : vector<16xi32>
        %lt3A = vector.broadcast %squeeze3A_695 : i32 to vector<16xi32>
        %lt3A_1182 = arith.cmpi slt, %add3A_1181, %lt3A : vector<16xi32>
        %mul3A_1183 = arith.constant 16 : i32
        %mul3A_1184 = arith.muli %while3A_1172, %mul3A_1183 : i32
        %get3A_1185 = arith.index_cast %mul3A_1184 : i32 to index
        %get3A_1186 = tpu.vector_load %arg7[%get3A_1185] {strides = array<i32>} : memref<8224xi32, #tpu.memory_space<vmem>>, vector<16xi32>,
        %gt3A = vector.broadcast %or3A_1114 : i32 to vector<16xi32>
        %gt3A_1187 = arith.cmpi ugt, %bitcast3A, %gt3A : vector<16xi32>
        %and3A_1188 = arith.andi %lt3A_1182, %gt3A_1187 : vector<16xi1>
        %eq3A = vector.broadcast %or3A_1114 : i32 to vector<16xi32>
        %eq3A_1189 = arith.cmpi eq, %bitcast3A, %eq3A : vector<16xi32>
        %and3A_1190 = arith.andi %lt3A_1182, %eq3A_1189 : vector<16xi1>
        %convert_element_type3A_1191 = arith.extui %and3A_1190 : vector<16xi1> to vector<16xi32>
        %broadcast_in_dim3A_1192 = arith.constant true
        %broadcast_in_dim3A_1193 = vector.broadcast %broadcast_in_dim3A_1192 : i1 to vector<16xi1>
        %masked_cumsum3A = tpu.scan <sum>, %convert_element_type3A_1191 masked %broadcast_in_dim3A_1193 : vector<16xi32>, vector<16xi1> -> vector<16xi32>
        %add3A_1194 = arith.addi %while3A_1173, %masked_cumsum3A : vector<16xi32>
        %le3A_1195 = vector.broadcast %sub3A_1105 : i32 to vector<16xi32>
        %le3A_1196 = arith.cmpi sle, %add3A_1194, %le3A_1195 : vector<16xi32>
        %and3A_1197 = arith.andi %and3A_1190, %le3A_1196 : vector<16xi1>
        %or3A_1198 = arith.ori %and3A_1188, %and3A_1197 : vector<16xi1>
        %gather3A = tpu.vector_load_idx %arg4[%get3A_1186] masked %lt3A_1182 : memref<32768xf32, #tpu.memory_space<vmem>>[vector<16xi32>], vector<16xf32>, vector<16xi1>
        tpu.vector_store_idx %arg5[%get3A_1186], %gather3A masked %or3A_1198 : memref<32768xf32, #tpu.memory_space<vmem>>[vector<16xi32>], vector<16xf32>, vector<16xi1>
        %all_reduce_population_count3A = tpu.all_reduce %and3A_1190 {dim = 0 : i64, kind = #tpu.reduction_kind<sum>} : vector<16xi1> -> vector<16xi32>
        %add3A_1199 = arith.addi %while3A_1173, %all_reduce_population_count3A : vector<16xi32>
        scf.yield %add3A_1199 : vector<16xi32>
      }
      %cond3A_1171 = arith.constant 0 : i32
      scf.yield %cond3A_1171 : i32
    } else {
      %parallel_loop3A_1134 = arith.constant 0 : i32
      %parallel_loop3A_1135 = arith.constant 2048 : i32
      %parallel_loop3A_1136 = arith.constant 1 : i32
      %parallel_loop3A_1137 = scf.for %parallel_loop3A_1139 = %parallel_loop3A_1134 to %parallel_loop3A_1135 step %parallel_loop3A_1136 iter_args(%parallel_loop3A_1140 = %broadcast_in_dim3A_3) -> (vector<16xi32>)  : i32 {
        %parallel_loop3A_1141 = arith.constant 16 : i32
        %parallel_loop3A_1142 = arith.muli %parallel_loop3A_1139, %parallel_loop3A_1141 : i32
        %parallel_loop3A_1143 = arith.index_cast %parallel_loop3A_1142 : i32 to index
        %parallel_loop3A_1144 = tpu.vector_load %arg4[%parallel_loop3A_1143] {strides = array<i32>} : memref<32768xf32, #tpu.memory_space<vmem>>, vector<16xf32>,
        %parallel_loop3A_1145 = vector.bitcast %parallel_loop3A_1144 : vector<16xf32> to vector<16xi32>
        %parallel_loop3A_1146 = arith.constant 31 : i32
        %parallel_loop3A_1147 = vector.broadcast %parallel_loop3A_1146 : i32 to vector<16xi32>
        %parallel_loop3A_1148 = arith.shrui %parallel_loop3A_1145, %parallel_loop3A_1147 : vector<16xi32>
        %parallel_loop3A_1149 = arith.constant 0 : i32
        %parallel_loop3A_1150 = vector.broadcast %parallel_loop3A_1149 : i32 to vector<16xi32>
        %parallel_loop3A_1151 = arith.subi %parallel_loop3A_1150, %parallel_loop3A_1148 : vector<16xi32>
        %parallel_loop3A_1152 = arith.constant -2147483648 : i32
        %parallel_loop3A_1153 = vector.broadcast %parallel_loop3A_1152 : i32 to vector<16xi32>
        %parallel_loop3A_1154 = arith.ori %parallel_loop3A_1151, %parallel_loop3A_1153 : vector<16xi32>
        %parallel_loop3A_1155 = arith.xori %parallel_loop3A_1145, %parallel_loop3A_1154 : vector<16xi32>
        %parallel_loop3A_1156 = vector.broadcast %or3A_1114 : i32 to vector<16xi32>
        %parallel_loop3A_1157 = arith.cmpi ugt, %parallel_loop3A_1155, %parallel_loop3A_1156 : vector<16xi32>
        %parallel_loop3A_1158 = vector.broadcast %or3A_1114 : i32 to vector<16xi32>
        %parallel_loop3A_1159 = arith.cmpi eq, %parallel_loop3A_1155, %parallel_loop3A_1158 : vector<16xi32>
        %parallel_loop3A_1160 = arith.extui %parallel_loop3A_1159 : vector<16xi1> to vector<16xi32>
        %parallel_loop3A_1161 = arith.constant true
        %parallel_loop3A_1162 = vector.broadcast %parallel_loop3A_1161 : i1 to vector<16xi1>
        %parallel_loop3A_1163 = tpu.scan <sum>, %parallel_loop3A_1160 masked %parallel_loop3A_1162 : vector<16xi32>, vector<16xi1> -> vector<16xi32>
        %parallel_loop3A_1164 = arith.addi %parallel_loop3A_1140, %parallel_loop3A_1163 : vector<16xi32>
        %parallel_loop3A_1165 = vector.broadcast %sub3A_1105 : i32 to vector<16xi32>
        %parallel_loop3A_1166 = arith.cmpi sle, %parallel_loop3A_1164, %parallel_loop3A_1165 : vector<16xi32>
        %parallel_loop3A_1167 = arith.andi %parallel_loop3A_1159, %parallel_loop3A_1166 : vector<16xi1>
        %parallel_loop3A_1168 = arith.ori %parallel_loop3A_1157, %parallel_loop3A_1167 : vector<16xi1>
        %parallel_loop3A_1169 = arith.constant 0.000000e+00 : f32
        %parallel_loop3A_1170 = vector.broadcast %parallel_loop3A_1169 : f32 to vector<16xf32>
        %parallel_loop3A_1171 = arith.select %parallel_loop3A_1168, %parallel_loop3A_1144, %parallel_loop3A_1170 : vector<16xi1>, vector<16xf32>
        %parallel_loop3A_1172 = arith.constant 16 : i32
        %parallel_loop3A_1173 = arith.muli %parallel_loop3A_1139, %parallel_loop3A_1172 : i32
        %parallel_loop3A_1174 = arith.index_cast %parallel_loop3A_1173 : i32 to index
        %parallel_loop3A_1175 = tpu.vector_load %arg5[%parallel_loop3A_1174] {strides = array<i32>} : memref<32768xf32, #tpu.memory_space<vmem>>, vector<16xf32>,
        tpu.vector_store %arg5[%parallel_loop3A_1174], %parallel_loop3A_1171 {strides = array<i32>} : memref<32768xf32, #tpu.memory_space<vmem>>, vector<16xf32>,
        %parallel_loop3A_1176 = tpu.all_reduce %parallel_loop3A_1159 {dim = 0 : i64, kind = #tpu.reduction_kind<sum>} : vector<16xi1> -> vector<16xi32>
        %parallel_loop3A_1177 = arith.addi %parallel_loop3A_1140, %parallel_loop3A_1176 : vector<16xi32>
        scf.yield %parallel_loop3A_1177 : vector<16xi32>
      } {sc.loop_unroll_factor = 4 : i64, sc.parallel_access}
      %cond3A_1138 = arith.constant 0 : i32
      scf.yield %cond3A_1138 : i32
    }
    %dma_start3A_1122 = arith.constant 0 : i32
    %dma_start3A_1123 = tpu.memref_slice %arg3[%add3A_556, %dma_start3A_1122] : memref<64x32768xf32, #tpu.memory_space<hbm>> -> memref<1x32768xf32, #tpu.memory_space<hbm>>
    %dma_start3A_1124 = tpu.memref_squeeze %dma_start3A_1123 : memref<1x32768xf32, #tpu.memory_space<hbm>> -> memref<32768xf32, #tpu.memory_space<hbm>>
    %dma_start3A_1125 = arith.constant 0 : i32
    %dma_start3A_1126 = tpu.memref_slice %arg3[%add3A_556, %dma_start3A_1125] : memref<64x32768xf32, #tpu.memory_space<hbm>> -> memref<1x32768xf32, #tpu.memory_space<hbm>>
    %dma_start3A_1127 = tpu.memref_squeeze %dma_start3A_1126 : memref<1x32768xf32, #tpu.memory_space<hbm>> -> memref<32768xf32, #tpu.memory_space<hbm>>
    tpu.enqueue_dma source(%arg5 : memref<32768xf32, #tpu.memory_space<vmem>>) target(%dma_start3A_1127 : memref<32768xf32, #tpu.memory_space<hbm>>) target_semaphore(%arg9 : memref<!tpu.dma_semaphore, #tpu.memory_space<semaphore_mem>>)
    %dma_wait3A_1128 = arith.constant 0 : i32
    %dma_wait3A_1129 = tpu.memref_slice %arg3[%add3A_556, %dma_wait3A_1128] : memref<64x32768xf32, #tpu.memory_space<hbm>> -> memref<1x32768xf32, #tpu.memory_space<hbm>>
    %dma_wait3A_1130 = tpu.memref_squeeze %dma_wait3A_1129 : memref<1x32768xf32, #tpu.memory_space<hbm>> -> memref<32768xf32, #tpu.memory_space<hbm>>
    %dma_wait3A_1131 = arith.constant 0 : i32
    %dma_wait3A_1132 = tpu.memref_slice %arg3[%add3A_556, %dma_wait3A_1131] : memref<64x32768xf32, #tpu.memory_space<hbm>> -> memref<1x32768xf32, #tpu.memory_space<hbm>>
    %dma_wait3A_1133 = tpu.memref_squeeze %dma_wait3A_1132 : memref<1x32768xf32, #tpu.memory_space<hbm>> -> memref<32768xf32, #tpu.memory_space<hbm>>
    tpu.wait_dma2 semaphore(%arg9 : memref<!tpu.dma_semaphore, #tpu.memory_space<semaphore_mem>>) src(%arg5 : memref<32768xf32, #tpu.memory_space<vmem>>) dst(%dma_wait3A_1133 : memref<32768xf32, #tpu.memory_space<hbm>>)
    return
  }
}

</mosaic_0001>

<sc_bundles>
// kernel: kernel.3.cloned.1.call-start
scs
__scs_entry_jumppad:
0x0: {  	(pc) =	sbr.rel $0x88, $3  }
0x1: {  	(tag) =	ssettag $0x0;
	lr =	simm.s32 $0x1  }
0x2: {  	[smem:$0x3FA0] =	sst lr;
	_ =	strace $0xD0000000  }
0x3: {  	_ = 	snop  }
0x4: {  	_ = 	snop  }
0x5: {  	_ = 	snop  }
0x6: {  	_ = 	snop  }
0x7: {  	_ = 	snop  }
__scs_overlays_trampoline_lowered:
0x8: {  	[smem:$0x3FAF] =	sst s0  }
0x9: {  	[smem:$0x3FB0] =	sst s1  }
0xa: {  	[smem:$0x3FB1] =	sst s2  }
0xb: {  	[smem:$0x3FB2] =	sst s3  }
0xc: {  	[smem:$0x3FB3] =	sst s4  }
0xd: {  	[smem:$0x3FB4] =	sst s5  }
0xe: {  	[smem:$0x3FB5] =	sst s6  }
0xf: {  	[smem:$0x3FB6] =	sst s7  }
0x10: {  	[smem:$0x3FB7] =	sst s8  }
0x11: {  	[smem:$0x3FB8] =	sst s9;
	s0 =	simm.s32 @!p0 $0x0  }
0x12: {  	s1 =	sld [smem:$0x3F9E];
	s0 =	simm.s32 @p0 $0x1  }
0x13: {  	[smem:$0x3FB9] =	sst s0;
	s0 =	simm.s32 @!p1 $0x0  }
0x14: {  	s2 =	sld [smem:$0x3F9D];
	s0 =	simm.s32 @p1 $0x1  }
0x15: {  	[smem:$0x3FBA] =	sst s0;
	s0 =	simm.s32 @!p2 $0x0  }
0x16: {  	s3 =	sld [smem:$0x3FDB];
	s0 =	simm.s32 @p2 $0x1  }
0x17: {  	s4 =	simm.s32 $0x1BF5;
	[smem:$0x3FBC] =	sst s0  }
0x18: {  	s0 =	sld [smem:$0x3F9F];
	_ =	swait.ge [sflag:s4], $0x0  }
0x19: {  	s7 =	sld [smem:$0x3FA0]  }
0x1a: {  	s8 =	sadd.s32 $0xFFFFE003, lr  }
0x1b: {  	s9 =	sadd.s32 $0xFFFFFEF7, lr;
	s5 =	simm.s32 $0xFFFFFFFF;
	p2 =	slt.u32 s8, $0xFFFFF086  }
0x1c: {  	p1 =	slt.u32 s9, $0xF7A;
	s5 =	simm.s32 @!p2 $0x0  }
0x1d: {  	s5 =	simm.s32 @p1 $0x1;
	p0 =	seq.s32 s7, s2  }
0x1e: {  	s7 =	smul.u32 @!p0 $0xF7A, s2;
	p2 =	seq.s32 @!p0 s5, $0x0  }
0x1f: {  	s9 =	smul.u32 $0xF7A, s1;
	s8 =	simm.s32 @!p0 $0x1BF5;
	p2 =	por !p2, p0  }
0x20: {  	[sflag:s8] =	ssyncset.s32 @!p0 $0xFFFFF086;
	s6 =	sadd.s32 @!p0 s3, s7;
	s7 =	simm.s32 @!p0 $0x108  }
0x21: {  	s3 =	sadd.s32 s3, s9;
	s6 =	sadd.s32 @!p0 $0x88, s6;
	s7 =	simm.s32 @p2 $0x1082  }
0x22: {  	[simem:s7], [sflag:s8] =	dma.local @!p0 [hbm:s6], $0xF7A  }
0x23: {  	s9 =	sor.u32 $0xD0000000, s2;
	s6 =	simm.s32 $0x108;
	_ =	swait.ge @!p0 [sflag:s8], $0x0  }
0x24: {  	s3 =	sadd.s32 $0x88, s3;
	s6 =	simm.s32 @!p1 $0x1082;
	[sflag:s4] =	ssyncset.s32 $0xFFFFF086  }
0x25: {  	[simem:s6], [sflag:s4] =	dma.local [hbm:s3], $0xF7A  }
0x26: {  	[smem:$0x3FA0] =	sst s1;
	(tag) =	ssettag s2;
	_ =	strace s9  }
0x27: {  	s1 =	sld [smem:$0x3FB0]  }
0x28: {  	s2 =	sld [smem:$0x3FB1]  }
0x29: {  	s4 =	sld [smem:$0x3FB3]  }
0x2a: {  	p0 =	seq.s32 s5, $0x0;
	s5 =	sld [smem:$0x3FB4]  }
0x2b: {  	s6 =	sld [smem:$0x3FB5]  }
0x2c: {  	s7 =	sld [smem:$0x3FB6]  }
0x2d: {  	s3 =	simm.s32 $0x108;
	s8 =	sld [smem:$0x3FB7]  }
0x2e: {  	s3 =	simm.s32 @!p0 $0x1082;
	s9 =	sld [smem:$0x3FB8]  }
0x2f: {  	lr =	sadd.s32 s0, s3;
	s0 =	sld [smem:$0x3FAF]  }
0x30: {  	s3 =	sld [smem:$0x3FB2]  }
0x31: {  	[smem:$0x3FBB] =	sst s10  }
0x32: {  	s10 =	sld [smem:$0x3FB9];
	_ =	sdelay $0x3  }
0x33: {  	p0 =	seq.s32 s10, $0x1;
	s10 =	sld [smem:$0x3FBB];
	_ =	sdelay $0x3  }
0x34: {  	[smem:$0x3FBB] =	sst s10  }
0x35: {  	s10 =	sld [smem:$0x3FBA];
	_ =	sdelay $0x3  }
0x36: {  	p1 =	seq.s32 s10, $0x1;
	s10 =	sld [smem:$0x3FBB];
	_ =	sdelay $0x3  }
0x37: {  	[smem:$0x3FBB] =	sst s10  }
0x38: {  	s10 =	sld [smem:$0x3FBC]  }
0x39: {  	_ = 	snop;
	(pc) =	sbr.ind lr, $3  }
0x3a: {  	_ = 	snop  }
0x3b: {  	_ = 	snop  }
0x3c: {  	p2 =	seq.s32 s10, $0x1;
	s10 =	sld [smem:$0x3FBB]  }
0x3d: {  	_ =	shalt  }
0x3e: {  	_ =	shalt  }
0x3f: {  	_ =	shalt  }
0x40: {  	_ =	shalt  }
0x41: {  	_ =	shalt  }
0x42: {  	_ =	shalt  }
0x43: {  	_ =	shalt  }
0x44: {  	_ =	shalt  }
0x45: {  	_ =	shalt  }
0x46: {  	_ =	shalt  }
0x47: {  	_ =	shalt  }
0x48: {  	_ =	shalt  }
0x49: {  	_ =	shalt  }
0x4a: {  	_ =	shalt  }
0x4b: {  	_ =	shalt  }
0x4c: {  	_ =	shalt  }
0x4d: {  	_ =	shalt  }
0x4e: {  	_ =	shalt  }
0x4f: {  	_ =	shalt  }
0x50: {  	_ =	shalt  }
0x51: {  	_ =	shalt  }
0x52: {  	_ =	shalt  }
0x53: {  	_ =	shalt  }
0x54: {  	_ =	shalt  }
0x55: {  	_ =	shalt  }
0x56: {  	_ =	shalt  }
0x57: {  	_ =	shalt  }
0x58: {  	_ =	shalt  }
0x59: {  	_ =	shalt  }
0x5a: {  	_ =	shalt  }
0x5b: {  	_ =	shalt  }
0x5c: {  	_ =	shalt  }
0x5d: {  	_ =	shalt  }
0x5e: {  	_ =	shalt  }
0x5f: {  	_ =	shalt  }
0x60: {  	_ =	shalt  }
0x61: {  	_ =	shalt  }
0x62: {  	_ =	shalt  }
0x63: {  	_ =	shalt  }
0x64: {  	_ =	shalt  }
0x65: {  	_ =	shalt  }
0x66: {  	_ =	shalt  }
0x67: {  	_ =	shalt  }
0x68: {  	_ =	shalt  }
0x69: {  	_ =	shalt  }
0x6a: {  	_ =	shalt  }
0x6b: {  	_ =	shalt  }
0x6c: {  	_ =	shalt  }
0x6d: {  	_ =	shalt  }
0x6e: {  	_ =	shalt  }
0x6f: {  	_ =	shalt  }
0x70: {  	_ =	shalt  }
0x71: {  	_ =	shalt  }
0x72: {  	_ =	shalt  }
0x73: {  	_ =	shalt  }
0x74: {  	_ =	shalt  }
0x75: {  	_ =	shalt  }
0x76: {  	_ =	shalt  }
0x77: {  	_ =	shalt  }
0x78: {  	_ =	shalt  }
0x79: {  	_ =	shalt  }
0x7a: {  	_ =	shalt  }
0x7b: {  	_ =	shalt  }
0x7c: {  	_ =	shalt  }
0x7d: {  	_ =	shalt  }
0x7e: {  	_ =	shalt  }
0x7f: {  	_ =	shalt  }
0x80: {  	_ =	shalt  }
0x81: {  	_ =	shalt  }
0x82: {  	_ =	shalt  }
0x83: {  	_ =	shalt  }
0x84: {  	_ =	shalt  }
0x85: {  	_ =	shalt  }
0x86: {  	_ =	shalt  }
0x87: {  	_ =	shalt  }
.Lfunc_end0:
.L_simem_size_0:
called_computation_lowered:
.L_overlay_start_0:
0x88: {  	s2 =	sld [smem:$0x3FD9]  }
0x89: {  	s3 =	sld [smem:$0x3FFE];
	_ =	sdelay $0x1  }
0x8a: {  	s1 =	srdreg.scid  }
0x8b: {  	s0 =	sand.u32 $0x1, s1  }
0x8c: {  	s18 =	sshll.u32 s0, $0xA;
	s2 =	sadd.s32 s3, s2  }
0x8d: {  	s2 =	sadd.s32 s2, s18  }
0x8e: {  	[smem:$0x3FC7] =	sst s2  }
0x8f: {  	_ = 	snop  }
0x90: {  	s2 =	sld [smem:$0x3FC9]  }
0x91: {  	s19 =	sld [smem:$0x3FD0];
	(tm) =	ssettm $0x1  }
0x92: {  	s4 =	sld [smem:$0x3FFB];
	_ =	sdelay $0x3  }
0x93: {  	_ =	strace s4  }
0x94: {  	s4 =	sld [smem:$0x3FFC];
	_ =	sdelay $0x3  }
0x95: {  	_ =	strace s4  }
0x96: {  	s4 =	sld [smem:$0x3FFD];
	_ =	sdelay $0x3  }
0x97: {  	_ =	strace s4  }
0x98: {  	_ =	strace $0x8FFFFFFF  }
0x99: {  	s20 =	sld [smem:$0x3FDB];
	_ =	sdelay $0x1  }
0x9a: {  	s5 =	simm.s32 $_scs_section_size  }
0x9b: {  	s6 =	simm.s32 $_size__tile_overlayer_lowered;
	s7 =	simm.s32 $_tile_overlayer_lowered  }
0x9c: {  	s23 =	simm.s32 $0x1BFF;
	s22 =	sshll.u32 s7, $0x1;
	s4 =	sadd.s32 s5, s20  }
0x9d: {  	s8 =	simm.s32 $0x0;
	s21 =	sshll.u32 s6, $0x1;
	s6 =	sadd.s32 s22, s4  }
0x9e: {  	[timem:s8], [sflag:s23] =	dma.local [hbm:s6], s21  }
0x9f: {  	_ =	swait.ge [sflag:s23], s21  }
0xa0: {  	s5 =	ssub.s32 $0x0, s21;
	[sflag:s23] =	ssyncset.done $0x0  }
0xa1: {  	[sflag:s23] =	ssyncadd.s32 s5;
	_ =	sdelay $0x1  }
0xa2: {  	s24 =	simm.s32 $0x1B8B  }
0xa3: {  	_ =	swait.ge [sflag:s24], $0x1  }
0xa4: {  	[sflag:s24] =	ssyncset.done $0x0  }
0xa5: {  	s25 =	simm.s32 $0x1B8E;
	[sflag:s24] =	ssyncadd.s32 $0xFFFFFFFF  }
0xa6: {  	s26 =	simm.s32 $execute0_lowered;
	[smem:$0x3FD2] =	sst s25  }
0xa7: {  	s5 =	sshll.u32 s26, $0x1;
	_ =	strace $0x80000046;
	[dreg:$0x1] =	wrdreg $0xFFFFFFFF  }
0xa8: {  	s28 =	simm.s32 $_size_execute0_lowered;
	s4 =	sadd.s32 s4, s5;
	[dreg:$0x0] =	wrdreg $0x0  }
0xa9: {  	s5 =	sshll.u32 s28, $0x1;
	[dreg:$0x2] =	wrdreg s4  }
0xaa: {  	[dreg:$0x3] =	wrdreg s5  }
0xab: {  	[dreg:$0x4] =	wrdreg $0xC0  }
0xac: {  	_ =	task [dreg:s8], $0x5FFFF  }
0xad: {  	[dreg:$0x1] =	wrdreg $0xFFFFFFFF  }
0xae: {  	[dreg:$0x0] =	wrdreg $0x60  }
0xaf: {  	[dreg:$0x2] =	wrdreg s2  }
0xb0: {  	[dreg:$0x3] =	wrdreg s19  }
0xb1: {  	[dreg:$0x4] =	wrdreg $0x9  }
0xb2: {  	_ =	task.clear_ibuf [dreg:s8], $0x5FFFF;
	_ =	strace $0x90000046  }
0xb3: {  	s29 =	simm.s32 $0x9;
	_ =	strace $0x80000048  }
0xb4: {  	_ =	swait.ge [sflag:s29], $0x1  }
0xb5: {  	[sflag:s29] =	ssyncadd.s32 $0xFFFFFFFF  }
0xb6: {  	_ =	strace $0x90000048  }
0xb7: {  	_ =	sfence  }
0xb8: {  	s30 =	sld [smem:$0x0];
	_ =	sdelay $0x2  }
0xb9: {  	s31 =	sshll.u32 s1, $0xD;
	s1 =	sshrl.u32 s1, $0x2  }
0xba: {  	s3 =	sand.u32 $0x4000, s31;
	s1 =	sadd.s32 s1, s30  }
0xbb: {  	s0 =	sor.u32 s3, s0;
	s1 =	sshll.u32 s1, $0x11  }
0xbc: {  	s0 =	sor.u32 s1, s0  }
0xbd: {  	s0 =	sadd.s32 $0x8F2B, s0  }
0xbe: {  	[sflag:s0] =	ssyncadd.remote.s32 $0x1  }
0xbf: {  	_ =	sfence.sel $0xFFFF  }
0xc0: {  	[dreg:$0x0] =	wrdreg $0xFFFFFFFF;
	(pc) =	sbr.abs _section_cstart, $3  }
0xc1: {  	[dreg:$0x1] =	wrdreg $0xFFFFFFFF  }
0xc2: {  	_ =	task.clear_ibuf [dreg:s8], $0x2FFFF;
	_ =	strace $0x9FFFFFFF  }
0xc3: {  	(tm) =	ssettm $0x7FFFFFFF  }
tec
execute0_lowered:
.L_overlay_start_1:
0x0: {  	(tag) =	ssettag $0x1  }
0x1: {  	s5 =	rddreg [dreg:$0x0]  }
0x2: {  	s6 =	rddreg [dreg:$0x1]  }
0x3: {  	s0 =	rddreg [dreg:$0x2];
	s3 =	srdreg.scid;
	s2 =	simm.s32 $0x0  }
0x4: {  	s1 =	stileid.u32;
	s10 =	simm.s32 $0x2;
	s11 =	simm.s32 $0x1A100  }
0x5: {  	s12 =	simm.s32 $0x10000;
	s13 =	simm.s32 $0x18080;
	s14 =	simm.s32 $0x1  }
0x6: {  	s15 =	simm.s32 $0x8000;
	s16 =	simm.s32 $0x0;
	s3 =	sand.u32 $0x1, s3  }
0x7: {  	[smem:$0x7FF] =	sst s2;
	s7 =	sshll.u32 s1, $0x6;
	s8 =	sshll.u32 s1, $0xE  }
0x8: {  	s4 =	ssub.s32 $0x2, s3;
	s3 =	sshll.u32 s3, $0x5;
	s7 =	sand.u32 $0x40, s7  }
.Ltmp0:
0x9: {  	s8 =	sand.u32 $0x38000, s8;
	s3 =	sor.u32 s3, s7;
	(pc) =	sbr.rel .LBB2_1-.Ltmp0, $4  }
0xa: {  	_ =	strace $0x80000047;
	s9 =	sshrl.u32 s4, $0x1;
	s8 =	sor.u32 s8, s3  }
0xb: {  	s31 =	ssub.s32 s4, s9;
	s9 =	simm.s32 $0x400;
	s3 =	sadd.s32 s5, s8  }
0xc: {  	s4 =	sadd.s32 s6, s8;
	s8 =	sor.u32 $0x10, s8;
	s7 =	smax.u32 s31, $0x1  }
0xd: {  	v0 =	vimm.s32 $0x0;
	v1 =	vlaneseq.u32;
	v2 =	vimm.s32 $0x1;
	s5 =	sadd.s32 s5, s8;
	s6 =	sadd.s32 s6, s8;
	s8 =	simm.s32 $0x80  }
.LBB2_76:
0xe: {  	s20 =	simm.s32 $0x0;
	s19 =	simm.s32 $0x18080  }
.LBB2_80:
0xf: {  	s20 =	sadd.s32 @p0 $0x10, s20  }
0x10: {  	s18 =	smov.u32 @p0 s20  }
0x11: {  	v8 =	vor.u32 s18, v1  }
0x12: {  	vm1 =	veq.s32 v6, v3;
	vm0 =	vlt.s32 v8, v5  }
0x13: {  	vm1 =	vmand vm0, vm1  }
0x14: {  	v61 =	vsel vm1, $0x1, v0  }
0x15: {  	(xrf0) =	vadd.scan.msk.s32 $0xffff, v61  }
0x16: {  	s18 =	sadd.s32 @p0 $0x10, s19  }
0x17: {  	s17 =	smov.u32 @p0 s18  }
0x18: {  	v62 =	vld [tilespmem:s17+$0x0];
	_ =	sdelay $0x2  }
0x19: {  	v63, _, _ =	vpop (xrf0)  }
0x1a: {  	v7 =	vadd.s32 v7, v63  }
0x1b: {  	vm2 =	vgt.u32 v6, v3;
	vm3 =	vle.s32 v7, v4  }
0x1c: {  	vm2 =	vmand vm0, vm2;
	vm1 =	vmand vm1, vm3  }
0x1d: {  	vm1 =	vmor vm2, vm1  }
0x1e: {  	v3 =	vld.idx.msk [tilespmem:v62+s2+$0x0], vm0;
	_ =	sdelay $0x4  }
0x1f: {  	[tilespmem:v62+s15+$0x0] =	vst.idx.msk vm1, v3  }
.LBB2_81:
0x20: {  	s16 =	sadd.s32 $0x1, s16  }
0x21: {  	p0 =	sne.s32 s16, s7  }
.Ltmp1:
0x22: {  	_ = 	snop;
	(pc) =	sbr.rel @!p0 .LBB2_82-.Ltmp1, $4  }
0x23: {  	[hbm4b:s6+s8] =	stream.strided.scatter [tilespmem:s15], [sflag:$0x1], $0x8000, s9, s8, $0x38;
	[tilespmem:$0x1B180] =	vst v63  }
0x24: {  	_ =	swait.ge [sflag:s14], $0x8000  }
0x25: {  	[sflag:s14] =	ssyncset.done $0x0  }
0x26: {  	[sflag:s14] =	ssyncadd.s32 $0xFFFF8000  }
.LBB2_1:
0x27: {  	[tilespmem:s2], [sflag:$0x2] =	stream.strided.gather [hbm4b:s3+s8], $0x8000, s9, s8, $0x38;
	[tilespmem:$0x1B180] =	vst v63  }
0x28: {  	_ =	swait.ge [sflag:s10], $0x8000  }
0x29: {  	[sflag:s10] =	ssyncset.done $0x0  }
0x2a: {  	s17 =	simm.s32 $0x1A140;
	[sflag:s10] =	ssyncadd.s32 $0xFFFF8000  }
0x2b: {  	[tilespmem:s17+$0xFFFFFFC0] =	vst v0  }
0x2c: {  	[tilespmem:s17+$0x30] =	vst v0  }
0x2d: {  	[tilespmem:s17+$0x20] =	vst v0  }
0x2e: {  	[tilespmem:s17+$0x10] =	vst v0  }
0x2f: {  	[tilespmem:s17+$0x0] =	vst v0  }
0x30: {  	[tilespmem:s17+$0xFFFFFFF0] =	vst v0  }
0x31: {  	s19 =	simm.s32 $0x0;
	[tilespmem:s17+$0xFFFFFFE0] =	vst v0  }
.LBB2_2:
0x32: {  	s19 =	sadd.s32 $0x8, s19;
	[tilespmem:s17+$0xFFFFFFD0] =	vst v0;
	s17 =	sadd.s32 $0x80, s17;
	s18 =	simm.s32 $0x40  }
0x33: {  	[tilespmem:s17+$0xFFFFFFC0] =	vst v0;
	p0 =	slt.u32 s19, $0x100  }
0x34: {  	[tilespmem:s17+$0x30] =	vst v0  }
.Ltmp2:
0x35: {  	[tilespmem:s17+$0x20] =	vst v0;
	(pc) =	sbr.rel @p0 .LBB2_2-.Ltmp2, $4  }
0x36: {  	[tilespmem:s17+$0x10] =	vst v0  }
0x37: {  	[tilespmem:s17+$0x0] =	vst v0  }
0x38: {  	[tilespmem:s17+$0xFFFFFFF0] =	vst v0  }
0x39: {  	[tilespmem:s17+$0xFFFFFFE0] =	vst v0  }
0x3a: {  	[tilespmem:s17+$0xFFFFFFD0] =	vst v0  }
0x3b: {  	v3 =	vld [tilespmem:s18+$0x30]  }
0x3c: {  	v4 =	vld [tilespmem:s18+$0xFFFFFFD0]  }
0x3d: {  	v5 =	vld [tilespmem:s18+$0xFFFFFFE0]  }
0x3e: {  	v6 =	vld [tilespmem:s18+$0xFFFFFFF0]  }
0x3f: {  	v7 =	vld [tilespmem:s18+$0x0]  }
0x40: {  	v8 =	vld [tilespmem:s18+$0x10]  }
0x41: {  	v11 =	vld [tilespmem:s18+$0x20]  }
0x42: {  	v12 =	vld [tilespmem:s18+$0xFFFFFFC0];
	_ =	sdelay $0x1  }
0x43: {  	v9 =	vshra.s32 v3, $0x1F;
	v10 =	vshra.s32 v4, $0x1F;
	v13 =	vshra.s32 v5, $0x1F  }
0x44: {  	v60 =	vshra.s32 v6, $0x1F;
	v14 =	vshra.s32 v7, $0x1F;
	v9 =	vor.u32 $0x80000000, v9  }
0x45: {  	v15 =	vshra.s32 v8, $0x1F;
	v61 =	vshra.s32 v11, $0x1F;
	v3 =	vxor.u32 v3, v9  }
0x46: {  	v16 =	vshra.s32 v12, $0x1F;
	v10 =	vor.u32 $0x80000000, v10;
	v3 =	vshrl.u32 v3, $0x14  }
0x47: {  	v14 =	vor.u32 $0x80000000, v14;
	v62 =	vor.u32 $0x80000000, v16;
	v3 =	vand.u32 $0xFF0, v3  }
0x48: {  	v9 =	vor.u32 $0x80000000, v13;
	v13 =	vor.u32 $0x80000000, v60;
	v3 =	vor.u32 v1, v3  }
0x49: {  	v10 =	vxor.u32 v4, v10;
	v4 =	vor.u32 $0x80000000, v15;
	v7 =	vxor.u32 v7, v14  }
0x4a: {  	v5 =	vxor.u32 v5, v9;
	v9 =	vor.u32 $0x80000000, v61;
	v13 =	vxor.u32 v6, v13  }
0x4b: {  	v6 =	vxor.u32 v12, v62;
	v63 =	vxor.u32 v8, v4;
	v10 =	vshrl.u32 v10, $0x14  }
0x4c: {  	v7 =	vshrl.u32 v7, $0x14;
	v4 =	vxor.u32 v11, v9;
	v9 =	vshrl.u32 v6, $0x14  }
0x4d: {  	s17 =	simm.s32 $0x1B0F0;
	s19 =	simm.s32 $0xC0;
	s18 =	simm.s32 $0x0;
	v6 =	vshrl.u32 v5, $0x14;
	v8 =	vshrl.u32 v13, $0x14;
	v5 =	vshrl.u32 v63, $0x14;
	[tilespmem:v3+s11+$0x0] =	vst.idx.add.s32.msk $0xffff, v2  }
.LBB2_4:
0x4e: {  	v11 =	vld [tilespmem:s19+$0x30];
	s18 =	sadd.s32 $0x8, s18;
	v3 =	vand.u32 $0xFF0, v9;
	v9 =	vand.u32 $0xFF0, v10;
	v4 =	vshrl.u32 v4, $0x14  }
0x4f: {  	v6 =	vand.u32 $0xFF0, v6;
	v8 =	vand.u32 $0xFF0, v8;
	v7 =	vand.u32 $0xFF0, v7;
	v10 =	vld [tilespmem:s19+$0xFFFFFFD0];
	p0 =	slt.u32 s18, $0x7F8  }
0x50: {  	v13 =	vor.u32 v1, v3;
	v3 =	vand.u32 $0xFF0, v5;
	v4 =	vand.u32 $0xFF0, v4;
	v12 =	vld [tilespmem:s19+$0xFFFFFFE0]  }
0x51: {  	v9 =	vor.u32 v1, v9;
	v6 =	vor.u32 v1, v6;
	v8 =	vor.u32 v1, v8;
	v5 =	vld [tilespmem:s19+$0xFFFFFFF0]  }
0x52: {  	v7 =	vor.u32 v1, v7;
	v15 =	vor.u32 v1, v3;
	v16 =	vor.u32 v1, v4;
	v14 =	vld [tilespmem:s19+$0x0]  }
0x53: {  	v4 =	vld [tilespmem:s19+$0x10];
	v3 =	vshra.s32 v11, $0x1F  }
0x54: {  	v17 =	vshra.s32 v10, $0x1F;
	v18 =	vld [tilespmem:s19+$0x20];
	v19 =	vor.u32 $0x80000000, v3;
	v3 =	vimm.s32 $0x0  }
0x55: {  	v20 =	vld [tilespmem:s19+$0xFFFFFFC0];
	v17 =	vor.u32 $0x80000000, v17;
	v21 =	vshra.s32 v12, $0x1F;
	v11 =	vxor.u32 v11, v19  }
0x56: {  	v19 =	vor.u32 $0x80000000, v21;
	v21 =	vshra.s32 v5, $0x1F;
	v11 =	vshrl.u32 v11, $0x14;
	[tilespmem:v13+s11+$0x0] =	vst.idx.add.s32.msk $0xffff, v2  }
0x57: {  	v13 =	vor.u32 $0x80000000, v21;
	v21 =	vshra.s32 v14, $0x1F;
	v11 =	vand.u32 $0xFF0, v11;
	[tilespmem:v9+s11+$0x0] =	vst.idx.add.s32.msk $0xffff, v2  }
0x58: {  	v9 =	vor.u32 $0x80000000, v21;
	v21 =	vshra.s32 v4, $0x1F;
	v11 =	vor.u32 v1, v11;
	[tilespmem:v6+s11+$0x0] =	vst.idx.add.s32.msk $0xffff, v2  }
0x59: {  	v6 =	vxor.u32 v10, v17;
	v10 =	vor.u32 $0x80000000, v21;
	v17 =	vshra.s32 v18, $0x1F;
	[tilespmem:v8+s11+$0x0] =	vst.idx.add.s32.msk $0xffff, v2  }
.Ltmp3:
0x5a: {  	v12 =	vxor.u32 v12, v19;
	v8 =	vshra.s32 v20, $0x1F;
	v17 =	vor.u32 $0x80000000, v17;
	[tilespmem:v7+s11+$0x0] =	vst.idx.add.s32.msk $0xffff, v2;
	(pc) =	sbr.rel @p0 .LBB2_4-.Ltmp3, $4  }
0x5b: {  	v5 =	vxor.u32 v5, v13;
	v13 =	vxor.u32 v14, v9;
	v7 =	vor.u32 $0x80000000, v8;
	[tilespmem:v15+s11+$0x0] =	vst.idx.add.s32.msk $0xffff, v2  }
0x5c: {  	v14 =	vxor.u32 v4, v10;
	v4 =	vxor.u32 v18, v17;
	v7 =	vxor.u32 v20, v7  }
0x5d: {  	v10 =	vshrl.u32 v6, $0x14;
	v6 =	vshrl.u32 v12, $0x14;
	v9 =	vshrl.u32 v7, $0x14;
	[tilespmem:v11+s11+$0x0] =	vst.idx.add.s32.msk $0xffff, v2  }
0x5e: {  	s19 =	sadd.s32 $0x80, s19;
	v8 =	vshrl.u32 v5, $0x14;
	v5 =	vshrl.u32 v14, $0x14;
	v7 =	vshrl.u32 v13, $0x14;
	[tilespmem:v16+s11+$0x0] =	vst.idx.add.s32.msk $0xffff, v2  }
0x5f: {  	v9 =	vand.u32 $0xFF0, v9  }
0x60: {  	v10 =	vand.u32 $0xFF0, v10;
	v9 =	vor.u32 v1, v9  }
0x61: {  	v6 =	vand.u32 $0xFF0, v6;
	v10 =	vor.u32 v1, v10  }
0x62: {  	v8 =	vand.u32 $0xFF0, v8;
	v6 =	vor.u32 v1, v6  }
0x63: {  	v7 =	vand.u32 $0xFF0, v7;
	v8 =	vor.u32 v1, v8  }
0x64: {  	v4 =	vshrl.u32 v4, $0x14;
	v5 =	vand.u32 $0xFF0, v5;
	v7 =	vor.u32 v1, v7  }
0x65: {  	v4 =	vand.u32 $0xFF0, v4;
	v5 =	vor.u32 v1, v5;
	[tilespmem:v9+s11+$0x0] =	vst.idx.add.s32.msk $0xffff, v2  }
0x66: {  	v4 =	vor.u32 v1, v4;
	[tilespmem:v10+s11+$0x0] =	vst.idx.add.s32.msk $0xffff, v2  }
0x67: {  	[tilespmem:v6+s11+$0x0] =	vst.idx.add.s32.msk $0xffff, v2  }
0x68: {  	[tilespmem:v8+s11+$0x0] =	vst.idx.add.s32.msk $0xffff, v2  }
0x69: {  	[tilespmem:v7+s11+$0x0] =	vst.idx.add.s32.msk $0xffff, v2  }
0x6a: {  	[tilespmem:v5+s11+$0x0] =	vst.idx.add.s32.msk $0xffff, v2  }
0x6b: {  	[tilespmem:v4+s11+$0x0] =	vst.idx.add.s32.msk $0xffff, v2  }
0x6c: {  	v5 =	vld [tilespmem:s17+$0x0]  }
0x6d: {  	v6 =	vld [tilespmem:s17+$0xFFFFFFF0]  }
0x6e: {  	v7 =	vld [tilespmem:s17+$0xFFFFFFE0]  }
0x6f: {  	v8 =	vld [tilespmem:s17+$0xFFFFFFD0]  }
0x70: {  	s18 =	simm.s32 $0x1B0B0  }
0x71: {  	v4 =	vld [tilespmem:s18+$0xFFFFFFD0];
	v5 =	vadd.s32 v3, v5  }
0x72: {  	v3 =	vld [tilespmem:s18+$0x0];
	[tilespmem:s17+$0x0] =	vst v5;
	v6 =	vadd.s32 v5, v6  }
0x73: {  	v5 =	vld [tilespmem:s18+$0xFFFFFFF0];
	[tilespmem:s17+$0xFFFFFFF0] =	vst v6;
	v7 =	vadd.s32 v6, v7  }
0x74: {  	s19 =	simm.s32 $0x4;
	s20 =	simm.s32 $0x1B070;
	v6 =	vld [tilespmem:s18+$0xFFFFFFE0];
	[tilespmem:s17+$0xFFFFFFE0] =	vst v7;
	v7 =	vadd.s32 v7, v8  }
.LBB2_6:
0x75: {  	s19 =	sadd.s32 $0x4, s19  }
0x76: {  	v8 =	vld [tilespmem:s20+$0xFFFFFFD0];
	[tilespmem:s17+$0xFFFFFFD0] =	vst v7;
	s17 =	smov.u32 s18;
	s18 =	smov.u32 s20;
	p0 =	slt.u32 s19, $0xFC  }
.Ltmp4:
0x77: {  	(pc) =	sbr.rel @p0 .LBB2_6-.Ltmp4, $4  }
0x78: {  	v7 =	vadd.s32 v7, v3  }
0x79: {  	v3 =	vld [tilespmem:s20+$0x0];
	[tilespmem:s17+$0x0] =	vst v7;
	v7 =	vadd.s32 v7, v5  }
0x7a: {  	v5 =	vld [tilespmem:s20+$0xFFFFFFF0];
	[tilespmem:s17+$0xFFFFFFF0] =	vst v7;
	v7 =	vadd.s32 v7, v6  }
0x7b: {  	s20 =	sadd.s32 $0xFFFFFFC0, s20;
	v6 =	vld [tilespmem:s18+$0xFFFFFFE0];
	[tilespmem:s17+$0xFFFFFFE0] =	vst v7;
	v7 =	vadd.s32 v7, v4;
	v4 =	vmov v8  }
0x7c: {  	_ =	sdelay $0x1  }
0x7d: {  	[tilespmem:s17+$0xFFFFFFD0] =	vst v7;
	v3 =	vadd.s32 v7, v3  }
0x7e: {  	[tilespmem:s18+$0x0] =	vst v3;
	v3 =	vadd.s32 v3, v5  }
0x7f: {  	[tilespmem:s18+$0xFFFFFFF0] =	vst v3;
	v3 =	vadd.s32 v3, v6  }
0x80: {  	[tilespmem:s18+$0xFFFFFFE0] =	vst v3;
	v3 =	vadd.s32 v3, v4  }
0x81: {  	[tilespmem:s18+$0xFFFFFFD0] =	vst v3  }
0x82: {  	v3 =	vld [tilespmem:$0x1A900];
	_ =	sdelay $0x4  }
0x83: {  	(xrf0) =	vadd.scan.msk.s32 $0xffff, v3;
	_ =	sdelay $0x5  }
0x84: {  	v3, _, _ =	vpop (xrf0)  }
0x85: {  	(v2sf) =	vpush v3, $0xF;
	_ =	sdelay $0xe  }
0x86: {  	s20 =	spop (v2sf)  }
0x87: {  	s17 =	simm.s32 $0x80;
	p0 =	sgt.s32 s20, $0x3F  }
0x88: {  	s17 =	simm.s32 @!p0 $0x0  }
0x89: {  	s18 =	sor.u32 $0x40, s17  }
0x8a: {  	s19 =	sshll.u32 s18, $0x4  }
0x8b: {  	v3 =	vld [tilespmem:s19+$0x1A100];
	_ =	sdelay $0x4  }
0x8c: {  	(xrf0) =	vadd.scan.msk.s32 $0xffff, v3;
	_ =	sdelay $0x5  }
0x8d: {  	v3, _, _ =	vpop (xrf0)  }
0x8e: {  	(v2sf) =	vpush v3, $0xF;
	_ =	sdelay $0xe  }
0x8f: {  	s21 =	spop (v2sf)  }
0x90: {  	p0 =	sgt.s32 s21, $0x3F  }
0x91: {  	s17 =	smov.u32 @p0 s18  }
0x92: {  	s18 =	sor.u32 $0x20, s17  }
0x93: {  	s22 =	sshll.u32 s18, $0x4  }
0x94: {  	v3 =	vld [tilespmem:s22+$0x1A100];
	_ =	sdelay $0x4  }
0x95: {  	(xrf0) =	vadd.scan.msk.s32 $0xffff, v3;
	_ =	sdelay $0x5  }
0x96: {  	v3, _, _ =	vpop (xrf0)  }
0x97: {  	(v2sf) =	vpush v3, $0xF;
	_ =	sdelay $0xe  }
0x98: {  	s23 =	spop (v2sf)  }
0x99: {  	p0 =	sgt.s32 s23, $0x3F  }
0x9a: {  	s17 =	smov.u32 @p0 s18  }
0x9b: {  	s18 =	sor.u32 $0x10, s17  }
0x9c: {  	s24 =	sshll.u32 s18, $0x4  }
0x9d: {  	s19 =	sand.u32 $0x3FFFFFF0, s24  }
0x9e: {  	v3 =	vld [tilespmem:s19+$0x1A100];
	_ =	sdelay $0x4  }
0x9f: {  	(xrf0) =	vadd.scan.msk.s32 $0xffff, v3;
	_ =	sdelay $0x5  }
0xa0: {  	v3, _, _ =	vpop (xrf0)  }
0xa1: {  	(v2sf) =	vpush v3, $0xF;
	_ =	sdelay $0xe  }
0xa2: {  	s25 =	spop (v2sf)  }
0xa3: {  	p0 =	sgt.s32 s25, $0x3F  }
0xa4: {  	s17 =	smov.u32 @p0 s18  }
0xa5: {  	s18 =	sadd.s32 $0x8, s17  }
0xa6: {  	s26 =	sshll.u32 s18, $0x4  }
0xa7: {  	s19 =	sand.u32 $0x3FFFFFF0, s26  }
0xa8: {  	v3 =	vld [tilespmem:s19+$0x1A100];
	_ =	sdelay $0x4  }
0xa9: {  	(xrf0) =	vadd.scan.msk.s32 $0xffff, v3;
	_ =	sdelay $0x5  }
0xaa: {  	v3, _, _ =	vpop (xrf0)  }
0xab: {  	(v2sf) =	vpush v3, $0xF;
	_ =	sdelay $0xe  }
0xac: {  	s28 =	spop (v2sf)  }
0xad: {  	p0 =	sgt.s32 s28, $0x3F  }
0xae: {  	s17 =	smov.u32 @p0 s18  }
0xaf: {  	s18 =	sadd.s32 $0x4, s17  }
0xb0: {  	s29 =	sshll.u32 s18, $0x4  }
0xb1: {  	s19 =	sand.u32 $0x3FFFFFF0, s29  }
0xb2: {  	v3 =	vld [tilespmem:s19+$0x1A100];
	_ =	sdelay $0x4  }
0xb3: {  	(xrf0) =	vadd.scan.msk.s32 $0xffff, v3;
	_ =	sdelay $0x5  }
0xb4: {  	v3, _, _ =	vpop (xrf0)  }
0xb5: {  	(v2sf) =	vpush v3, $0xF;
	_ =	sdelay $0xe  }
0xb6: {  	s30 =	spop (v2sf)  }
0xb7: {  	p0 =	sgt.s32 s30, $0x3F  }
0xb8: {  	s17 =	smov.u32 @p0 s18  }
0xb9: {  	s18 =	sadd.s32 $0x2, s17  }
0xba: {  	s31 =	sshll.u32 s18, $0x4  }
0xbb: {  	s19 =	sand.u32 $0x3FFFFFF0, s31  }
0xbc: {  	v3 =	vld [tilespmem:s19+$0x1A100];
	_ =	sdelay $0x4  }
0xbd: {  	(xrf0) =	vadd.scan.msk.s32 $0xffff, v3;
	_ =	sdelay $0x5  }
0xbe: {  	v3, _, _ =	vpop (xrf0)  }
0xbf: {  	(v2sf) =	vpush v3, $0xF;
	_ =	sdelay $0xe  }
0xc0: {  	s20 =	spop (v2sf)  }
0xc1: {  	p0 =	sgt.s32 s20, $0x3F  }
0xc2: {  	s17 =	smov.u32 @p0 s18  }
0xc3: {  	s18 =	sadd.s32 $0x1, s17  }
0xc4: {  	s21 =	sshll.u32 s18, $0x4  }
0xc5: {  	s19 =	sand.u32 $0x3FFFFFF0, s21  }
0xc6: {  	v3 =	vld [tilespmem:s19+$0x1A100];
	_ =	sdelay $0x4  }
0xc7: {  	(xrf0) =	vadd.scan.msk.s32 $0xffff, v3;
	_ =	sdelay $0x5  }
0xc8: {  	v3, _, _ =	vpop (xrf0)  }
0xc9: {  	(v2sf) =	vpush v3, $0xF;
	_ =	sdelay $0x7  }
0xca: {  	s22 =	simm.s32 $0x20  }
0xcb: {  	v4 =	vld [tilespmem:s22+$0xFFFFFFF0]  }
0xcc: {  	v5 =	vld [tilespmem:s22+$0x10]  }
0xcd: {  	v7 =	vld [tilespmem:s22+$0x0]  }
0xce: {  	v8 =	vld [tilespmem:s22+$0xFFFFFFE0];
	_ =	sdelay $0x2  }
0xcf: {  	v6 =	vshra.s32 v4, $0x1F;
	v9 =	vshra.s32 v5, $0x1F;
	s20 =	spop (v2sf)  }
0xd0: {  	v11 =	vshra.s32 v7, $0x1F;
	v6 =	vor.u32 $0x80000000, v6;
	v9 =	vor.u32 $0x80000000, v9;
	p0 =	sgt.s32 s20, $0x3F  }
0xd1: {  	v14 =	vshra.s32 v8, $0x1F;
	v12 =	vxor.u32 v4, v6;
	v13 =	vxor.u32 v5, v9;
	s17 =	smov.u32 @p0 s18  }
0xd2: {  	v6 =	vor.u32 $0x80000000, v11;
	v11 =	vshrl.u32 v13, $0x18;
	v3 =	vmov s17  }
0xd3: {  	v14 =	vor.u32 $0x80000000, v14;
	v9 =	vshrl.u32 v12, $0x18;
	vm0 =	veq.s32 v11, v3  }
0xd4: {  	v16 =	vxor.u32 v7, v6;
	vm1 =	veq.s32 v9, v3;
	v6 =	vsel vm0, $0x1, v0  }
0xd5: {  	v14 =	vxor.u32 v8, v14;
	v17 =	vshrl.u32 v16, $0x18;
	v15 =	vsel vm1, $0x1, v0;
	(xrf0) =	vadd.scan.msk.s32 $0xffff, v6  }
0xd6: {  	v10 =	vimm.s32 $0x0;
	s24 =	simm.s32 $0x10;
	vm3 =	veq.s32 v17, v3;
	(xrf0) =	vadd.scan.msk.s32 $0xffff, v15;
	v15 =	vshrl.u32 v14, $0x18  }
0xd7: {  	v21 =	vor.u32 s24, v1;
	s25 =	simm.s32 $0x0;
	s26 =	simm.s32 $0x30;
	v19 =	vsel vm3, $0x1, v0;
	vm2 =	veq.s32 v15, v3  }
0xd8: {  	v22 =	vor.u32 s25, v1;
	v23 =	vor.u32 s26, v1;
	(xrf0) =	vadd.scan.msk.s32 $0xffff, v19;
	v19 =	vsel vm2, $0x1, v0  }
0xd9: {  	vm5 =	vgt.u32 v11, v3;
	vm4 =	vgt.u32 v15, v3;
	v15 =	vmpcnt.ones.xlane vm2  }
0xda: {  	v18 =	vmpcnt.ones.xlane vm0;
	v20 =	vmpcnt.ones.xlane vm1;
	vm3 =	vmmov vm3;
	(xrf0) =	vadd.scan.msk.s32 $0xffff, v19  }
0xdb: {  	s23 =	simm.s32 $0x20;
	s28 =	simm.s32 $0x60;
	v8 =	vnsel vm4, $0x0, v8;
	vm4 =	vgt.u32 v17, v3;
	v11 =	vadd.s32 v10, v15;
	v19, _, _ =	vpop (xrf0)  }
0xdc: {  	v6 =	vor.u32 s23, v1;
	v15 =	vnsel vm4, $0x0, v7;
	v7 =	vld [tilespmem:s28+$0xFFFFFFF0];
	vm4 =	vgt.u32 v9, v3;
	v9, _, _ =	vpop (xrf0)  }
0xdd: {  	v24 =	vld [tilespmem:s28+$0x10];
	s29 =	simm.s32 $0x60;
	v25 =	vmpcnt.ones.xlane vm3;
	v17 =	vnsel vm5, $0x0, v5;
	v9 =	vadd.s32 v9, v11  }
0xde: {  	v26 =	vld [tilespmem:s28+$0x0];
	s30 =	sshll.u32 s17, $0x4;
	v5 =	vor.u32 s29, v1;
	v28 =	vadd.s32 $0xFFFFFFFF, v9;
	v9 =	vadd.s32 v11, v20;
	v11, _, _ =	vpop (xrf0)  }
0xdf: {  	s18 =	simm.s32 $0x8020;
	s31 =	sand.u32 $0x3FFFFFF0, s30;
	v27 =	vnsel vm4, $0x0, v4;
	vm4 =	vlt.s32 v28, $0x2000;
	v11 =	vadd.s32 v11, v9  }
0xe0: {  	v4 =	vld [tilespmem:s31+$0x1A110];
	[tilespmem:s18+$0x0] =	vst v15;
	v20 =	vadd.s32 v9, v25;
	v15, _, _ =	vpop (xrf0);
	vm4 =	vmand vm1, vm4;
	v11 =	vadd.s32 $0xFFFFFFFF, v11  }
0xe1: {  	v9 =	vadd.s32 v19, v20;
	v19 =	vshra.s32 v7, $0x1F;
	v10 =	vadd.s32 v15, v10  }
0xe2: {  	v15 =	vshra.s32 v24, $0x1F;
	v62 =	vadd.s32 $0xFFFFFFFF, v9;
	v9 =	vor.u32 $0x80000000, v19  }
0xe3: {  	[tilespmem:s18+$0xFFFFFFE0] =	vst v8;
	v29 =	vadd.s32 $0xFFFFFFFF, v10;
	v10 =	vshra.s32 v26, $0x1F;
	v8 =	vor.u32 $0x80000000, v15  }
0xe4: {  	v63 =	vld [tilespmem:s28+$0xFFFFFFE0];
	[tilespmem:s18+$0x10] =	vst v17;
	vm8 =	vlt.s32 v11, $0x2000;
	vm5 =	vlt.s32 v29, $0x2000;
	v9 =	vxor.u32 v7, v9  }
0xe5: {  	[tilespmem:s18+$0xFFFFFFF0] =	vst v27;
	v8 =	vxor.u32 v24, v8;
	vm6 =	vlt.s32 v62, $0x2000;
	v10 =	vor.u32 $0x80000000, v10  }
0xe6: {  	[tilespmem:v28+s12+$0x0] =	vst.idx.msk vm1, v12;
	v15 =	vshrl.u32 v9, $0x18;
	vm7 =	vmand vm2, vm5;
	v30 =	vshrl.u32 v8, $0x18  }
0xe7: {  	vm6 =	vmand vm0, vm6;
	v12 =	vxor.u32 v26, v10;
	vm1 =	veq.s32 v15, v3;
	[tilespmem:v11+s12+$0x0] =	vst.idx.msk vm3, v16  }
0xe8: {  	v17 =	vsel vm1, $0x1, v0;
	v16 =	vadd.s32 v20, v18;
	[tilespmem:v62+s12+$0x0] =	vst.idx.msk vm0, v13;
	vm0 =	veq.s32 v30, v3  }
0xe9: {  	v19 =	vmpcnt.ones.xlane vm1;
	v13 =	vshra.s32 v63, $0x1F;
	[tilespmem:v29+s12+$0x0] =	vst.idx.msk vm2, v14;
	v14 =	vsel vm0, $0x1, v0  }
0xea: {  	[tilespmem:v28+s13+$0x0] =	vst.idx.msk vm4, v21;
	v21 =	vshrl.u32 v12, $0x18;
	v13 =	vor.u32 $0x80000000, v13;
	(xrf0) =	vadd.scan.msk.s32 $0xffff, v14  }
0xeb: {  	vm4 =	vmand vm3, vm8;
	v10 =	vmpcnt.ones.xlane vm0;
	v13 =	vxor.u32 v63, v13  }
0xec: {  	vm5 =	veq.s32 v21, v3;
	(xrf0) =	vadd.scan.msk.s32 $0xffff, v17;
	v14 =	vshrl.u32 v13, $0x18;
	[tilespmem:v29+s13+$0x0] =	vst.idx.msk vm7, v22  }
0xed: {  	vm3 =	vgt.u32 v21, v3;
	v17 =	vsel vm5, $0x1, v0;
	[tilespmem:v62+s13+$0x0] =	vst.idx.msk vm6, v23;
	vm2 =	veq.s32 v14, v3  }
0xee: {  	s21 =	simm.s32 $0x50;
	vm6 =	vgt.u32 v30, v3;
	vm7 =	vgt.u32 v14, v3;
	(xrf0) =	vadd.scan.msk.s32 $0xffff, v17;
	v20 =	vmpcnt.ones.xlane vm2  }
0xef: {  	s22 =	simm.s32 $0xA0;
	s19 =	simm.s32 $0x40;
	v14 =	vor.u32 s21, v1;
	v17 =	vnsel vm7, $0x0, v63;
	v18 =	vsel vm2, $0x1, v0  }
0xf0: {  	s20 =	simm.s32 $0x4;
	s23 =	simm.s32 $0x70;
	s21 =	simm.s32 $0x80;
	(xrf0) =	vadd.scan.msk.s32 $0xffff, v18;
	v18 =	vnsel vm6, $0x0, v24;
	v22 =	vadd.s32 v16, v20;
	v20 =	vnsel vm3, $0x0, v26;
	v21, _, _ =	vpop (xrf0)  }
.LBB2_8:
0xf1: {  	s24 =	sadd.s32 $0x20, s21;
	v24 =	vor.u32 s19, v1  }
0xf2: {  	v23 =	vld [tilespmem:s22+$0xFFFFFFF0];
	s20 =	sadd.s32 $0x4, s20;
	vm6 =	vgt.u32 v15, v3;
	v25 =	vor.u32 s23, v1;
	v15, _, _ =	vpop (xrf0);
	s18 =	sadd.s32 $0x40, s18;
	vm3 =	vmmov vm5;
	s19 =	smov.u32 s21  }
0xf3: {  	v26 =	vor.u32 s24, v1;
	v27 =	vld [tilespmem:s22+$0x10];
	p0 =	slt.u32 s20, $0x7FC;
	v15 =	vadd.s32 v15, v22;
	v28 =	vmpcnt.ones.xlane vm3  }
0xf4: {  	v7 =	vnsel vm6, $0x0, v7;
	v29 =	vld [tilespmem:s22+$0x0];
	v30 =	vadd.s32 $0xFFFFFFFF, v15;
	v15 =	vadd.s32 v22, v19;
	v19, _, _ =	vpop (xrf0);
	[tilespmem:v11+s13+$0x0] =	vst.idx.msk vm4, v6  }
0xf5: {  	v6 =	vmovc v5;
	v5 =	vmovc v26;
	v22 =	vld [tilespmem:s22+$0xFFFFFFE0];
	vm4 =	vlt.s32 v30, $0x2000;
	v11 =	vadd.s32 v19, v15;
	v19 =	vadd.s32 v15, v28  }
0xf6: {  	vm4 =	vmand vm1, vm4;
	[tilespmem:s18+$0x0] =	vst v20;
	v11 =	vadd.s32 $0xFFFFFFFF, v11;
	v15 =	vadd.s32 v21, v19;
	v20, _, _ =	vpop (xrf0)  }
0xf7: {  	v21 =	vshra.s32 v23, $0x1F;
	v16 =	vadd.s32 v20, v16;
	[tilespmem:s18+$0xFFFFFFF0] =	vst v7;
	v20 =	vadd.s32 $0xFFFFFFFF, v15;
	v7 =	vmovc v23  }
0xf8: {  	v15 =	vor.u32 $0x80000000, v21;
	v21 =	vshra.s32 v27, $0x1F;
	[tilespmem:s18+$0xFFFFFFE0] =	vst v17;
	v17 =	vadd.s32 $0xFFFFFFFF, v16  }
0xf9: {  	v16 =	vshra.s32 v29, $0x1F;
	v21 =	vor.u32 $0x80000000, v21;
	vm5 =	vlt.s32 v17, $0x2000;
	[tilespmem:v30+s12+$0x0] =	vst.idx.msk vm1, v9  }
0xfa: {  	vm6 =	vlt.s32 v20, $0x2000;
	v9 =	vxor.u32 v7, v15;
	v21 =	vxor.u32 v27, v21;
	[tilespmem:s18+$0x10] =	vst v18  }
0xfb: {  	v15 =	vshrl.u32 v9, $0x18;
	v16 =	vor.u32 $0x80000000, v16;
	vm7 =	vmand vm2, vm5;
	[tilespmem:v11+s12+$0x0] =	vst.idx.msk vm3, v12  }
0xfc: {  	vm6 =	vmand vm0, vm6;
	vm1 =	veq.s32 v15, v3;
	v18 =	vshrl.u32 v21, $0x18;
	[tilespmem:v20+s12+$0x0] =	vst.idx.msk vm0, v8;
	v8 =	vmovc v21  }
0xfd: {  	vm8 =	vlt.s32 v11, $0x2000;
	v21 =	vshra.s32 v22, $0x1F;
	vm0 =	veq.s32 v18, v3;
	[tilespmem:v17+s12+$0x0] =	vst.idx.msk vm2, v13  }
0xfe: {  	v12 =	vxor.u32 v29, v16;
	v13 =	vsel vm0, $0x1, v0;
	v23 =	vmpcnt.ones.xlane vm0;
	[tilespmem:v30+s13+$0x0] =	vst.idx.msk vm4, v14  }
0xff: {  	v16 =	vsel vm1, $0x1, v0;
	v14 =	vor.u32 $0x80000000, v21;
	v21 =	vshrl.u32 v12, $0x18;
	(xrf0) =	vadd.scan.msk.s32 $0xffff, v13  }
0x100: {  	v13 =	vxor.u32 v22, v14;
	vm5 =	veq.s32 v21, v3;
	(xrf0) =	vadd.scan.msk.s32 $0xffff, v16;
	v16 =	vadd.s32 v19, v10  }
.Ltmp5:
0x101: {  	v14 =	vshrl.u32 v13, $0x18;
	v19 =	vmpcnt.ones.xlane vm1;
	v26 =	vsel vm5, $0x1, v0;
	v10 =	vmovc v23;
	[tilespmem:v17+s13+$0x0] =	vst.idx.msk vm7, v24;
	(pc) =	sbr.rel @p0 .LBB2_8-.Ltmp5, $4  }
0x102: {  	vm4 =	vmand vm3, vm8;
	vm7 =	vgt.u32 v14, v3;
	vm2 =	veq.s32 v14, v3;
	(xrf0) =	vadd.scan.msk.s32 $0xffff, v26  }
0x103: {  	s23 =	sadd.s32 $0x10, s21;
	v17 =	vnsel vm7, $0x0, v22;
	v22 =	vsel vm2, $0x1, v0;
	v23 =	vmpcnt.ones.xlane vm2;
	[tilespmem:v20+s13+$0x0] =	vst.idx.msk vm6, v25  }
0x104: {  	vm3 =	vgt.u32 v21, v3;
	v14 =	vor.u32 s23, v1;
	vm6 =	vgt.u32 v18, v3;
	(xrf0) =	vadd.scan.msk.s32 $0xffff, v22  }
0x105: {  	s21 =	sadd.s32 $0x40, s21;
	s22 =	sadd.s32 $0x40, s22;
	s23 =	sadd.s32 $0x30, s19;
	v20 =	vnsel vm3, $0x0, v29;
	v22 =	vadd.s32 v16, v23;
	v18 =	vnsel vm6, $0x0, v27;
	v21, _, _ =	vpop (xrf0)  }
0x106: {  	_ =	sdelay $0x1  }
0x107: {  	v23, _, _ =	vpop (xrf0);
	vm3 =	vmmov vm5  }
0x108: {  	v23 =	vadd.s32 v23, v22;
	v24 =	vmpcnt.ones.xlane vm3  }
0x109: {  	v19 =	vadd.s32 v22, v19;
	vm12 =	vgt.u32 v15, v3;
	v59, _, _ =	vpop (xrf0);
	v23 =	vadd.s32 $0xFFFFFFFF, v23  }
0x10a: {  	s18 =	sadd.s32 $0x40, s18;
	[tilespmem:v11+s13+$0x0] =	vst.idx.msk vm4, v6;
	v7 =	vnsel vm12, $0x0, v7;
	v22 =	vadd.s32 v59, v19;
	v3 =	vadd.s32 v19, v24  }
0x10b: {  	[tilespmem:s18+$0x0] =	vst v20;
	vm13 =	vlt.s32 v23, $0x2000;
	v6 =	vadd.s32 $0xFFFFFFFF, v22;
	v60, _, _ =	vpop (xrf0);
	v61 =	vadd.s32 v21, v3  }
0x10c: {  	[tilespmem:s18+$0xFFFFFFF0] =	vst v7;
	vm4 =	vmand vm1, vm13;
	v11 =	vadd.s32 v60, v16;
	v7 =	vadd.s32 $0xFFFFFFFF, v61  }
0x10d: {  	[tilespmem:s18+$0xFFFFFFE0] =	vst v17;
	v11 =	vadd.s32 $0xFFFFFFFF, v11;
	vm15 =	vlt.s32 v7, $0x2000  }
0x10e: {  	vm14 =	vlt.s32 v11, $0x2000;
	[tilespmem:v23+s12+$0x0] =	vst.idx.msk vm1, v9;
	vm1 =	vmand vm0, vm15  }
0x10f: {  	[tilespmem:s18+$0x10] =	vst v18;
	vm6 =	vlt.s32 v6, $0x2000;
	vm5 =	vmand vm2, vm14  }
0x110: {  	[tilespmem:v6+s12+$0x0] =	vst.idx.msk vm3, v12;
	vm3 =	vmand vm3, vm6  }
0x111: {  	[tilespmem:v7+s12+$0x0] =	vst.idx.msk vm0, v8  }
0x112: {  	[tilespmem:v23+s13+$0x0] =	vst.idx.msk vm4, v14  }
0x113: {  	v63 =	vor.u32 s23, v1;
	[tilespmem:v11+s12+$0x0] =	vst.idx.msk vm2, v13  }
0x114: {  	v62 =	vor.u32 s19, v1;
	[tilespmem:v7+s13+$0x0] =	vst.idx.msk vm1, v63  }
0x115: {  	[tilespmem:v11+s13+$0x0] =	vst.idx.msk vm5, v62  }
0x116: {  	s18 =	simm.s32 $0x1A140;
	[tilespmem:v6+s13+$0x0] =	vst.idx.msk vm3, v5  }
0x117: {  	[tilespmem:s18+$0xFFFFFFC0] =	vst v0  }
0x118: {  	p0 =	por $0x1, $0x1;
	[tilespmem:s18+$0x30] =	vst v0  }
.Ltmp6:
0x119: {  	[tilespmem:s18+$0x20] =	vst v0;
	(pc) =	sbr.rel @!p0 .LBB2_11-.Ltmp6, $4  }
0x11a: {  	[tilespmem:s18+$0x10] =	vst v0  }
0x11b: {  	[tilespmem:s18+$0x0] =	vst v0  }
0x11c: {  	[tilespmem:s18+$0xFFFFFFF0] =	vst v0  }
0x11d: {  	s19 =	simm.s32 $0x0;
	v3 =	vadd.s32 v3, v10;
	[tilespmem:s18+$0xFFFFFFE0] =	vst v0  }
.LBB2_10:
0x11e: {  	s19 =	sadd.s32 $0x8, s19;
	[tilespmem:s18+$0xFFFFFFD0] =	vst v0;
	s18 =	sadd.s32 $0x80, s18  }
0x11f: {  	[tilespmem:s18+$0xFFFFFFC0] =	vst v0;
	p0 =	slt.u32 s19, $0x100  }
0x120: {  	[tilespmem:s18+$0x30] =	vst v0  }
.Ltmp7:
0x121: {  	[tilespmem:s18+$0x20] =	vst v0;
	(pc) =	sbr.rel @p0 .LBB2_10-.Ltmp7, $4  }
0x122: {  	[tilespmem:s18+$0x10] =	vst v0  }
0x123: {  	[tilespmem:s18+$0x0] =	vst v0  }
0x124: {  	[tilespmem:s18+$0xFFFFFFF0] =	vst v0  }
0x125: {  	[tilespmem:s18+$0xFFFFFFE0] =	vst v0  }
.LBB2_11:
0x126: {  	(xrf0) =	vadd.scan.msk.s32 $0xffff, v4;
	_ =	sdelay $0x5  }
0x127: {  	v4, _, _ =	vpop (xrf0)  }
0x128: {  	(v2sf) =	vpush v4, $0xF  }
0x129: {  	(v2sf) =	vpush v3, $0x0;
	_ =	sdelay $0xd  }
0x12a: {  	s20 =	spop (v2sf)  }
0x12b: {  	[tilespmem:s18+$0xFFFFFFD0] =	vst v0;
	s18 =	spop (v2sf)  }
0x12c: {  	s19 =	sadd.s32 $0x3F, s18  }
0x12d: {  	s21 =	sand.u32 $0x3F, s19  }
0x12e: {  	s31 =	sshra.s32 s19, $0x1F;
	p1 =	slt.s32 s19, $0x1;
	p0 =	sne.s32 s21, $0x0  }
0x12f: {  	s21 =	sshrl.u32 s31, $0x1A;
	p0 =	por !p1, !p0  }
0x130: {  	s19 =	sadd.s32 s21, s19;
	s21 =	simm.s32 $0x1;
	p0 =	por !p0, !p0  }
0x131: {  	s19 =	sshra.s32 s19, $0x6;
	s21 =	simm.s32 @!p0 $0x0  }
0x132: {  	s19 =	ssub.s32 s19, s21  }
0x133: {  	p0 =	slt.s32 s19, $0x1  }
.Ltmp8:
0x134: {  	_ = 	snop;
	(pc) =	sbr.rel @p0 .LBB2_14-.Ltmp8, $1  }
0x135: {  	_ =	sdelay $0x3  }
0x136: {  	v4 =	vbroadcast v3, $0x0;
	s21 =	simm.s32 $0x0;
	s22 =	simm.s32 $0x10020;
	s23 =	smov.u32 s19  }
.LBB2_13:
0x137: {  	v5 =	vld [tilespmem:s22+$0xFFFFFFE0];
	_ =	sdelay $0x4  }
0x138: {  	v6 =	vor.u32 s21, v1;
	v5 =	vshrl.u32 v5, $0xC  }
0x139: {  	vm0 =	vlt.s32 v6, v4;
	v5 =	vand.u32 $0xFF0, v5  }
0x13a: {  	v5 =	vor.u32 v1, v5;
	_ =	sdelay $0x4  }
0x13b: {  	[tilespmem:v5+s11+$0x0] =	vst.idx.add.s32.msk vm0, v2  }
0x13c: {  	v5 =	vld [tilespmem:s22+$0xFFFFFFF0];
	_ =	sdelay $0x3  }
0x13d: {  	s24 =	sadd.s32 $0x10, s21  }
0x13e: {  	v6 =	vor.u32 s24, v1;
	v5 =	vshrl.u32 v5, $0xC  }
0x13f: {  	vm13 =	vlt.s32 v6, v4;
	v5 =	vand.u32 $0xFF0, v5  }
0x140: {  	v5 =	vor.u32 v1, v5;
	_ =	sdelay $0x4  }
0x141: {  	[tilespmem:v5+s11+$0x0] =	vst.idx.add.s32.msk vm13, v2  }
0x142: {  	v5 =	vld [tilespmem:s22+$0x0];
	_ =	sdelay $0x3  }
0x143: {  	s30 =	sadd.s32 $0x20, s21  }
0x144: {  	v6 =	vor.u32 s30, v1;
	v5 =	vshrl.u32 v5, $0xC  }
0x145: {  	vm14 =	vlt.s32 v6, v4;
	v5 =	vand.u32 $0xFF0, v5  }
0x146: {  	v5 =	vor.u32 v1, v5;
	_ =	sdelay $0x4  }
0x147: {  	[tilespmem:v5+s11+$0x0] =	vst.idx.add.s32.msk vm14, v2  }
0x148: {  	v5 =	vld [tilespmem:s22+$0x10];
	_ =	sdelay $0x3  }
0x149: {  	s31 =	sadd.s32 $0x30, s21  }
0x14a: {  	v6 =	vor.u32 s31, v1;
	v5 =	vshrl.u32 v5, $0xC  }
0x14b: {  	vm15 =	vlt.s32 v6, v4;
	v5 =	vand.u32 $0xFF0, v5  }
0x14c: {  	p1 =	sne.s32 s23, $0x1;
	v5 =	vor.u32 v1, v5  }
.Ltmp9:
0x14d: {  	_ = 	snop;
	(pc) =	sbr.rel @p1 .LBB2_13-.Ltmp9, $2  }
0x14e: {  	_ =	sdelay $0x2  }
0x14f: {  	s21 =	sadd.s32 $0x40, s21;
	s23 =	sadd.s32 $0xFFFFFFFF, s23;
	s22 =	sadd.s32 $0x40, s22;
	[tilespmem:v5+s11+$0x0] =	vst.idx.add.s32.msk vm15, v2  }
.LBB2_14:
0x150: {  	s23 =	simm.s32 $0x1B0F0  }
0x151: {  	v5 =	vld [tilespmem:s23+$0x0]  }
0x152: {  	v6 =	vld [tilespmem:s23+$0xFFFFFFF0]  }
0x153: {  	v7 =	vld [tilespmem:s23+$0xFFFFFFE0]  }
0x154: {  	v8 =	vld [tilespmem:s23+$0xFFFFFFD0]  }
0x155: {  	v9 =	vimm.s32 $0x0;
	s22 =	simm.s32 $0x1B0B0  }
0x156: {  	v4 =	vld [tilespmem:s22+$0xFFFFFFD0];
	v9 =	vadd.s32 v9, v5  }
0x157: {  	v5 =	vld [tilespmem:s22+$0x0];
	[tilespmem:s23+$0x0] =	vst v9;
	v9 =	vadd.s32 v9, v6  }
0x158: {  	v6 =	vld [tilespmem:s22+$0xFFFFFFF0];
	[tilespmem:s23+$0xFFFFFFF0] =	vst v9;
	v9 =	vadd.s32 v9, v7  }
0x159: {  	s21 =	ssub.s32 $0x40, s20;
	s20 =	simm.s32 $0x4;
	s24 =	simm.s32 $0x1B070;
	v7 =	vld [tilespmem:s22+$0xFFFFFFE0];
	[tilespmem:s23+$0xFFFFFFE0] =	vst v9;
	v8 =	vadd.s32 v9, v8  }
.LBB2_15:
0x15a: {  	s20 =	sadd.s32 $0x4, s20  }
0x15b: {  	v9 =	vld [tilespmem:s24+$0xFFFFFFD0];
	[tilespmem:s23+$0xFFFFFFD0] =	vst v8;
	s23 =	smov.u32 s22;
	s22 =	smov.u32 s24;
	p1 =	slt.u32 s20, $0xFC  }
.Ltmp10:
0x15c: {  	(pc) =	sbr.rel @p1 .LBB2_15-.Ltmp10, $4  }
0x15d: {  	v8 =	vadd.s32 v8, v5  }
0x15e: {  	v5 =	vld [tilespmem:s24+$0x0];
	[tilespmem:s23+$0x0] =	vst v8;
	v8 =	vadd.s32 v8, v6  }
0x15f: {  	v6 =	vld [tilespmem:s24+$0xFFFFFFF0];
	[tilespmem:s23+$0xFFFFFFF0] =	vst v8;
	v8 =	vadd.s32 v8, v7  }
0x160: {  	s24 =	sadd.s32 $0xFFFFFFC0, s24;
	v7 =	vld [tilespmem:s22+$0xFFFFFFE0];
	[tilespmem:s23+$0xFFFFFFE0] =	vst v8;
	v8 =	vadd.s32 v8, v4;
	v4 =	vmov v9  }
0x161: {  	_ =	sdelay $0x1  }
0x162: {  	[tilespmem:s23+$0xFFFFFFD0] =	vst v8;
	v5 =	vadd.s32 v8, v5  }
0x163: {  	[tilespmem:s22+$0x0] =	vst v5;
	v5 =	vadd.s32 v5, v6  }
0x164: {  	[tilespmem:s22+$0xFFFFFFF0] =	vst v5;
	v5 =	vadd.s32 v5, v7  }
0x165: {  	[tilespmem:s22+$0xFFFFFFE0] =	vst v5;
	v4 =	vadd.s32 v5, v4  }
0x166: {  	[tilespmem:s22+$0xFFFFFFD0] =	vst v4  }
0x167: {  	v4 =	vld [tilespmem:$0x1A900];
	_ =	sdelay $0x4  }
0x168: {  	(xrf0) =	vadd.scan.msk.s32 $0xffff, v4;
	_ =	sdelay $0x5  }
0x169: {  	v4, _, _ =	vpop (xrf0)  }
0x16a: {  	(v2sf) =	vpush v4, $0xF;
	_ =	sdelay $0xe  }
0x16b: {  	s20 =	spop (v2sf)  }
0x16c: {  	p1 =	slt.s32 s20, s21;
	s20 =	simm.s32 $0x0  }
0x16d: {  	s20 =	simm.s32 @!p1 $0x80  }
0x16e: {  	s22 =	sor.u32 $0x40, s20  }
0x16f: {  	s31 =	sshll.u32 s22, $0x4  }
0x170: {  	v4 =	vld [tilespmem:s31+$0x1A100];
	_ =	sdelay $0x4  }
0x171: {  	(xrf0) =	vadd.scan.msk.s32 $0xffff, v4;
	_ =	sdelay $0x5  }
0x172: {  	v4, _, _ =	vpop (xrf0)  }
0x173: {  	(v2sf) =	vpush v4, $0xF;
	_ =	sdelay $0xe  }
0x174: {  	s24 =	spop (v2sf)  }
0x175: {  	p1 =	slt.s32 s24, s21  }
0x176: {  	s22 =	smov.u32 @p1 s20  }
0x177: {  	s20 =	sor.u32 $0x20, s22  }
0x178: {  	s25 =	sshll.u32 s20, $0x4  }
0x179: {  	v4 =	vld [tilespmem:s25+$0x1A100];
	_ =	sdelay $0x4  }
0x17a: {  	(xrf0) =	vadd.scan.msk.s32 $0xffff, v4;
	_ =	sdelay $0x5  }
0x17b: {  	v4, _, _ =	vpop (xrf0)  }
0x17c: {  	(v2sf) =	vpush v4, $0xF;
	_ =	sdelay $0xe  }
0x17d: {  	s26 =	spop (v2sf)  }
0x17e: {  	p1 =	slt.s32 s26, s21  }
0x17f: {  	s20 =	smov.u32 @p1 s22  }
0x180: {  	s22 =	sor.u32 $0x10, s20  }
0x181: {  	s28 =	sshll.u32 s22, $0x4  }
0x182: {  	s23 =	sand.u32 $0x3FFFFFF0, s28  }
0x183: {  	v4 =	vld [tilespmem:s23+$0x1A100];
	_ =	sdelay $0x4  }
0x184: {  	(xrf0) =	vadd.scan.msk.s32 $0xffff, v4;
	_ =	sdelay $0x5  }
0x185: {  	v4, _, _ =	vpop (xrf0)  }
0x186: {  	(v2sf) =	vpush v4, $0xF;
	_ =	sdelay $0xe  }
0x187: {  	s29 =	spop (v2sf)  }
0x188: {  	p1 =	slt.s32 s29, s21  }
0x189: {  	s22 =	smov.u32 @p1 s20  }
0x18a: {  	s20 =	sadd.s32 $0x8, s22  }
0x18b: {  	s30 =	sshll.u32 s20, $0x4  }
0x18c: {  	s23 =	sand.u32 $0x3FFFFFF0, s30  }
0x18d: {  	v4 =	vld [tilespmem:s23+$0x1A100];
	_ =	sdelay $0x4  }
0x18e: {  	(xrf0) =	vadd.scan.msk.s32 $0xffff, v4;
	_ =	sdelay $0x5  }
0x18f: {  	v4, _, _ =	vpop (xrf0)  }
0x190: {  	(v2sf) =	vpush v4, $0xF;
	_ =	sdelay $0xe  }
0x191: {  	s31 =	spop (v2sf)  }
0x192: {  	p1 =	slt.s32 s31, s21  }
0x193: {  	s20 =	smov.u32 @p1 s22  }
0x194: {  	s22 =	sadd.s32 $0x4, s20  }
0x195: {  	s24 =	sshll.u32 s22, $0x4  }
0x196: {  	s23 =	sand.u32 $0x3FFFFFF0, s24  }
0x197: {  	v4 =	vld [tilespmem:s23+$0x1A100];
	_ =	sdelay $0x4  }
0x198: {  	(xrf0) =	vadd.scan.msk.s32 $0xffff, v4;
	_ =	sdelay $0x5  }
0x199: {  	v4, _, _ =	vpop (xrf0)  }
0x19a: {  	(v2sf) =	vpush v4, $0xF;
	_ =	sdelay $0xe  }
0x19b: {  	s25 =	spop (v2sf)  }
0x19c: {  	p1 =	slt.s32 s25, s21  }
0x19d: {  	s22 =	smov.u32 @p1 s20  }
0x19e: {  	s23 =	sadd.s32 $0x2, s22  }
0x19f: {  	s26 =	sshll.u32 s23, $0x4  }
0x1a0: {  	s20 =	sand.u32 $0x3FFFFFF0, s26  }
0x1a1: {  	v4 =	vld [tilespmem:s20+$0x1A100];
	_ =	sdelay $0x4  }
0x1a2: {  	(xrf0) =	vadd.scan.msk.s32 $0xffff, v4;
	_ =	sdelay $0x5  }
0x1a3: {  	v4, _, _ =	vpop (xrf0)  }
0x1a4: {  	(v2sf) =	vpush v4, $0xF;
	_ =	sdelay $0xe  }
0x1a5: {  	s28 =	spop (v2sf)  }
0x1a6: {  	p1 =	slt.s32 s28, s21  }
0x1a7: {  	s23 =	smov.u32 @p1 s22  }
0x1a8: {  	s20 =	sadd.s32 $0x1, s23  }
0x1a9: {  	s29 =	sshll.u32 s20, $0x4  }
0x1aa: {  	s22 =	sand.u32 $0x3FFFFFF0, s29  }
0x1ab: {  	v4 =	vld [tilespmem:s22+$0x1A100];
	_ =	sdelay $0x4  }
0x1ac: {  	(xrf0) =	vadd.scan.msk.s32 $0xffff, v4;
	_ =	sdelay $0x5  }
0x1ad: {  	v4, _, _ =	vpop (xrf0)  }
0x1ae: {  	(v2sf) =	vpush v4, $0xF;
	_ =	sdelay $0xe  }
0x1af: {  	s30 =	spop (v2sf)  }
0x1b0: {  	p1 =	slt.s32 s30, s21  }
0x1b1: {  	s20 =	smov.u32 @p1 s23  }
0x1b2: {  	s31 =	sshll.u32 s20, $0x4  }
0x1b3: {  	s22 =	sand.u32 $0x3FFFFFF0, s31  }
0x1b4: {  	v4 =	vld [tilespmem:s22+$0x1A110];
	s22 =	simm.s32 $0x1A140  }
0x1b5: {  	[tilespmem:s22+$0xFFFFFFC0] =	vst v0  }
0x1b6: {  	[tilespmem:s22+$0x30] =	vst v0  }
0x1b7: {  	[tilespmem:s22+$0x20] =	vst v0  }
0x1b8: {  	[tilespmem:s22+$0x10] =	vst v0  }
0x1b9: {  	[tilespmem:s22+$0x0] =	vst v0  }
0x1ba: {  	[tilespmem:s22+$0xFFFFFFF0] =	vst v0  }
0x1bb: {  	s23 =	simm.s32 $0x0;
	[tilespmem:s22+$0xFFFFFFE0] =	vst v0  }
.LBB2_17:
0x1bc: {  	s23 =	sadd.s32 $0x8, s23;
	[tilespmem:s22+$0xFFFFFFD0] =	vst v0;
	s22 =	sadd.s32 $0x80, s22  }
0x1bd: {  	[tilespmem:s22+$0xFFFFFFC0] =	vst v0;
	p1 =	slt.u32 s23, $0x100  }
0x1be: {  	[tilespmem:s22+$0x30] =	vst v0  }
.Ltmp11:
0x1bf: {  	[tilespmem:s22+$0x20] =	vst v0;
	(pc) =	sbr.rel @p1 .LBB2_17-.Ltmp11, $4  }
0x1c0: {  	[tilespmem:s22+$0x10] =	vst v0  }
0x1c1: {  	[tilespmem:s22+$0x0] =	vst v0  }
0x1c2: {  	[tilespmem:s22+$0xFFFFFFF0] =	vst v0  }
0x1c3: {  	[tilespmem:s22+$0xFFFFFFE0] =	vst v0  }
0x1c4: {  	(xrf0) =	vadd.scan.msk.s32 $0xffff, v4;
	_ =	sdelay $0x5  }
0x1c5: {  	v4, _, _ =	vpop (xrf0)  }
0x1c6: {  	(v2sf) =	vpush v4, $0xF;
	_ =	sdelay $0xa  }
.Ltmp12:
0x1c7: {  	_ = 	snop;
	(pc) =	sbr.rel @p0 .LBB2_21-.Ltmp12, $2  }
0x1c8: {  	_ =	sdelay $0x2  }
0x1c9: {  	[tilespmem:s22+$0xFFFFFFD0] =	vst v0;
	v4 =	vmov s20;
	s22 =	spop (v2sf)  }
0x1ca: {  	v5 =	vbroadcast v3, $0x0;
	s23 =	simm.s32 $0x0;
	s24 =	simm.s32 $0x10020;
	s25 =	smov.u32 s19  }
.LBB2_20:
0x1cb: {  	v6 =	vld [tilespmem:s24+$0xFFFFFFE0];
	_ =	sdelay $0x4  }
0x1cc: {  	v7 =	vshrl.u32 v6, $0x10  }
0x1cd: {  	v8 =	vor.u32 s23, v1;
	v7 =	vand.u32 $0xFF, v7  }
0x1ce: {  	vm0 =	vlt.s32 v8, v5;
	v6 =	vshrl.u32 v6, $0x4;
	vm1 =	veq.s32 v7, v4  }
0x1cf: {  	v6 =	vand.u32 $0xFF0, v6;
	vm0 =	vmand vm0, vm1  }
0x1d0: {  	v6 =	vor.u32 v1, v6;
	_ =	sdelay $0x4  }
0x1d1: {  	[tilespmem:v6+s11+$0x0] =	vst.idx.add.s32.msk vm0, v2  }
0x1d2: {  	v6 =	vld [tilespmem:s24+$0xFFFFFFF0];
	_ =	sdelay $0x4  }
0x1d3: {  	s26 =	sadd.s32 $0x10, s23;
	v7 =	vshrl.u32 v6, $0x10  }
0x1d4: {  	v61 =	vor.u32 s26, v1;
	v7 =	vand.u32 $0xFF, v7  }
0x1d5: {  	vm10 =	vlt.s32 v61, v5;
	v6 =	vshrl.u32 v6, $0x4;
	vm11 =	veq.s32 v7, v4  }
0x1d6: {  	v6 =	vand.u32 $0xFF0, v6;
	vm0 =	vmand vm10, vm11  }
0x1d7: {  	v6 =	vor.u32 v1, v6;
	_ =	sdelay $0x4  }
0x1d8: {  	[tilespmem:v6+s11+$0x0] =	vst.idx.add.s32.msk vm0, v2  }
0x1d9: {  	v6 =	vld [tilespmem:s24+$0x0];
	_ =	sdelay $0x4  }
0x1da: {  	s30 =	sadd.s32 $0x20, s23;
	v7 =	vshrl.u32 v6, $0x10  }
0x1db: {  	v62 =	vor.u32 s30, v1;
	v7 =	vand.u32 $0xFF, v7  }
0x1dc: {  	vm12 =	vlt.s32 v62, v5;
	v6 =	vshrl.u32 v6, $0x4;
	vm13 =	veq.s32 v7, v4  }
0x1dd: {  	v6 =	vand.u32 $0xFF0, v6;
	vm0 =	vmand vm12, vm13  }
0x1de: {  	v6 =	vor.u32 v1, v6;
	_ =	sdelay $0x4  }
0x1df: {  	[tilespmem:v6+s11+$0x0] =	vst.idx.add.s32.msk vm0, v2  }
0x1e0: {  	v6 =	vld [tilespmem:s24+$0x10];
	_ =	sdelay $0x4  }
0x1e1: {  	s31 =	sadd.s32 $0x30, s23;
	v7 =	vshrl.u32 v6, $0x10  }
0x1e2: {  	v63 =	vor.u32 s31, v1;
	v7 =	vand.u32 $0xFF, v7  }
0x1e3: {  	vm14 =	vlt.s32 v63, v5;
	v6 =	vshrl.u32 v6, $0x4;
	vm15 =	veq.s32 v7, v4  }
0x1e4: {  	v6 =	vand.u32 $0xFF0, v6;
	vm0 =	vmand vm14, vm15  }
0x1e5: {  	p1 =	sne.s32 s25, $0x1;
	v6 =	vor.u32 v1, v6  }
.Ltmp13:
0x1e6: {  	_ = 	snop;
	(pc) =	sbr.rel @p1 .LBB2_20-.Ltmp13, $2  }
0x1e7: {  	_ =	sdelay $0x2  }
0x1e8: {  	s23 =	sadd.s32 $0x40, s23;
	s25 =	sadd.s32 $0xFFFFFFFF, s25;
	s24 =	sadd.s32 $0x40, s24;
	[tilespmem:v6+s11+$0x0] =	vst.idx.add.s32.msk vm0, v2  }
.LBB2_21:
0x1e9: {  	s24 =	simm.s32 $0x1B0F0  }
0x1ea: {  	v6 =	vld [tilespmem:s24+$0x0]  }
0x1eb: {  	v7 =	vld [tilespmem:s24+$0xFFFFFFF0]  }
0x1ec: {  	v8 =	vld [tilespmem:s24+$0xFFFFFFE0]  }
0x1ed: {  	v9 =	vld [tilespmem:s24+$0xFFFFFFD0]  }
0x1ee: {  	v10 =	vimm.s32 $0x0;
	s23 =	simm.s32 $0x1B0B0  }
0x1ef: {  	v5 =	vld [tilespmem:s23+$0xFFFFFFD0];
	v10 =	vadd.s32 v10, v6  }
0x1f0: {  	v6 =	vld [tilespmem:s23+$0x0];
	[tilespmem:s24+$0x0] =	vst v10;
	v10 =	vadd.s32 v10, v7  }
0x1f1: {  	v7 =	vld [tilespmem:s23+$0xFFFFFFF0];
	[tilespmem:s24+$0xFFFFFFF0] =	vst v10;
	v10 =	vadd.s32 v10, v8  }
0x1f2: {  	s22 =	ssub.s32 s21, s22;
	s21 =	simm.s32 $0x4;
	s25 =	simm.s32 $0x1B070;
	v8 =	vld [tilespmem:s23+$0xFFFFFFE0];
	[tilespmem:s24+$0xFFFFFFE0] =	vst v10;
	v9 =	vadd.s32 v10, v9  }
.LBB2_22:
0x1f3: {  	s21 =	sadd.s32 $0x4, s21  }
0x1f4: {  	v10 =	vld [tilespmem:s25+$0xFFFFFFD0];
	[tilespmem:s24+$0xFFFFFFD0] =	vst v9;
	s24 =	smov.u32 s23;
	s23 =	smov.u32 s25;
	p1 =	slt.u32 s21, $0xFC  }
.Ltmp14:
0x1f5: {  	(pc) =	sbr.rel @p1 .LBB2_22-.Ltmp14, $4  }
0x1f6: {  	v9 =	vadd.s32 v9, v6  }
0x1f7: {  	v6 =	vld [tilespmem:s25+$0x0];
	[tilespmem:s24+$0x0] =	vst v9;
	v9 =	vadd.s32 v9, v7  }
0x1f8: {  	v7 =	vld [tilespmem:s25+$0xFFFFFFF0];
	[tilespmem:s24+$0xFFFFFFF0] =	vst v9;
	v9 =	vadd.s32 v9, v8  }
0x1f9: {  	s25 =	sadd.s32 $0xFFFFFFC0, s25;
	v8 =	vld [tilespmem:s23+$0xFFFFFFE0];
	[tilespmem:s24+$0xFFFFFFE0] =	vst v9;
	v9 =	vadd.s32 v9, v5;
	v5 =	vmov v10  }
0x1fa: {  	_ =	sdelay $0x1  }
0x1fb: {  	[tilespmem:s24+$0xFFFFFFD0] =	vst v9;
	v6 =	vadd.s32 v9, v6  }
0x1fc: {  	[tilespmem:s23+$0x0] =	vst v6;
	v6 =	vadd.s32 v6, v7  }
0x1fd: {  	[tilespmem:s23+$0xFFFFFFF0] =	vst v6;
	v6 =	vadd.s32 v6, v8  }
0x1fe: {  	[tilespmem:s23+$0xFFFFFFE0] =	vst v6;
	v5 =	vadd.s32 v6, v5  }
0x1ff: {  	[tilespmem:s23+$0xFFFFFFD0] =	vst v5  }
0x200: {  	v5 =	vld [tilespmem:$0x1A900];
	_ =	sdelay $0x4  }
0x201: {  	(xrf0) =	vadd.scan.msk.s32 $0xffff, v5;
	_ =	sdelay $0x5  }
0x202: {  	v5, _, _ =	vpop (xrf0)  }
0x203: {  	(v2sf) =	vpush v5, $0xF;
	_ =	sdelay $0xe  }
0x204: {  	s21 =	spop (v2sf)  }
0x205: {  	p1 =	slt.s32 s21, s22;
	s21 =	simm.s32 $0x0  }
0x206: {  	s21 =	simm.s32 @!p1 $0x80  }
0x207: {  	s23 =	sor.u32 $0x40, s21  }
0x208: {  	s29 =	sshll.u32 s23, $0x4  }
0x209: {  	v5 =	vld [tilespmem:s29+$0x1A100];
	_ =	sdelay $0x4  }
0x20a: {  	(xrf0) =	vadd.scan.msk.s32 $0xffff, v5;
	_ =	sdelay $0x5  }
0x20b: {  	v5, _, _ =	vpop (xrf0)  }
0x20c: {  	(v2sf) =	vpush v5, $0xF;
	_ =	sdelay $0xe  }
0x20d: {  	s30 =	spop (v2sf)  }
0x20e: {  	p1 =	slt.s32 s30, s22  }
0x20f: {  	s23 =	smov.u32 @p1 s21  }
0x210: {  	s21 =	sor.u32 $0x20, s23  }
0x211: {  	s31 =	sshll.u32 s21, $0x4  }
0x212: {  	v5 =	vld [tilespmem:s31+$0x1A100];
	_ =	sdelay $0x4  }
0x213: {  	(xrf0) =	vadd.scan.msk.s32 $0xffff, v5;
	_ =	sdelay $0x5  }
0x214: {  	v5, _, _ =	vpop (xrf0)  }
0x215: {  	(v2sf) =	vpush v5, $0xF;
	_ =	sdelay $0xe  }
0x216: {  	s25 =	spop (v2sf)  }
0x217: {  	p1 =	slt.s32 s25, s22  }
0x218: {  	s21 =	smov.u32 @p1 s23  }
0x219: {  	s23 =	sor.u32 $0x10, s21  }
0x21a: {  	s26 =	sshll.u32 s23, $0x4  }
0x21b: {  	s24 =	sand.u32 $0x3FFFFFF0, s26  }
0x21c: {  	v5 =	vld [tilespmem:s24+$0x1A100];
	_ =	sdelay $0x4  }
0x21d: {  	(xrf0) =	vadd.scan.msk.s32 $0xffff, v5;
	_ =	sdelay $0x5  }
0x21e: {  	v5, _, _ =	vpop (xrf0)  }
0x21f: {  	(v2sf) =	vpush v5, $0xF;
	_ =	sdelay $0xe  }
0x220: {  	s28 =	spop (v2sf)  }
0x221: {  	p1 =	slt.s32 s28, s22  }
0x222: {  	s23 =	smov.u32 @p1 s21  }
0x223: {  	s21 =	sadd.s32 $0x8, s23  }
0x224: {  	s29 =	sshll.u32 s21, $0x4  }
0x225: {  	s24 =	sand.u32 $0x3FFFFFF0, s29  }
0x226: {  	v5 =	vld [tilespmem:s24+$0x1A100];
	_ =	sdelay $0x4  }
0x227: {  	(xrf0) =	vadd.scan.msk.s32 $0xffff, v5;
	_ =	sdelay $0x5  }
0x228: {  	v5, _, _ =	vpop (xrf0)  }
0x229: {  	(v2sf) =	vpush v5, $0xF;
	_ =	sdelay $0xe  }
0x22a: {  	s30 =	spop (v2sf)  }
0x22b: {  	p1 =	slt.s32 s30, s22  }
0x22c: {  	s21 =	smov.u32 @p1 s23  }
0x22d: {  	s23 =	sadd.s32 $0x4, s21  }
0x22e: {  	s31 =	sshll.u32 s23, $0x4  }
0x22f: {  	s24 =	sand.u32 $0x3FFFFFF0, s31  }
0x230: {  	v5 =	vld [tilespmem:s24+$0x1A100];
	_ =	sdelay $0x4  }
0x231: {  	(xrf0) =	vadd.scan.msk.s32 $0xffff, v5;
	_ =	sdelay $0x5  }
0x232: {  	v5, _, _ =	vpop (xrf0)  }
0x233: {  	(v2sf) =	vpush v5, $0xF;
	_ =	sdelay $0xe  }
0x234: {  	s25 =	spop (v2sf)  }
0x235: {  	p1 =	slt.s32 s25, s22  }
0x236: {  	s23 =	smov.u32 @p1 s21  }
0x237: {  	s24 =	sadd.s32 $0x2, s23  }
0x238: {  	s26 =	sshll.u32 s24, $0x4  }
0x239: {  	s21 =	sand.u32 $0x3FFFFFF0, s26  }
0x23a: {  	v5 =	vld [tilespmem:s21+$0x1A100];
	_ =	sdelay $0x4  }
0x23b: {  	(xrf0) =	vadd.scan.msk.s32 $0xffff, v5;
	_ =	sdelay $0x5  }
0x23c: {  	v5, _, _ =	vpop (xrf0)  }
0x23d: {  	(v2sf) =	vpush v5, $0xF;
	_ =	sdelay $0xe  }
0x23e: {  	s28 =	spop (v2sf)  }
0x23f: {  	p1 =	slt.s32 s28, s22  }
0x240: {  	s24 =	smov.u32 @p1 s23  }
0x241: {  	s21 =	sadd.s32 $0x1, s24  }
0x242: {  	s29 =	sshll.u32 s21, $0x4  }
0x243: {  	s23 =	sand.u32 $0x3FFFFFF0, s29  }
0x244: {  	v5 =	vld [tilespmem:s23+$0x1A100];
	_ =	sdelay $0x4  }
0x245: {  	(xrf0) =	vadd.scan.msk.s32 $0xffff, v5;
	_ =	sdelay $0x5  }
0x246: {  	v5, _, _ =	vpop (xrf0)  }
0x247: {  	(v2sf) =	vpush v5, $0xF;
	_ =	sdelay $0xe  }
0x248: {  	s30 =	spop (v2sf)  }
0x249: {  	p1 =	slt.s32 s30, s22  }
0x24a: {  	s21 =	smov.u32 @p1 s24  }
0x24b: {  	s31 =	sshll.u32 s21, $0x4  }
0x24c: {  	s23 =	sand.u32 $0x3FFFFFF0, s31  }
0x24d: {  	v5 =	vld [tilespmem:s23+$0x1A110];
	s23 =	simm.s32 $0x1A140  }
0x24e: {  	[tilespmem:s23+$0xFFFFFFC0] =	vst v0  }
0x24f: {  	[tilespmem:s23+$0x30] =	vst v0  }
0x250: {  	[tilespmem:s23+$0x20] =	vst v0  }
0x251: {  	[tilespmem:s23+$0x10] =	vst v0  }
0x252: {  	[tilespmem:s23+$0x0] =	vst v0  }
0x253: {  	[tilespmem:s23+$0xFFFFFFF0] =	vst v0  }
0x254: {  	s24 =	simm.s32 $0x0;
	[tilespmem:s23+$0xFFFFFFE0] =	vst v0  }
.LBB2_24:
0x255: {  	s24 =	sadd.s32 $0x8, s24;
	[tilespmem:s23+$0xFFFFFFD0] =	vst v0;
	s23 =	sadd.s32 $0x80, s23  }
0x256: {  	[tilespmem:s23+$0xFFFFFFC0] =	vst v0;
	p1 =	slt.u32 s24, $0x100  }
0x257: {  	[tilespmem:s23+$0x30] =	vst v0  }
.Ltmp15:
0x258: {  	[tilespmem:s23+$0x20] =	vst v0;
	(pc) =	sbr.rel @p1 .LBB2_24-.Ltmp15, $4  }
0x259: {  	[tilespmem:s23+$0x10] =	vst v0  }
0x25a: {  	[tilespmem:s23+$0x0] =	vst v0  }
0x25b: {  	[tilespmem:s23+$0xFFFFFFF0] =	vst v0  }
0x25c: {  	[tilespmem:s23+$0xFFFFFFE0] =	vst v0  }
0x25d: {  	(xrf0) =	vadd.scan.msk.s32 $0xffff, v5;
	_ =	sdelay $0x5  }
0x25e: {  	v5, _, _ =	vpop (xrf0)  }
0x25f: {  	(v2sf) =	vpush v5, $0xF;
	_ =	sdelay $0xa  }
.Ltmp16:
0x260: {  	_ = 	snop;
	(pc) =	sbr.rel @p0 .LBB2_28-.Ltmp16, $2  }
0x261: {  	_ =	sdelay $0x2  }
0x262: {  	[tilespmem:s23+$0xFFFFFFD0] =	vst v0;
	s23 =	spop (v2sf)  }
0x263: {  	v5 =	vbroadcast v3, $0x0;
	v6 =	vmov s21;
	s24 =	simm.s32 $0x0;
	s25 =	simm.s32 $0x10020  }
.LBB2_27:
0x264: {  	v7 =	vld [tilespmem:s25+$0xFFFFFFE0];
	_ =	sdelay $0x4  }
0x265: {  	v8 =	vshrl.u32 v7, $0x10;
	v9 =	vshrl.u32 v7, $0x8  }
0x266: {  	v8 =	vand.u32 $0xFF, v8;
	v9 =	vand.u32 $0xFF, v9  }
0x267: {  	vm0 =	veq.s32 v8, v4;
	v8 =	vor.u32 s24, v1;
	vm1 =	veq.s32 v9, v6  }
0x268: {  	v7 =	vshll.u32 v7, $0x4;
	vm2 =	vlt.s32 v8, v5;
	vm0 =	vmand vm0, vm1  }
0x269: {  	v7 =	vor.u32 v1, v7;
	vm0 =	vmand vm0, vm2  }
0x26a: {  	v7 =	vand.u32 $0xFFF, v7;
	_ =	sdelay $0x4  }
0x26b: {  	[tilespmem:v7+s11+$0x0] =	vst.idx.add.s32.msk vm0, v2  }
0x26c: {  	v7 =	vld [tilespmem:s25+$0xFFFFFFF0];
	_ =	sdelay $0x4  }
0x26d: {  	v8 =	vshrl.u32 v7, $0x10;
	v61 =	vshrl.u32 v7, $0x8  }
0x26e: {  	s26 =	sadd.s32 $0x10, s24;
	v8 =	vand.u32 $0xFF, v8;
	v9 =	vand.u32 $0xFF, v61  }
0x26f: {  	vm7 =	veq.s32 v8, v4;
	v8 =	vor.u32 s26, v1;
	vm8 =	veq.s32 v9, v6  }
0x270: {  	v7 =	vshll.u32 v7, $0x4;
	vm9 =	vlt.s32 v8, v5;
	vm0 =	vmand vm7, vm8  }
0x271: {  	v7 =	vor.u32 v1, v7;
	vm0 =	vmand vm0, vm9  }
0x272: {  	v7 =	vand.u32 $0xFFF, v7;
	_ =	sdelay $0x4  }
0x273: {  	[tilespmem:v7+s11+$0x0] =	vst.idx.add.s32.msk vm0, v2  }
0x274: {  	v7 =	vld [tilespmem:s25+$0x0];
	_ =	sdelay $0x4  }
0x275: {  	v8 =	vshrl.u32 v7, $0x10;
	v62 =	vshrl.u32 v7, $0x8  }
0x276: {  	s30 =	sadd.s32 $0x20, s24;
	v8 =	vand.u32 $0xFF, v8;
	v9 =	vand.u32 $0xFF, v62  }
0x277: {  	vm10 =	veq.s32 v8, v4;
	v8 =	vor.u32 s30, v1;
	vm11 =	veq.s32 v9, v6  }
0x278: {  	v7 =	vshll.u32 v7, $0x4;
	vm12 =	vlt.s32 v8, v5;
	vm0 =	vmand vm10, vm11  }
0x279: {  	v7 =	vor.u32 v1, v7;
	vm0 =	vmand vm0, vm12  }
0x27a: {  	v7 =	vand.u32 $0xFFF, v7;
	_ =	sdelay $0x4  }
0x27b: {  	[tilespmem:v7+s11+$0x0] =	vst.idx.add.s32.msk vm0, v2  }
0x27c: {  	v7 =	vld [tilespmem:s25+$0x10];
	_ =	sdelay $0x4  }
0x27d: {  	v8 =	vshrl.u32 v7, $0x10;
	v63 =	vshrl.u32 v7, $0x8  }
0x27e: {  	s31 =	sadd.s32 $0x30, s24;
	v8 =	vand.u32 $0xFF, v8;
	v9 =	vand.u32 $0xFF, v63  }
0x27f: {  	vm13 =	veq.s32 v8, v4;
	vm14 =	veq.s32 v9, v6;
	v8 =	vor.u32 s31, v1  }
0x280: {  	v7 =	vshll.u32 v7, $0x4;
	vm15 =	vlt.s32 v8, v5;
	vm0 =	vmand vm13, vm14  }
0x281: {  	v7 =	vor.u32 v1, v7;
	vm0 =	vmand vm0, vm15  }
0x282: {  	p0 =	sne.s32 s19, $0x1;
	v7 =	vand.u32 $0xFFF, v7  }
.Ltmp17:
0x283: {  	_ = 	snop;
	(pc) =	sbr.rel @p0 .LBB2_27-.Ltmp17, $2  }
0x284: {  	_ =	sdelay $0x2  }
0x285: {  	s19 =	sadd.s32 $0xFFFFFFFF, s19;
	s24 =	sadd.s32 $0x40, s24;
	s25 =	sadd.s32 $0x40, s25;
	[tilespmem:v7+s11+$0x0] =	vst.idx.add.s32.msk vm0, v2  }
.LBB2_28:
0x286: {  	s25 =	simm.s32 $0x1B0F0  }
0x287: {  	v5 =	vld [tilespmem:s25+$0x0]  }
0x288: {  	v6 =	vld [tilespmem:s25+$0xFFFFFFF0]  }
0x289: {  	v7 =	vld [tilespmem:s25+$0xFFFFFFE0]  }
0x28a: {  	v8 =	vld [tilespmem:s25+$0xFFFFFFD0]  }
0x28b: {  	v9 =	vimm.s32 $0x0;
	s24 =	simm.s32 $0x1B0B0  }
0x28c: {  	v4 =	vld [tilespmem:s24+$0xFFFFFFD0];
	v9 =	vadd.s32 v9, v5  }
0x28d: {  	v5 =	vld [tilespmem:s24+$0x0];
	[tilespmem:s25+$0x0] =	vst v9;
	v9 =	vadd.s32 v9, v6  }
0x28e: {  	v6 =	vld [tilespmem:s24+$0xFFFFFFF0];
	[tilespmem:s25+$0xFFFFFFF0] =	vst v9;
	v9 =	vadd.s32 v9, v7  }
0x28f: {  	s19 =	ssub.s32 s22, s23;
	s22 =	simm.s32 $0x4;
	s23 =	simm.s32 $0x1B070;
	v7 =	vld [tilespmem:s24+$0xFFFFFFE0];
	[tilespmem:s25+$0xFFFFFFE0] =	vst v9;
	v8 =	vadd.s32 v9, v8  }
.LBB2_29:
0x290: {  	s22 =	sadd.s32 $0x4, s22  }
0x291: {  	v9 =	vld [tilespmem:s23+$0xFFFFFFD0];
	[tilespmem:s25+$0xFFFFFFD0] =	vst v8;
	s25 =	smov.u32 s24;
	s24 =	smov.u32 s23;
	p0 =	slt.u32 s22, $0xFC  }
.Ltmp18:
0x292: {  	(pc) =	sbr.rel @p0 .LBB2_29-.Ltmp18, $4  }
0x293: {  	v8 =	vadd.s32 v8, v5  }
0x294: {  	v5 =	vld [tilespmem:s23+$0x0];
	[tilespmem:s25+$0x0] =	vst v8;
	v8 =	vadd.s32 v8, v6  }
0x295: {  	v6 =	vld [tilespmem:s23+$0xFFFFFFF0];
	[tilespmem:s25+$0xFFFFFFF0] =	vst v8;
	v8 =	vadd.s32 v8, v7  }
0x296: {  	s23 =	sadd.s32 $0xFFFFFFC0, s23;
	v7 =	vld [tilespmem:s24+$0xFFFFFFE0];
	[tilespmem:s25+$0xFFFFFFE0] =	vst v8;
	v8 =	vadd.s32 v8, v4;
	v4 =	vmov v9  }
0x297: {  	_ =	sdelay $0x1  }
0x298: {  	[tilespmem:s25+$0xFFFFFFD0] =	vst v8;
	v5 =	vadd.s32 v8, v5  }
0x299: {  	[tilespmem:s24+$0x0] =	vst v5;
	v5 =	vadd.s32 v5, v6  }
0x29a: {  	[tilespmem:s24+$0xFFFFFFF0] =	vst v5;
	v5 =	vadd.s32 v5, v7  }
0x29b: {  	[tilespmem:s24+$0xFFFFFFE0] =	vst v5;
	v4 =	vadd.s32 v5, v4  }
0x29c: {  	[tilespmem:s24+$0xFFFFFFD0] =	vst v4  }
0x29d: {  	v4 =	vld [tilespmem:$0x1A900];
	_ =	sdelay $0x4  }
0x29e: {  	(xrf0) =	vadd.scan.msk.s32 $0xffff, v4;
	_ =	sdelay $0x5  }
0x29f: {  	v4, _, _ =	vpop (xrf0)  }
0x2a0: {  	(v2sf) =	vpush v4, $0xF;
	_ =	sdelay $0xe  }
0x2a1: {  	s22 =	spop (v2sf)  }
0x2a2: {  	p0 =	slt.s32 s22, s19;
	s22 =	simm.s32 $0x0  }
0x2a3: {  	s22 =	simm.s32 @!p0 $0x80  }
0x2a4: {  	s23 =	sor.u32 $0x40, s22  }
0x2a5: {  	s28 =	sshll.u32 s23, $0x4  }
0x2a6: {  	v4 =	vld [tilespmem:s28+$0x1A100];
	_ =	sdelay $0x4  }
0x2a7: {  	(xrf0) =	vadd.scan.msk.s32 $0xffff, v4;
	_ =	sdelay $0x5  }
0x2a8: {  	v4, _, _ =	vpop (xrf0)  }
0x2a9: {  	(v2sf) =	vpush v4, $0xF;
	_ =	sdelay $0xe  }
0x2aa: {  	s29 =	spop (v2sf)  }
0x2ab: {  	p0 =	slt.s32 s29, s19  }
0x2ac: {  	s23 =	smov.u32 @p0 s22  }
0x2ad: {  	s22 =	sor.u32 $0x20, s23  }
0x2ae: {  	s30 =	sshll.u32 s22, $0x4  }
0x2af: {  	v4 =	vld [tilespmem:s30+$0x1A100];
	_ =	sdelay $0x4  }
0x2b0: {  	(xrf0) =	vadd.scan.msk.s32 $0xffff, v4;
	_ =	sdelay $0x5  }
0x2b1: {  	v4, _, _ =	vpop (xrf0)  }
0x2b2: {  	(v2sf) =	vpush v4, $0xF;
	_ =	sdelay $0xe  }
0x2b3: {  	s31 =	spop (v2sf)  }
0x2b4: {  	p0 =	slt.s32 s31, s19  }
0x2b5: {  	s22 =	smov.u32 @p0 s23  }
0x2b6: {  	s23 =	sor.u32 $0x10, s22  }
0x2b7: {  	s25 =	sshll.u32 s23, $0x4  }
0x2b8: {  	s24 =	sand.u32 $0x3FFFFFF0, s25  }
0x2b9: {  	v4 =	vld [tilespmem:s24+$0x1A100];
	_ =	sdelay $0x4  }
0x2ba: {  	(xrf0) =	vadd.scan.msk.s32 $0xffff, v4;
	_ =	sdelay $0x5  }
0x2bb: {  	v4, _, _ =	vpop (xrf0)  }
0x2bc: {  	(v2sf) =	vpush v4, $0xF;
	_ =	sdelay $0xe  }
0x2bd: {  	s26 =	spop (v2sf)  }
0x2be: {  	p0 =	slt.s32 s26, s19  }
0x2bf: {  	s23 =	smov.u32 @p0 s22  }
0x2c0: {  	s22 =	sadd.s32 $0x8, s23  }
0x2c1: {  	s28 =	sshll.u32 s22, $0x4  }
0x2c2: {  	s24 =	sand.u32 $0x3FFFFFF0, s28  }
0x2c3: {  	v4 =	vld [tilespmem:s24+$0x1A100];
	_ =	sdelay $0x4  }
0x2c4: {  	(xrf0) =	vadd.scan.msk.s32 $0xffff, v4;
	_ =	sdelay $0x5  }
0x2c5: {  	v4, _, _ =	vpop (xrf0)  }
0x2c6: {  	(v2sf) =	vpush v4, $0xF;
	_ =	sdelay $0xe  }
0x2c7: {  	s29 =	spop (v2sf)  }
0x2c8: {  	p0 =	slt.s32 s29, s19  }
0x2c9: {  	s22 =	smov.u32 @p0 s23  }
0x2ca: {  	s23 =	sadd.s32 $0x4, s22  }
0x2cb: {  	s30 =	sshll.u32 s23, $0x4  }
0x2cc: {  	s24 =	sand.u32 $0x3FFFFFF0, s30  }
0x2cd: {  	v4 =	vld [tilespmem:s24+$0x1A100];
	_ =	sdelay $0x4  }
0x2ce: {  	(xrf0) =	vadd.scan.msk.s32 $0xffff, v4;
	_ =	sdelay $0x5  }
0x2cf: {  	v4, _, _ =	vpop (xrf0)  }
0x2d0: {  	(v2sf) =	vpush v4, $0xF;
	_ =	sdelay $0xe  }
0x2d1: {  	s31 =	spop (v2sf)  }
0x2d2: {  	p0 =	slt.s32 s31, s19  }
0x2d3: {  	s23 =	smov.u32 @p0 s22  }
0x2d4: {  	s22 =	sadd.s32 $0x2, s23  }
0x2d5: {  	s25 =	sshll.u32 s22, $0x4  }
0x2d6: {  	s24 =	sand.u32 $0x3FFFFFF0, s25  }
0x2d7: {  	v4 =	vld [tilespmem:s24+$0x1A100];
	_ =	sdelay $0x4  }
0x2d8: {  	(xrf0) =	vadd.scan.msk.s32 $0xffff, v4;
	_ =	sdelay $0x5  }
0x2d9: {  	v4, _, _ =	vpop (xrf0)  }
0x2da: {  	(v2sf) =	vpush v4, $0xF;
	_ =	sdelay $0xe  }
0x2db: {  	s26 =	spop (v2sf)  }
0x2dc: {  	p0 =	slt.s32 s26, s19  }
0x2dd: {  	s22 =	smov.u32 @p0 s23  }
0x2de: {  	s23 =	sadd.s32 $0x1, s22  }
0x2df: {  	s28 =	sshll.u32 s23, $0x4  }
0x2e0: {  	s24 =	sand.u32 $0x3FFFFFF0, s28  }
0x2e1: {  	v4 =	vld [tilespmem:s24+$0x1A100];
	_ =	sdelay $0x4  }
0x2e2: {  	(xrf0) =	vadd.scan.msk.s32 $0xffff, v4;
	_ =	sdelay $0x5  }
0x2e3: {  	v4, _, _ =	vpop (xrf0)  }
0x2e4: {  	(v2sf) =	vpush v4, $0xF;
	_ =	sdelay $0xe  }
0x2e5: {  	s29 =	spop (v2sf)  }
0x2e6: {  	p0 =	slt.s32 s29, s19  }
0x2e7: {  	s23 =	smov.u32 @p0 s22  }
0x2e8: {  	s22 =	sshll.u32 s23, $0x4  }
0x2e9: {  	s22 =	sand.u32 $0x3FFFFFF0, s22  }
0x2ea: {  	v4 =	vld [tilespmem:s22+$0x1A110];
	_ =	sdelay $0x4  }
0x2eb: {  	(xrf0) =	vadd.scan.msk.s32 $0xffff, v4;
	_ =	sdelay $0x5  }
0x2ec: {  	v4, _, _ =	vpop (xrf0)  }
0x2ed: {  	(v2sf) =	vpush v4, $0xF;
	_ =	sdelay $0xa  }
0x2ee: {  	p0 =	slt.s32 s18, $0x2001  }
.Ltmp19:
0x2ef: {  	_ = 	snop;
	(pc) =	sbr.rel @!p0 .LBB2_31-.Ltmp19, $4  }
0x2f0: {  	s17 =	sshll.u32 s17, $0x18;
	s20 =	sshll.u32 s20, $0x10  }
0x2f1: {  	s17 =	sor.u32 s17, s20;
	s30 =	sshll.u32 s21, $0x8  }
0x2f2: {  	s17 =	sor.u32 s30, s17;
	s31 =	spop (v2sf)  }
0x2f3: {  	s20 =	sor.u32 s23, s17;
	s19 =	ssub.s32 s19, s31  }
0x2f4: {  	s17 =	sadd.s32 $0xF, s18  }
0x2f5: {  	s21 =	sand.u32 $0xF, s17  }
0x2f6: {  	p0 =	slt.s32 s18, $0xFFFFFFF2;
	s22 =	sshra.s32 s17, $0x1F;
	p1 =	sne.s32 s21, $0x0  }
0x2f7: {  	s31 =	sshrl.u32 s22, $0x1C;
	p0 =	por !p0, !p1  }
0x2f8: {  	s18 =	simm.s32 $0x1;
	s17 =	sadd.s32 s31, s17;
	p0 =	por !p0, !p0  }
0x2f9: {  	s17 =	sshra.s32 s17, $0x4;
	s18 =	simm.s32 @!p0 $0x0  }
0x2fa: {  	s21 =	ssub.s32 s17, s18  }
0x2fb: {  	p0 =	slt.s32 s21, $0x1  }
.Ltmp20:
0x2fc: {  	_ = 	snop;
	(pc) =	sbr.rel @p0 .LBB2_41-.Ltmp20, $1  }
0x2fd: {  	_ =	sdelay $0x3  }
0x2fe: {  	p1 =	seq.s32 s21, $0x1  }
.Ltmp21:
0x2ff: {  	_ = 	snop;
	(pc) =	sbr.rel @p1 .LBB2_36-.Ltmp21, $3  }
0x300: {  	_ =	sdelay $0x1  }
0x301: {  	v5 =	vbroadcast v3, $0x0;
	s22 =	simm.s32 $0x10000;
	s17 =	simm.s32 $0x18080  }
0x302: {  	v3 =	vmov s20;
	v4 =	vmov s19;
	v7 =	vimm.s32 $0x0;
	s18 =	simm.s32 $0x0;
	s19 =	sadd.s32 $0xFFFFFFFF, s21;
	p0 =	por $0x0, $0x0;
	v6 =	vld [tilespmem:s22+$0x0]  }
0x303: {  	_ =	sdelay $0x2  }
0x304: {  	v8 =	vor.u32 s18, v1  }
0x305: {  	vm0 =	vlt.s32 v8, v5;
	vm1 =	veq.s32 v6, v3  }
0x306: {  	vm1 =	vmand vm0, vm1  }
0x307: {  	v8 =	vsel vm1, $0x1, v0  }
0x308: {  	(xrf0) =	vadd.scan.msk.s32 $0xffff, v8;
	_ =	sdelay $0x2  }
0x309: {  	v8 =	vld [tilespmem:s17+$0x0];
	_ =	sdelay $0x2  }
0x30a: {  	v9, _, _ =	vpop (xrf0)  }
0x30b: {  	v9 =	vadd.s32 v7, v9  }
0x30c: {  	vm2 =	vgt.u32 v6, v3;
	vm3 =	vle.s32 v9, v4  }
0x30d: {  	vm2 =	vmand vm0, vm2;
	vm3 =	vmand vm1, vm3  }
0x30e: {  	vm2 =	vmor vm2, vm3  }
0x30f: {  	v6 =	vld.idx.msk [tilespmem:v8+s2+$0x0], vm0  }
0x310: {  	p1 =	seq.s32 s19, $0x1  }
.Ltmp22:
0x311: {  	_ = 	snop;
	(pc) =	sbr.rel @p1 .LBB2_38-.Ltmp22, $3  }
0x312: {  	v9 =	vmpcnt.ones.xlane vm1;
	_ =	sdelay $0x1  }
0x313: {  	s21 =	simm.s32 $0x10010;
	s22 =	sadd.s32 $0xFFFFFFFF, s19;
	v7 =	vadd.s32 v7, v9;
	[tilespmem:v8+s15+$0x0] =	vst.idx.msk vm2, v6  }
0x314: {  	p0 =	por $0x1, $0x1;
	s20 =	simm.s32 $0x0;
	s19 =	simm.s32 $0x18080;
	v8 =	vmov v7;
	v6 =	vld [tilespmem:s21+$0x0]  }
.LBB2_39:
0x315: {  	p1 =	seq.s32 s22, $0x1;
	_ =	sdelay $0x1  }
0x316: {  	s20 =	sadd.s32 $0x10, s20  }
0x317: {  	v9 =	vor.u32 s20, v1  }
0x318: {  	vm0 =	vlt.s32 v9, v5;
	vm1 =	veq.s32 v6, v3  }
0x319: {  	vm1 =	vmand vm0, vm1  }
0x31a: {  	v9 =	vsel vm1, $0x1, v0;
	v10 =	vmpcnt.ones.xlane vm1  }
0x31b: {  	(xrf0) =	vadd.scan.msk.s32 $0xffff, v9  }
0x31c: {  	s19 =	sadd.s32 $0x10, s19;
	v8 =	vadd.s32 v8, v10  }
0x31d: {  	v9 =	vld [tilespmem:s19+$0x0];
	_ =	sdelay $0x3  }
0x31e: {  	v10, _, _ =	vpop (xrf0)  }
0x31f: {  	v10 =	vadd.s32 v7, v10;
	v7 =	vmov v8  }
0x320: {  	vm2 =	vgt.u32 v6, v3;
	vm3 =	vle.s32 v10, v4  }
0x321: {  	vm2 =	vmand vm0, vm2;
	vm1 =	vmand vm1, vm3  }
0x322: {  	vm1 =	vmor vm2, vm1;
	v6 =	vld.idx.msk [tilespmem:v9+s2+$0x0], vm0;
	_ =	sdelay $0x2  }
.Ltmp23:
0x323: {  	(pc) =	sbr.rel @!p1 .LBB2_39-.Ltmp23, $3  }
0x324: {  	_ =	sdelay $0x1  }
0x325: {  	s21 =	sadd.s32 $0x10, s21;
	[tilespmem:v9+s15+$0x0] =	vst.idx.msk vm1, v6  }
0x326: {  	s22 =	sadd.s32 $0xFFFFFFFF, s22;
	v6 =	vld [tilespmem:s21+$0x0]  }
.LBB2_40:
0x327: {  	_ = 	snop  }
0x328: {  	s20 =	sadd.s32 @p0 $0x10, s20  }
0x329: {  	s18 =	smov.u32 @p0 s20  }
0x32a: {  	v8 =	vor.u32 s18, v1  }
0x32b: {  	vm0 =	vlt.s32 v8, v5;
	vm1 =	veq.s32 v6, v3  }
0x32c: {  	vm1 =	vmand vm0, vm1  }
0x32d: {  	v61 =	vsel vm1, $0x1, v0  }
0x32e: {  	(xrf0) =	vadd.scan.msk.s32 $0xffff, v61  }
0x32f: {  	s18 =	sadd.s32 @p0 $0x10, s19  }
0x330: {  	s17 =	smov.u32 @p0 s18  }
0x331: {  	v62 =	vld [tilespmem:s17+$0x0];
	_ =	sdelay $0x2  }
0x332: {  	v63, _, _ =	vpop (xrf0)  }
0x333: {  	v7 =	vadd.s32 v7, v63  }
0x334: {  	vm2 =	vgt.u32 v6, v3;
	vm3 =	vle.s32 v7, v4  }
0x335: {  	vm2 =	vmand vm0, vm2;
	vm1 =	vmand vm1, vm3  }
0x336: {  	vm1 =	vmor vm2, vm1  }
0x337: {  	v3 =	vld.idx.msk [tilespmem:v62+s2+$0x0], vm0  }
.Ltmp24:
0x338: {  	_ = 	snop;
	(pc) =	sbr.rel .LBB2_41-.Ltmp24, $2  }
0x339: {  	_ =	sdelay $0x2  }
0x33a: {  	[tilespmem:v62+s15+$0x0] =	vst.idx.msk vm1, v3  }
.LBB2_31:
0x33b: {  	s18 =	simm.s32 $0x20  }
0x33c: {  	v9 =	vld [tilespmem:s18+$0xFFFFFFE0]  }
0x33d: {  	v19 =	vld [tilespmem:s18+$0x10]  }
0x33e: {  	v20 =	vld [tilespmem:s18+$0xFFFFFFF0];
	_ =	sdelay $0x1  }
0x33f: {  	v11 =	vld [tilespmem:s18+$0x0];
	_ =	sdelay $0x1  }
0x340: {  	v3 =	vmov s20;
	v5 =	vshra.s32 v9, $0x1F;
	v6 =	vshra.s32 v19, $0x1F  }
0x341: {  	v8 =	vshra.s32 v20, $0x1F;
	v5 =	vor.u32 $0x80000000, v5;
	v6 =	vor.u32 $0x80000000, v6  }
0x342: {  	v10 =	vxor.u32 v9, v5;
	v5 =	vor.u32 $0x80000000, v8;
	v13 =	vxor.u32 v19, v6  }
0x343: {  	v14 =	vxor.u32 v20, v5;
	v5 =	vshra.s32 v11, $0x1F;
	vm3 =	veq.s32 v13, v3  }
0x344: {  	vm0 =	veq.s32 v14, v3;
	v5 =	vor.u32 $0x80000000, v5;
	v6 =	vsel vm3, $0x1, v0  }
0x345: {  	vm1 =	veq.s32 v10, v3;
	v8 =	vsel vm0, $0x1, v0;
	v12 =	vxor.u32 v11, v5;
	(xrf0) =	vadd.scan.msk.s32 $0xffff, v6  }
0x346: {  	v5 =	vsel vm1, $0x1, v0;
	vm2 =	veq.s32 v12, v3;
	(xrf0) =	vadd.scan.msk.s32 $0xffff, v8  }
0x347: {  	v6 =	vsel vm2, $0x1, v0;
	(xrf0) =	vadd.scan.msk.s32 $0xffff, v5;
	v5 =	vmpcnt.ones.xlane vm1  }
0x348: {  	(xrf0) =	vadd.scan.msk.s32 $0xffff, v6;
	_ =	sdelay $0x1  }
0x349: {  	v7 =	vimm.s32 $0x0;
	v6 =	vmpcnt.ones.xlane vm0  }
0x34a: {  	v8 =	vmpcnt.ones.xlane vm2;
	v16 =	vadd.s32 v7, v5;
	v5, _, _ =	vpop (xrf0)  }
0x34b: {  	s31 =	simm.s32 $0x60;
	v17 =	vmpcnt.ones.xlane vm3;
	v15 =	vadd.s32 v16, v6;
	v18, _, _ =	vpop (xrf0)  }
0x34c: {  	v4 =	vmov s19;
	vm4 =	vmmov vm3;
	v6 =	vld [tilespmem:s31+$0xFFFFFFE0];
	v8 =	vadd.s32 v15, v8;
	v22, _, _ =	vpop (xrf0)  }
0x34d: {  	v21 =	vadd.s32 v8, v5;
	v8 =	vadd.s32 v8, v17;
	v5 =	vld [tilespmem:s31+$0x10];
	v17 =	vadd.s32 v7, v22;
	v22, _, _ =	vpop (xrf0)  }
0x34e: {  	vm5 =	vmmov vm0;
	v7 =	vld [tilespmem:s31+$0xFFFFFFF0];
	vm3 =	vle.s32 v17, v4;
	v15 =	vadd.s32 v15, v22  }
0x34f: {  	vm0 =	vgt.u32 v10, v3;
	vm1 =	vmand vm1, vm3;
	vm3 =	vle.s32 v15, v4  }
0x350: {  	v10 =	vld [tilespmem:s31+$0x0];
	vm0 =	vmor vm0, vm1;
	vm1 =	vgt.u32 v12, v3;
	vm2 =	vmand vm2, vm3  }
0x351: {  	v12 =	vshra.s32 v6, $0x1F;
	v17 =	vnsel vm0, $0x0, v9;
	vm0 =	vmor vm1, vm2  }
0x352: {  	v15 =	vshra.s32 v5, $0x1F;
	v9 =	vor.u32 $0x80000000, v12;
	v22 =	vnsel vm0, $0x0, v11  }
0x353: {  	v12 =	vxor.u32 v6, v9;
	v9 =	vshra.s32 v7, $0x1F;
	v11 =	vor.u32 $0x80000000, v15  }
0x354: {  	v15 =	vor.u32 $0x80000000, v9;
	v9 =	vxor.u32 v5, v11  }
0x355: {  	v11 =	vxor.u32 v7, v15;
	v15 =	vshra.s32 v10, $0x1F;
	vm2 =	veq.s32 v9, v3  }
0x356: {  	v15 =	vor.u32 $0x80000000, v15;
	v23 =	vsel vm2, $0x1, v0  }
0x357: {  	v15 =	vxor.u32 v10, v15;
	(xrf0) =	vadd.scan.msk.s32 $0xffff, v23  }
0x358: {  	vm7 =	vgt.u32 v14, v3;
	vm0 =	veq.s32 v12, v3;
	vm3 =	veq.s32 v15, v3  }
0x359: {  	v63 =	vmpcnt.ones.xlane vm0;
	vm1 =	veq.s32 v11, v3;
	v14 =	vmpcnt.ones.xlane vm3  }
0x35a: {  	v24 =	vsel vm1, $0x1, v0;
	v25 =	vmpcnt.ones.xlane vm1  }
0x35b: {  	s17 =	simm.s32 $0x8020;
	vm6 =	vgt.u32 v13, v3;
	v23 =	vsel vm0, $0x1, v0;
	v13 =	vadd.s32 v8, v63;
	(xrf0) =	vadd.scan.msk.s32 $0xffff, v24  }
0x35c: {  	[tilespmem:s17+$0xFFFFFFE0] =	vst v17;
	v26 =	vsel vm3, $0x1, v0;
	v17 =	vadd.s32 v13, v25;
	(xrf0) =	vadd.scan.msk.s32 $0xffff, v23  }
0x35d: {  	v16 =	vadd.s32 v16, v18;
	vm9 =	vle.s32 v21, v4;
	v21 =	vadd.s32 v17, v14;
	v14, _, _ =	vpop (xrf0);
	(xrf0) =	vadd.scan.msk.s32 $0xffff, v26  }
0x35e: {  	vm8 =	vle.s32 v16, v4  }
0x35f: {  	vm4 =	vmand vm4, vm9;
	vm5 =	vmand vm5, vm8  }
0x360: {  	vm4 =	vmor vm6, vm4;
	vm5 =	vmor vm7, vm5;
	v18 =	vmpcnt.ones.xlane vm2  }
0x361: {  	s19 =	simm.s32 $0x4;
	s20 =	simm.s32 $0xA0;
	s18 =	simm.s32 $0x8020;
	v19 =	vnsel vm4, $0x0, v19;
	v20 =	vnsel vm5, $0x0, v20;
	[tilespmem:s17+$0x0] =	vst v22;
	v14 =	vadd.s32 v21, v14;
	v16, _, _ =	vpop (xrf0)  }
.LBB2_32:
0x362: {  	v22 =	vld [tilespmem:s20+$0xFFFFFFE0];
	s19 =	sadd.s32 $0x4, s19;
	v21 =	vadd.s32 v21, v18;
	v18, _, _ =	vpop (xrf0);
	[tilespmem:s17+$0xFFFFFFF0] =	vst v20;
	s18 =	sadd.s32 $0x40, s18;
	v23 =	vmov v5;
	v20 =	vmov v7  }
0x363: {  	vm4 =	vmmov vm2;
	v5 =	vld [tilespmem:s20+$0x10];
	p0 =	slt.u32 s19, $0x7FC;
	v18 =	vadd.s32 v8, v18;
	v24, _, _ =	vpop (xrf0);
	[tilespmem:s17+$0x10] =	vst v19;
	v8 =	vmov v21;
	s17 =	smov.u32 s18  }
0x364: {  	vm5 =	vmmov vm1;
	v7 =	vld [tilespmem:s20+$0xFFFFFFF0];
	vm2 =	vle.s32 v18, v4;
	v17 =	vadd.s32 v17, v24  }
0x365: {  	vm1 =	vgt.u32 v12, v3;
	v18 =	vld [tilespmem:s20+$0x0];
	vm0 =	vmand vm0, vm2;
	vm2 =	vle.s32 v17, v4  }
0x366: {  	vm0 =	vmor vm1, vm0;
	vm1 =	vgt.u32 v15, v3;
	vm2 =	vmand vm3, vm2  }
0x367: {  	v12 =	vshra.s32 v22, $0x1F;
	v15 =	vnsel vm0, $0x0, v6;
	vm0 =	vmor vm1, vm2;
	v6 =	vmovc v22  }
0x368: {  	v12 =	vor.u32 $0x80000000, v12;
	v17 =	vshra.s32 v5, $0x1F;
	[tilespmem:s18+$0xFFFFFFE0] =	vst v15;
	v19 =	vnsel vm0, $0x0, v10  }
0x369: {  	v12 =	vxor.u32 v6, v12;
	v15 =	vshra.s32 v7, $0x1F;
	v17 =	vor.u32 $0x80000000, v17;
	[tilespmem:s18+$0x0] =	vst v19  }
0x36a: {  	vm0 =	veq.s32 v12, v3;
	v15 =	vor.u32 $0x80000000, v15;
	v17 =	vxor.u32 v5, v17;
	v10 =	vmovc v18  }
0x36b: {  	v19 =	vxor.u32 v7, v15;
	v15 =	vshra.s32 v10, $0x1F;
	vm2 =	veq.s32 v17, v3  }
0x36c: {  	vm1 =	veq.s32 v19, v3;
	v15 =	vor.u32 $0x80000000, v15;
	v18 =	vsel vm2, $0x1, v0  }
0x36d: {  	v22 =	vsel vm1, $0x1, v0;
	v24 =	vmpcnt.ones.xlane vm1;
	v15 =	vxor.u32 v10, v15;
	(xrf0) =	vadd.scan.msk.s32 $0xffff, v18  }
0x36e: {  	v25 =	vmpcnt.ones.xlane vm0;
	v18 =	vsel vm0, $0x1, v0;
	vm3 =	veq.s32 v15, v3;
	(xrf0) =	vadd.scan.msk.s32 $0xffff, v22  }
0x36f: {  	vm6 =	vgt.u32 v9, v3;
	v9 =	vmovc v17;
	v22 =	vsel vm3, $0x1, v0;
	v26 =	vmpcnt.ones.xlane vm3;
	(xrf0) =	vadd.scan.msk.s32 $0xffff, v18  }
.Ltmp25:
0x370: {  	vm7 =	vgt.u32 v11, v3;
	v16 =	vadd.s32 v13, v16;
	v11 =	vmovc v19;
	v18 =	vmpcnt.ones.xlane vm2;
	(xrf0) =	vadd.scan.msk.s32 $0xffff, v22;
	(pc) =	sbr.rel @p0 .LBB2_32-.Ltmp25, $4  }
0x371: {  	vm9 =	vle.s32 v14, v4;
	vm8 =	vle.s32 v16, v4;
	v13 =	vadd.s32 v21, v25  }
0x372: {  	vm4 =	vmand vm4, vm9;
	vm5 =	vmand vm5, vm8;
	v17 =	vadd.s32 v13, v24  }
0x373: {  	vm4 =	vmor vm6, vm4;
	vm5 =	vmor vm7, vm5;
	v21 =	vadd.s32 v17, v26;
	v14, _, _ =	vpop (xrf0)  }
0x374: {  	s20 =	sadd.s32 $0x40, s20;
	v20 =	vnsel vm5, $0x0, v20;
	v19 =	vnsel vm4, $0x0, v23;
	v14 =	vadd.s32 v21, v14;
	v16, _, _ =	vpop (xrf0)  }
0x375: {  	vm2 =	vmmov vm2  }
0x376: {  	v18, _, _ =	vpop (xrf0);
	vm1 =	vmmov vm1;
	vm5 =	vgt.u32 v12, v3;
	vm11 =	vgt.u32 v15, v3  }
0x377: {  	v62 =	vadd.s32 v13, v16;
	vm13 =	vgt.u32 v11, v3;
	v8 =	vadd.s32 v8, v18;
	v60, _, _ =	vpop (xrf0)  }
0x378: {  	vm14 =	vle.s32 v14, v4;
	vm4 =	vle.s32 v8, v4;
	v61 =	vadd.s32 v17, v60  }
0x379: {  	vm15 =	vgt.u32 v9, v3;
	vm0 =	vmand vm0, vm4;
	vm10 =	vle.s32 v61, v4  }
0x37a: {  	[tilespmem:s17+$0xFFFFFFF0] =	vst v20;
	vm12 =	vle.s32 v62, v4;
	vm3 =	vmand vm3, vm10;
	vm0 =	vmor vm5, vm0  }
0x37b: {  	s18 =	sadd.s32 $0x40, s18;
	[tilespmem:s17+$0x10] =	vst v19;
	vm2 =	vmand vm2, vm14;
	vm3 =	vmor vm11, vm3;
	v6 =	vnsel vm0, $0x0, v6  }
0x37c: {  	vm0 =	vmand vm1, vm12;
	vm1 =	vmor vm15, vm2;
	v10 =	vnsel vm3, $0x0, v10;
	[tilespmem:s18+$0xFFFFFFE0] =	vst v6  }
0x37d: {  	vm0 =	vmor vm13, vm0;
	v63 =	vnsel vm1, $0x0, v5;
	[tilespmem:s18+$0x0] =	vst v10  }
0x37e: {  	v3 =	vnsel vm0, $0x0, v7;
	[tilespmem:s18+$0x10] =	vst v63  }
0x37f: {  	[tilespmem:s18+$0xFFFFFFF0] =	vst v3  }
.LBB2_41:
0x380: {  	[hbm4b:s4+s8] =	stream.strided.scatter [tilespmem:s15], [sflag:$0x1], $0x8000, s9, s8, $0x38;
	[tilespmem:$0x1B180] =	vst v63  }
0x381: {  	_ = 	snop  }
0x382: {  	[tilespmem:s2], [sflag:$0x2] =	stream.strided.gather [hbm4b:s5+s8], $0x8000, s9, s8, $0x38;
	[tilespmem:$0x1B180] =	vst v63  }
0x383: {  	_ =	swait.ge [sflag:s10], $0x8000  }
0x384: {  	[sflag:s10] =	ssyncset.done $0x0  }
0x385: {  	s17 =	simm.s32 $0x1A140;
	[sflag:s10] =	ssyncadd.s32 $0xFFFF8000  }
0x386: {  	[tilespmem:s17+$0xFFFFFFC0] =	vst v0  }
0x387: {  	[tilespmem:s17+$0x30] =	vst v0  }
0x388: {  	[tilespmem:s17+$0x20] =	vst v0  }
0x389: {  	[tilespmem:s17+$0x10] =	vst v0  }
0x38a: {  	[tilespmem:s17+$0x0] =	vst v0  }
0x38b: {  	[tilespmem:s17+$0xFFFFFFF0] =	vst v0  }
0x38c: {  	s18 =	simm.s32 $0x0;
	[tilespmem:s17+$0xFFFFFFE0] =	vst v0  }
.LBB2_42:
0x38d: {  	s18 =	sadd.s32 $0x8, s18;
	[tilespmem:s17+$0xFFFFFFD0] =	vst v0;
	s17 =	sadd.s32 $0x80, s17  }
0x38e: {  	[tilespmem:s17+$0xFFFFFFC0] =	vst v0;
	p0 =	slt.u32 s18, $0x100  }
0x38f: {  	[tilespmem:s17+$0x30] =	vst v0  }
.Ltmp26:
0x390: {  	[tilespmem:s17+$0x20] =	vst v0;
	(pc) =	sbr.rel @p0 .LBB2_42-.Ltmp26, $4  }
0x391: {  	[tilespmem:s17+$0x10] =	vst v0  }
0x392: {  	[tilespmem:s17+$0x0] =	vst v0  }
0x393: {  	[tilespmem:s17+$0xFFFFFFF0] =	vst v0  }
0x394: {  	[tilespmem:s17+$0xFFFFFFE0] =	vst v0  }
0x395: {  	[tilespmem:s17+$0xFFFFFFD0] =	vst v0;
	s31 =	simm.s32 $0x40  }
0x396: {  	v3 =	vld [tilespmem:s31+$0x30]  }
0x397: {  	v4 =	vld [tilespmem:s31+$0xFFFFFFD0]  }
0x398: {  	v5 =	vld [tilespmem:s31+$0xFFFFFFE0]  }
0x399: {  	v6 =	vld [tilespmem:s31+$0xFFFFFFF0]  }
0x39a: {  	v7 =	vld [tilespmem:s31+$0x0]  }
0x39b: {  	v8 =	vld [tilespmem:s31+$0x10]  }
0x39c: {  	v11 =	vld [tilespmem:s31+$0x20]  }
0x39d: {  	v12 =	vld [tilespmem:s31+$0xFFFFFFC0];
	_ =	sdelay $0x1  }
0x39e: {  	v9 =	vshra.s32 v3, $0x1F;
	v10 =	vshra.s32 v4, $0x1F;
	v13 =	vshra.s32 v5, $0x1F  }
0x39f: {  	v60 =	vshra.s32 v6, $0x1F;
	v14 =	vshra.s32 v7, $0x1F;
	v9 =	vor.u32 $0x80000000, v9  }
0x3a0: {  	v15 =	vshra.s32 v8, $0x1F;
	v61 =	vshra.s32 v11, $0x1F;
	v3 =	vxor.u32 v3, v9  }
0x3a1: {  	v16 =	vshra.s32 v12, $0x1F;
	v10 =	vor.u32 $0x80000000, v10;
	v3 =	vshrl.u32 v3, $0x14  }
0x3a2: {  	v14 =	vor.u32 $0x80000000, v14;
	v62 =	vor.u32 $0x80000000, v16;
	v3 =	vand.u32 $0xFF0, v3  }
0x3a3: {  	v9 =	vor.u32 $0x80000000, v13;
	v13 =	vor.u32 $0x80000000, v60;
	v3 =	vor.u32 v1, v3  }
0x3a4: {  	v10 =	vxor.u32 v4, v10;
	v4 =	vor.u32 $0x80000000, v15;
	v7 =	vxor.u32 v7, v14  }
0x3a5: {  	v5 =	vxor.u32 v5, v9;
	v9 =	vor.u32 $0x80000000, v61;
	v13 =	vxor.u32 v6, v13  }
0x3a6: {  	v6 =	vxor.u32 v12, v62;
	v63 =	vxor.u32 v8, v4;
	v10 =	vshrl.u32 v10, $0x14  }
0x3a7: {  	v7 =	vshrl.u32 v7, $0x14;
	v4 =	vxor.u32 v11, v9;
	v9 =	vshrl.u32 v6, $0x14  }
0x3a8: {  	s17 =	simm.s32 $0x0;
	s18 =	simm.s32 $0xC0;
	v6 =	vshrl.u32 v5, $0x14;
	v8 =	vshrl.u32 v13, $0x14;
	v5 =	vshrl.u32 v63, $0x14;
	[tilespmem:v3+s11+$0x0] =	vst.idx.add.s32.msk $0xffff, v2  }
.LBB2_44:
0x3a9: {  	v11 =	vld [tilespmem:s18+$0x30];
	s17 =	sadd.s32 $0x8, s17;
	v3 =	vand.u32 $0xFF0, v9;
	v9 =	vand.u32 $0xFF0, v10;
	v4 =	vshrl.u32 v4, $0x14  }
0x3aa: {  	v6 =	vand.u32 $0xFF0, v6;
	v8 =	vand.u32 $0xFF0, v8;
	v7 =	vand.u32 $0xFF0, v7;
	v10 =	vld [tilespmem:s18+$0xFFFFFFD0];
	p0 =	slt.u32 s17, $0x7F8  }
0x3ab: {  	v13 =	vor.u32 v1, v3;
	v3 =	vand.u32 $0xFF0, v5;
	v4 =	vand.u32 $0xFF0, v4;
	v12 =	vld [tilespmem:s18+$0xFFFFFFE0]  }
0x3ac: {  	v9 =	vor.u32 v1, v9;
	v6 =	vor.u32 v1, v6;
	v8 =	vor.u32 v1, v8;
	v5 =	vld [tilespmem:s18+$0xFFFFFFF0]  }
0x3ad: {  	v7 =	vor.u32 v1, v7;
	v15 =	vor.u32 v1, v3;
	v16 =	vor.u32 v1, v4;
	v14 =	vld [tilespmem:s18+$0x0]  }
0x3ae: {  	v4 =	vld [tilespmem:s18+$0x10];
	v3 =	vshra.s32 v11, $0x1F  }
0x3af: {  	v17 =	vshra.s32 v10, $0x1F;
	v18 =	vld [tilespmem:s18+$0x20];
	v19 =	vor.u32 $0x80000000, v3;
	v3 =	vimm.s32 $0x0  }
0x3b0: {  	v20 =	vld [tilespmem:s18+$0xFFFFFFC0];
	v17 =	vor.u32 $0x80000000, v17;
	v21 =	vshra.s32 v12, $0x1F;
	v11 =	vxor.u32 v11, v19  }
0x3b1: {  	v19 =	vor.u32 $0x80000000, v21;
	v21 =	vshra.s32 v5, $0x1F;
	v11 =	vshrl.u32 v11, $0x14;
	[tilespmem:v13+s11+$0x0] =	vst.idx.add.s32.msk $0xffff, v2  }
0x3b2: {  	v13 =	vor.u32 $0x80000000, v21;
	v21 =	vshra.s32 v14, $0x1F;
	v11 =	vand.u32 $0xFF0, v11;
	[tilespmem:v9+s11+$0x0] =	vst.idx.add.s32.msk $0xffff, v2  }
0x3b3: {  	v9 =	vor.u32 $0x80000000, v21;
	v21 =	vshra.s32 v4, $0x1F;
	v11 =	vor.u32 v1, v11;
	[tilespmem:v6+s11+$0x0] =	vst.idx.add.s32.msk $0xffff, v2  }
0x3b4: {  	v6 =	vxor.u32 v10, v17;
	v10 =	vor.u32 $0x80000000, v21;
	v17 =	vshra.s32 v18, $0x1F;
	[tilespmem:v8+s11+$0x0] =	vst.idx.add.s32.msk $0xffff, v2  }
.Ltmp27:
0x3b5: {  	v12 =	vxor.u32 v12, v19;
	v8 =	vshra.s32 v20, $0x1F;
	v17 =	vor.u32 $0x80000000, v17;
	[tilespmem:v7+s11+$0x0] =	vst.idx.add.s32.msk $0xffff, v2;
	(pc) =	sbr.rel @p0 .LBB2_44-.Ltmp27, $4  }
0x3b6: {  	v5 =	vxor.u32 v5, v13;
	v13 =	vxor.u32 v14, v9;
	v7 =	vor.u32 $0x80000000, v8;
	[tilespmem:v15+s11+$0x0] =	vst.idx.add.s32.msk $0xffff, v2  }
0x3b7: {  	v14 =	vxor.u32 v4, v10;
	v4 =	vxor.u32 v18, v17;
	v7 =	vxor.u32 v20, v7  }
0x3b8: {  	s19 =	simm.s32 $0x1B0F0;
	v10 =	vshrl.u32 v6, $0x14;
	v6 =	vshrl.u32 v12, $0x14;
	v9 =	vshrl.u32 v7, $0x14;
	[tilespmem:v11+s11+$0x0] =	vst.idx.add.s32.msk $0xffff, v2  }
0x3b9: {  	s18 =	sadd.s32 $0x80, s18;
	v8 =	vshrl.u32 v5, $0x14;
	v5 =	vshrl.u32 v14, $0x14;
	v7 =	vshrl.u32 v13, $0x14;
	[tilespmem:v16+s11+$0x0] =	vst.idx.add.s32.msk $0xffff, v2  }
0x3ba: {  	v9 =	vand.u32 $0xFF0, v9  }
0x3bb: {  	v10 =	vand.u32 $0xFF0, v10;
	v9 =	vor.u32 v1, v9  }
0x3bc: {  	v6 =	vand.u32 $0xFF0, v6;
	v10 =	vor.u32 v1, v10  }
0x3bd: {  	v8 =	vand.u32 $0xFF0, v8;
	v6 =	vor.u32 v1, v6  }
0x3be: {  	v7 =	vand.u32 $0xFF0, v7;
	v8 =	vor.u32 v1, v8  }
0x3bf: {  	v4 =	vshrl.u32 v4, $0x14;
	v5 =	vand.u32 $0xFF0, v5;
	v7 =	vor.u32 v1, v7  }
0x3c0: {  	v4 =	vand.u32 $0xFF0, v4;
	v5 =	vor.u32 v1, v5;
	[tilespmem:v9+s11+$0x0] =	vst.idx.add.s32.msk $0xffff, v2  }
0x3c1: {  	v4 =	vor.u32 v1, v4;
	[tilespmem:v10+s11+$0x0] =	vst.idx.add.s32.msk $0xffff, v2  }
0x3c2: {  	[tilespmem:v6+s11+$0x0] =	vst.idx.add.s32.msk $0xffff, v2  }
0x3c3: {  	[tilespmem:v8+s11+$0x0] =	vst.idx.add.s32.msk $0xffff, v2  }
0x3c4: {  	[tilespmem:v7+s11+$0x0] =	vst.idx.add.s32.msk $0xffff, v2  }
0x3c5: {  	[tilespmem:v5+s11+$0x0] =	vst.idx.add.s32.msk $0xffff, v2  }
0x3c6: {  	[tilespmem:v4+s11+$0x0] =	vst.idx.add.s32.msk $0xffff, v2  }
0x3c7: {  	v5 =	vld [tilespmem:s19+$0x0]  }
0x3c8: {  	v6 =	vld [tilespmem:s19+$0xFFFFFFF0]  }
0x3c9: {  	v7 =	vld [tilespmem:s19+$0xFFFFFFE0]  }
0x3ca: {  	v8 =	vld [tilespmem:s19+$0xFFFFFFD0]  }
0x3cb: {  	s17 =	simm.s32 $0x1B0B0  }
0x3cc: {  	v4 =	vld [tilespmem:s17+$0xFFFFFFD0];
	v5 =	vadd.s32 v3, v5  }
0x3cd: {  	v3 =	vld [tilespmem:s17+$0x0];
	[tilespmem:s19+$0x0] =	vst v5;
	v6 =	vadd.s32 v5, v6  }
0x3ce: {  	v5 =	vld [tilespmem:s17+$0xFFFFFFF0];
	[tilespmem:s19+$0xFFFFFFF0] =	vst v6;
	v7 =	vadd.s32 v6, v7  }
0x3cf: {  	s18 =	simm.s32 $0x4;
	s20 =	simm.s32 $0x1B070;
	v6 =	vld [tilespmem:s17+$0xFFFFFFE0];
	[tilespmem:s19+$0xFFFFFFE0] =	vst v7;
	v7 =	vadd.s32 v7, v8  }
.LBB2_46:
0x3d0: {  	s18 =	sadd.s32 $0x4, s18  }
0x3d1: {  	v8 =	vld [tilespmem:s20+$0xFFFFFFD0];
	[tilespmem:s19+$0xFFFFFFD0] =	vst v7;
	s19 =	smov.u32 s17;
	s17 =	smov.u32 s20;
	p0 =	slt.u32 s18, $0xFC  }
.Ltmp28:
0x3d2: {  	(pc) =	sbr.rel @p0 .LBB2_46-.Ltmp28, $4  }
0x3d3: {  	v7 =	vadd.s32 v7, v3  }
0x3d4: {  	v3 =	vld [tilespmem:s20+$0x0];
	[tilespmem:s19+$0x0] =	vst v7;
	v7 =	vadd.s32 v7, v5  }
0x3d5: {  	v5 =	vld [tilespmem:s20+$0xFFFFFFF0];
	[tilespmem:s19+$0xFFFFFFF0] =	vst v7;
	v7 =	vadd.s32 v7, v6  }
0x3d6: {  	s20 =	sadd.s32 $0xFFFFFFC0, s20;
	v6 =	vld [tilespmem:s17+$0xFFFFFFE0];
	[tilespmem:s19+$0xFFFFFFE0] =	vst v7;
	v7 =	vadd.s32 v7, v4;
	v4 =	vmov v8  }
0x3d7: {  	_ =	sdelay $0x1  }
0x3d8: {  	[tilespmem:s19+$0xFFFFFFD0] =	vst v7;
	v3 =	vadd.s32 v7, v3  }
0x3d9: {  	[tilespmem:s17+$0x0] =	vst v3;
	v3 =	vadd.s32 v3, v5  }
0x3da: {  	[tilespmem:s17+$0xFFFFFFF0] =	vst v3;
	v3 =	vadd.s32 v3, v6  }
0x3db: {  	[tilespmem:s17+$0xFFFFFFE0] =	vst v3;
	v3 =	vadd.s32 v3, v4  }
0x3dc: {  	[tilespmem:s17+$0xFFFFFFD0] =	vst v3  }
0x3dd: {  	v3 =	vld [tilespmem:$0x1A900];
	_ =	sdelay $0x4  }
0x3de: {  	(xrf0) =	vadd.scan.msk.s32 $0xffff, v3;
	_ =	sdelay $0x5  }
0x3df: {  	v3, _, _ =	vpop (xrf0)  }
0x3e0: {  	(v2sf) =	vpush v3, $0xF;
	_ =	sdelay $0xe  }
0x3e1: {  	s21 =	spop (v2sf)  }
0x3e2: {  	s17 =	simm.s32 $0x80;
	p0 =	sgt.s32 s21, $0x3F  }
0x3e3: {  	s17 =	simm.s32 @!p0 $0x0  }
0x3e4: {  	s18 =	sor.u32 $0x40, s17  }
0x3e5: {  	s22 =	sshll.u32 s18, $0x4  }
0x3e6: {  	v3 =	vld [tilespmem:s22+$0x1A100];
	_ =	sdelay $0x4  }
0x3e7: {  	(xrf0) =	vadd.scan.msk.s32 $0xffff, v3;
	_ =	sdelay $0x5  }
0x3e8: {  	v3, _, _ =	vpop (xrf0)  }
0x3e9: {  	(v2sf) =	vpush v3, $0xF;
	_ =	sdelay $0xe  }
0x3ea: {  	s23 =	spop (v2sf)  }
0x3eb: {  	p0 =	sgt.s32 s23, $0x3F  }
0x3ec: {  	s17 =	smov.u32 @p0 s18  }
0x3ed: {  	s18 =	sor.u32 $0x20, s17  }
0x3ee: {  	s24 =	sshll.u32 s18, $0x4  }
0x3ef: {  	v3 =	vld [tilespmem:s24+$0x1A100];
	_ =	sdelay $0x4  }
0x3f0: {  	(xrf0) =	vadd.scan.msk.s32 $0xffff, v3;
	_ =	sdelay $0x5  }
0x3f1: {  	v3, _, _ =	vpop (xrf0)  }
0x3f2: {  	(v2sf) =	vpush v3, $0xF;
	_ =	sdelay $0xe  }
0x3f3: {  	s25 =	spop (v2sf)  }
0x3f4: {  	p0 =	sgt.s32 s25, $0x3F  }
0x3f5: {  	s17 =	smov.u32 @p0 s18  }
0x3f6: {  	s18 =	sor.u32 $0x10, s17  }
0x3f7: {  	s26 =	sshll.u32 s18, $0x4  }
0x3f8: {  	s19 =	sand.u32 $0x3FFFFFF0, s26  }
0x3f9: {  	v3 =	vld [tilespmem:s19+$0x1A100];
	_ =	sdelay $0x4  }
0x3fa: {  	(xrf0) =	vadd.scan.msk.s32 $0xffff, v3;
	_ =	sdelay $0x5  }
0x3fb: {  	v3, _, _ =	vpop (xrf0)  }
0x3fc: {  	(v2sf) =	vpush v3, $0xF;
	_ =	sdelay $0xe  }
0x3fd: {  	s28 =	spop (v2sf)  }
0x3fe: {  	p0 =	sgt.s32 s28, $0x3F  }
0x3ff: {  	s17 =	smov.u32 @p0 s18  }
0x400: {  	s18 =	sadd.s32 $0x8, s17  }
0x401: {  	s29 =	sshll.u32 s18, $0x4  }
0x402: {  	s19 =	sand.u32 $0x3FFFFFF0, s29  }
0x403: {  	v3 =	vld [tilespmem:s19+$0x1A100];
	_ =	sdelay $0x4  }
0x404: {  	(xrf0) =	vadd.scan.msk.s32 $0xffff, v3;
	_ =	sdelay $0x5  }
0x405: {  	v3, _, _ =	vpop (xrf0)  }
0x406: {  	(v2sf) =	vpush v3, $0xF;
	_ =	sdelay $0xe  }
0x407: {  	s30 =	spop (v2sf)  }
0x408: {  	p0 =	sgt.s32 s30, $0x3F  }
0x409: {  	s17 =	smov.u32 @p0 s18  }
0x40a: {  	s18 =	sadd.s32 $0x4, s17  }
0x40b: {  	s31 =	sshll.u32 s18, $0x4  }
0x40c: {  	s19 =	sand.u32 $0x3FFFFFF0, s31  }
0x40d: {  	v3 =	vld [tilespmem:s19+$0x1A100];
	_ =	sdelay $0x4  }
0x40e: {  	(xrf0) =	vadd.scan.msk.s32 $0xffff, v3;
	_ =	sdelay $0x5  }
0x40f: {  	v3, _, _ =	vpop (xrf0)  }
0x410: {  	(v2sf) =	vpush v3, $0xF;
	_ =	sdelay $0xe  }
0x411: {  	s20 =	spop (v2sf)  }
0x412: {  	p0 =	sgt.s32 s20, $0x3F  }
0x413: {  	s17 =	smov.u32 @p0 s18  }
0x414: {  	s18 =	sadd.s32 $0x2, s17  }
0x415: {  	s21 =	sshll.u32 s18, $0x4  }
0x416: {  	s19 =	sand.u32 $0x3FFFFFF0, s21  }
0x417: {  	v3 =	vld [tilespmem:s19+$0x1A100];
	_ =	sdelay $0x4  }
0x418: {  	(xrf0) =	vadd.scan.msk.s32 $0xffff, v3;
	_ =	sdelay $0x5  }
0x419: {  	v3, _, _ =	vpop (xrf0)  }
0x41a: {  	(v2sf) =	vpush v3, $0xF;
	_ =	sdelay $0xe  }
0x41b: {  	s22 =	spop (v2sf)  }
0x41c: {  	p0 =	sgt.s32 s22, $0x3F  }
0x41d: {  	s17 =	smov.u32 @p0 s18  }
0x41e: {  	s18 =	sadd.s32 $0x1, s17  }
0x41f: {  	s23 =	sshll.u32 s18, $0x4  }
0x420: {  	s19 =	sand.u32 $0x3FFFFFF0, s23  }
0x421: {  	v3 =	vld [tilespmem:s19+$0x1A100];
	_ =	sdelay $0x4  }
0x422: {  	(xrf0) =	vadd.scan.msk.s32 $0xffff, v3;
	_ =	sdelay $0x5  }
0x423: {  	v3, _, _ =	vpop (xrf0)  }
0x424: {  	(v2sf) =	vpush v3, $0xF;
	_ =	sdelay $0xe  }
0x425: {  	s24 =	spop (v2sf)  }
0x426: {  	p0 =	sgt.s32 s24, $0x3F  }
0x427: {  	s17 =	smov.u32 @p0 s18  }
0x428: {  	s18 =	sshll.u32 s17, $0x4  }
0x429: {  	s18 =	sand.u32 $0x3FFFFFF0, s18  }
0x42a: {  	v4 =	vld [tilespmem:s18+$0x1A110];
	_ =	swait.ge [sflag:s14], $0x8000  }
0x42b: {  	[sflag:s14] =	ssyncset.done $0x0  }
0x42c: {  	s25 =	simm.s32 $0x20;
	[sflag:s14] =	ssyncadd.s32 $0xFFFF8000  }
0x42d: {  	v7 =	vld [tilespmem:s25+$0xFFFFFFF0]  }
0x42e: {  	v5 =	vld [tilespmem:s25+$0x10]  }
0x42f: {  	v8 =	vld [tilespmem:s25+$0x0]  }
0x430: {  	v9 =	vld [tilespmem:s25+$0xFFFFFFE0];
	_ =	sdelay $0x1  }
0x431: {  	s28 =	simm.s32 $0x10  }
0x432: {  	v12 =	vimm.s32 $0x0;
	v22 =	vor.u32 s28, v1  }
0x433: {  	v3 =	vmov s17;
	v6 =	vshra.s32 v7, $0x1F;
	v10 =	vshra.s32 v5, $0x1F  }
0x434: {  	v11 =	vshra.s32 v8, $0x1F;
	v15 =	vshra.s32 v9, $0x1F;
	v10 =	vor.u32 $0x80000000, v10  }
0x435: {  	v6 =	vor.u32 $0x80000000, v6;
	v15 =	vor.u32 $0x80000000, v15;
	v10 =	vxor.u32 v5, v10  }
0x436: {  	v13 =	vxor.u32 v7, v6;
	v6 =	vor.u32 $0x80000000, v11;
	v11 =	vshrl.u32 v10, $0x18  }
0x437: {  	v14 =	vshrl.u32 v13, $0x18;
	v16 =	vxor.u32 v8, v6;
	vm0 =	veq.s32 v11, v3  }
0x438: {  	vm1 =	veq.s32 v14, v3;
	v18 =	vshrl.u32 v16, $0x18;
	v6 =	vsel vm0, $0x1, v0  }
0x439: {  	s29 =	simm.s32 $0x0;
	v19 =	vxor.u32 v9, v15;
	v17 =	vsel vm1, $0x1, v0;
	vm3 =	veq.s32 v18, v3;
	(xrf0) =	vadd.scan.msk.s32 $0xffff, v6  }
0x43a: {  	v23 =	vor.u32 s29, v1;
	v15 =	vshrl.u32 v19, $0x18;
	v20 =	vsel vm3, $0x1, v0;
	(xrf0) =	vadd.scan.msk.s32 $0xffff, v17  }
0x43b: {  	vm2 =	veq.s32 v15, v3;
	vm4 =	vgt.u32 v15, v3;
	vm5 =	vgt.u32 v11, v3;
	(xrf0) =	vadd.scan.msk.s32 $0xffff, v20  }
0x43c: {  	v21 =	vmpcnt.ones.xlane vm1;
	v15 =	vmpcnt.ones.xlane vm2;
	v20 =	vsel vm2, $0x1, v0  }
0x43d: {  	s26 =	simm.s32 $0x20;
	s31 =	simm.s32 $0x60;
	v9 =	vnsel vm4, $0x0, v9;
	vm4 =	vgt.u32 v18, v3;
	v18 =	vnsel vm5, $0x0, v5;
	(xrf0) =	vadd.scan.msk.s32 $0xffff, v20  }
0x43e: {  	s20 =	simm.s32 $0x60;
	v5 =	vor.u32 s31, v1;
	v6 =	vor.u32 s26, v1;
	vm3 =	vmmov vm3  }
0x43f: {  	s30 =	simm.s32 $0x30;
	v17 =	vmpcnt.ones.xlane vm0;
	v11 =	vadd.s32 v12, v15;
	v15 =	vnsel vm4, $0x0, v8;
	v8 =	vld [tilespmem:s20+$0xFFFFFFF0];
	v20, _, _ =	vpop (xrf0)  }
0x440: {  	v25 =	vld [tilespmem:s20+$0x10];
	vm4 =	vgt.u32 v14, v3;
	v14 =	vor.u32 s30, v1;
	v26 =	vmpcnt.ones.xlane vm3;
	v24, _, _ =	vpop (xrf0)  }
0x441: {  	v27 =	vld [tilespmem:s20+$0x0];
	v7 =	vnsel vm4, $0x0, v7;
	v24 =	vadd.s32 v24, v11;
	v11 =	vadd.s32 v11, v21;
	v21, _, _ =	vpop (xrf0)  }
0x442: {  	s18 =	simm.s32 $0x8020;
	v24 =	vadd.s32 $0xFFFFFFFF, v24;
	v21 =	vadd.s32 v21, v11;
	v26 =	vadd.s32 v11, v26  }
0x443: {  	[tilespmem:s18+$0x0] =	vst v15;
	vm4 =	vlt.s32 v24, $0x2000;
	v11 =	vadd.s32 $0xFFFFFFFF, v21;
	v15 =	vadd.s32 v20, v26;
	v20, _, _ =	vpop (xrf0)  }
0x444: {  	v21 =	vshra.s32 v8, $0x1F;
	vm4 =	vmand vm1, vm4;
	v12 =	vadd.s32 v20, v12  }
0x445: {  	v28 =	vld [tilespmem:s20+$0xFFFFFFE0];
	[tilespmem:s18+$0xFFFFFFF0] =	vst v7;
	v20 =	vadd.s32 $0xFFFFFFFF, v15;
	v7 =	vor.u32 $0x80000000, v21;
	v15 =	vshra.s32 v25, $0x1F  }
0x446: {  	vm8 =	vlt.s32 v11, $0x2000;
	v21 =	vadd.s32 $0xFFFFFFFF, v12;
	v12 =	vshra.s32 v27, $0x1F  }
0x447: {  	[tilespmem:s18+$0xFFFFFFE0] =	vst v9;
	v15 =	vor.u32 $0x80000000, v15;
	v9 =	vxor.u32 v8, v7;
	vm6 =	vlt.s32 v20, $0x2000  }
0x448: {  	[tilespmem:s18+$0x10] =	vst v18;
	vm5 =	vlt.s32 v21, $0x2000;
	v7 =	vxor.u32 v25, v15;
	v15 =	vshrl.u32 v9, $0x18  }
0x449: {  	v12 =	vor.u32 $0x80000000, v12;
	vm6 =	vmand vm0, vm6;
	[tilespmem:v24+s12+$0x0] =	vst.idx.msk vm1, v13;
	vm7 =	vmand vm2, vm5  }
0x44a: {  	vm1 =	veq.s32 v15, v3;
	v18 =	vshrl.u32 v7, $0x18;
	v13 =	vshra.s32 v28, $0x1F;
	[tilespmem:v11+s12+$0x0] =	vst.idx.msk vm3, v16  }
0x44b: {  	v12 =	vxor.u32 v27, v12;
	v13 =	vor.u32 $0x80000000, v13;
	[tilespmem:v20+s12+$0x0] =	vst.idx.msk vm0, v10;
	vm0 =	veq.s32 v18, v3  }
0x44c: {  	v13 =	vxor.u32 v28, v13;
	[tilespmem:v21+s12+$0x0] =	vst.idx.msk vm2, v19;
	v16 =	vsel vm0, $0x1, v0;
	v10 =	vmpcnt.ones.xlane vm0  }
0x44d: {  	[tilespmem:v24+s13+$0x0] =	vst.idx.msk vm4, v22;
	v19 =	vsel vm1, $0x1, v0;
	v22 =	vshrl.u32 v12, $0x18;
	(xrf0) =	vadd.scan.msk.s32 $0xffff, v16  }
0x44e: {  	vm4 =	vmand vm3, vm8;
	v16 =	vadd.s32 v26, v17;
	v17 =	vshrl.u32 v13, $0x18  }
0x44f: {  	vm5 =	veq.s32 v22, v3;
	vm3 =	vgt.u32 v22, v3;
	(xrf0) =	vadd.scan.msk.s32 $0xffff, v19;
	vm2 =	veq.s32 v17, v3  }
0x450: {  	s21 =	simm.s32 $0x50;
	v19 =	vmpcnt.ones.xlane vm1;
	v63 =	vsel vm5, $0x1, v0;
	[tilespmem:v21+s13+$0x0] =	vst.idx.msk vm7, v23;
	v21 =	vsel vm2, $0x1, v0  }
0x451: {  	[tilespmem:v20+s13+$0x0] =	vst.idx.msk vm6, v14;
	v14 =	vor.u32 s21, v1;
	(xrf0) =	vadd.scan.msk.s32 $0xffff, v63;
	v23 =	vmpcnt.ones.xlane vm2  }
0x452: {  	s22 =	simm.s32 $0xA0;
	s23 =	simm.s32 $0x70;
	vm6 =	vgt.u32 v18, v3;
	v20 =	vnsel vm3, $0x0, v27;
	vm7 =	vgt.u32 v17, v3  }
0x453: {  	s19 =	simm.s32 $0x40;
	s20 =	simm.s32 $0x4;
	s21 =	simm.s32 $0x80;
	v18 =	vnsel vm6, $0x0, v25;
	v17 =	vnsel vm7, $0x0, v28;
	(xrf0) =	vadd.scan.msk.s32 $0xffff, v21;
	v22 =	vadd.s32 v16, v23;
	v21, _, _ =	vpop (xrf0)  }
.LBB2_48:
0x454: {  	s24 =	sadd.s32 $0x20, s21;
	v24 =	vor.u32 s19, v1  }
0x455: {  	v23 =	vld [tilespmem:s22+$0xFFFFFFF0];
	s20 =	sadd.s32 $0x4, s20;
	vm6 =	vgt.u32 v15, v3;
	v25 =	vor.u32 s23, v1;
	v15, _, _ =	vpop (xrf0);
	s18 =	sadd.s32 $0x40, s18;
	vm3 =	vmmov vm5;
	s19 =	smov.u32 s21  }
0x456: {  	v26 =	vor.u32 s24, v1;
	v27 =	vld [tilespmem:s22+$0x10];
	p0 =	slt.u32 s20, $0x7FC;
	v15 =	vadd.s32 v15, v22;
	v28 =	vmpcnt.ones.xlane vm3  }
0x457: {  	v8 =	vnsel vm6, $0x0, v8;
	v29 =	vld [tilespmem:s22+$0x0];
	v30 =	vadd.s32 $0xFFFFFFFF, v15;
	v15 =	vadd.s32 v22, v19;
	v19, _, _ =	vpop (xrf0);
	[tilespmem:v11+s13+$0x0] =	vst.idx.msk vm4, v6  }
0x458: {  	v6 =	vmovc v5;
	v5 =	vmovc v26;
	v22 =	vld [tilespmem:s22+$0xFFFFFFE0];
	vm4 =	vlt.s32 v30, $0x2000;
	v11 =	vadd.s32 v19, v15;
	v19 =	vadd.s32 v15, v28  }
0x459: {  	vm4 =	vmand vm1, vm4;
	[tilespmem:s18+$0x0] =	vst v20;
	v11 =	vadd.s32 $0xFFFFFFFF, v11;
	v15 =	vadd.s32 v21, v19;
	v20, _, _ =	vpop (xrf0)  }
0x45a: {  	v21 =	vshra.s32 v23, $0x1F;
	v16 =	vadd.s32 v20, v16;
	[tilespmem:s18+$0xFFFFFFF0] =	vst v8;
	v20 =	vadd.s32 $0xFFFFFFFF, v15;
	v8 =	vmovc v23  }
0x45b: {  	v15 =	vor.u32 $0x80000000, v21;
	v21 =	vshra.s32 v27, $0x1F;
	[tilespmem:s18+$0xFFFFFFE0] =	vst v17;
	v17 =	vadd.s32 $0xFFFFFFFF, v16  }
0x45c: {  	v16 =	vshra.s32 v29, $0x1F;
	v21 =	vor.u32 $0x80000000, v21;
	vm5 =	vlt.s32 v17, $0x2000;
	[tilespmem:v30+s12+$0x0] =	vst.idx.msk vm1, v9  }
0x45d: {  	vm6 =	vlt.s32 v20, $0x2000;
	v9 =	vxor.u32 v8, v15;
	v21 =	vxor.u32 v27, v21;
	[tilespmem:s18+$0x10] =	vst v18  }
0x45e: {  	v15 =	vshrl.u32 v9, $0x18;
	v16 =	vor.u32 $0x80000000, v16;
	vm7 =	vmand vm2, vm5;
	[tilespmem:v11+s12+$0x0] =	vst.idx.msk vm3, v12  }
0x45f: {  	vm6 =	vmand vm0, vm6;
	vm1 =	veq.s32 v15, v3;
	v18 =	vshrl.u32 v21, $0x18;
	[tilespmem:v20+s12+$0x0] =	vst.idx.msk vm0, v7;
	v7 =	vmovc v21  }
0x460: {  	vm8 =	vlt.s32 v11, $0x2000;
	v21 =	vshra.s32 v22, $0x1F;
	vm0 =	veq.s32 v18, v3;
	[tilespmem:v17+s12+$0x0] =	vst.idx.msk vm2, v13  }
0x461: {  	v12 =	vxor.u32 v29, v16;
	v13 =	vsel vm0, $0x1, v0;
	v23 =	vmpcnt.ones.xlane vm0;
	[tilespmem:v30+s13+$0x0] =	vst.idx.msk vm4, v14  }
0x462: {  	v16 =	vsel vm1, $0x1, v0;
	v14 =	vor.u32 $0x80000000, v21;
	v21 =	vshrl.u32 v12, $0x18;
	(xrf0) =	vadd.scan.msk.s32 $0xffff, v13  }
0x463: {  	v13 =	vxor.u32 v22, v14;
	vm5 =	veq.s32 v21, v3;
	(xrf0) =	vadd.scan.msk.s32 $0xffff, v16;
	v16 =	vadd.s32 v19, v10  }
.Ltmp29:
0x464: {  	v14 =	vshrl.u32 v13, $0x18;
	v19 =	vmpcnt.ones.xlane vm1;
	v26 =	vsel vm5, $0x1, v0;
	v10 =	vmovc v23;
	[tilespmem:v17+s13+$0x0] =	vst.idx.msk vm7, v24;
	(pc) =	sbr.rel @p0 .LBB2_48-.Ltmp29, $4  }
0x465: {  	vm4 =	vmand vm3, vm8;
	vm7 =	vgt.u32 v14, v3;
	vm2 =	veq.s32 v14, v3;
	(xrf0) =	vadd.scan.msk.s32 $0xffff, v26  }
0x466: {  	s23 =	sadd.s32 $0x10, s21;
	v17 =	vnsel vm7, $0x0, v22;
	v22 =	vsel vm2, $0x1, v0;
	v23 =	vmpcnt.ones.xlane vm2;
	[tilespmem:v20+s13+$0x0] =	vst.idx.msk vm6, v25  }
0x467: {  	vm3 =	vgt.u32 v21, v3;
	v14 =	vor.u32 s23, v1;
	vm6 =	vgt.u32 v18, v3;
	(xrf0) =	vadd.scan.msk.s32 $0xffff, v22  }
0x468: {  	s21 =	sadd.s32 $0x40, s21;
	s22 =	sadd.s32 $0x40, s22;
	s23 =	sadd.s32 $0x30, s19;
	v20 =	vnsel vm3, $0x0, v29;
	v22 =	vadd.s32 v16, v23;
	v18 =	vnsel vm6, $0x0, v27;
	v21, _, _ =	vpop (xrf0)  }
0x469: {  	_ =	sdelay $0x1  }
0x46a: {  	v23, _, _ =	vpop (xrf0);
	vm3 =	vmmov vm5  }
0x46b: {  	v23 =	vadd.s32 v23, v22;
	v24 =	vmpcnt.ones.xlane vm3  }
0x46c: {  	v19 =	vadd.s32 v22, v19;
	vm12 =	vgt.u32 v15, v3;
	v59, _, _ =	vpop (xrf0);
	v23 =	vadd.s32 $0xFFFFFFFF, v23  }
0x46d: {  	s18 =	sadd.s32 $0x40, s18;
	[tilespmem:v11+s13+$0x0] =	vst.idx.msk vm4, v6;
	v8 =	vnsel vm12, $0x0, v8;
	v22 =	vadd.s32 v59, v19;
	v3 =	vadd.s32 v19, v24  }
0x46e: {  	[tilespmem:s18+$0x0] =	vst v20;
	vm13 =	vlt.s32 v23, $0x2000;
	v6 =	vadd.s32 $0xFFFFFFFF, v22;
	v60, _, _ =	vpop (xrf0);
	v61 =	vadd.s32 v21, v3  }
0x46f: {  	[tilespmem:s18+$0xFFFFFFE0] =	vst v17;
	vm4 =	vmand vm1, vm13;
	v11 =	vadd.s32 v60, v16;
	v62 =	vadd.s32 $0xFFFFFFFF, v61  }
0x470: {  	[tilespmem:s18+$0xFFFFFFF0] =	vst v8;
	v11 =	vadd.s32 $0xFFFFFFFF, v11;
	vm15 =	vlt.s32 v62, $0x2000  }
0x471: {  	vm14 =	vlt.s32 v11, $0x2000;
	[tilespmem:v23+s12+$0x0] =	vst.idx.msk vm1, v9;
	vm1 =	vmand vm0, vm15  }
0x472: {  	[tilespmem:s18+$0x10] =	vst v18;
	vm6 =	vlt.s32 v6, $0x2000;
	vm5 =	vmand vm2, vm14  }
0x473: {  	[tilespmem:v6+s12+$0x0] =	vst.idx.msk vm3, v12;
	vm3 =	vmand vm3, vm6  }
0x474: {  	[tilespmem:v62+s12+$0x0] =	vst.idx.msk vm0, v7  }
0x475: {  	[tilespmem:v23+s13+$0x0] =	vst.idx.msk vm4, v14  }
0x476: {  	v63 =	vor.u32 s23, v1;
	[tilespmem:v11+s12+$0x0] =	vst.idx.msk vm2, v13  }
0x477: {  	v7 =	vor.u32 s19, v1;
	[tilespmem:v62+s13+$0x0] =	vst.idx.msk vm1, v63  }
0x478: {  	[tilespmem:v11+s13+$0x0] =	vst.idx.msk vm5, v7  }
0x479: {  	s18 =	simm.s32 $0x1A140;
	[tilespmem:v6+s13+$0x0] =	vst.idx.msk vm3, v5  }
0x47a: {  	[tilespmem:s18+$0xFFFFFFC0] =	vst v0  }
0x47b: {  	p0 =	por $0x1, $0x1;
	[tilespmem:s18+$0x30] =	vst v0  }
.Ltmp30:
0x47c: {  	[tilespmem:s18+$0x20] =	vst v0;
	(pc) =	sbr.rel @!p0 .LBB2_51-.Ltmp30, $4  }
0x47d: {  	[tilespmem:s18+$0x10] =	vst v0  }
0x47e: {  	[tilespmem:s18+$0x0] =	vst v0  }
0x47f: {  	[tilespmem:s18+$0xFFFFFFF0] =	vst v0  }
0x480: {  	v3 =	vadd.s32 v3, v10;
	s19 =	simm.s32 $0x0;
	[tilespmem:s18+$0xFFFFFFE0] =	vst v0  }
.LBB2_50:
0x481: {  	s19 =	sadd.s32 $0x8, s19;
	[tilespmem:s18+$0xFFFFFFD0] =	vst v0;
	s18 =	sadd.s32 $0x80, s18  }
0x482: {  	[tilespmem:s18+$0xFFFFFFC0] =	vst v0;
	p0 =	slt.u32 s19, $0x100  }
0x483: {  	[tilespmem:s18+$0x30] =	vst v0  }
.Ltmp31:
0x484: {  	[tilespmem:s18+$0x20] =	vst v0;
	(pc) =	sbr.rel @p0 .LBB2_50-.Ltmp31, $4  }
0x485: {  	[tilespmem:s18+$0x10] =	vst v0  }
0x486: {  	[tilespmem:s18+$0x0] =	vst v0  }
0x487: {  	[tilespmem:s18+$0xFFFFFFF0] =	vst v0  }
0x488: {  	[tilespmem:s18+$0xFFFFFFE0] =	vst v0  }
.LBB2_51:
0x489: {  	(xrf0) =	vadd.scan.msk.s32 $0xffff, v4;
	_ =	sdelay $0x5  }
0x48a: {  	v4, _, _ =	vpop (xrf0)  }
0x48b: {  	(v2sf) =	vpush v4, $0xF  }
0x48c: {  	(v2sf) =	vpush v3, $0x0;
	_ =	sdelay $0xd  }
0x48d: {  	s20 =	spop (v2sf)  }
0x48e: {  	[tilespmem:s18+$0xFFFFFFD0] =	vst v0;
	s18 =	spop (v2sf)  }
0x48f: {  	s19 =	sadd.s32 $0x3F, s18  }
0x490: {  	s21 =	sand.u32 $0x3F, s19  }
0x491: {  	s31 =	sshra.s32 s19, $0x1F;
	p1 =	slt.s32 s19, $0x1;
	p0 =	sne.s32 s21, $0x0  }
0x492: {  	s21 =	sshrl.u32 s31, $0x1A;
	p0 =	por !p1, !p0  }
0x493: {  	s19 =	sadd.s32 s21, s19;
	s21 =	simm.s32 $0x1;
	p0 =	por !p0, !p0  }
0x494: {  	s19 =	sshra.s32 s19, $0x6;
	s21 =	simm.s32 @!p0 $0x0  }
0x495: {  	s19 =	ssub.s32 s19, s21  }
0x496: {  	p0 =	slt.s32 s19, $0x1  }
.Ltmp32:
0x497: {  	_ = 	snop;
	(pc) =	sbr.rel @p0 .LBB2_54-.Ltmp32, $1  }
0x498: {  	_ =	sdelay $0x3  }
0x499: {  	v4 =	vbroadcast v3, $0x0;
	s21 =	simm.s32 $0x0;
	s22 =	simm.s32 $0x10020;
	s23 =	smov.u32 s19  }
.LBB2_53:
0x49a: {  	v5 =	vld [tilespmem:s22+$0xFFFFFFE0];
	_ =	sdelay $0x4  }
0x49b: {  	v6 =	vor.u32 s21, v1;
	v5 =	vshrl.u32 v5, $0xC  }
0x49c: {  	vm0 =	vlt.s32 v6, v4;
	v5 =	vand.u32 $0xFF0, v5  }
0x49d: {  	v5 =	vor.u32 v1, v5;
	_ =	sdelay $0x4  }
0x49e: {  	[tilespmem:v5+s11+$0x0] =	vst.idx.add.s32.msk vm0, v2  }
0x49f: {  	v5 =	vld [tilespmem:s22+$0xFFFFFFF0];
	_ =	sdelay $0x3  }
0x4a0: {  	s24 =	sadd.s32 $0x10, s21  }
0x4a1: {  	v6 =	vor.u32 s24, v1;
	v5 =	vshrl.u32 v5, $0xC  }
0x4a2: {  	vm13 =	vlt.s32 v6, v4;
	v5 =	vand.u32 $0xFF0, v5  }
0x4a3: {  	v5 =	vor.u32 v1, v5;
	_ =	sdelay $0x4  }
0x4a4: {  	[tilespmem:v5+s11+$0x0] =	vst.idx.add.s32.msk vm13, v2  }
0x4a5: {  	v5 =	vld [tilespmem:s22+$0x0];
	_ =	sdelay $0x3  }
0x4a6: {  	s30 =	sadd.s32 $0x20, s21  }
0x4a7: {  	v6 =	vor.u32 s30, v1;
	v5 =	vshrl.u32 v5, $0xC  }
0x4a8: {  	vm14 =	vlt.s32 v6, v4;
	v5 =	vand.u32 $0xFF0, v5  }
0x4a9: {  	v5 =	vor.u32 v1, v5;
	_ =	sdelay $0x4  }
0x4aa: {  	[tilespmem:v5+s11+$0x0] =	vst.idx.add.s32.msk vm14, v2  }
0x4ab: {  	v5 =	vld [tilespmem:s22+$0x10];
	_ =	sdelay $0x3  }
0x4ac: {  	s31 =	sadd.s32 $0x30, s21  }
0x4ad: {  	v6 =	vor.u32 s31, v1;
	v5 =	vshrl.u32 v5, $0xC  }
0x4ae: {  	vm15 =	vlt.s32 v6, v4;
	v5 =	vand.u32 $0xFF0, v5  }
0x4af: {  	p1 =	sne.s32 s23, $0x1;
	v5 =	vor.u32 v1, v5  }
.Ltmp33:
0x4b0: {  	_ = 	snop;
	(pc) =	sbr.rel @p1 .LBB2_53-.Ltmp33, $2  }
0x4b1: {  	_ =	sdelay $0x2  }
0x4b2: {  	s21 =	sadd.s32 $0x40, s21;
	s23 =	sadd.s32 $0xFFFFFFFF, s23;
	s22 =	sadd.s32 $0x40, s22;
	[tilespmem:v5+s11+$0x0] =	vst.idx.add.s32.msk vm15, v2  }
.LBB2_54:
0x4b3: {  	s23 =	simm.s32 $0x1B0F0  }
0x4b4: {  	v5 =	vld [tilespmem:s23+$0x0]  }
0x4b5: {  	v6 =	vld [tilespmem:s23+$0xFFFFFFF0]  }
0x4b6: {  	v7 =	vld [tilespmem:s23+$0xFFFFFFE0]  }
0x4b7: {  	v8 =	vld [tilespmem:s23+$0xFFFFFFD0]  }
0x4b8: {  	v9 =	vimm.s32 $0x0;
	s22 =	simm.s32 $0x1B0B0  }
0x4b9: {  	v4 =	vld [tilespmem:s22+$0xFFFFFFD0];
	v9 =	vadd.s32 v9, v5  }
0x4ba: {  	v5 =	vld [tilespmem:s22+$0x0];
	[tilespmem:s23+$0x0] =	vst v9;
	v9 =	vadd.s32 v9, v6  }
0x4bb: {  	v6 =	vld [tilespmem:s22+$0xFFFFFFF0];
	[tilespmem:s23+$0xFFFFFFF0] =	vst v9;
	v9 =	vadd.s32 v9, v7  }
0x4bc: {  	s21 =	ssub.s32 $0x40, s20;
	s20 =	simm.s32 $0x4;
	s24 =	simm.s32 $0x1B070;
	v7 =	vld [tilespmem:s22+$0xFFFFFFE0];
	[tilespmem:s23+$0xFFFFFFE0] =	vst v9;
	v8 =	vadd.s32 v9, v8  }
.LBB2_55:
0x4bd: {  	s20 =	sadd.s32 $0x4, s20  }
0x4be: {  	v9 =	vld [tilespmem:s24+$0xFFFFFFD0];
	[tilespmem:s23+$0xFFFFFFD0] =	vst v8;
	s23 =	smov.u32 s22;
	s22 =	smov.u32 s24;
	p1 =	slt.u32 s20, $0xFC  }
.Ltmp34:
0x4bf: {  	(pc) =	sbr.rel @p1 .LBB2_55-.Ltmp34, $4  }
0x4c0: {  	v8 =	vadd.s32 v8, v5  }
0x4c1: {  	v5 =	vld [tilespmem:s24+$0x0];
	[tilespmem:s23+$0x0] =	vst v8;
	v8 =	vadd.s32 v8, v6  }
0x4c2: {  	v6 =	vld [tilespmem:s24+$0xFFFFFFF0];
	[tilespmem:s23+$0xFFFFFFF0] =	vst v8;
	v8 =	vadd.s32 v8, v7  }
0x4c3: {  	s24 =	sadd.s32 $0xFFFFFFC0, s24;
	v7 =	vld [tilespmem:s22+$0xFFFFFFE0];
	[tilespmem:s23+$0xFFFFFFE0] =	vst v8;
	v8 =	vadd.s32 v8, v4;
	v4 =	vmov v9  }
0x4c4: {  	_ =	sdelay $0x1  }
0x4c5: {  	[tilespmem:s23+$0xFFFFFFD0] =	vst v8;
	v5 =	vadd.s32 v8, v5  }
0x4c6: {  	[tilespmem:s22+$0x0] =	vst v5;
	v5 =	vadd.s32 v5, v6  }
0x4c7: {  	[tilespmem:s22+$0xFFFFFFF0] =	vst v5;
	v5 =	vadd.s32 v5, v7  }
0x4c8: {  	[tilespmem:s22+$0xFFFFFFE0] =	vst v5;
	v4 =	vadd.s32 v5, v4  }
0x4c9: {  	[tilespmem:s22+$0xFFFFFFD0] =	vst v4  }
0x4ca: {  	v4 =	vld [tilespmem:$0x1A900];
	_ =	sdelay $0x4  }
0x4cb: {  	(xrf0) =	vadd.scan.msk.s32 $0xffff, v4;
	_ =	sdelay $0x5  }
0x4cc: {  	v4, _, _ =	vpop (xrf0)  }
0x4cd: {  	(v2sf) =	vpush v4, $0xF;
	_ =	sdelay $0xe  }
0x4ce: {  	s20 =	spop (v2sf)  }
0x4cf: {  	p1 =	slt.s32 s20, s21;
	s20 =	simm.s32 $0x0  }
0x4d0: {  	s20 =	simm.s32 @!p1 $0x80  }
0x4d1: {  	s22 =	sor.u32 $0x40, s20  }
0x4d2: {  	s31 =	sshll.u32 s22, $0x4  }
0x4d3: {  	v4 =	vld [tilespmem:s31+$0x1A100];
	_ =	sdelay $0x4  }
0x4d4: {  	(xrf0) =	vadd.scan.msk.s32 $0xffff, v4;
	_ =	sdelay $0x5  }
0x4d5: {  	v4, _, _ =	vpop (xrf0)  }
0x4d6: {  	(v2sf) =	vpush v4, $0xF;
	_ =	sdelay $0xe  }
0x4d7: {  	s24 =	spop (v2sf)  }
0x4d8: {  	p1 =	slt.s32 s24, s21  }
0x4d9: {  	s22 =	smov.u32 @p1 s20  }
0x4da: {  	s20 =	sor.u32 $0x20, s22  }
0x4db: {  	s25 =	sshll.u32 s20, $0x4  }
0x4dc: {  	v4 =	vld [tilespmem:s25+$0x1A100];
	_ =	sdelay $0x4  }
0x4dd: {  	(xrf0) =	vadd.scan.msk.s32 $0xffff, v4;
	_ =	sdelay $0x5  }
0x4de: {  	v4, _, _ =	vpop (xrf0)  }
0x4df: {  	(v2sf) =	vpush v4, $0xF;
	_ =	sdelay $0xe  }
0x4e0: {  	s26 =	spop (v2sf)  }
0x4e1: {  	p1 =	slt.s32 s26, s21  }
0x4e2: {  	s20 =	smov.u32 @p1 s22  }
0x4e3: {  	s22 =	sor.u32 $0x10, s20  }
0x4e4: {  	s28 =	sshll.u32 s22, $0x4  }
0x4e5: {  	s23 =	sand.u32 $0x3FFFFFF0, s28  }
0x4e6: {  	v4 =	vld [tilespmem:s23+$0x1A100];
	_ =	sdelay $0x4  }
0x4e7: {  	(xrf0) =	vadd.scan.msk.s32 $0xffff, v4;
	_ =	sdelay $0x5  }
0x4e8: {  	v4, _, _ =	vpop (xrf0)  }
0x4e9: {  	(v2sf) =	vpush v4, $0xF;
	_ =	sdelay $0xe  }
0x4ea: {  	s29 =	spop (v2sf)  }
0x4eb: {  	p1 =	slt.s32 s29, s21  }
0x4ec: {  	s22 =	smov.u32 @p1 s20  }
0x4ed: {  	s20 =	sadd.s32 $0x8, s22  }
0x4ee: {  	s30 =	sshll.u32 s20, $0x4  }
0x4ef: {  	s23 =	sand.u32 $0x3FFFFFF0, s30  }
0x4f0: {  	v4 =	vld [tilespmem:s23+$0x1A100];
	_ =	sdelay $0x4  }
0x4f1: {  	(xrf0) =	vadd.scan.msk.s32 $0xffff, v4;
	_ =	sdelay $0x5  }
0x4f2: {  	v4, _, _ =	vpop (xrf0)  }
0x4f3: {  	(v2sf) =	vpush v4, $0xF;
	_ =	sdelay $0xe  }
0x4f4: {  	s31 =	spop (v2sf)  }
0x4f5: {  	p1 =	slt.s32 s31, s21  }
0x4f6: {  	s20 =	smov.u32 @p1 s22  }
0x4f7: {  	s22 =	sadd.s32 $0x4, s20  }
0x4f8: {  	s24 =	sshll.u32 s22, $0x4  }
0x4f9: {  	s23 =	sand.u32 $0x3FFFFFF0, s24  }
0x4fa: {  	v4 =	vld [tilespmem:s23+$0x1A100];
	_ =	sdelay $0x4  }
0x4fb: {  	(xrf0) =	vadd.scan.msk.s32 $0xffff, v4;
	_ =	sdelay $0x5  }
0x4fc: {  	v4, _, _ =	vpop (xrf0)  }
0x4fd: {  	(v2sf) =	vpush v4, $0xF;
	_ =	sdelay $0xe  }
0x4fe: {  	s25 =	spop (v2sf)  }
0x4ff: {  	p1 =	slt.s32 s25, s21  }
0x500: {  	s22 =	smov.u32 @p1 s20  }
0x501: {  	s23 =	sadd.s32 $0x2, s22  }
0x502: {  	s26 =	sshll.u32 s23, $0x4  }
0x503: {  	s20 =	sand.u32 $0x3FFFFFF0, s26  }
0x504: {  	v4 =	vld [tilespmem:s20+$0x1A100];
	_ =	sdelay $0x4  }
0x505: {  	(xrf0) =	vadd.scan.msk.s32 $0xffff, v4;
	_ =	sdelay $0x5  }
0x506: {  	v4, _, _ =	vpop (xrf0)  }
0x507: {  	(v2sf) =	vpush v4, $0xF;
	_ =	sdelay $0xe  }
0x508: {  	s28 =	spop (v2sf)  }
0x509: {  	p1 =	slt.s32 s28, s21  }
0x50a: {  	s23 =	smov.u32 @p1 s22  }
0x50b: {  	s20 =	sadd.s32 $0x1, s23  }
0x50c: {  	s29 =	sshll.u32 s20, $0x4  }
0x50d: {  	s22 =	sand.u32 $0x3FFFFFF0, s29  }
0x50e: {  	v4 =	vld [tilespmem:s22+$0x1A100];
	_ =	sdelay $0x4  }
0x50f: {  	(xrf0) =	vadd.scan.msk.s32 $0xffff, v4;
	_ =	sdelay $0x5  }
0x510: {  	v4, _, _ =	vpop (xrf0)  }
0x511: {  	(v2sf) =	vpush v4, $0xF;
	_ =	sdelay $0xe  }
0x512: {  	s30 =	spop (v2sf)  }
0x513: {  	p1 =	slt.s32 s30, s21  }
0x514: {  	s20 =	smov.u32 @p1 s23  }
0x515: {  	s31 =	sshll.u32 s20, $0x4  }
0x516: {  	s22 =	sand.u32 $0x3FFFFFF0, s31  }
0x517: {  	v4 =	vld [tilespmem:s22+$0x1A110];
	s22 =	simm.s32 $0x1A140  }
0x518: {  	[tilespmem:s22+$0xFFFFFFC0] =	vst v0  }
0x519: {  	[tilespmem:s22+$0x30] =	vst v0  }
0x51a: {  	[tilespmem:s22+$0x20] =	vst v0  }
0x51b: {  	[tilespmem:s22+$0x10] =	vst v0  }
0x51c: {  	[tilespmem:s22+$0x0] =	vst v0  }
0x51d: {  	[tilespmem:s22+$0xFFFFFFF0] =	vst v0  }
0x51e: {  	s23 =	simm.s32 $0x0;
	[tilespmem:s22+$0xFFFFFFE0] =	vst v0  }
.LBB2_57:
0x51f: {  	s23 =	sadd.s32 $0x8, s23;
	[tilespmem:s22+$0xFFFFFFD0] =	vst v0;
	s22 =	sadd.s32 $0x80, s22  }
0x520: {  	[tilespmem:s22+$0xFFFFFFC0] =	vst v0;
	p1 =	slt.u32 s23, $0x100  }
0x521: {  	[tilespmem:s22+$0x30] =	vst v0  }
.Ltmp35:
0x522: {  	[tilespmem:s22+$0x20] =	vst v0;
	(pc) =	sbr.rel @p1 .LBB2_57-.Ltmp35, $4  }
0x523: {  	[tilespmem:s22+$0x10] =	vst v0  }
0x524: {  	[tilespmem:s22+$0x0] =	vst v0  }
0x525: {  	[tilespmem:s22+$0xFFFFFFF0] =	vst v0  }
0x526: {  	[tilespmem:s22+$0xFFFFFFE0] =	vst v0  }
0x527: {  	(xrf0) =	vadd.scan.msk.s32 $0xffff, v4;
	_ =	sdelay $0x5  }
0x528: {  	v4, _, _ =	vpop (xrf0)  }
0x529: {  	(v2sf) =	vpush v4, $0xF;
	_ =	sdelay $0xa  }
.Ltmp36:
0x52a: {  	_ = 	snop;
	(pc) =	sbr.rel @p0 .LBB2_61-.Ltmp36, $2  }
0x52b: {  	_ =	sdelay $0x2  }
0x52c: {  	[tilespmem:s22+$0xFFFFFFD0] =	vst v0;
	v4 =	vmov s20;
	s22 =	spop (v2sf)  }
0x52d: {  	v5 =	vbroadcast v3, $0x0;
	s23 =	simm.s32 $0x0;
	s24 =	simm.s32 $0x10020;
	s25 =	smov.u32 s19  }
.LBB2_60:
0x52e: {  	v6 =	vld [tilespmem:s24+$0xFFFFFFE0];
	_ =	sdelay $0x4  }
0x52f: {  	v7 =	vshrl.u32 v6, $0x10  }
0x530: {  	v8 =	vor.u32 s23, v1;
	v7 =	vand.u32 $0xFF, v7  }
0x531: {  	vm0 =	vlt.s32 v8, v5;
	v6 =	vshrl.u32 v6, $0x4;
	vm1 =	veq.s32 v7, v4  }
0x532: {  	v6 =	vand.u32 $0xFF0, v6;
	vm0 =	vmand vm0, vm1  }
0x533: {  	v6 =	vor.u32 v1, v6;
	_ =	sdelay $0x4  }
0x534: {  	[tilespmem:v6+s11+$0x0] =	vst.idx.add.s32.msk vm0, v2  }
0x535: {  	v6 =	vld [tilespmem:s24+$0xFFFFFFF0];
	_ =	sdelay $0x4  }
0x536: {  	s26 =	sadd.s32 $0x10, s23;
	v7 =	vshrl.u32 v6, $0x10  }
0x537: {  	v61 =	vor.u32 s26, v1;
	v7 =	vand.u32 $0xFF, v7  }
0x538: {  	vm10 =	vlt.s32 v61, v5;
	v6 =	vshrl.u32 v6, $0x4;
	vm11 =	veq.s32 v7, v4  }
0x539: {  	v6 =	vand.u32 $0xFF0, v6;
	vm0 =	vmand vm10, vm11  }
0x53a: {  	v6 =	vor.u32 v1, v6;
	_ =	sdelay $0x4  }
0x53b: {  	[tilespmem:v6+s11+$0x0] =	vst.idx.add.s32.msk vm0, v2  }
0x53c: {  	v6 =	vld [tilespmem:s24+$0x0];
	_ =	sdelay $0x4  }
0x53d: {  	s30 =	sadd.s32 $0x20, s23;
	v7 =	vshrl.u32 v6, $0x10  }
0x53e: {  	v62 =	vor.u32 s30, v1;
	v7 =	vand.u32 $0xFF, v7  }
0x53f: {  	vm12 =	vlt.s32 v62, v5;
	v6 =	vshrl.u32 v6, $0x4;
	vm13 =	veq.s32 v7, v4  }
0x540: {  	v6 =	vand.u32 $0xFF0, v6;
	vm0 =	vmand vm12, vm13  }
0x541: {  	v6 =	vor.u32 v1, v6;
	_ =	sdelay $0x4  }
0x542: {  	[tilespmem:v6+s11+$0x0] =	vst.idx.add.s32.msk vm0, v2  }
0x543: {  	v6 =	vld [tilespmem:s24+$0x10];
	_ =	sdelay $0x4  }
0x544: {  	s31 =	sadd.s32 $0x30, s23;
	v7 =	vshrl.u32 v6, $0x10  }
0x545: {  	v63 =	vor.u32 s31, v1;
	v7 =	vand.u32 $0xFF, v7  }
0x546: {  	vm14 =	vlt.s32 v63, v5;
	v6 =	vshrl.u32 v6, $0x4;
	vm15 =	veq.s32 v7, v4  }
0x547: {  	v6 =	vand.u32 $0xFF0, v6;
	vm0 =	vmand vm14, vm15  }
0x548: {  	p1 =	sne.s32 s25, $0x1;
	v6 =	vor.u32 v1, v6  }
.Ltmp37:
0x549: {  	_ = 	snop;
	(pc) =	sbr.rel @p1 .LBB2_60-.Ltmp37, $2  }
0x54a: {  	_ =	sdelay $0x2  }
0x54b: {  	s23 =	sadd.s32 $0x40, s23;
	s25 =	sadd.s32 $0xFFFFFFFF, s25;
	s24 =	sadd.s32 $0x40, s24;
	[tilespmem:v6+s11+$0x0] =	vst.idx.add.s32.msk vm0, v2  }
.LBB2_61:
0x54c: {  	s24 =	simm.s32 $0x1B0F0  }
0x54d: {  	v6 =	vld [tilespmem:s24+$0x0]  }
0x54e: {  	v7 =	vld [tilespmem:s24+$0xFFFFFFF0]  }
0x54f: {  	v8 =	vld [tilespmem:s24+$0xFFFFFFE0]  }
0x550: {  	v9 =	vld [tilespmem:s24+$0xFFFFFFD0]  }
0x551: {  	v10 =	vimm.s32 $0x0;
	s23 =	simm.s32 $0x1B0B0  }
0x552: {  	v5 =	vld [tilespmem:s23+$0xFFFFFFD0];
	v10 =	vadd.s32 v10, v6  }
0x553: {  	v6 =	vld [tilespmem:s23+$0x0];
	[tilespmem:s24+$0x0] =	vst v10;
	v10 =	vadd.s32 v10, v7  }
0x554: {  	v7 =	vld [tilespmem:s23+$0xFFFFFFF0];
	[tilespmem:s24+$0xFFFFFFF0] =	vst v10;
	v10 =	vadd.s32 v10, v8  }
0x555: {  	s22 =	ssub.s32 s21, s22;
	s21 =	simm.s32 $0x4;
	s25 =	simm.s32 $0x1B070;
	v8 =	vld [tilespmem:s23+$0xFFFFFFE0];
	[tilespmem:s24+$0xFFFFFFE0] =	vst v10;
	v9 =	vadd.s32 v10, v9  }
.LBB2_62:
0x556: {  	s21 =	sadd.s32 $0x4, s21  }
0x557: {  	v10 =	vld [tilespmem:s25+$0xFFFFFFD0];
	[tilespmem:s24+$0xFFFFFFD0] =	vst v9;
	s24 =	smov.u32 s23;
	s23 =	smov.u32 s25;
	p1 =	slt.u32 s21, $0xFC  }
.Ltmp38:
0x558: {  	(pc) =	sbr.rel @p1 .LBB2_62-.Ltmp38, $4  }
0x559: {  	v9 =	vadd.s32 v9, v6  }
0x55a: {  	v6 =	vld [tilespmem:s25+$0x0];
	[tilespmem:s24+$0x0] =	vst v9;
	v9 =	vadd.s32 v9, v7  }
0x55b: {  	v7 =	vld [tilespmem:s25+$0xFFFFFFF0];
	[tilespmem:s24+$0xFFFFFFF0] =	vst v9;
	v9 =	vadd.s32 v9, v8  }
0x55c: {  	s25 =	sadd.s32 $0xFFFFFFC0, s25;
	v8 =	vld [tilespmem:s23+$0xFFFFFFE0];
	[tilespmem:s24+$0xFFFFFFE0] =	vst v9;
	v9 =	vadd.s32 v9, v5;
	v5 =	vmov v10  }
0x55d: {  	_ =	sdelay $0x1  }
0x55e: {  	[tilespmem:s24+$0xFFFFFFD0] =	vst v9;
	v6 =	vadd.s32 v9, v6  }
0x55f: {  	[tilespmem:s23+$0x0] =	vst v6;
	v6 =	vadd.s32 v6, v7  }
0x560: {  	[tilespmem:s23+$0xFFFFFFF0] =	vst v6;
	v6 =	vadd.s32 v6, v8  }
0x561: {  	[tilespmem:s23+$0xFFFFFFE0] =	vst v6;
	v5 =	vadd.s32 v6, v5  }
0x562: {  	[tilespmem:s23+$0xFFFFFFD0] =	vst v5  }
0x563: {  	v5 =	vld [tilespmem:$0x1A900];
	_ =	sdelay $0x4  }
0x564: {  	(xrf0) =	vadd.scan.msk.s32 $0xffff, v5;
	_ =	sdelay $0x5  }
0x565: {  	v5, _, _ =	vpop (xrf0)  }
0x566: {  	(v2sf) =	vpush v5, $0xF;
	_ =	sdelay $0xe  }
0x567: {  	s21 =	spop (v2sf)  }
0x568: {  	p1 =	slt.s32 s21, s22;
	s21 =	simm.s32 $0x0  }
0x569: {  	s21 =	simm.s32 @!p1 $0x80  }
0x56a: {  	s23 =	sor.u32 $0x40, s21  }
0x56b: {  	s29 =	sshll.u32 s23, $0x4  }
0x56c: {  	v5 =	vld [tilespmem:s29+$0x1A100];
	_ =	sdelay $0x4  }
0x56d: {  	(xrf0) =	vadd.scan.msk.s32 $0xffff, v5;
	_ =	sdelay $0x5  }
0x56e: {  	v5, _, _ =	vpop (xrf0)  }
0x56f: {  	(v2sf) =	vpush v5, $0xF;
	_ =	sdelay $0xe  }
0x570: {  	s30 =	spop (v2sf)  }
0x571: {  	p1 =	slt.s32 s30, s22  }
0x572: {  	s23 =	smov.u32 @p1 s21  }
0x573: {  	s21 =	sor.u32 $0x20, s23  }
0x574: {  	s31 =	sshll.u32 s21, $0x4  }
0x575: {  	v5 =	vld [tilespmem:s31+$0x1A100];
	_ =	sdelay $0x4  }
0x576: {  	(xrf0) =	vadd.scan.msk.s32 $0xffff, v5;
	_ =	sdelay $0x5  }
0x577: {  	v5, _, _ =	vpop (xrf0)  }
0x578: {  	(v2sf) =	vpush v5, $0xF;
	_ =	sdelay $0xe  }
0x579: {  	s25 =	spop (v2sf)  }
0x57a: {  	p1 =	slt.s32 s25, s22  }
0x57b: {  	s21 =	smov.u32 @p1 s23  }
0x57c: {  	s23 =	sor.u32 $0x10, s21  }
0x57d: {  	s26 =	sshll.u32 s23, $0x4  }
0x57e: {  	s24 =	sand.u32 $0x3FFFFFF0, s26  }
0x57f: {  	v5 =	vld [tilespmem:s24+$0x1A100];
	_ =	sdelay $0x4  }
0x580: {  	(xrf0) =	vadd.scan.msk.s32 $0xffff, v5;
	_ =	sdelay $0x5  }
0x581: {  	v5, _, _ =	vpop (xrf0)  }
0x582: {  	(v2sf) =	vpush v5, $0xF;
	_ =	sdelay $0xe  }
0x583: {  	s28 =	spop (v2sf)  }
0x584: {  	p1 =	slt.s32 s28, s22  }
0x585: {  	s23 =	smov.u32 @p1 s21  }
0x586: {  	s21 =	sadd.s32 $0x8, s23  }
0x587: {  	s29 =	sshll.u32 s21, $0x4  }
0x588: {  	s24 =	sand.u32 $0x3FFFFFF0, s29  }
0x589: {  	v5 =	vld [tilespmem:s24+$0x1A100];
	_ =	sdelay $0x4  }
0x58a: {  	(xrf0) =	vadd.scan.msk.s32 $0xffff, v5;
	_ =	sdelay $0x5  }
0x58b: {  	v5, _, _ =	vpop (xrf0)  }
0x58c: {  	(v2sf) =	vpush v5, $0xF;
	_ =	sdelay $0xe  }
0x58d: {  	s30 =	spop (v2sf)  }
0x58e: {  	p1 =	slt.s32 s30, s22  }
0x58f: {  	s21 =	smov.u32 @p1 s23  }
0x590: {  	s23 =	sadd.s32 $0x4, s21  }
0x591: {  	s31 =	sshll.u32 s23, $0x4  }
0x592: {  	s24 =	sand.u32 $0x3FFFFFF0, s31  }
0x593: {  	v5 =	vld [tilespmem:s24+$0x1A100];
	_ =	sdelay $0x4  }
0x594: {  	(xrf0) =	vadd.scan.msk.s32 $0xffff, v5;
	_ =	sdelay $0x5  }
0x595: {  	v5, _, _ =	vpop (xrf0)  }
0x596: {  	(v2sf) =	vpush v5, $0xF;
	_ =	sdelay $0xe  }
0x597: {  	s25 =	spop (v2sf)  }
0x598: {  	p1 =	slt.s32 s25, s22  }
0x599: {  	s23 =	smov.u32 @p1 s21  }
0x59a: {  	s24 =	sadd.s32 $0x2, s23  }
0x59b: {  	s26 =	sshll.u32 s24, $0x4  }
0x59c: {  	s21 =	sand.u32 $0x3FFFFFF0, s26  }
0x59d: {  	v5 =	vld [tilespmem:s21+$0x1A100];
	_ =	sdelay $0x4  }
0x59e: {  	(xrf0) =	vadd.scan.msk.s32 $0xffff, v5;
	_ =	sdelay $0x5  }
0x59f: {  	v5, _, _ =	vpop (xrf0)  }
0x5a0: {  	(v2sf) =	vpush v5, $0xF;
	_ =	sdelay $0xe  }
0x5a1: {  	s28 =	spop (v2sf)  }
0x5a2: {  	p1 =	slt.s32 s28, s22  }
0x5a3: {  	s24 =	smov.u32 @p1 s23  }
0x5a4: {  	s21 =	sadd.s32 $0x1, s24  }
0x5a5: {  	s29 =	sshll.u32 s21, $0x4  }
0x5a6: {  	s23 =	sand.u32 $0x3FFFFFF0, s29  }
0x5a7: {  	v5 =	vld [tilespmem:s23+$0x1A100];
	_ =	sdelay $0x4  }
0x5a8: {  	(xrf0) =	vadd.scan.msk.s32 $0xffff, v5;
	_ =	sdelay $0x5  }
0x5a9: {  	v5, _, _ =	vpop (xrf0)  }
0x5aa: {  	(v2sf) =	vpush v5, $0xF;
	_ =	sdelay $0xe  }
0x5ab: {  	s30 =	spop (v2sf)  }
0x5ac: {  	p1 =	slt.s32 s30, s22  }
0x5ad: {  	s21 =	smov.u32 @p1 s24  }
0x5ae: {  	s31 =	sshll.u32 s21, $0x4  }
0x5af: {  	s23 =	sand.u32 $0x3FFFFFF0, s31  }
0x5b0: {  	v5 =	vld [tilespmem:s23+$0x1A110];
	s23 =	simm.s32 $0x1A140  }
0x5b1: {  	[tilespmem:s23+$0xFFFFFFC0] =	vst v0  }
0x5b2: {  	[tilespmem:s23+$0x30] =	vst v0  }
0x5b3: {  	[tilespmem:s23+$0x20] =	vst v0  }
0x5b4: {  	[tilespmem:s23+$0x10] =	vst v0  }
0x5b5: {  	[tilespmem:s23+$0x0] =	vst v0  }
0x5b6: {  	[tilespmem:s23+$0xFFFFFFF0] =	vst v0  }
0x5b7: {  	s24 =	simm.s32 $0x0;
	[tilespmem:s23+$0xFFFFFFE0] =	vst v0  }
.LBB2_64:
0x5b8: {  	s24 =	sadd.s32 $0x8, s24;
	[tilespmem:s23+$0xFFFFFFD0] =	vst v0;
	s23 =	sadd.s32 $0x80, s23  }
0x5b9: {  	[tilespmem:s23+$0xFFFFFFC0] =	vst v0;
	p1 =	slt.u32 s24, $0x100  }
0x5ba: {  	[tilespmem:s23+$0x30] =	vst v0  }
.Ltmp39:
0x5bb: {  	[tilespmem:s23+$0x20] =	vst v0;
	(pc) =	sbr.rel @p1 .LBB2_64-.Ltmp39, $4  }
0x5bc: {  	[tilespmem:s23+$0x10] =	vst v0  }
0x5bd: {  	[tilespmem:s23+$0x0] =	vst v0  }
0x5be: {  	[tilespmem:s23+$0xFFFFFFF0] =	vst v0  }
0x5bf: {  	[tilespmem:s23+$0xFFFFFFE0] =	vst v0  }
0x5c0: {  	(xrf0) =	vadd.scan.msk.s32 $0xffff, v5;
	_ =	sdelay $0x5  }
0x5c1: {  	v5, _, _ =	vpop (xrf0)  }
0x5c2: {  	(v2sf) =	vpush v5, $0xF;
	_ =	sdelay $0xa  }
.Ltmp40:
0x5c3: {  	_ = 	snop;
	(pc) =	sbr.rel @p0 .LBB2_68-.Ltmp40, $2  }
0x5c4: {  	_ =	sdelay $0x2  }
0x5c5: {  	[tilespmem:s23+$0xFFFFFFD0] =	vst v0;
	s23 =	spop (v2sf)  }
0x5c6: {  	v5 =	vbroadcast v3, $0x0;
	v6 =	vmov s21;
	s24 =	simm.s32 $0x0;
	s25 =	simm.s32 $0x10020  }
.LBB2_67:
0x5c7: {  	v7 =	vld [tilespmem:s25+$0xFFFFFFE0];
	_ =	sdelay $0x4  }
0x5c8: {  	v8 =	vshrl.u32 v7, $0x10;
	v9 =	vshrl.u32 v7, $0x8  }
0x5c9: {  	v8 =	vand.u32 $0xFF, v8;
	v9 =	vand.u32 $0xFF, v9  }
0x5ca: {  	vm0 =	veq.s32 v8, v4;
	v8 =	vor.u32 s24, v1;
	vm1 =	veq.s32 v9, v6  }
0x5cb: {  	v7 =	vshll.u32 v7, $0x4;
	vm2 =	vlt.s32 v8, v5;
	vm0 =	vmand vm0, vm1  }
0x5cc: {  	v7 =	vor.u32 v1, v7;
	vm0 =	vmand vm0, vm2  }
0x5cd: {  	v7 =	vand.u32 $0xFFF, v7;
	_ =	sdelay $0x4  }
0x5ce: {  	[tilespmem:v7+s11+$0x0] =	vst.idx.add.s32.msk vm0, v2  }
0x5cf: {  	v7 =	vld [tilespmem:s25+$0xFFFFFFF0];
	_ =	sdelay $0x4  }
0x5d0: {  	v8 =	vshrl.u32 v7, $0x10;
	v61 =	vshrl.u32 v7, $0x8  }
0x5d1: {  	s26 =	sadd.s32 $0x10, s24;
	v8 =	vand.u32 $0xFF, v8;
	v9 =	vand.u32 $0xFF, v61  }
0x5d2: {  	vm7 =	veq.s32 v8, v4;
	v8 =	vor.u32 s26, v1;
	vm8 =	veq.s32 v9, v6  }
0x5d3: {  	v7 =	vshll.u32 v7, $0x4;
	vm9 =	vlt.s32 v8, v5;
	vm0 =	vmand vm7, vm8  }
0x5d4: {  	v7 =	vor.u32 v1, v7;
	vm0 =	vmand vm0, vm9  }
0x5d5: {  	v7 =	vand.u32 $0xFFF, v7;
	_ =	sdelay $0x4  }
0x5d6: {  	[tilespmem:v7+s11+$0x0] =	vst.idx.add.s32.msk vm0, v2  }
0x5d7: {  	v7 =	vld [tilespmem:s25+$0x0];
	_ =	sdelay $0x4  }
0x5d8: {  	v8 =	vshrl.u32 v7, $0x10;
	v62 =	vshrl.u32 v7, $0x8  }
0x5d9: {  	s30 =	sadd.s32 $0x20, s24;
	v8 =	vand.u32 $0xFF, v8;
	v9 =	vand.u32 $0xFF, v62  }
0x5da: {  	vm10 =	veq.s32 v8, v4;
	v8 =	vor.u32 s30, v1;
	vm11 =	veq.s32 v9, v6  }
0x5db: {  	v7 =	vshll.u32 v7, $0x4;
	vm12 =	vlt.s32 v8, v5;
	vm0 =	vmand vm10, vm11  }
0x5dc: {  	v7 =	vor.u32 v1, v7;
	vm0 =	vmand vm0, vm12  }
0x5dd: {  	v7 =	vand.u32 $0xFFF, v7;
	_ =	sdelay $0x4  }
0x5de: {  	[tilespmem:v7+s11+$0x0] =	vst.idx.add.s32.msk vm0, v2  }
0x5df: {  	v7 =	vld [tilespmem:s25+$0x10];
	_ =	sdelay $0x4  }
0x5e0: {  	v8 =	vshrl.u32 v7, $0x10;
	v63 =	vshrl.u32 v7, $0x8  }
0x5e1: {  	s31 =	sadd.s32 $0x30, s24;
	v8 =	vand.u32 $0xFF, v8;
	v9 =	vand.u32 $0xFF, v63  }
0x5e2: {  	vm13 =	veq.s32 v8, v4;
	vm14 =	veq.s32 v9, v6;
	v8 =	vor.u32 s31, v1  }
0x5e3: {  	v7 =	vshll.u32 v7, $0x4;
	vm15 =	vlt.s32 v8, v5;
	vm0 =	vmand vm13, vm14  }
0x5e4: {  	v7 =	vor.u32 v1, v7;
	vm0 =	vmand vm0, vm15  }
0x5e5: {  	p0 =	sne.s32 s19, $0x1;
	v7 =	vand.u32 $0xFFF, v7  }
.Ltmp41:
0x5e6: {  	_ = 	snop;
	(pc) =	sbr.rel @p0 .LBB2_67-.Ltmp41, $2  }
0x5e7: {  	_ =	sdelay $0x2  }
0x5e8: {  	s19 =	sadd.s32 $0xFFFFFFFF, s19;
	s24 =	sadd.s32 $0x40, s24;
	s25 =	sadd.s32 $0x40, s25;
	[tilespmem:v7+s11+$0x0] =	vst.idx.add.s32.msk vm0, v2  }
.LBB2_68:
0x5e9: {  	s25 =	simm.s32 $0x1B0F0  }
0x5ea: {  	v5 =	vld [tilespmem:s25+$0x0]  }
0x5eb: {  	v6 =	vld [tilespmem:s25+$0xFFFFFFF0]  }
0x5ec: {  	v7 =	vld [tilespmem:s25+$0xFFFFFFE0]  }
0x5ed: {  	v8 =	vld [tilespmem:s25+$0xFFFFFFD0]  }
0x5ee: {  	v9 =	vimm.s32 $0x0;
	s24 =	simm.s32 $0x1B0B0  }
0x5ef: {  	v4 =	vld [tilespmem:s24+$0xFFFFFFD0];
	v9 =	vadd.s32 v9, v5  }
0x5f0: {  	v5 =	vld [tilespmem:s24+$0x0];
	[tilespmem:s25+$0x0] =	vst v9;
	v9 =	vadd.s32 v9, v6  }
0x5f1: {  	v6 =	vld [tilespmem:s24+$0xFFFFFFF0];
	[tilespmem:s25+$0xFFFFFFF0] =	vst v9;
	v9 =	vadd.s32 v9, v7  }
0x5f2: {  	s19 =	ssub.s32 s22, s23;
	s22 =	simm.s32 $0x4;
	s23 =	simm.s32 $0x1B070;
	v7 =	vld [tilespmem:s24+$0xFFFFFFE0];
	[tilespmem:s25+$0xFFFFFFE0] =	vst v9;
	v8 =	vadd.s32 v9, v8  }
.LBB2_69:
0x5f3: {  	s22 =	sadd.s32 $0x4, s22  }
0x5f4: {  	v9 =	vld [tilespmem:s23+$0xFFFFFFD0];
	[tilespmem:s25+$0xFFFFFFD0] =	vst v8;
	s25 =	smov.u32 s24;
	s24 =	smov.u32 s23;
	p0 =	slt.u32 s22, $0xFC  }
.Ltmp42:
0x5f5: {  	(pc) =	sbr.rel @p0 .LBB2_69-.Ltmp42, $4  }
0x5f6: {  	v8 =	vadd.s32 v8, v5  }
0x5f7: {  	v5 =	vld [tilespmem:s23+$0x0];
	[tilespmem:s25+$0x0] =	vst v8;
	v8 =	vadd.s32 v8, v6  }
0x5f8: {  	v6 =	vld [tilespmem:s23+$0xFFFFFFF0];
	[tilespmem:s25+$0xFFFFFFF0] =	vst v8;
	v8 =	vadd.s32 v8, v7  }
0x5f9: {  	s23 =	sadd.s32 $0xFFFFFFC0, s23;
	v7 =	vld [tilespmem:s24+$0xFFFFFFE0];
	[tilespmem:s25+$0xFFFFFFE0] =	vst v8;
	v8 =	vadd.s32 v8, v4;
	v4 =	vmov v9  }
0x5fa: {  	_ =	sdelay $0x1  }
0x5fb: {  	[tilespmem:s25+$0xFFFFFFD0] =	vst v8;
	v5 =	vadd.s32 v8, v5  }
0x5fc: {  	[tilespmem:s24+$0x0] =	vst v5;
	v5 =	vadd.s32 v5, v6  }
0x5fd: {  	[tilespmem:s24+$0xFFFFFFF0] =	vst v5;
	v5 =	vadd.s32 v5, v7  }
0x5fe: {  	[tilespmem:s24+$0xFFFFFFE0] =	vst v5;
	v4 =	vadd.s32 v5, v4  }
0x5ff: {  	[tilespmem:s24+$0xFFFFFFD0] =	vst v4  }
0x600: {  	v4 =	vld [tilespmem:$0x1A900];
	_ =	sdelay $0x4  }
0x601: {  	(xrf0) =	vadd.scan.msk.s32 $0xffff, v4;
	_ =	sdelay $0x5  }
0x602: {  	v4, _, _ =	vpop (xrf0)  }
0x603: {  	(v2sf) =	vpush v4, $0xF;
	_ =	sdelay $0xe  }
0x604: {  	s22 =	spop (v2sf)  }
0x605: {  	p0 =	slt.s32 s22, s19;
	s22 =	simm.s32 $0x0  }
0x606: {  	s22 =	simm.s32 @!p0 $0x80  }
0x607: {  	s23 =	sor.u32 $0x40, s22  }
0x608: {  	s28 =	sshll.u32 s23, $0x4  }
0x609: {  	v4 =	vld [tilespmem:s28+$0x1A100];
	_ =	sdelay $0x4  }
0x60a: {  	(xrf0) =	vadd.scan.msk.s32 $0xffff, v4;
	_ =	sdelay $0x5  }
0x60b: {  	v4, _, _ =	vpop (xrf0)  }
0x60c: {  	(v2sf) =	vpush v4, $0xF;
	_ =	sdelay $0xe  }
0x60d: {  	s29 =	spop (v2sf)  }
0x60e: {  	p0 =	slt.s32 s29, s19  }
0x60f: {  	s23 =	smov.u32 @p0 s22  }
0x610: {  	s22 =	sor.u32 $0x20, s23  }
0x611: {  	s30 =	sshll.u32 s22, $0x4  }
0x612: {  	v4 =	vld [tilespmem:s30+$0x1A100];
	_ =	sdelay $0x4  }
0x613: {  	(xrf0) =	vadd.scan.msk.s32 $0xffff, v4;
	_ =	sdelay $0x5  }
0x614: {  	v4, _, _ =	vpop (xrf0)  }
0x615: {  	(v2sf) =	vpush v4, $0xF;
	_ =	sdelay $0xe  }
0x616: {  	s31 =	spop (v2sf)  }
0x617: {  	p0 =	slt.s32 s31, s19  }
0x618: {  	s22 =	smov.u32 @p0 s23  }
0x619: {  	s23 =	sor.u32 $0x10, s22  }
0x61a: {  	s25 =	sshll.u32 s23, $0x4  }
0x61b: {  	s24 =	sand.u32 $0x3FFFFFF0, s25  }
0x61c: {  	v4 =	vld [tilespmem:s24+$0x1A100];
	_ =	sdelay $0x4  }
0x61d: {  	(xrf0) =	vadd.scan.msk.s32 $0xffff, v4;
	_ =	sdelay $0x5  }
0x61e: {  	v4, _, _ =	vpop (xrf0)  }
0x61f: {  	(v2sf) =	vpush v4, $0xF;
	_ =	sdelay $0xe  }
0x620: {  	s26 =	spop (v2sf)  }
0x621: {  	p0 =	slt.s32 s26, s19  }
0x622: {  	s23 =	smov.u32 @p0 s22  }
0x623: {  	s22 =	sadd.s32 $0x8, s23  }
0x624: {  	s28 =	sshll.u32 s22, $0x4  }
0x625: {  	s24 =	sand.u32 $0x3FFFFFF0, s28  }
0x626: {  	v4 =	vld [tilespmem:s24+$0x1A100];
	_ =	sdelay $0x4  }
0x627: {  	(xrf0) =	vadd.scan.msk.s32 $0xffff, v4;
	_ =	sdelay $0x5  }
0x628: {  	v4, _, _ =	vpop (xrf0)  }
0x629: {  	(v2sf) =	vpush v4, $0xF;
	_ =	sdelay $0xe  }
0x62a: {  	s29 =	spop (v2sf)  }
0x62b: {  	p0 =	slt.s32 s29, s19  }
0x62c: {  	s22 =	smov.u32 @p0 s23  }
0x62d: {  	s23 =	sadd.s32 $0x4, s22  }
0x62e: {  	s30 =	sshll.u32 s23, $0x4  }
0x62f: {  	s24 =	sand.u32 $0x3FFFFFF0, s30  }
0x630: {  	v4 =	vld [tilespmem:s24+$0x1A100];
	_ =	sdelay $0x4  }
0x631: {  	(xrf0) =	vadd.scan.msk.s32 $0xffff, v4;
	_ =	sdelay $0x5  }
0x632: {  	v4, _, _ =	vpop (xrf0)  }
0x633: {  	(v2sf) =	vpush v4, $0xF;
	_ =	sdelay $0xe  }
0x634: {  	s31 =	spop (v2sf)  }
0x635: {  	p0 =	slt.s32 s31, s19  }
0x636: {  	s23 =	smov.u32 @p0 s22  }
0x637: {  	s22 =	sadd.s32 $0x2, s23  }
0x638: {  	s25 =	sshll.u32 s22, $0x4  }
0x639: {  	s24 =	sand.u32 $0x3FFFFFF0, s25  }
0x63a: {  	v4 =	vld [tilespmem:s24+$0x1A100];
	_ =	sdelay $0x4  }
0x63b: {  	(xrf0) =	vadd.scan.msk.s32 $0xffff, v4;
	_ =	sdelay $0x5  }
0x63c: {  	v4, _, _ =	vpop (xrf0)  }
0x63d: {  	(v2sf) =	vpush v4, $0xF;
	_ =	sdelay $0xe  }
0x63e: {  	s26 =	spop (v2sf)  }
0x63f: {  	p0 =	slt.s32 s26, s19  }
0x640: {  	s22 =	smov.u32 @p0 s23  }
0x641: {  	s23 =	sadd.s32 $0x1, s22  }
0x642: {  	s28 =	sshll.u32 s23, $0x4  }
0x643: {  	s24 =	sand.u32 $0x3FFFFFF0, s28  }
0x644: {  	v4 =	vld [tilespmem:s24+$0x1A100];
	_ =	sdelay $0x4  }
0x645: {  	(xrf0) =	vadd.scan.msk.s32 $0xffff, v4;
	_ =	sdelay $0x5  }
0x646: {  	v4, _, _ =	vpop (xrf0)  }
0x647: {  	(v2sf) =	vpush v4, $0xF;
	_ =	sdelay $0xe  }
0x648: {  	s29 =	spop (v2sf)  }
0x649: {  	p0 =	slt.s32 s29, s19  }
0x64a: {  	s23 =	smov.u32 @p0 s22  }
0x64b: {  	s22 =	sshll.u32 s23, $0x4  }
0x64c: {  	s22 =	sand.u32 $0x3FFFFFF0, s22  }
0x64d: {  	v4 =	vld [tilespmem:s22+$0x1A110];
	_ =	sdelay $0x4  }
0x64e: {  	(xrf0) =	vadd.scan.msk.s32 $0xffff, v4;
	_ =	sdelay $0x5  }
0x64f: {  	v4, _, _ =	vpop (xrf0)  }
0x650: {  	(v2sf) =	vpush v4, $0xF;
	_ =	sdelay $0xa  }
0x651: {  	p0 =	slt.s32 s18, $0x2001  }
.Ltmp43:
0x652: {  	_ = 	snop;
	(pc) =	sbr.rel @!p0 .LBB2_71-.Ltmp43, $4  }
0x653: {  	s17 =	sshll.u32 s17, $0x18;
	s20 =	sshll.u32 s20, $0x10  }
0x654: {  	s17 =	sor.u32 s17, s20;
	s30 =	sshll.u32 s21, $0x8  }
0x655: {  	s17 =	sor.u32 s30, s17;
	s31 =	spop (v2sf)  }
0x656: {  	s20 =	sor.u32 s23, s17;
	s19 =	ssub.s32 s19, s31  }
0x657: {  	s17 =	sadd.s32 $0xF, s18  }
0x658: {  	s21 =	sand.u32 $0xF, s17  }
0x659: {  	p0 =	slt.s32 s18, $0xFFFFFFF2;
	s22 =	sshra.s32 s17, $0x1F;
	p1 =	sne.s32 s21, $0x0  }
0x65a: {  	s31 =	sshrl.u32 s22, $0x1C;
	p0 =	por !p0, !p1  }
0x65b: {  	s18 =	simm.s32 $0x1;
	s17 =	sadd.s32 s31, s17;
	p0 =	por !p0, !p0  }
0x65c: {  	s17 =	sshra.s32 s17, $0x4;
	s18 =	simm.s32 @!p0 $0x0  }
0x65d: {  	s21 =	ssub.s32 s17, s18  }
0x65e: {  	p0 =	slt.s32 s21, $0x1  }
.Ltmp44:
0x65f: {  	_ = 	snop;
	(pc) =	sbr.rel @p0 .LBB2_81-.Ltmp44, $1  }
0x660: {  	_ =	sdelay $0x3  }
0x661: {  	p1 =	seq.s32 s21, $0x1  }
.Ltmp45:
0x662: {  	_ = 	snop;
	(pc) =	sbr.rel @p1 .LBB2_76-.Ltmp45, $4  }
0x663: {  	_ = 	snop  }
0x664: {  	s22 =	simm.s32 $0x10000  }
0x665: {  	v5 =	vbroadcast v3, $0x0;
	s17 =	simm.s32 $0x18080;
	v6 =	vld [tilespmem:s22+$0x0]  }
0x666: {  	v3 =	vmov s20;
	v4 =	vmov s19;
	v7 =	vimm.s32 $0x0;
	s18 =	simm.s32 $0x0;
	s19 =	sadd.s32 $0xFFFFFFFF, s21;
	p0 =	por $0x0, $0x0  }
0x667: {  	_ =	sdelay $0x1  }
0x668: {  	v8 =	vor.u32 s18, v1  }
0x669: {  	vm0 =	vlt.s32 v8, v5;
	vm1 =	veq.s32 v6, v3  }
0x66a: {  	vm1 =	vmand vm0, vm1  }
0x66b: {  	v8 =	vsel vm1, $0x1, v0  }
0x66c: {  	(xrf0) =	vadd.scan.msk.s32 $0xffff, v8;
	_ =	sdelay $0x2  }
0x66d: {  	v8 =	vld [tilespmem:s17+$0x0];
	_ =	sdelay $0x2  }
0x66e: {  	v9, _, _ =	vpop (xrf0)  }
0x66f: {  	v9 =	vadd.s32 v7, v9  }
0x670: {  	vm2 =	vgt.u32 v6, v3;
	vm3 =	vle.s32 v9, v4  }
0x671: {  	vm2 =	vmand vm0, vm2;
	vm3 =	vmand vm1, vm3  }
0x672: {  	vm2 =	vmor vm2, vm3  }
0x673: {  	v6 =	vld.idx.msk [tilespmem:v8+s2+$0x0], vm0;
	_ =	sdelay $0x1  }
0x674: {  	p1 =	seq.s32 s19, $0x1  }
.Ltmp46:
0x675: {  	_ = 	snop;
	(pc) =	sbr.rel @p1 .LBB2_78-.Ltmp46, $4  }
0x676: {  	v9 =	vmpcnt.ones.xlane vm1  }
0x677: {  	s21 =	simm.s32 $0x10010;
	[tilespmem:v8+s15+$0x0] =	vst.idx.msk vm2, v6  }
0x678: {  	s22 =	sadd.s32 $0xFFFFFFFF, s19;
	v7 =	vadd.s32 v7, v9;
	v6 =	vld [tilespmem:s21+$0x0]  }
0x679: {  	p0 =	por $0x1, $0x1;
	s20 =	simm.s32 $0x0;
	s19 =	simm.s32 $0x18080;
	v8 =	vmov v7  }
.LBB2_79:
0x67a: {  	p1 =	seq.s32 s22, $0x1;
	_ =	sdelay $0x1  }
0x67b: {  	s20 =	sadd.s32 $0x10, s20  }
0x67c: {  	v9 =	vor.u32 s20, v1  }
0x67d: {  	vm1 =	veq.s32 v6, v3;
	vm0 =	vlt.s32 v9, v5  }
0x67e: {  	vm1 =	vmand vm0, vm1  }
0x67f: {  	v9 =	vsel vm1, $0x1, v0;
	v10 =	vmpcnt.ones.xlane vm1  }
0x680: {  	(xrf0) =	vadd.scan.msk.s32 $0xffff, v9  }
0x681: {  	s19 =	sadd.s32 $0x10, s19;
	v8 =	vadd.s32 v8, v10  }
0x682: {  	v9 =	vld [tilespmem:s19+$0x0];
	_ =	sdelay $0x3  }
0x683: {  	v10, _, _ =	vpop (xrf0)  }
0x684: {  	v10 =	vadd.s32 v7, v10;
	v7 =	vmov v8  }
0x685: {  	vm2 =	vgt.u32 v6, v3;
	vm3 =	vle.s32 v10, v4  }
0x686: {  	vm2 =	vmand vm0, vm2;
	vm1 =	vmand vm1, vm3  }
0x687: {  	vm1 =	vmor vm2, vm1;
	v6 =	vld.idx.msk [tilespmem:v9+s2+$0x0], vm0;
	_ =	sdelay $0x2  }
.Ltmp47:
0x688: {  	(pc) =	sbr.rel @!p1 .LBB2_79-.Ltmp47, $3  }
0x689: {  	_ =	sdelay $0x1  }
0x68a: {  	s21 =	sadd.s32 $0x10, s21;
	[tilespmem:v9+s15+$0x0] =	vst.idx.msk vm1, v6  }
0x68b: {  	s22 =	sadd.s32 $0xFFFFFFFF, s22;
	v6 =	vld [tilespmem:s21+$0x0]  }
.Ltmp48:
0x68c: {  	_ = 	snop;
	(pc) =	sbr.rel .LBB2_80-.Ltmp48, $1  }
0x68d: {  	_ =	sdelay $0x3  }
.LBB2_71:
0x68e: {  	s18 =	simm.s32 $0x20  }
0x68f: {  	v9 =	vld [tilespmem:s18+$0xFFFFFFE0]  }
0x690: {  	v19 =	vld [tilespmem:s18+$0x10]  }
0x691: {  	v20 =	vld [tilespmem:s18+$0xFFFFFFF0];
	_ =	sdelay $0x1  }
0x692: {  	v11 =	vld [tilespmem:s18+$0x0];
	_ =	sdelay $0x1  }
0x693: {  	v3 =	vmov s20;
	v5 =	vshra.s32 v9, $0x1F;
	v6 =	vshra.s32 v19, $0x1F  }
0x694: {  	v8 =	vshra.s32 v20, $0x1F;
	v5 =	vor.u32 $0x80000000, v5;
	v6 =	vor.u32 $0x80000000, v6  }
0x695: {  	v10 =	vxor.u32 v9, v5;
	v5 =	vor.u32 $0x80000000, v8;
	v13 =	vxor.u32 v19, v6  }
0x696: {  	v14 =	vxor.u32 v20, v5;
	v5 =	vshra.s32 v11, $0x1F;
	vm3 =	veq.s32 v13, v3  }
0x697: {  	vm0 =	veq.s32 v14, v3;
	v5 =	vor.u32 $0x80000000, v5;
	v6 =	vsel vm3, $0x1, v0  }
0x698: {  	vm1 =	veq.s32 v10, v3;
	v8 =	vsel vm0, $0x1, v0;
	v12 =	vxor.u32 v11, v5;
	(xrf0) =	vadd.scan.msk.s32 $0xffff, v6  }
0x699: {  	v5 =	vsel vm1, $0x1, v0;
	vm2 =	veq.s32 v12, v3;
	(xrf0) =	vadd.scan.msk.s32 $0xffff, v8  }
0x69a: {  	v6 =	vsel vm2, $0x1, v0;
	(xrf0) =	vadd.scan.msk.s32 $0xffff, v5;
	v5 =	vmpcnt.ones.xlane vm1  }
0x69b: {  	(xrf0) =	vadd.scan.msk.s32 $0xffff, v6;
	_ =	sdelay $0x1  }
0x69c: {  	v7 =	vimm.s32 $0x0;
	v6 =	vmpcnt.ones.xlane vm0  }
0x69d: {  	v8 =	vmpcnt.ones.xlane vm2;
	v16 =	vadd.s32 v7, v5;
	v5, _, _ =	vpop (xrf0)  }
0x69e: {  	s31 =	simm.s32 $0x60;
	v17 =	vmpcnt.ones.xlane vm3;
	v15 =	vadd.s32 v16, v6;
	v18, _, _ =	vpop (xrf0)  }
0x69f: {  	v4 =	vmov s19;
	vm4 =	vmmov vm3;
	v6 =	vld [tilespmem:s31+$0xFFFFFFE0];
	v8 =	vadd.s32 v15, v8;
	v22, _, _ =	vpop (xrf0)  }
0x6a0: {  	v21 =	vadd.s32 v8, v5;
	v8 =	vadd.s32 v8, v17;
	v5 =	vld [tilespmem:s31+$0x10];
	v17 =	vadd.s32 v7, v22;
	v22, _, _ =	vpop (xrf0)  }
0x6a1: {  	vm5 =	vmmov vm0;
	v7 =	vld [tilespmem:s31+$0xFFFFFFF0];
	vm3 =	vle.s32 v17, v4;
	v15 =	vadd.s32 v15, v22  }
0x6a2: {  	vm0 =	vgt.u32 v10, v3;
	vm1 =	vmand vm1, vm3;
	vm3 =	vle.s32 v15, v4  }
0x6a3: {  	v10 =	vld [tilespmem:s31+$0x0];
	vm0 =	vmor vm0, vm1;
	vm1 =	vgt.u32 v12, v3;
	vm2 =	vmand vm2, vm3  }
0x6a4: {  	v12 =	vshra.s32 v6, $0x1F;
	v17 =	vnsel vm0, $0x0, v9;
	vm0 =	vmor vm1, vm2  }
0x6a5: {  	v15 =	vshra.s32 v5, $0x1F;
	v9 =	vor.u32 $0x80000000, v12;
	v22 =	vnsel vm0, $0x0, v11  }
0x6a6: {  	v12 =	vxor.u32 v6, v9;
	v9 =	vshra.s32 v7, $0x1F;
	v11 =	vor.u32 $0x80000000, v15  }
0x6a7: {  	v15 =	vor.u32 $0x80000000, v9;
	v9 =	vxor.u32 v5, v11  }
0x6a8: {  	v11 =	vxor.u32 v7, v15;
	v15 =	vshra.s32 v10, $0x1F;
	vm2 =	veq.s32 v9, v3  }
0x6a9: {  	v15 =	vor.u32 $0x80000000, v15;
	v23 =	vsel vm2, $0x1, v0  }
0x6aa: {  	v15 =	vxor.u32 v10, v15;
	(xrf0) =	vadd.scan.msk.s32 $0xffff, v23  }
0x6ab: {  	vm7 =	vgt.u32 v14, v3;
	vm0 =	veq.s32 v12, v3;
	vm3 =	veq.s32 v15, v3  }
0x6ac: {  	v63 =	vmpcnt.ones.xlane vm0;
	vm1 =	veq.s32 v11, v3;
	v14 =	vmpcnt.ones.xlane vm3  }
0x6ad: {  	v24 =	vsel vm1, $0x1, v0;
	v25 =	vmpcnt.ones.xlane vm1  }
0x6ae: {  	s17 =	simm.s32 $0x8020;
	vm6 =	vgt.u32 v13, v3;
	v23 =	vsel vm0, $0x1, v0;
	v13 =	vadd.s32 v8, v63;
	(xrf0) =	vadd.scan.msk.s32 $0xffff, v24  }
0x6af: {  	[tilespmem:s17+$0xFFFFFFE0] =	vst v17;
	v26 =	vsel vm3, $0x1, v0;
	v17 =	vadd.s32 v13, v25;
	(xrf0) =	vadd.scan.msk.s32 $0xffff, v23  }
0x6b0: {  	v16 =	vadd.s32 v16, v18;
	vm9 =	vle.s32 v21, v4;
	v21 =	vadd.s32 v17, v14;
	v14, _, _ =	vpop (xrf0);
	(xrf0) =	vadd.scan.msk.s32 $0xffff, v26  }
0x6b1: {  	vm8 =	vle.s32 v16, v4  }
0x6b2: {  	vm4 =	vmand vm4, vm9;
	vm5 =	vmand vm5, vm8  }
0x6b3: {  	vm4 =	vmor vm6, vm4;
	vm5 =	vmor vm7, vm5;
	v18 =	vmpcnt.ones.xlane vm2  }
0x6b4: {  	s19 =	simm.s32 $0x4;
	s20 =	simm.s32 $0xA0;
	s18 =	simm.s32 $0x8020;
	v19 =	vnsel vm4, $0x0, v19;
	v20 =	vnsel vm5, $0x0, v20;
	[tilespmem:s17+$0x0] =	vst v22;
	v14 =	vadd.s32 v21, v14;
	v16, _, _ =	vpop (xrf0)  }
.LBB2_72:
0x6b5: {  	v22 =	vld [tilespmem:s20+$0xFFFFFFE0];
	s19 =	sadd.s32 $0x4, s19;
	v21 =	vadd.s32 v21, v18;
	v18, _, _ =	vpop (xrf0);
	[tilespmem:s17+$0xFFFFFFF0] =	vst v20;
	s18 =	sadd.s32 $0x40, s18;
	v23 =	vmov v5;
	v20 =	vmov v7  }
0x6b6: {  	vm4 =	vmmov vm2;
	v5 =	vld [tilespmem:s20+$0x10];
	p0 =	slt.u32 s19, $0x7FC;
	v18 =	vadd.s32 v8, v18;
	v24, _, _ =	vpop (xrf0);
	[tilespmem:s17+$0x10] =	vst v19;
	v8 =	vmov v21;
	s17 =	smov.u32 s18  }
0x6b7: {  	vm5 =	vmmov vm1;
	v7 =	vld [tilespmem:s20+$0xFFFFFFF0];
	vm2 =	vle.s32 v18, v4;
	v17 =	vadd.s32 v17, v24  }
0x6b8: {  	vm1 =	vgt.u32 v12, v3;
	v18 =	vld [tilespmem:s20+$0x0];
	vm0 =	vmand vm0, vm2;
	vm2 =	vle.s32 v17, v4  }
0x6b9: {  	vm0 =	vmor vm1, vm0;
	vm1 =	vgt.u32 v15, v3;
	vm2 =	vmand vm3, vm2  }
0x6ba: {  	v12 =	vshra.s32 v22, $0x1F;
	v15 =	vnsel vm0, $0x0, v6;
	vm0 =	vmor vm1, vm2;
	v6 =	vmovc v22  }
0x6bb: {  	v12 =	vor.u32 $0x80000000, v12;
	v17 =	vshra.s32 v5, $0x1F;
	[tilespmem:s18+$0xFFFFFFE0] =	vst v15;
	v19 =	vnsel vm0, $0x0, v10  }
0x6bc: {  	v12 =	vxor.u32 v6, v12;
	v15 =	vshra.s32 v7, $0x1F;
	v17 =	vor.u32 $0x80000000, v17;
	[tilespmem:s18+$0x0] =	vst v19  }
0x6bd: {  	vm0 =	veq.s32 v12, v3;
	v15 =	vor.u32 $0x80000000, v15;
	v17 =	vxor.u32 v5, v17;
	v10 =	vmovc v18  }
0x6be: {  	v19 =	vxor.u32 v7, v15;
	v15 =	vshra.s32 v10, $0x1F;
	vm2 =	veq.s32 v17, v3  }
0x6bf: {  	vm1 =	veq.s32 v19, v3;
	v15 =	vor.u32 $0x80000000, v15;
	v18 =	vsel vm2, $0x1, v0  }
0x6c0: {  	v22 =	vsel vm1, $0x1, v0;
	v24 =	vmpcnt.ones.xlane vm1;
	v15 =	vxor.u32 v10, v15;
	(xrf0) =	vadd.scan.msk.s32 $0xffff, v18  }
0x6c1: {  	v25 =	vmpcnt.ones.xlane vm0;
	v18 =	vsel vm0, $0x1, v0;
	vm3 =	veq.s32 v15, v3;
	(xrf0) =	vadd.scan.msk.s32 $0xffff, v22  }
0x6c2: {  	vm6 =	vgt.u32 v9, v3;
	v9 =	vmovc v17;
	v22 =	vsel vm3, $0x1, v0;
	v26 =	vmpcnt.ones.xlane vm3;
	(xrf0) =	vadd.scan.msk.s32 $0xffff, v18  }
.Ltmp49:
0x6c3: {  	vm7 =	vgt.u32 v11, v3;
	v16 =	vadd.s32 v13, v16;
	v11 =	vmovc v19;
	v18 =	vmpcnt.ones.xlane vm2;
	(xrf0) =	vadd.scan.msk.s32 $0xffff, v22;
	(pc) =	sbr.rel @p0 .LBB2_72-.Ltmp49, $4  }
0x6c4: {  	vm9 =	vle.s32 v14, v4;
	vm8 =	vle.s32 v16, v4;
	v13 =	vadd.s32 v21, v25  }
0x6c5: {  	vm4 =	vmand vm4, vm9;
	vm5 =	vmand vm5, vm8;
	v17 =	vadd.s32 v13, v24  }
0x6c6: {  	vm4 =	vmor vm6, vm4;
	vm5 =	vmor vm7, vm5;
	v21 =	vadd.s32 v17, v26;
	v14, _, _ =	vpop (xrf0)  }
0x6c7: {  	s20 =	sadd.s32 $0x40, s20;
	v20 =	vnsel vm5, $0x0, v20;
	v19 =	vnsel vm4, $0x0, v23;
	v14 =	vadd.s32 v21, v14;
	v16, _, _ =	vpop (xrf0)  }
0x6c8: {  	vm2 =	vmmov vm2  }
0x6c9: {  	v18, _, _ =	vpop (xrf0);
	vm1 =	vmmov vm1;
	vm5 =	vgt.u32 v12, v3;
	vm11 =	vgt.u32 v15, v3  }
0x6ca: {  	v62 =	vadd.s32 v13, v16;
	vm13 =	vgt.u32 v11, v3;
	v8 =	vadd.s32 v8, v18;
	v60, _, _ =	vpop (xrf0)  }
0x6cb: {  	vm14 =	vle.s32 v14, v4;
	vm4 =	vle.s32 v8, v4;
	v61 =	vadd.s32 v17, v60  }
0x6cc: {  	vm15 =	vgt.u32 v9, v3;
	vm0 =	vmand vm0, vm4;
	vm10 =	vle.s32 v61, v4  }
0x6cd: {  	[tilespmem:s17+$0xFFFFFFF0] =	vst v20;
	vm12 =	vle.s32 v62, v4;
	vm3 =	vmand vm3, vm10;
	vm0 =	vmor vm5, vm0  }
.Ltmp50:
0x6ce: {  	s18 =	sadd.s32 $0x40, s18;
	[tilespmem:s17+$0x10] =	vst v19;
	vm2 =	vmand vm2, vm14;
	vm3 =	vmor vm11, vm3;
	v6 =	vnsel vm0, $0x0, v6;
	(pc) =	sbr.rel .LBB2_81-.Ltmp50, $4  }
0x6cf: {  	vm0 =	vmand vm1, vm12;
	vm1 =	vmor vm15, vm2;
	v10 =	vnsel vm3, $0x0, v10;
	[tilespmem:s18+$0xFFFFFFE0] =	vst v6  }
0x6d0: {  	vm0 =	vmor vm13, vm0;
	v63 =	vnsel vm1, $0x0, v5;
	[tilespmem:s18+$0x0] =	vst v10  }
0x6d1: {  	v3 =	vnsel vm0, $0x0, v7;
	[tilespmem:s18+$0x10] =	vst v63  }
0x6d2: {  	[tilespmem:s18+$0xFFFFFFF0] =	vst v3  }
.LBB2_36:
.Ltmp51:
0x6d3: {  	(pc) =	sbr.rel .LBB2_40-.Ltmp51, $2  }
0x6d4: {  	_ =	sdelay $0x2  }
0x6d5: {  	s20 =	simm.s32 $0x0;
	s19 =	simm.s32 $0x18080  }
.LBB2_38:
.Ltmp52:
0x6d6: {  	(pc) =	sbr.rel .LBB2_40-.Ltmp52, $2  }
0x6d7: {  	_ =	sdelay $0x2  }
0x6d8: {  	s20 =	simm.s32 $0x0;
	s19 =	simm.s32 $0x18080  }
.LBB2_78:
.Ltmp53:
0x6d9: {  	(pc) =	sbr.rel .LBB2_80-.Ltmp53, $2  }
0x6da: {  	_ =	sdelay $0x2  }
0x6db: {  	s20 =	simm.s32 $0x0;
	s19 =	simm.s32 $0x18080  }
.LBB2_82:
0x6dc: {  	_ =	sfence.sel $0x180000  }
0x6dd: {  	[bflag:$0x0] =	sbarrier.arrive $0xFFFF  }
0x6de: {  	p0 =	sne.s32 s1, $0x0;
	_ =	strace $0x90000047  }
0x6df: {  	s0 =	sadd.s32 @!p0 $0x100000, s0;
	[bflag:$0x2] =	sbarrier.arrive $0xFFFF  }
0x6e0: {  	[sflag:s0] =	ssyncadd.tile.s32 @!p0 $0x1;
	_ =	shalt  }
.Lfunc_end2:
_tile_overlayer_lowered:
.L_overlay_start_2:
0x6e1: {  	(tag) =	ssettag $0x2  }
0x6e2: {  	s0 =	rddreg [dreg:$0x0];
	s2 =	stileid.u32  }
0x6e3: {  	s1 =	rddreg [dreg:$0x1];
	p0 =	sne.s32 s2, $0x0  }
0x6e4: {  	s3 =	rddreg [dreg:$0x2];
	[bflag:$0x3] =	sbarrier.arrive $0xFFFF;
	s2 =	simm.s32 @!p0 $0x1C02  }
0x6e5: {  	[timem:s3], [sflag:s2] =	dma.local @!p0 [hbm:s0], s1  }
0x6e6: {  	s0 =	simm.s32 @!p0 $0x2  }
0x6e7: {  	_ =	swait.ge @!p0 [sflag:s0], s1  }
0x6e8: {  	s1 =	ssub.s32 @!p0 $0x0, s1;
	[sflag:s0] =	ssyncset.done @!p0 $0x0  }
0x6e9: {  	[sflag:s0] =	ssyncadd.s32 @!p0 s1  }
0x6ea: {  	[bflag:$0x3] =	sbarrier.arrive $0xFFFF  }
0x6eb: {  	_ =	shalt  }

</sc_bundles>
